<compile_context>
chip_gen: v7x
topology: tpu7x:2x2x1
jax: 0.10.2.dev20260603
libtpu: 0.0.44.dev20260713+nightly
codegen_flags: <defaults>
</compile_context>

<pallas_src>
import jax
import jax.numpy as jnp
from jax import lax
from jax.experimental import pallas as pl
from jax.experimental.pallas import tpu as pltpu
from jax.experimental.pallas import tpu_sc as plsc

_N = 10000
_E = 320000
_D = 128
_H = 128
_C = 64

_NC = 2
_NS = 16
_NW = _NC * _NS
_K = 80
_EP = _E // _NW
_NCHUNK = _EP // _K
_NR = _N
_KZ = 80
_NZ = _N // _KZ
_ZPT = -(-_NZ // _NS)


def _make_sc_agg(df, with_deg, nb, nib):
  unroll = max(nb, nib)
  nout = -(-_NCHUNK // unroll)
  mesh = plsc.VectorSubcoreMesh(core_axis_name="c", subcore_axis_name="s")
  out_type = [jax.ShapeDtypeStruct((_NC, _N, df), jnp.float32)]
  scratch = [
      [pltpu.VMEM((2, _K), jnp.int32) for _ in range(nib)],
      [pltpu.VMEM((_K, df), jnp.float32) for _ in range(nb)],
      pltpu.VMEM_SHARED((_NR, df), jnp.float32),
      [pltpu.SemaphoreType.DMA for _ in range(nib)],
      [pltpu.SemaphoreType.DMA for _ in range(nb)],
  ]
  if with_deg:
    out_type.append(jax.ShapeDtypeStruct((_NC * _N,), jnp.float32))
    scratch += [
        pltpu.VMEM((_K,), jnp.float32),
        pltpu.VMEM((_KZ,), jnp.float32),
        pltpu.VMEM_SHARED((_NR,), jnp.float32),
        [pltpu.SemaphoreType.DMA for _ in range(2)],
    ]

  def body(feat_hbm, sidx_hbm, agg_out, *rest):
    if with_deg:
      deg_out, idx_v, rows_v, agg_sh, isems, gsems, ones_v, zeros_v, \
          deg_sh, dsems = rest
    else:
      idx_v, rows_v, agg_sh, isems, gsems = rest
      deg_out = ones_v = zeros_v = deg_sh = dsems = None

    c = lax.axis_index("c")
    s = lax.axis_index("s")
    wid = c * _NS + s

    for b in range(nib - 2):
      pltpu.async_copy(sidx_hbm.at[wid, b], idx_v[b], isems[b])

    zvec = jnp.zeros((16,), jnp.float32)

    def zrow(r, carry):
      for g in range(df // 16):
        rows_v[0][r, pl.ds(g * 16, 16)] = zvec
      return carry
    lax.fori_loop(0, _KZ, zrow, 0)
    if with_deg:
      for g in range(_K // 16):
        ones_v[pl.ds(g * 16, 16)] = jnp.ones((16,), jnp.float32)
      for g in range(_KZ // 16):
        zeros_v[pl.ds(g * 16, 16)] = zvec

    for jj in range(_ZPT):
      j = s * _ZPT + jj

      @pl.when(j < _NZ)
      def _():
        pltpu.sync_copy(rows_v[0], agg_sh.at[pl.ds(j * _KZ, _KZ)])
        if with_deg:
          pltpu.sync_copy(zeros_v, deg_sh.at[pl.ds(j * _KZ, _KZ)])

    plsc.subcore_barrier()

    for b in range(nb - 1):
      pltpu.make_async_copy(sidx_hbm.at[wid, b], idx_v[b], isems[b]).wait()
      pltpu.async_copy(feat_hbm.at[idx_v[b].at[0]], rows_v[b], gsems[b])

    def ebody(i, carry):
      for b in range(unroll):
        j = i * unroll + b

        @pl.when(j < _NCHUNK)
        def _():
          jg = j + nb - 1
          bg = (b + nb - 1) % nb
          ig = (b + nb - 1) % nib

          @pl.when(jg < _NCHUNK)
          def _():
            pltpu.make_async_copy(sidx_hbm.at[wid, jg], idx_v[ig],
                                  isems[ig]).wait()
            pltpu.async_copy(feat_hbm.at[idx_v[ig].at[0]], rows_v[bg],
                             gsems[bg])

          pltpu.make_async_copy(feat_hbm.at[idx_v[b % nib].at[0]],
                                rows_v[b % nb], gsems[b % nb]).wait()
          pltpu.sync_copy(rows_v[b % nb], agg_sh.at[idx_v[b % nib].at[1]],
                          add=True)
          if with_deg:
            @pl.when(j >= 1)
            def _():
              pltpu.make_async_copy(
                  ones_v, deg_sh.at[idx_v[(b - 1) % nib].at[1]],
                  dsems[(b - 1) % 2]).wait()
            pltpu.async_copy(ones_v, deg_sh.at[idx_v[b % nib].at[1]],
                             dsems[b % 2], add=True)

          ji = j + nib - 2
          bi = (b + nib - 2) % nib

          @pl.when(ji < _NCHUNK)
          def _():
            pltpu.async_copy(sidx_hbm.at[wid, ji], idx_v[bi], isems[bi])
      return carry
    lax.fori_loop(0, nout, ebody, 0)

    if with_deg:
      pltpu.make_async_copy(
          ones_v, deg_sh.at[idx_v[(_NCHUNK - 1) % nib].at[1]],
          dsems[(_NCHUNK - 1) % 2]).wait()

    plsc.subcore_barrier()

    for jj in range(_ZPT):
      j = s * _ZPT + jj

      @pl.when(j < _NZ)
      def _():
        pltpu.sync_copy(agg_sh.at[pl.ds(j * _KZ, _KZ)],
                        agg_out.at[c, pl.ds(j * _KZ, _KZ)])
        if with_deg:
          pltpu.sync_copy(deg_sh.at[pl.ds(j * _KZ, _KZ)], zeros_v)
          pltpu.sync_copy(zeros_v, deg_out.at[pl.ds(c * _N + j * _KZ, _KZ)])

  return pl.kernel(
      body, out_type=out_type, mesh=mesh, scratch_types=scratch,
      compiler_params=pltpu.CompilerParams(
          use_tc_tiling_on_sc=False, disable_bounds_checks=True,
          disable_semaphore_checks=True, skip_device_barrier=True))


_sc_agg_deg = _make_sc_agg(_D, True, 4, 8)
_sc_agg = _make_sc_agg(_C, False, 8, 16)

_BM = 1000


def _tc1_body(agg_ref, degt_ref, x_ref, w1l_ref, w1r_ref, b1_ref,
              w2l_ref, w2r_ref, b2_ref, p_ref, q_ref):
  agg = agg_ref[0] + agg_ref[1]
  degt = degt_ref[...]
  deg = jnp.maximum(degt[:, 0] + degt[:, 1], 1.0)
  mean = agg / deg[:, None]
  h = mean @ w1l_ref[...] + x_ref[...] @ w1r_ref[...] + b1_ref[...]
  h = jnp.maximum(h, 0.0)
  p_ref[...] = h @ w2l_ref[...]
  q_ref[...] = h @ w2r_ref[...] + b2_ref[...]


def _tc2_body(agg_ref, degt_ref, q_ref, out_ref):
  agg = agg_ref[0] + agg_ref[1]
  degt = degt_ref[...]
  deg = jnp.maximum(degt[:, 0] + degt[:, 1], 1.0)
  out_ref[...] = agg / deg[:, None] + q_ref[...]


_tc1 = pl.pallas_call(
    _tc1_body,
    grid=(_N // _BM,),
    in_specs=[
        pl.BlockSpec((_NC, _BM, _D), lambda i: (0, i, 0)),
        pl.BlockSpec((_BM, _NC), lambda i: (i, 0)),
        pl.BlockSpec((_BM, _D), lambda i: (i, 0)),
        pl.BlockSpec((_D, _H), lambda i: (0, 0)),
        pl.BlockSpec((_D, _H), lambda i: (0, 0)),
        pl.BlockSpec((1, _H), lambda i: (0, 0)),
        pl.BlockSpec((_H, _C), lambda i: (0, 0)),
        pl.BlockSpec((_H, _C), lambda i: (0, 0)),
        pl.BlockSpec((1, _C), lambda i: (0, 0)),
    ],
    out_specs=[
        pl.BlockSpec((_BM, _C), lambda i: (i, 0)),
        pl.BlockSpec((_BM, _C), lambda i: (i, 0)),
    ],
    out_shape=[
        jax.ShapeDtypeStruct((_N, _C), jnp.float32),
        jax.ShapeDtypeStruct((_N, _C), jnp.float32),
    ],
)

_tc2 = pl.pallas_call(
    _tc2_body,
    grid=(_N // _BM,),
    in_specs=[
        pl.BlockSpec((_NC, _BM, _C), lambda i: (0, i, 0)),
        pl.BlockSpec((_BM, _NC), lambda i: (i, 0)),
        pl.BlockSpec((_BM, _C), lambda i: (i, 0)),
    ],
    out_specs=pl.BlockSpec((_BM, _C), lambda i: (i, 0)),
    out_shape=jax.ShapeDtypeStruct((_N, _C), jnp.float32),
)


@jax.jit
def kernel(x, edge_index, W1l, W1r, b1, W2l, W2r, b2):
  ei = edge_index.astype(jnp.int32)
  sidx = jnp.stack([ei[0].reshape(_NW, _NCHUNK, _K),
                    ei[1].reshape(_NW, _NCHUNK, _K)], axis=2)

  agg1, deg = _sc_agg_deg(x, sidx)
  degt = deg.reshape(_NC, _N).T

  p, q = _tc1(agg1, degt, x, W1l, W1r, b1.reshape(1, _H),
              W2l, W2r, b2.reshape(1, _C))

  agg2, = _sc_agg(p, sidx)
  out = _tc2(agg2, degt, q)
  return out

# --- scband reference (transcript-rebuilt; emitter-appended) ---
"""Pipeline reference for scband-gsagemodel-49323404427442 (READ-ONLY COPY).

The authoritative reference and input builder live on the scoring server;
editing this copy changes nothing except your own understanding.
"""

import jax, jax.numpy as jnp
import numpy as np

N = 10000
E = 320000
D = 128
H = 128
C = 64

def setup_inputs(seed: int = 0):
    key = jax.random.key(seed)
    ks = jax.random.split(key, 9)
    x = jax.random.normal(ks[0], (N, D), dtype=jnp.float32)
    edge_index = jax.random.randint(ks[1], (2, E), 0, N).astype(jnp.int64)
    W1l = jax.random.normal(ks[2], (D, H), dtype=jnp.float32) * 0.05
    W1r = jax.random.normal(ks[3], (D, H), dtype=jnp.float32) * 0.05
    b1 = jnp.zeros((H,), dtype=jnp.float32)
    W2l = jax.random.normal(ks[4], (H, C), dtype=jnp.float32) * 0.05
    W2r = jax.random.normal(ks[5], (H, C), dtype=jnp.float32) * 0.05
    b2 = jnp.zeros((C,), dtype=jnp.float32)
    return {"x": x, "edge_index": edge_index, "W1l": W1l, "W1r": W1r, "b1": b1, "W2l": W2l, "W2r": W2r, "b2": b2}

def _sage_conv(x, edge_index, Wl, Wr, b):
    src = edge_index[0]
    dst = edge_index[1]
    msgs = jnp.take(x, src, axis=0)
    agg = jax.ops.segment_sum(msgs, dst, num_segments=N)
    deg = jax.ops.segment_sum(jnp.ones((msgs.shape[0],), dtype=x.dtype), dst, num_segments=N)
    mean = agg / jnp.clip(deg, 1.0)[:, None]
    return mean @ Wl + x @ Wr + b

def reference(x, edge_index, W1l, W1r, b1, W2l, W2r, b2):
    h = _sage_conv(x, edge_index, W1l, W1r, b1)
    h = jax.nn.relu(h)
    out = _sage_conv(h, edge_index, W2l, W2r, b2)
    return out

if __name__ == "__main__":
    import jax
    _d = setup_inputs()
    print(jax.jit(kernel)(*tuple(_d.values())))

</pallas_src>

<mosaic_0001>
#map = affine_map<(d0, d1) -> (0, 0)>
#map1 = affine_map<(d0, d1) -> (0, 0, 0, 0)>
#map2 = affine_map<(d0, d1) -> (0, 0, 0)>
#map3 = affine_map<(d0, d1) -> (0)>
module attributes {stable_mosaic.version = 14 : i64} {
  func.func @body(%arg0: i32, %arg1: i32, %arg2: memref<10000x128xf32, #tpu.memory_space<hbm>>, %arg3: memref<32x125x2x80xi32, #tpu.memory_space<hbm>>, %arg4: memref<2x10000x128xf32, #tpu.memory_space<hbm>>, %arg5: memref<20000xf32, #tpu.memory_space<hbm>>, %arg6: memref<2x80xi32, #tpu.memory_space<vmem>>, %arg7: memref<2x80xi32, #tpu.memory_space<vmem>>, %arg8: memref<2x80xi32, #tpu.memory_space<vmem>>, %arg9: memref<2x80xi32, #tpu.memory_space<vmem>>, %arg10: memref<2x80xi32, #tpu.memory_space<vmem>>, %arg11: memref<2x80xi32, #tpu.memory_space<vmem>>, %arg12: memref<2x80xi32, #tpu.memory_space<vmem>>, %arg13: memref<2x80xi32, #tpu.memory_space<vmem>>, %arg14: memref<80x128xf32, #tpu.memory_space<vmem>>, %arg15: memref<80x128xf32, #tpu.memory_space<vmem>>, %arg16: memref<80x128xf32, #tpu.memory_space<vmem>>, %arg17: memref<80x128xf32, #tpu.memory_space<vmem>>, %arg18: memref<10000x128xf32, #tpu.memory_space<vmem_shared>>, %arg19: memref<!tpu.dma_semaphore, #tpu.memory_space<semaphore_mem>>, %arg20: memref<!tpu.dma_semaphore, #tpu.memory_space<semaphore_mem>>, %arg21: memref<!tpu.dma_semaphore, #tpu.memory_space<semaphore_mem>>, %arg22: memref<!tpu.dma_semaphore, #tpu.memory_space<semaphore_mem>>, %arg23: memref<!tpu.dma_semaphore, #tpu.memory_space<semaphore_mem>>, %arg24: memref<!tpu.dma_semaphore, #tpu.memory_space<semaphore_mem>>, %arg25: memref<!tpu.dma_semaphore, #tpu.memory_space<semaphore_mem>>, %arg26: memref<!tpu.dma_semaphore, #tpu.memory_space<semaphore_mem>>, %arg27: memref<!tpu.dma_semaphore, #tpu.memory_space<semaphore_mem>>, %arg28: memref<!tpu.dma_semaphore, #tpu.memory_space<semaphore_mem>>, %arg29: memref<!tpu.dma_semaphore, #tpu.memory_space<semaphore_mem>>, %arg30: memref<!tpu.dma_semaphore, #tpu.memory_space<semaphore_mem>>, %arg31: memref<80xf32, #tpu.memory_space<vmem>>, %arg32: memref<80xf32, #tpu.memory_space<vmem>>, %arg33: memref<10000xf32, #tpu.memory_space<vmem_shared>>, %arg34: memref<!tpu.dma_semaphore, #tpu.memory_space<semaphore_mem>>, %arg35: memref<!tpu.dma_semaphore, #tpu.memory_space<semaphore_mem>>) attributes {dimension_semantics = [#tpu.dimension_semantics<core_parallel>, #tpu.dimension_semantics<subcore_parallel>], iteration_bounds = array<i64: 2, 16>, scalar_prefetch = 0 : i64, scratch_operands = 30 : i64, tpu.core_type = #tpu.core_type<sc_vector_subcore>, window_params = [{transform_indices = #map}, {transform_indices = #map1}, {transform_indices = #map2}, {transform_indices = #map3}]} {
    %mul3A = arith.constant 16 : i32
    %mul3A_0 = arith.muli %arg0, %mul3A : i32
    %add3A = arith.addi %mul3A_0, %arg1 : i32
    %dma_start3A = arith.constant 0 : i32
    %dma_start3A_1 = arith.constant 0 : i32
    %dma_start3A_2 = arith.constant 0 : i32
    %dma_start3A_3 = tpu.memref_slice %arg3[%add3A, %dma_start3A, %dma_start3A_1, %dma_start3A_2] : memref<32x125x2x80xi32, #tpu.memory_space<hbm>> -> memref<1x1x2x80xi32, #tpu.memory_space<hbm>>
    %dma_start3A_4 = tpu.memref_squeeze %dma_start3A_3 : memref<1x1x2x80xi32, #tpu.memory_space<hbm>> -> memref<2x80xi32, #tpu.memory_space<hbm>>
    %dma_start3A_5 = arith.constant 0 : i32
    %dma_start3A_6 = arith.constant 0 : i32
    %dma_start3A_7 = tpu.memref_slice %arg3[%add3A, %dma_start3A, %dma_start3A_5, %dma_start3A_6] : memref<32x125x2x80xi32, #tpu.memory_space<hbm>> -> memref<1x1x2x80xi32, #tpu.memory_space<hbm>>
    %dma_start3A_8 = tpu.memref_squeeze %dma_start3A_7 : memref<1x1x2x80xi32, #tpu.memory_space<hbm>> -> memref<2x80xi32, #tpu.memory_space<hbm>>
    tpu.enqueue_dma source(%dma_start3A_8 : memref<2x80xi32, #tpu.memory_space<hbm>>) target(%arg6 : memref<2x80xi32, #tpu.memory_space<vmem>>) target_semaphore(%arg19 : memref<!tpu.dma_semaphore, #tpu.memory_space<semaphore_mem>>)
    %dma_start3A_9 = arith.constant 1 : i32
    %dma_start3A_10 = arith.constant 0 : i32
    %dma_start3A_11 = arith.constant 0 : i32
    %dma_start3A_12 = tpu.memref_slice %arg3[%add3A, %dma_start3A_9, %dma_start3A_10, %dma_start3A_11] : memref<32x125x2x80xi32, #tpu.memory_space<hbm>> -> memref<1x1x2x80xi32, #tpu.memory_space<hbm>>
    %dma_start3A_13 = tpu.memref_squeeze %dma_start3A_12 : memref<1x1x2x80xi32, #tpu.memory_space<hbm>> -> memref<2x80xi32, #tpu.memory_space<hbm>>
    %dma_start3A_14 = arith.constant 0 : i32
    %dma_start3A_15 = arith.constant 0 : i32
    %dma_start3A_16 = tpu.memref_slice %arg3[%add3A, %dma_start3A_9, %dma_start3A_14, %dma_start3A_15] : memref<32x125x2x80xi32, #tpu.memory_space<hbm>> -> memref<1x1x2x80xi32, #tpu.memory_space<hbm>>
    %dma_start3A_17 = tpu.memref_squeeze %dma_start3A_16 : memref<1x1x2x80xi32, #tpu.memory_space<hbm>> -> memref<2x80xi32, #tpu.memory_space<hbm>>
    tpu.enqueue_dma source(%dma_start3A_17 : memref<2x80xi32, #tpu.memory_space<hbm>>) target(%arg7 : memref<2x80xi32, #tpu.memory_space<vmem>>) target_semaphore(%arg20 : memref<!tpu.dma_semaphore, #tpu.memory_space<semaphore_mem>>)
    %dma_start3A_18 = arith.constant 2 : i32
    %dma_start3A_19 = arith.constant 0 : i32
    %dma_start3A_20 = arith.constant 0 : i32
    %dma_start3A_21 = tpu.memref_slice %arg3[%add3A, %dma_start3A_18, %dma_start3A_19, %dma_start3A_20] : memref<32x125x2x80xi32, #tpu.memory_space<hbm>> -> memref<1x1x2x80xi32, #tpu.memory_space<hbm>>
    %dma_start3A_22 = tpu.memref_squeeze %dma_start3A_21 : memref<1x1x2x80xi32, #tpu.memory_space<hbm>> -> memref<2x80xi32, #tpu.memory_space<hbm>>
    %dma_start3A_23 = arith.constant 0 : i32
    %dma_start3A_24 = arith.constant 0 : i32
    %dma_start3A_25 = tpu.memref_slice %arg3[%add3A, %dma_start3A_18, %dma_start3A_23, %dma_start3A_24] : memref<32x125x2x80xi32, #tpu.memory_space<hbm>> -> memref<1x1x2x80xi32, #tpu.memory_space<hbm>>
    %dma_start3A_26 = tpu.memref_squeeze %dma_start3A_25 : memref<1x1x2x80xi32, #tpu.memory_space<hbm>> -> memref<2x80xi32, #tpu.memory_space<hbm>>
    tpu.enqueue_dma source(%dma_start3A_26 : memref<2x80xi32, #tpu.memory_space<hbm>>) target(%arg8 : memref<2x80xi32, #tpu.memory_space<vmem>>) target_semaphore(%arg21 : memref<!tpu.dma_semaphore, #tpu.memory_space<semaphore_mem>>)
    %dma_start3A_27 = arith.constant 3 : i32
    %dma_start3A_28 = arith.constant 0 : i32
    %dma_start3A_29 = arith.constant 0 : i32
    %dma_start3A_30 = tpu.memref_slice %arg3[%add3A, %dma_start3A_27, %dma_start3A_28, %dma_start3A_29] : memref<32x125x2x80xi32, #tpu.memory_space<hbm>> -> memref<1x1x2x80xi32, #tpu.memory_space<hbm>>
    %dma_start3A_31 = tpu.memref_squeeze %dma_start3A_30 : memref<1x1x2x80xi32, #tpu.memory_space<hbm>> -> memref<2x80xi32, #tpu.memory_space<hbm>>
    %dma_start3A_32 = arith.constant 0 : i32
    %dma_start3A_33 = arith.constant 0 : i32
    %dma_start3A_34 = tpu.memref_slice %arg3[%add3A, %dma_start3A_27, %dma_start3A_32, %dma_start3A_33] : memref<32x125x2x80xi32, #tpu.memory_space<hbm>> -> memref<1x1x2x80xi32, #tpu.memory_space<hbm>>
    %dma_start3A_35 = tpu.memref_squeeze %dma_start3A_34 : memref<1x1x2x80xi32, #tpu.memory_space<hbm>> -> memref<2x80xi32, #tpu.memory_space<hbm>>
    tpu.enqueue_dma source(%dma_start3A_35 : memref<2x80xi32, #tpu.memory_space<hbm>>) target(%arg9 : memref<2x80xi32, #tpu.memory_space<vmem>>) target_semaphore(%arg22 : memref<!tpu.dma_semaphore, #tpu.memory_space<semaphore_mem>>)
    %dma_start3A_36 = arith.constant 4 : i32
    %dma_start3A_37 = arith.constant 0 : i32
    %dma_start3A_38 = arith.constant 0 : i32
    %dma_start3A_39 = tpu.memref_slice %arg3[%add3A, %dma_start3A_36, %dma_start3A_37, %dma_start3A_38] : memref<32x125x2x80xi32, #tpu.memory_space<hbm>> -> memref<1x1x2x80xi32, #tpu.memory_space<hbm>>
    %dma_start3A_40 = tpu.memref_squeeze %dma_start3A_39 : memref<1x1x2x80xi32, #tpu.memory_space<hbm>> -> memref<2x80xi32, #tpu.memory_space<hbm>>
    %dma_start3A_41 = arith.constant 0 : i32
    %dma_start3A_42 = arith.constant 0 : i32
    %dma_start3A_43 = tpu.memref_slice %arg3[%add3A, %dma_start3A_36, %dma_start3A_41, %dma_start3A_42] : memref<32x125x2x80xi32, #tpu.memory_space<hbm>> -> memref<1x1x2x80xi32, #tpu.memory_space<hbm>>
    %dma_start3A_44 = tpu.memref_squeeze %dma_start3A_43 : memref<1x1x2x80xi32, #tpu.memory_space<hbm>> -> memref<2x80xi32, #tpu.memory_space<hbm>>
    tpu.enqueue_dma source(%dma_start3A_44 : memref<2x80xi32, #tpu.memory_space<hbm>>) target(%arg10 : memref<2x80xi32, #tpu.memory_space<vmem>>) target_semaphore(%arg23 : memref<!tpu.dma_semaphore, #tpu.memory_space<semaphore_mem>>)
    %dma_start3A_45 = arith.constant 5 : i32
    %dma_start3A_46 = arith.constant 0 : i32
    %dma_start3A_47 = arith.constant 0 : i32
    %dma_start3A_48 = tpu.memref_slice %arg3[%add3A, %dma_start3A_45, %dma_start3A_46, %dma_start3A_47] : memref<32x125x2x80xi32, #tpu.memory_space<hbm>> -> memref<1x1x2x80xi32, #tpu.memory_space<hbm>>
    %dma_start3A_49 = tpu.memref_squeeze %dma_start3A_48 : memref<1x1x2x80xi32, #tpu.memory_space<hbm>> -> memref<2x80xi32, #tpu.memory_space<hbm>>
    %dma_start3A_50 = arith.constant 0 : i32
    %dma_start3A_51 = arith.constant 0 : i32
    %dma_start3A_52 = tpu.memref_slice %arg3[%add3A, %dma_start3A_45, %dma_start3A_50, %dma_start3A_51] : memref<32x125x2x80xi32, #tpu.memory_space<hbm>> -> memref<1x1x2x80xi32, #tpu.memory_space<hbm>>
    %dma_start3A_53 = tpu.memref_squeeze %dma_start3A_52 : memref<1x1x2x80xi32, #tpu.memory_space<hbm>> -> memref<2x80xi32, #tpu.memory_space<hbm>>
    tpu.enqueue_dma source(%dma_start3A_53 : memref<2x80xi32, #tpu.memory_space<hbm>>) target(%arg11 : memref<2x80xi32, #tpu.memory_space<vmem>>) target_semaphore(%arg24 : memref<!tpu.dma_semaphore, #tpu.memory_space<semaphore_mem>>)
    %broadcast_in_dim3A = arith.constant 0.000000e+00 : f32
    %broadcast_in_dim3A_54 = vector.broadcast %broadcast_in_dim3A : f32 to vector<16xf32>
    %scan3A = arith.constant 0 : i32
    %scan3A_55 = arith.constant 0 : i32
    %scan3A_56 = arith.constant 80 : i32
    %scan3A_57 = arith.addi %scan3A_55, %scan3A_56 : i32
    %scan3A_58 = arith.constant 1 : i32
    scf.for %scan3A_310 = %scan3A_55 to %scan3A_57 step %scan3A_58  : i32 {
      %swap3A_311 = arith.index_cast %scan3A_310 : i32 to index
      %swap3A_312 = arith.constant 0 : index
      %swap3A_313 = tpu.vector_load %arg14[%swap3A_311, %swap3A_312] {strides = array<i32>} : memref<80x128xf32, #tpu.memory_space<vmem>>, vector<1x16xf32>,
      %swap3A_314 = vector.shape_cast %swap3A_313 : vector<1x16xf32> to vector<16xf32>
      %swap3A_315 = vector.shape_cast %broadcast_in_dim3A_54 : vector<16xf32> to vector<1x16xf32>
      tpu.vector_store %arg14[%swap3A_311, %swap3A_312], %swap3A_315 {strides = array<i32>} : memref<80x128xf32, #tpu.memory_space<vmem>>, vector<1x16xf32>,
      %swap3A_316 = arith.index_cast %scan3A_310 : i32 to index
      %swap3A_317 = arith.constant 16 : index
      %swap3A_318 = tpu.vector_load %arg14[%swap3A_316, %swap3A_317] {strides = array<i32>} : memref<80x128xf32, #tpu.memory_space<vmem>>, vector<1x16xf32>,
      %swap3A_319 = vector.shape_cast %swap3A_318 : vector<1x16xf32> to vector<16xf32>
      %swap3A_320 = vector.shape_cast %broadcast_in_dim3A_54 : vector<16xf32> to vector<1x16xf32>
      tpu.vector_store %arg14[%swap3A_316, %swap3A_317], %swap3A_320 {strides = array<i32>} : memref<80x128xf32, #tpu.memory_space<vmem>>, vector<1x16xf32>,
      %swap3A_321 = arith.index_cast %scan3A_310 : i32 to index
      %swap3A_322 = arith.constant 32 : index
      %swap3A_323 = tpu.vector_load %arg14[%swap3A_321, %swap3A_322] {strides = array<i32>} : memref<80x128xf32, #tpu.memory_space<vmem>>, vector<1x16xf32>,
      %swap3A_324 = vector.shape_cast %swap3A_323 : vector<1x16xf32> to vector<16xf32>
      %swap3A_325 = vector.shape_cast %broadcast_in_dim3A_54 : vector<16xf32> to vector<1x16xf32>
      tpu.vector_store %arg14[%swap3A_321, %swap3A_322], %swap3A_325 {strides = array<i32>} : memref<80x128xf32, #tpu.memory_space<vmem>>, vector<1x16xf32>,
      %swap3A_326 = arith.index_cast %scan3A_310 : i32 to index
      %swap3A_327 = arith.constant 48 : index
      %swap3A_328 = tpu.vector_load %arg14[%swap3A_326, %swap3A_327] {strides = array<i32>} : memref<80x128xf32, #tpu.memory_space<vmem>>, vector<1x16xf32>,
      %swap3A_329 = vector.shape_cast %swap3A_328 : vector<1x16xf32> to vector<16xf32>
      %swap3A_330 = vector.shape_cast %broadcast_in_dim3A_54 : vector<16xf32> to vector<1x16xf32>
      tpu.vector_store %arg14[%swap3A_326, %swap3A_327], %swap3A_330 {strides = array<i32>} : memref<80x128xf32, #tpu.memory_space<vmem>>, vector<1x16xf32>,
      %swap3A_331 = arith.index_cast %scan3A_310 : i32 to index
      %swap3A_332 = arith.constant 64 : index
      %swap3A_333 = tpu.vector_load %arg14[%swap3A_331, %swap3A_332] {strides = array<i32>} : memref<80x128xf32, #tpu.memory_space<vmem>>, vector<1x16xf32>,
      %swap3A_334 = vector.shape_cast %swap3A_333 : vector<1x16xf32> to vector<16xf32>
      %swap3A_335 = vector.shape_cast %broadcast_in_dim3A_54 : vector<16xf32> to vector<1x16xf32>
      tpu.vector_store %arg14[%swap3A_331, %swap3A_332], %swap3A_335 {strides = array<i32>} : memref<80x128xf32, #tpu.memory_space<vmem>>, vector<1x16xf32>,
      %swap3A_336 = arith.index_cast %scan3A_310 : i32 to index
      %swap3A_337 = arith.constant 80 : index
      %swap3A_338 = tpu.vector_load %arg14[%swap3A_336, %swap3A_337] {strides = array<i32>} : memref<80x128xf32, #tpu.memory_space<vmem>>, vector<1x16xf32>,
      %swap3A_339 = vector.shape_cast %swap3A_338 : vector<1x16xf32> to vector<16xf32>
      %swap3A_340 = vector.shape_cast %broadcast_in_dim3A_54 : vector<16xf32> to vector<1x16xf32>
      tpu.vector_store %arg14[%swap3A_336, %swap3A_337], %swap3A_340 {strides = array<i32>} : memref<80x128xf32, #tpu.memory_space<vmem>>, vector<1x16xf32>,
      %swap3A_341 = arith.index_cast %scan3A_310 : i32 to index
      %swap3A_342 = arith.constant 96 : index
      %swap3A_343 = tpu.vector_load %arg14[%swap3A_341, %swap3A_342] {strides = array<i32>} : memref<80x128xf32, #tpu.memory_space<vmem>>, vector<1x16xf32>,
      %swap3A_344 = vector.shape_cast %swap3A_343 : vector<1x16xf32> to vector<16xf32>
      %swap3A_345 = vector.shape_cast %broadcast_in_dim3A_54 : vector<16xf32> to vector<1x16xf32>
      tpu.vector_store %arg14[%swap3A_341, %swap3A_342], %swap3A_345 {strides = array<i32>} : memref<80x128xf32, #tpu.memory_space<vmem>>, vector<1x16xf32>,
      %swap3A_346 = arith.index_cast %scan3A_310 : i32 to index
      %swap3A_347 = arith.constant 112 : index
      %swap3A_348 = tpu.vector_load %arg14[%swap3A_346, %swap3A_347] {strides = array<i32>} : memref<80x128xf32, #tpu.memory_space<vmem>>, vector<1x16xf32>,
      %swap3A_349 = vector.shape_cast %swap3A_348 : vector<1x16xf32> to vector<16xf32>
      %swap3A_350 = vector.shape_cast %broadcast_in_dim3A_54 : vector<16xf32> to vector<1x16xf32>
      tpu.vector_store %arg14[%swap3A_346, %swap3A_347], %swap3A_350 {strides = array<i32>} : memref<80x128xf32, #tpu.memory_space<vmem>>, vector<1x16xf32>,
    }
    %scan3A_59 = arith.constant 80 : i32
    %broadcast_in_dim3A_60 = arith.constant 1.000000e+00 : f32
    %broadcast_in_dim3A_61 = vector.broadcast %broadcast_in_dim3A_60 : f32 to vector<16xf32>
    %swap3A = arith.constant 0 : index
    %swap3A_62 = tpu.vector_load %arg31[%swap3A] {strides = array<i32>} : memref<80xf32, #tpu.memory_space<vmem>>, vector<16xf32>,
    %swap3A_63 = vector.shape_cast %swap3A_62 : vector<16xf32> to vector<16xf32>
    %swap3A_64 = vector.shape_cast %broadcast_in_dim3A_61 : vector<16xf32> to vector<16xf32>
    tpu.vector_store %arg31[%swap3A], %swap3A_64 {strides = array<i32>} : memref<80xf32, #tpu.memory_space<vmem>>, vector<16xf32>,
    %broadcast_in_dim3A_65 = arith.constant 1.000000e+00 : f32
    %broadcast_in_dim3A_66 = vector.broadcast %broadcast_in_dim3A_65 : f32 to vector<16xf32>
    %swap3A_67 = arith.constant 16 : index
    %swap3A_68 = tpu.vector_load %arg31[%swap3A_67] {strides = array<i32>} : memref<80xf32, #tpu.memory_space<vmem>>, vector<16xf32>,
    %swap3A_69 = vector.shape_cast %swap3A_68 : vector<16xf32> to vector<16xf32>
    %swap3A_70 = vector.shape_cast %broadcast_in_dim3A_66 : vector<16xf32> to vector<16xf32>
    tpu.vector_store %arg31[%swap3A_67], %swap3A_70 {strides = array<i32>} : memref<80xf32, #tpu.memory_space<vmem>>, vector<16xf32>,
    %broadcast_in_dim3A_71 = arith.constant 1.000000e+00 : f32
    %broadcast_in_dim3A_72 = vector.broadcast %broadcast_in_dim3A_71 : f32 to vector<16xf32>
    %swap3A_73 = arith.constant 32 : index
    %swap3A_74 = tpu.vector_load %arg31[%swap3A_73] {strides = array<i32>} : memref<80xf32, #tpu.memory_space<vmem>>, vector<16xf32>,
    %swap3A_75 = vector.shape_cast %swap3A_74 : vector<16xf32> to vector<16xf32>
    %swap3A_76 = vector.shape_cast %broadcast_in_dim3A_72 : vector<16xf32> to vector<16xf32>
    tpu.vector_store %arg31[%swap3A_73], %swap3A_76 {strides = array<i32>} : memref<80xf32, #tpu.memory_space<vmem>>, vector<16xf32>,
    %broadcast_in_dim3A_77 = arith.constant 1.000000e+00 : f32
    %broadcast_in_dim3A_78 = vector.broadcast %broadcast_in_dim3A_77 : f32 to vector<16xf32>
    %swap3A_79 = arith.constant 48 : index
    %swap3A_80 = tpu.vector_load %arg31[%swap3A_79] {strides = array<i32>} : memref<80xf32, #tpu.memory_space<vmem>>, vector<16xf32>,
    %swap3A_81 = vector.shape_cast %swap3A_80 : vector<16xf32> to vector<16xf32>
    %swap3A_82 = vector.shape_cast %broadcast_in_dim3A_78 : vector<16xf32> to vector<16xf32>
    tpu.vector_store %arg31[%swap3A_79], %swap3A_82 {strides = array<i32>} : memref<80xf32, #tpu.memory_space<vmem>>, vector<16xf32>,
    %broadcast_in_dim3A_83 = arith.constant 1.000000e+00 : f32
    %broadcast_in_dim3A_84 = vector.broadcast %broadcast_in_dim3A_83 : f32 to vector<16xf32>
    %swap3A_85 = arith.constant 64 : index
    %swap3A_86 = tpu.vector_load %arg31[%swap3A_85] {strides = array<i32>} : memref<80xf32, #tpu.memory_space<vmem>>, vector<16xf32>,
    %swap3A_87 = vector.shape_cast %swap3A_86 : vector<16xf32> to vector<16xf32>
    %swap3A_88 = vector.shape_cast %broadcast_in_dim3A_84 : vector<16xf32> to vector<16xf32>
    tpu.vector_store %arg31[%swap3A_85], %swap3A_88 {strides = array<i32>} : memref<80xf32, #tpu.memory_space<vmem>>, vector<16xf32>,
    %swap3A_89 = arith.constant 0 : index
    %swap3A_90 = tpu.vector_load %arg32[%swap3A_89] {strides = array<i32>} : memref<80xf32, #tpu.memory_space<vmem>>, vector<16xf32>,
    %swap3A_91 = vector.shape_cast %swap3A_90 : vector<16xf32> to vector<16xf32>
    %swap3A_92 = vector.shape_cast %broadcast_in_dim3A_54 : vector<16xf32> to vector<16xf32>
    tpu.vector_store %arg32[%swap3A_89], %swap3A_92 {strides = array<i32>} : memref<80xf32, #tpu.memory_space<vmem>>, vector<16xf32>,
    %swap3A_93 = arith.constant 16 : index
    %swap3A_94 = tpu.vector_load %arg32[%swap3A_93] {strides = array<i32>} : memref<80xf32, #tpu.memory_space<vmem>>, vector<16xf32>,
    %swap3A_95 = vector.shape_cast %swap3A_94 : vector<16xf32> to vector<16xf32>
    %swap3A_96 = vector.shape_cast %broadcast_in_dim3A_54 : vector<16xf32> to vector<16xf32>
    tpu.vector_store %arg32[%swap3A_93], %swap3A_96 {strides = array<i32>} : memref<80xf32, #tpu.memory_space<vmem>>, vector<16xf32>,
    %swap3A_97 = arith.constant 32 : index
    %swap3A_98 = tpu.vector_load %arg32[%swap3A_97] {strides = array<i32>} : memref<80xf32, #tpu.memory_space<vmem>>, vector<16xf32>,
    %swap3A_99 = vector.shape_cast %swap3A_98 : vector<16xf32> to vector<16xf32>
    %swap3A_100 = vector.shape_cast %broadcast_in_dim3A_54 : vector<16xf32> to vector<16xf32>
    tpu.vector_store %arg32[%swap3A_97], %swap3A_100 {strides = array<i32>} : memref<80xf32, #tpu.memory_space<vmem>>, vector<16xf32>,
    %swap3A_101 = arith.constant 48 : index
    %swap3A_102 = tpu.vector_load %arg32[%swap3A_101] {strides = array<i32>} : memref<80xf32, #tpu.memory_space<vmem>>, vector<16xf32>,
    %swap3A_103 = vector.shape_cast %swap3A_102 : vector<16xf32> to vector<16xf32>
    %swap3A_104 = vector.shape_cast %broadcast_in_dim3A_54 : vector<16xf32> to vector<16xf32>
    tpu.vector_store %arg32[%swap3A_101], %swap3A_104 {strides = array<i32>} : memref<80xf32, #tpu.memory_space<vmem>>, vector<16xf32>,
    %swap3A_105 = arith.constant 64 : index
    %swap3A_106 = tpu.vector_load %arg32[%swap3A_105] {strides = array<i32>} : memref<80xf32, #tpu.memory_space<vmem>>, vector<16xf32>,
    %swap3A_107 = vector.shape_cast %swap3A_106 : vector<16xf32> to vector<16xf32>
    %swap3A_108 = vector.shape_cast %broadcast_in_dim3A_54 : vector<16xf32> to vector<16xf32>
    tpu.vector_store %arg32[%swap3A_105], %swap3A_108 {strides = array<i32>} : memref<80xf32, #tpu.memory_space<vmem>>, vector<16xf32>,
    %mul3A_109 = arith.constant 8 : i32
    %mul3A_110 = arith.muli %arg1, %mul3A_109 : i32
    %add3A_111 = arith.constant 0 : i32
    %add3A_112 = arith.addi %mul3A_110, %add3A_111 : i32
    %lt3A = arith.constant 125 : i32
    %lt3A_113 = arith.cmpi slt, %add3A_112, %lt3A : i32
    %convert_element_type3A = arith.extui %lt3A_113 : i1 to i32
    %cond3A = arith.constant 0 : i32
    %cond3A_114 = arith.cmpi ne, %convert_element_type3A, %cond3A : i32
    scf.if %cond3A_114 {
      %mul3A_310 = arith.constant 80 : i32
      %mul3A_311 = arith.muli %add3A_112, %mul3A_310 : i32
      "tpu.region"() ({
        %run_scoped3A = tpu.sem_alloc : memref<!tpu.dma_semaphore, #tpu.memory_space<semaphore_mem>>
        %dma_start3A_314 = arith.constant 0 : i32
        %dma_start3A_315 = tpu.memref_slice %arg18[%mul3A_311, %dma_start3A_314] : memref<10000x128xf32, #tpu.memory_space<vmem_shared>> -> memref<80x128xf32, #tpu.memory_space<vmem_shared>>
        %dma_start3A_316 = arith.constant 0 : i32
        %dma_start3A_317 = tpu.memref_slice %arg18[%mul3A_311, %dma_start3A_316] : memref<10000x128xf32, #tpu.memory_space<vmem_shared>> -> memref<80x128xf32, #tpu.memory_space<vmem_shared>>
        tpu.enqueue_dma source(%arg14 : memref<80x128xf32, #tpu.memory_space<vmem>>) target(%dma_start3A_317 : memref<80x128xf32, #tpu.memory_space<vmem_shared>>) target_semaphore(%run_scoped3A : memref<!tpu.dma_semaphore, #tpu.memory_space<semaphore_mem>>)
        %dma_wait3A_318 = arith.constant 0 : i32
        %dma_wait3A_319 = tpu.memref_slice %arg18[%mul3A_311, %dma_wait3A_318] : memref<10000x128xf32, #tpu.memory_space<vmem_shared>> -> memref<80x128xf32, #tpu.memory_space<vmem_shared>>
        %dma_wait3A_320 = arith.constant 0 : i32
        %dma_wait3A_321 = tpu.memref_slice %arg18[%mul3A_311, %dma_wait3A_320] : memref<10000x128xf32, #tpu.memory_space<vmem_shared>> -> memref<80x128xf32, #tpu.memory_space<vmem_shared>>
        tpu.wait_dma2 semaphore(%run_scoped3A : memref<!tpu.dma_semaphore, #tpu.memory_space<semaphore_mem>>) src(%arg14 : memref<80x128xf32, #tpu.memory_space<vmem>>) dst(%dma_wait3A_321 : memref<80x128xf32, #tpu.memory_space<vmem_shared>>)
        tpu.yield
      }) : () -> ()
      %mul3A_312 = arith.constant 80 : i32
      %mul3A_313 = arith.muli %add3A_112, %mul3A_312 : i32
      "tpu.region"() ({
        %run_scoped3A = tpu.sem_alloc : memref<!tpu.dma_semaphore, #tpu.memory_space<semaphore_mem>>
        %dma_start3A_314 = tpu.memref_slice %arg33[%mul3A_313] : memref<10000xf32, #tpu.memory_space<vmem_shared>> -> memref<80xf32, #tpu.memory_space<vmem_shared>>
        %dma_start3A_315 = tpu.memref_slice %arg33[%mul3A_313] : memref<10000xf32, #tpu.memory_space<vmem_shared>> -> memref<80xf32, #tpu.memory_space<vmem_shared>>
        tpu.enqueue_dma source(%arg32 : memref<80xf32, #tpu.memory_space<vmem>>) target(%dma_start3A_315 : memref<80xf32, #tpu.memory_space<vmem_shared>>) target_semaphore(%run_scoped3A : memref<!tpu.dma_semaphore, #tpu.memory_space<semaphore_mem>>)
        %dma_wait3A_316 = tpu.memref_slice %arg33[%mul3A_313] : memref<10000xf32, #tpu.memory_space<vmem_shared>> -> memref<80xf32, #tpu.memory_space<vmem_shared>>
        %dma_wait3A_317 = tpu.memref_slice %arg33[%mul3A_313] : memref<10000xf32, #tpu.memory_space<vmem_shared>> -> memref<80xf32, #tpu.memory_space<vmem_shared>>
        tpu.wait_dma2 semaphore(%run_scoped3A : memref<!tpu.dma_semaphore, #tpu.memory_space<semaphore_mem>>) src(%arg32 : memref<80xf32, #tpu.memory_space<vmem>>) dst(%dma_wait3A_317 : memref<80xf32, #tpu.memory_space<vmem_shared>>)
        tpu.yield
      }) : () -> ()
    } else {
    }
    %mul3A_115 = arith.constant 8 : i32
    %mul3A_116 = arith.muli %arg1, %mul3A_115 : i32
    %add3A_117 = arith.constant 1 : i32
    %add3A_118 = arith.addi %mul3A_116, %add3A_117 : i32
    %lt3A_119 = arith.constant 125 : i32
    %lt3A_120 = arith.cmpi slt, %add3A_118, %lt3A_119 : i32
    %convert_element_type3A_121 = arith.extui %lt3A_120 : i1 to i32
    %cond3A_122 = arith.constant 0 : i32
    %cond3A_123 = arith.cmpi ne, %convert_element_type3A_121, %cond3A_122 : i32
    scf.if %cond3A_123 {
      %mul3A_310 = arith.constant 80 : i32
      %mul3A_311 = arith.muli %add3A_118, %mul3A_310 : i32
      "tpu.region"() ({
        %run_scoped3A = tpu.sem_alloc : memref<!tpu.dma_semaphore, #tpu.memory_space<semaphore_mem>>
        %dma_start3A_314 = arith.constant 0 : i32
        %dma_start3A_315 = tpu.memref_slice %arg18[%mul3A_311, %dma_start3A_314] : memref<10000x128xf32, #tpu.memory_space<vmem_shared>> -> memref<80x128xf32, #tpu.memory_space<vmem_shared>>
        %dma_start3A_316 = arith.constant 0 : i32
        %dma_start3A_317 = tpu.memref_slice %arg18[%mul3A_311, %dma_start3A_316] : memref<10000x128xf32, #tpu.memory_space<vmem_shared>> -> memref<80x128xf32, #tpu.memory_space<vmem_shared>>
        tpu.enqueue_dma source(%arg14 : memref<80x128xf32, #tpu.memory_space<vmem>>) target(%dma_start3A_317 : memref<80x128xf32, #tpu.memory_space<vmem_shared>>) target_semaphore(%run_scoped3A : memref<!tpu.dma_semaphore, #tpu.memory_space<semaphore_mem>>)
        %dma_wait3A_318 = arith.constant 0 : i32
        %dma_wait3A_319 = tpu.memref_slice %arg18[%mul3A_311, %dma_wait3A_318] : memref<10000x128xf32, #tpu.memory_space<vmem_shared>> -> memref<80x128xf32, #tpu.memory_space<vmem_shared>>
        %dma_wait3A_320 = arith.constant 0 : i32
        %dma_wait3A_321 = tpu.memref_slice %arg18[%mul3A_311, %dma_wait3A_320] : memref<10000x128xf32, #tpu.memory_space<vmem_shared>> -> memref<80x128xf32, #tpu.memory_space<vmem_shared>>
        tpu.wait_dma2 semaphore(%run_scoped3A : memref<!tpu.dma_semaphore, #tpu.memory_space<semaphore_mem>>) src(%arg14 : memref<80x128xf32, #tpu.memory_space<vmem>>) dst(%dma_wait3A_321 : memref<80x128xf32, #tpu.memory_space<vmem_shared>>)
        tpu.yield
      }) : () -> ()
      %mul3A_312 = arith.constant 80 : i32
      %mul3A_313 = arith.muli %add3A_118, %mul3A_312 : i32
      "tpu.region"() ({
        %run_scoped3A = tpu.sem_alloc : memref<!tpu.dma_semaphore, #tpu.memory_space<semaphore_mem>>
        %dma_start3A_314 = tpu.memref_slice %arg33[%mul3A_313] : memref<10000xf32, #tpu.memory_space<vmem_shared>> -> memref<80xf32, #tpu.memory_space<vmem_shared>>
        %dma_start3A_315 = tpu.memref_slice %arg33[%mul3A_313] : memref<10000xf32, #tpu.memory_space<vmem_shared>> -> memref<80xf32, #tpu.memory_space<vmem_shared>>
        tpu.enqueue_dma source(%arg32 : memref<80xf32, #tpu.memory_space<vmem>>) target(%dma_start3A_315 : memref<80xf32, #tpu.memory_space<vmem_shared>>) target_semaphore(%run_scoped3A : memref<!tpu.dma_semaphore, #tpu.memory_space<semaphore_mem>>)
        %dma_wait3A_316 = tpu.memref_slice %arg33[%mul3A_313] : memref<10000xf32, #tpu.memory_space<vmem_shared>> -> memref<80xf32, #tpu.memory_space<vmem_shared>>
        %dma_wait3A_317 = tpu.memref_slice %arg33[%mul3A_313] : memref<10000xf32, #tpu.memory_space<vmem_shared>> -> memref<80xf32, #tpu.memory_space<vmem_shared>>
        tpu.wait_dma2 semaphore(%run_scoped3A : memref<!tpu.dma_semaphore, #tpu.memory_space<semaphore_mem>>) src(%arg32 : memref<80xf32, #tpu.memory_space<vmem>>) dst(%dma_wait3A_317 : memref<80xf32, #tpu.memory_space<vmem_shared>>)
        tpu.yield
      }) : () -> ()
    } else {
    }
    %mul3A_124 = arith.constant 8 : i32
    %mul3A_125 = arith.muli %arg1, %mul3A_124 : i32
    %add3A_126 = arith.constant 2 : i32
    %add3A_127 = arith.addi %mul3A_125, %add3A_126 : i32
    %lt3A_128 = arith.constant 125 : i32
    %lt3A_129 = arith.cmpi slt, %add3A_127, %lt3A_128 : i32
    %convert_element_type3A_130 = arith.extui %lt3A_129 : i1 to i32
    %cond3A_131 = arith.constant 0 : i32
    %cond3A_132 = arith.cmpi ne, %convert_element_type3A_130, %cond3A_131 : i32
    scf.if %cond3A_132 {
      %mul3A_310 = arith.constant 80 : i32
      %mul3A_311 = arith.muli %add3A_127, %mul3A_310 : i32
      "tpu.region"() ({
        %run_scoped3A = tpu.sem_alloc : memref<!tpu.dma_semaphore, #tpu.memory_space<semaphore_mem>>
        %dma_start3A_314 = arith.constant 0 : i32
        %dma_start3A_315 = tpu.memref_slice %arg18[%mul3A_311, %dma_start3A_314] : memref<10000x128xf32, #tpu.memory_space<vmem_shared>> -> memref<80x128xf32, #tpu.memory_space<vmem_shared>>
        %dma_start3A_316 = arith.constant 0 : i32
        %dma_start3A_317 = tpu.memref_slice %arg18[%mul3A_311, %dma_start3A_316] : memref<10000x128xf32, #tpu.memory_space<vmem_shared>> -> memref<80x128xf32, #tpu.memory_space<vmem_shared>>
        tpu.enqueue_dma source(%arg14 : memref<80x128xf32, #tpu.memory_space<vmem>>) target(%dma_start3A_317 : memref<80x128xf32, #tpu.memory_space<vmem_shared>>) target_semaphore(%run_scoped3A : memref<!tpu.dma_semaphore, #tpu.memory_space<semaphore_mem>>)
        %dma_wait3A_318 = arith.constant 0 : i32
        %dma_wait3A_319 = tpu.memref_slice %arg18[%mul3A_311, %dma_wait3A_318] : memref<10000x128xf32, #tpu.memory_space<vmem_shared>> -> memref<80x128xf32, #tpu.memory_space<vmem_shared>>
        %dma_wait3A_320 = arith.constant 0 : i32
        %dma_wait3A_321 = tpu.memref_slice %arg18[%mul3A_311, %dma_wait3A_320] : memref<10000x128xf32, #tpu.memory_space<vmem_shared>> -> memref<80x128xf32, #tpu.memory_space<vmem_shared>>
        tpu.wait_dma2 semaphore(%run_scoped3A : memref<!tpu.dma_semaphore, #tpu.memory_space<semaphore_mem>>) src(%arg14 : memref<80x128xf32, #tpu.memory_space<vmem>>) dst(%dma_wait3A_321 : memref<80x128xf32, #tpu.memory_space<vmem_shared>>)
        tpu.yield
      }) : () -> ()
      %mul3A_312 = arith.constant 80 : i32
      %mul3A_313 = arith.muli %add3A_127, %mul3A_312 : i32
      "tpu.region"() ({
        %run_scoped3A = tpu.sem_alloc : memref<!tpu.dma_semaphore, #tpu.memory_space<semaphore_mem>>
        %dma_start3A_314 = tpu.memref_slice %arg33[%mul3A_313] : memref<10000xf32, #tpu.memory_space<vmem_shared>> -> memref<80xf32, #tpu.memory_space<vmem_shared>>
        %dma_start3A_315 = tpu.memref_slice %arg33[%mul3A_313] : memref<10000xf32, #tpu.memory_space<vmem_shared>> -> memref<80xf32, #tpu.memory_space<vmem_shared>>
        tpu.enqueue_dma source(%arg32 : memref<80xf32, #tpu.memory_space<vmem>>) target(%dma_start3A_315 : memref<80xf32, #tpu.memory_space<vmem_shared>>) target_semaphore(%run_scoped3A : memref<!tpu.dma_semaphore, #tpu.memory_space<semaphore_mem>>)
        %dma_wait3A_316 = tpu.memref_slice %arg33[%mul3A_313] : memref<10000xf32, #tpu.memory_space<vmem_shared>> -> memref<80xf32, #tpu.memory_space<vmem_shared>>
        %dma_wait3A_317 = tpu.memref_slice %arg33[%mul3A_313] : memref<10000xf32, #tpu.memory_space<vmem_shared>> -> memref<80xf32, #tpu.memory_space<vmem_shared>>
        tpu.wait_dma2 semaphore(%run_scoped3A : memref<!tpu.dma_semaphore, #tpu.memory_space<semaphore_mem>>) src(%arg32 : memref<80xf32, #tpu.memory_space<vmem>>) dst(%dma_wait3A_317 : memref<80xf32, #tpu.memory_space<vmem_shared>>)
        tpu.yield
      }) : () -> ()
    } else {
    }
    %mul3A_133 = arith.constant 8 : i32
    %mul3A_134 = arith.muli %arg1, %mul3A_133 : i32
    %add3A_135 = arith.constant 3 : i32
    %add3A_136 = arith.addi %mul3A_134, %add3A_135 : i32
    %lt3A_137 = arith.constant 125 : i32
    %lt3A_138 = arith.cmpi slt, %add3A_136, %lt3A_137 : i32
    %convert_element_type3A_139 = arith.extui %lt3A_138 : i1 to i32
    %cond3A_140 = arith.constant 0 : i32
    %cond3A_141 = arith.cmpi ne, %convert_element_type3A_139, %cond3A_140 : i32
    scf.if %cond3A_141 {
      %mul3A_310 = arith.constant 80 : i32
      %mul3A_311 = arith.muli %add3A_136, %mul3A_310 : i32
      "tpu.region"() ({
        %run_scoped3A = tpu.sem_alloc : memref<!tpu.dma_semaphore, #tpu.memory_space<semaphore_mem>>
        %dma_start3A_314 = arith.constant 0 : i32
        %dma_start3A_315 = tpu.memref_slice %arg18[%mul3A_311, %dma_start3A_314] : memref<10000x128xf32, #tpu.memory_space<vmem_shared>> -> memref<80x128xf32, #tpu.memory_space<vmem_shared>>
        %dma_start3A_316 = arith.constant 0 : i32
        %dma_start3A_317 = tpu.memref_slice %arg18[%mul3A_311, %dma_start3A_316] : memref<10000x128xf32, #tpu.memory_space<vmem_shared>> -> memref<80x128xf32, #tpu.memory_space<vmem_shared>>
        tpu.enqueue_dma source(%arg14 : memref<80x128xf32, #tpu.memory_space<vmem>>) target(%dma_start3A_317 : memref<80x128xf32, #tpu.memory_space<vmem_shared>>) target_semaphore(%run_scoped3A : memref<!tpu.dma_semaphore, #tpu.memory_space<semaphore_mem>>)
        %dma_wait3A_318 = arith.constant 0 : i32
        %dma_wait3A_319 = tpu.memref_slice %arg18[%mul3A_311, %dma_wait3A_318] : memref<10000x128xf32, #tpu.memory_space<vmem_shared>> -> memref<80x128xf32, #tpu.memory_space<vmem_shared>>
        %dma_wait3A_320 = arith.constant 0 : i32
        %dma_wait3A_321 = tpu.memref_slice %arg18[%mul3A_311, %dma_wait3A_320] : memref<10000x128xf32, #tpu.memory_space<vmem_shared>> -> memref<80x128xf32, #tpu.memory_space<vmem_shared>>
        tpu.wait_dma2 semaphore(%run_scoped3A : memref<!tpu.dma_semaphore, #tpu.memory_space<semaphore_mem>>) src(%arg14 : memref<80x128xf32, #tpu.memory_space<vmem>>) dst(%dma_wait3A_321 : memref<80x128xf32, #tpu.memory_space<vmem_shared>>)
        tpu.yield
      }) : () -> ()
      %mul3A_312 = arith.constant 80 : i32
      %mul3A_313 = arith.muli %add3A_136, %mul3A_312 : i32
      "tpu.region"() ({
        %run_scoped3A = tpu.sem_alloc : memref<!tpu.dma_semaphore, #tpu.memory_space<semaphore_mem>>
        %dma_start3A_314 = tpu.memref_slice %arg33[%mul3A_313] : memref<10000xf32, #tpu.memory_space<vmem_shared>> -> memref<80xf32, #tpu.memory_space<vmem_shared>>
        %dma_start3A_315 = tpu.memref_slice %arg33[%mul3A_313] : memref<10000xf32, #tpu.memory_space<vmem_shared>> -> memref<80xf32, #tpu.memory_space<vmem_shared>>
        tpu.enqueue_dma source(%arg32 : memref<80xf32, #tpu.memory_space<vmem>>) target(%dma_start3A_315 : memref<80xf32, #tpu.memory_space<vmem_shared>>) target_semaphore(%run_scoped3A : memref<!tpu.dma_semaphore, #tpu.memory_space<semaphore_mem>>)
        %dma_wait3A_316 = tpu.memref_slice %arg33[%mul3A_313] : memref<10000xf32, #tpu.memory_space<vmem_shared>> -> memref<80xf32, #tpu.memory_space<vmem_shared>>
        %dma_wait3A_317 = tpu.memref_slice %arg33[%mul3A_313] : memref<10000xf32, #tpu.memory_space<vmem_shared>> -> memref<80xf32, #tpu.memory_space<vmem_shared>>
        tpu.wait_dma2 semaphore(%run_scoped3A : memref<!tpu.dma_semaphore, #tpu.memory_space<semaphore_mem>>) src(%arg32 : memref<80xf32, #tpu.memory_space<vmem>>) dst(%dma_wait3A_317 : memref<80xf32, #tpu.memory_space<vmem_shared>>)
        tpu.yield
      }) : () -> ()
    } else {
    }
    %mul3A_142 = arith.constant 8 : i32
    %mul3A_143 = arith.muli %arg1, %mul3A_142 : i32
    %add3A_144 = arith.constant 4 : i32
    %add3A_145 = arith.addi %mul3A_143, %add3A_144 : i32
    %lt3A_146 = arith.constant 125 : i32
    %lt3A_147 = arith.cmpi slt, %add3A_145, %lt3A_146 : i32
    %convert_element_type3A_148 = arith.extui %lt3A_147 : i1 to i32
    %cond3A_149 = arith.constant 0 : i32
    %cond3A_150 = arith.cmpi ne, %convert_element_type3A_148, %cond3A_149 : i32
    scf.if %cond3A_150 {
      %mul3A_310 = arith.constant 80 : i32
      %mul3A_311 = arith.muli %add3A_145, %mul3A_310 : i32
      "tpu.region"() ({
        %run_scoped3A = tpu.sem_alloc : memref<!tpu.dma_semaphore, #tpu.memory_space<semaphore_mem>>
        %dma_start3A_314 = arith.constant 0 : i32
        %dma_start3A_315 = tpu.memref_slice %arg18[%mul3A_311, %dma_start3A_314] : memref<10000x128xf32, #tpu.memory_space<vmem_shared>> -> memref<80x128xf32, #tpu.memory_space<vmem_shared>>
        %dma_start3A_316 = arith.constant 0 : i32
        %dma_start3A_317 = tpu.memref_slice %arg18[%mul3A_311, %dma_start3A_316] : memref<10000x128xf32, #tpu.memory_space<vmem_shared>> -> memref<80x128xf32, #tpu.memory_space<vmem_shared>>
        tpu.enqueue_dma source(%arg14 : memref<80x128xf32, #tpu.memory_space<vmem>>) target(%dma_start3A_317 : memref<80x128xf32, #tpu.memory_space<vmem_shared>>) target_semaphore(%run_scoped3A : memref<!tpu.dma_semaphore, #tpu.memory_space<semaphore_mem>>)
        %dma_wait3A_318 = arith.constant 0 : i32
        %dma_wait3A_319 = tpu.memref_slice %arg18[%mul3A_311, %dma_wait3A_318] : memref<10000x128xf32, #tpu.memory_space<vmem_shared>> -> memref<80x128xf32, #tpu.memory_space<vmem_shared>>
        %dma_wait3A_320 = arith.constant 0 : i32
        %dma_wait3A_321 = tpu.memref_slice %arg18[%mul3A_311, %dma_wait3A_320] : memref<10000x128xf32, #tpu.memory_space<vmem_shared>> -> memref<80x128xf32, #tpu.memory_space<vmem_shared>>
        tpu.wait_dma2 semaphore(%run_scoped3A : memref<!tpu.dma_semaphore, #tpu.memory_space<semaphore_mem>>) src(%arg14 : memref<80x128xf32, #tpu.memory_space<vmem>>) dst(%dma_wait3A_321 : memref<80x128xf32, #tpu.memory_space<vmem_shared>>)
        tpu.yield
      }) : () -> ()
      %mul3A_312 = arith.constant 80 : i32
      %mul3A_313 = arith.muli %add3A_145, %mul3A_312 : i32
      "tpu.region"() ({
        %run_scoped3A = tpu.sem_alloc : memref<!tpu.dma_semaphore, #tpu.memory_space<semaphore_mem>>
        %dma_start3A_314 = tpu.memref_slice %arg33[%mul3A_313] : memref<10000xf32, #tpu.memory_space<vmem_shared>> -> memref<80xf32, #tpu.memory_space<vmem_shared>>
        %dma_start3A_315 = tpu.memref_slice %arg33[%mul3A_313] : memref<10000xf32, #tpu.memory_space<vmem_shared>> -> memref<80xf32, #tpu.memory_space<vmem_shared>>
        tpu.enqueue_dma source(%arg32 : memref<80xf32, #tpu.memory_space<vmem>>) target(%dma_start3A_315 : memref<80xf32, #tpu.memory_space<vmem_shared>>) target_semaphore(%run_scoped3A : memref<!tpu.dma_semaphore, #tpu.memory_space<semaphore_mem>>)
        %dma_wait3A_316 = tpu.memref_slice %arg33[%mul3A_313] : memref<10000xf32, #tpu.memory_space<vmem_shared>> -> memref<80xf32, #tpu.memory_space<vmem_shared>>
        %dma_wait3A_317 = tpu.memref_slice %arg33[%mul3A_313] : memref<10000xf32, #tpu.memory_space<vmem_shared>> -> memref<80xf32, #tpu.memory_space<vmem_shared>>
        tpu.wait_dma2 semaphore(%run_scoped3A : memref<!tpu.dma_semaphore, #tpu.memory_space<semaphore_mem>>) src(%arg32 : memref<80xf32, #tpu.memory_space<vmem>>) dst(%dma_wait3A_317 : memref<80xf32, #tpu.memory_space<vmem_shared>>)
        tpu.yield
      }) : () -> ()
    } else {
    }
    %mul3A_151 = arith.constant 8 : i32
    %mul3A_152 = arith.muli %arg1, %mul3A_151 : i32
    %add3A_153 = arith.constant 5 : i32
    %add3A_154 = arith.addi %mul3A_152, %add3A_153 : i32
    %lt3A_155 = arith.constant 125 : i32
    %lt3A_156 = arith.cmpi slt, %add3A_154, %lt3A_155 : i32
    %convert_element_type3A_157 = arith.extui %lt3A_156 : i1 to i32
    %cond3A_158 = arith.constant 0 : i32
    %cond3A_159 = arith.cmpi ne, %convert_element_type3A_157, %cond3A_158 : i32
    scf.if %cond3A_159 {
      %mul3A_310 = arith.constant 80 : i32
      %mul3A_311 = arith.muli %add3A_154, %mul3A_310 : i32
      "tpu.region"() ({
        %run_scoped3A = tpu.sem_alloc : memref<!tpu.dma_semaphore, #tpu.memory_space<semaphore_mem>>
        %dma_start3A_314 = arith.constant 0 : i32
        %dma_start3A_315 = tpu.memref_slice %arg18[%mul3A_311, %dma_start3A_314] : memref<10000x128xf32, #tpu.memory_space<vmem_shared>> -> memref<80x128xf32, #tpu.memory_space<vmem_shared>>
        %dma_start3A_316 = arith.constant 0 : i32
        %dma_start3A_317 = tpu.memref_slice %arg18[%mul3A_311, %dma_start3A_316] : memref<10000x128xf32, #tpu.memory_space<vmem_shared>> -> memref<80x128xf32, #tpu.memory_space<vmem_shared>>
        tpu.enqueue_dma source(%arg14 : memref<80x128xf32, #tpu.memory_space<vmem>>) target(%dma_start3A_317 : memref<80x128xf32, #tpu.memory_space<vmem_shared>>) target_semaphore(%run_scoped3A : memref<!tpu.dma_semaphore, #tpu.memory_space<semaphore_mem>>)
        %dma_wait3A_318 = arith.constant 0 : i32
        %dma_wait3A_319 = tpu.memref_slice %arg18[%mul3A_311, %dma_wait3A_318] : memref<10000x128xf32, #tpu.memory_space<vmem_shared>> -> memref<80x128xf32, #tpu.memory_space<vmem_shared>>
        %dma_wait3A_320 = arith.constant 0 : i32
        %dma_wait3A_321 = tpu.memref_slice %arg18[%mul3A_311, %dma_wait3A_320] : memref<10000x128xf32, #tpu.memory_space<vmem_shared>> -> memref<80x128xf32, #tpu.memory_space<vmem_shared>>
        tpu.wait_dma2 semaphore(%run_scoped3A : memref<!tpu.dma_semaphore, #tpu.memory_space<semaphore_mem>>) src(%arg14 : memref<80x128xf32, #tpu.memory_space<vmem>>) dst(%dma_wait3A_321 : memref<80x128xf32, #tpu.memory_space<vmem_shared>>)
        tpu.yield
      }) : () -> ()
      %mul3A_312 = arith.constant 80 : i32
      %mul3A_313 = arith.muli %add3A_154, %mul3A_312 : i32
      "tpu.region"() ({
        %run_scoped3A = tpu.sem_alloc : memref<!tpu.dma_semaphore, #tpu.memory_space<semaphore_mem>>
        %dma_start3A_314 = tpu.memref_slice %arg33[%mul3A_313] : memref<10000xf32, #tpu.memory_space<vmem_shared>> -> memref<80xf32, #tpu.memory_space<vmem_shared>>
        %dma_start3A_315 = tpu.memref_slice %arg33[%mul3A_313] : memref<10000xf32, #tpu.memory_space<vmem_shared>> -> memref<80xf32, #tpu.memory_space<vmem_shared>>
        tpu.enqueue_dma source(%arg32 : memref<80xf32, #tpu.memory_space<vmem>>) target(%dma_start3A_315 : memref<80xf32, #tpu.memory_space<vmem_shared>>) target_semaphore(%run_scoped3A : memref<!tpu.dma_semaphore, #tpu.memory_space<semaphore_mem>>)
        %dma_wait3A_316 = tpu.memref_slice %arg33[%mul3A_313] : memref<10000xf32, #tpu.memory_space<vmem_shared>> -> memref<80xf32, #tpu.memory_space<vmem_shared>>
        %dma_wait3A_317 = tpu.memref_slice %arg33[%mul3A_313] : memref<10000xf32, #tpu.memory_space<vmem_shared>> -> memref<80xf32, #tpu.memory_space<vmem_shared>>
        tpu.wait_dma2 semaphore(%run_scoped3A : memref<!tpu.dma_semaphore, #tpu.memory_space<semaphore_mem>>) src(%arg32 : memref<80xf32, #tpu.memory_space<vmem>>) dst(%dma_wait3A_317 : memref<80xf32, #tpu.memory_space<vmem_shared>>)
        tpu.yield
      }) : () -> ()
    } else {
    }
    %mul3A_160 = arith.constant 8 : i32
    %mul3A_161 = arith.muli %arg1, %mul3A_160 : i32
    %add3A_162 = arith.constant 6 : i32
    %add3A_163 = arith.addi %mul3A_161, %add3A_162 : i32
    %lt3A_164 = arith.constant 125 : i32
    %lt3A_165 = arith.cmpi slt, %add3A_163, %lt3A_164 : i32
    %convert_element_type3A_166 = arith.extui %lt3A_165 : i1 to i32
    %cond3A_167 = arith.constant 0 : i32
    %cond3A_168 = arith.cmpi ne, %convert_element_type3A_166, %cond3A_167 : i32
    scf.if %cond3A_168 {
      %mul3A_310 = arith.constant 80 : i32
      %mul3A_311 = arith.muli %add3A_163, %mul3A_310 : i32
      "tpu.region"() ({
        %run_scoped3A = tpu.sem_alloc : memref<!tpu.dma_semaphore, #tpu.memory_space<semaphore_mem>>
        %dma_start3A_314 = arith.constant 0 : i32
        %dma_start3A_315 = tpu.memref_slice %arg18[%mul3A_311, %dma_start3A_314] : memref<10000x128xf32, #tpu.memory_space<vmem_shared>> -> memref<80x128xf32, #tpu.memory_space<vmem_shared>>
        %dma_start3A_316 = arith.constant 0 : i32
        %dma_start3A_317 = tpu.memref_slice %arg18[%mul3A_311, %dma_start3A_316] : memref<10000x128xf32, #tpu.memory_space<vmem_shared>> -> memref<80x128xf32, #tpu.memory_space<vmem_shared>>
        tpu.enqueue_dma source(%arg14 : memref<80x128xf32, #tpu.memory_space<vmem>>) target(%dma_start3A_317 : memref<80x128xf32, #tpu.memory_space<vmem_shared>>) target_semaphore(%run_scoped3A : memref<!tpu.dma_semaphore, #tpu.memory_space<semaphore_mem>>)
        %dma_wait3A_318 = arith.constant 0 : i32
        %dma_wait3A_319 = tpu.memref_slice %arg18[%mul3A_311, %dma_wait3A_318] : memref<10000x128xf32, #tpu.memory_space<vmem_shared>> -> memref<80x128xf32, #tpu.memory_space<vmem_shared>>
        %dma_wait3A_320 = arith.constant 0 : i32
        %dma_wait3A_321 = tpu.memref_slice %arg18[%mul3A_311, %dma_wait3A_320] : memref<10000x128xf32, #tpu.memory_space<vmem_shared>> -> memref<80x128xf32, #tpu.memory_space<vmem_shared>>
        tpu.wait_dma2 semaphore(%run_scoped3A : memref<!tpu.dma_semaphore, #tpu.memory_space<semaphore_mem>>) src(%arg14 : memref<80x128xf32, #tpu.memory_space<vmem>>) dst(%dma_wait3A_321 : memref<80x128xf32, #tpu.memory_space<vmem_shared>>)
        tpu.yield
      }) : () -> ()
      %mul3A_312 = arith.constant 80 : i32
      %mul3A_313 = arith.muli %add3A_163, %mul3A_312 : i32
      "tpu.region"() ({
        %run_scoped3A = tpu.sem_alloc : memref<!tpu.dma_semaphore, #tpu.memory_space<semaphore_mem>>
        %dma_start3A_314 = tpu.memref_slice %arg33[%mul3A_313] : memref<10000xf32, #tpu.memory_space<vmem_shared>> -> memref<80xf32, #tpu.memory_space<vmem_shared>>
        %dma_start3A_315 = tpu.memref_slice %arg33[%mul3A_313] : memref<10000xf32, #tpu.memory_space<vmem_shared>> -> memref<80xf32, #tpu.memory_space<vmem_shared>>
        tpu.enqueue_dma source(%arg32 : memref<80xf32, #tpu.memory_space<vmem>>) target(%dma_start3A_315 : memref<80xf32, #tpu.memory_space<vmem_shared>>) target_semaphore(%run_scoped3A : memref<!tpu.dma_semaphore, #tpu.memory_space<semaphore_mem>>)
        %dma_wait3A_316 = tpu.memref_slice %arg33[%mul3A_313] : memref<10000xf32, #tpu.memory_space<vmem_shared>> -> memref<80xf32, #tpu.memory_space<vmem_shared>>
        %dma_wait3A_317 = tpu.memref_slice %arg33[%mul3A_313] : memref<10000xf32, #tpu.memory_space<vmem_shared>> -> memref<80xf32, #tpu.memory_space<vmem_shared>>
        tpu.wait_dma2 semaphore(%run_scoped3A : memref<!tpu.dma_semaphore, #tpu.memory_space<semaphore_mem>>) src(%arg32 : memref<80xf32, #tpu.memory_space<vmem>>) dst(%dma_wait3A_317 : memref<80xf32, #tpu.memory_space<vmem_shared>>)
        tpu.yield
      }) : () -> ()
    } else {
    }
    %mul3A_169 = arith.constant 8 : i32
    %mul3A_170 = arith.muli %arg1, %mul3A_169 : i32
    %add3A_171 = arith.constant 7 : i32
    %add3A_172 = arith.addi %mul3A_170, %add3A_171 : i32
    %lt3A_173 = arith.constant 125 : i32
    %lt3A_174 = arith.cmpi slt, %add3A_172, %lt3A_173 : i32
    %convert_element_type3A_175 = arith.extui %lt3A_174 : i1 to i32
    %cond3A_176 = arith.constant 0 : i32
    %cond3A_177 = arith.cmpi ne, %convert_element_type3A_175, %cond3A_176 : i32
    scf.if %cond3A_177 {
      %mul3A_310 = arith.constant 80 : i32
      %mul3A_311 = arith.muli %add3A_172, %mul3A_310 : i32
      "tpu.region"() ({
        %run_scoped3A = tpu.sem_alloc : memref<!tpu.dma_semaphore, #tpu.memory_space<semaphore_mem>>
        %dma_start3A_314 = arith.constant 0 : i32
        %dma_start3A_315 = tpu.memref_slice %arg18[%mul3A_311, %dma_start3A_314] : memref<10000x128xf32, #tpu.memory_space<vmem_shared>> -> memref<80x128xf32, #tpu.memory_space<vmem_shared>>
        %dma_start3A_316 = arith.constant 0 : i32
        %dma_start3A_317 = tpu.memref_slice %arg18[%mul3A_311, %dma_start3A_316] : memref<10000x128xf32, #tpu.memory_space<vmem_shared>> -> memref<80x128xf32, #tpu.memory_space<vmem_shared>>
        tpu.enqueue_dma source(%arg14 : memref<80x128xf32, #tpu.memory_space<vmem>>) target(%dma_start3A_317 : memref<80x128xf32, #tpu.memory_space<vmem_shared>>) target_semaphore(%run_scoped3A : memref<!tpu.dma_semaphore, #tpu.memory_space<semaphore_mem>>)
        %dma_wait3A_318 = arith.constant 0 : i32
        %dma_wait3A_319 = tpu.memref_slice %arg18[%mul3A_311, %dma_wait3A_318] : memref<10000x128xf32, #tpu.memory_space<vmem_shared>> -> memref<80x128xf32, #tpu.memory_space<vmem_shared>>
        %dma_wait3A_320 = arith.constant 0 : i32
        %dma_wait3A_321 = tpu.memref_slice %arg18[%mul3A_311, %dma_wait3A_320] : memref<10000x128xf32, #tpu.memory_space<vmem_shared>> -> memref<80x128xf32, #tpu.memory_space<vmem_shared>>
        tpu.wait_dma2 semaphore(%run_scoped3A : memref<!tpu.dma_semaphore, #tpu.memory_space<semaphore_mem>>) src(%arg14 : memref<80x128xf32, #tpu.memory_space<vmem>>) dst(%dma_wait3A_321 : memref<80x128xf32, #tpu.memory_space<vmem_shared>>)
        tpu.yield
      }) : () -> ()
      %mul3A_312 = arith.constant 80 : i32
      %mul3A_313 = arith.muli %add3A_172, %mul3A_312 : i32
      "tpu.region"() ({
        %run_scoped3A = tpu.sem_alloc : memref<!tpu.dma_semaphore, #tpu.memory_space<semaphore_mem>>
        %dma_start3A_314 = tpu.memref_slice %arg33[%mul3A_313] : memref<10000xf32, #tpu.memory_space<vmem_shared>> -> memref<80xf32, #tpu.memory_space<vmem_shared>>
        %dma_start3A_315 = tpu.memref_slice %arg33[%mul3A_313] : memref<10000xf32, #tpu.memory_space<vmem_shared>> -> memref<80xf32, #tpu.memory_space<vmem_shared>>
        tpu.enqueue_dma source(%arg32 : memref<80xf32, #tpu.memory_space<vmem>>) target(%dma_start3A_315 : memref<80xf32, #tpu.memory_space<vmem_shared>>) target_semaphore(%run_scoped3A : memref<!tpu.dma_semaphore, #tpu.memory_space<semaphore_mem>>)
        %dma_wait3A_316 = tpu.memref_slice %arg33[%mul3A_313] : memref<10000xf32, #tpu.memory_space<vmem_shared>> -> memref<80xf32, #tpu.memory_space<vmem_shared>>
        %dma_wait3A_317 = tpu.memref_slice %arg33[%mul3A_313] : memref<10000xf32, #tpu.memory_space<vmem_shared>> -> memref<80xf32, #tpu.memory_space<vmem_shared>>
        tpu.wait_dma2 semaphore(%run_scoped3A : memref<!tpu.dma_semaphore, #tpu.memory_space<semaphore_mem>>) src(%arg32 : memref<80xf32, #tpu.memory_space<vmem>>) dst(%dma_wait3A_317 : memref<80xf32, #tpu.memory_space<vmem_shared>>)
        tpu.yield
      }) : () -> ()
    } else {
    }
    %barrier3A = arith.constant 0 : index
    tpu.barrier barrier_id(%barrier3A)
    %dma_wait3A = arith.constant 0 : i32
    %dma_wait3A_178 = arith.constant 0 : i32
    %dma_wait3A_179 = arith.constant 0 : i32
    %dma_wait3A_180 = tpu.memref_slice %arg3[%add3A, %dma_wait3A, %dma_wait3A_178, %dma_wait3A_179] : memref<32x125x2x80xi32, #tpu.memory_space<hbm>> -> memref<1x1x2x80xi32, #tpu.memory_space<hbm>>
    %dma_wait3A_181 = tpu.memref_squeeze %dma_wait3A_180 : memref<1x1x2x80xi32, #tpu.memory_space<hbm>> -> memref<2x80xi32, #tpu.memory_space<hbm>>
    %dma_wait3A_182 = arith.constant 0 : i32
    %dma_wait3A_183 = arith.constant 0 : i32
    %dma_wait3A_184 = tpu.memref_slice %arg3[%add3A, %dma_wait3A, %dma_wait3A_182, %dma_wait3A_183] : memref<32x125x2x80xi32, #tpu.memory_space<hbm>> -> memref<1x1x2x80xi32, #tpu.memory_space<hbm>>
    %dma_wait3A_185 = tpu.memref_squeeze %dma_wait3A_184 : memref<1x1x2x80xi32, #tpu.memory_space<hbm>> -> memref<2x80xi32, #tpu.memory_space<hbm>>
    tpu.wait_dma2 semaphore(%arg19 : memref<!tpu.dma_semaphore, #tpu.memory_space<semaphore_mem>>) src(%dma_wait3A_185 : memref<2x80xi32, #tpu.memory_space<hbm>>) dst(%arg6 : memref<2x80xi32, #tpu.memory_space<vmem>>)
    %dma_start3A_186 = arith.constant 0 : i32
    %dma_start3A_187 = arith.constant 0 : i32
    %dma_start3A_188 = tpu.memref_slice %arg6[%dma_start3A_186, %dma_start3A_187] : memref<2x80xi32, #tpu.memory_space<vmem>> -> memref<1x80xi32, #tpu.memory_space<vmem>>
    %dma_start3A_189 = tpu.memref_squeeze %dma_start3A_188 : memref<1x80xi32, #tpu.memory_space<vmem>> -> memref<80xi32, #tpu.memory_space<vmem>>
    %dma_start3A_190 = arith.constant 0 : i32
    %dma_start3A_191 = arith.constant 0 : i32
    %dma_start3A_192 = tpu.memref_slice %arg2[%dma_start3A_190, %dma_start3A_191] : memref<10000x128xf32, #tpu.memory_space<hbm>> -> memref<10000x128xf32, #tpu.memory_space<hbm>>
    tpu.enqueue_indirect_dma source(%dma_start3A_192 : memref<10000x128xf32, #tpu.memory_space<hbm>>) target(%arg14 : memref<80x128xf32, #tpu.memory_space<vmem>>) offsets(%dma_start3A_189 : memref<80xi32, #tpu.memory_space<vmem>>) semaphore(%arg27 : memref<!tpu.dma_semaphore, #tpu.memory_space<semaphore_mem>>)
    %dma_wait3A_193 = arith.constant 1 : i32
    %dma_wait3A_194 = arith.constant 0 : i32
    %dma_wait3A_195 = arith.constant 0 : i32
    %dma_wait3A_196 = tpu.memref_slice %arg3[%add3A, %dma_wait3A_193, %dma_wait3A_194, %dma_wait3A_195] : memref<32x125x2x80xi32, #tpu.memory_space<hbm>> -> memref<1x1x2x80xi32, #tpu.memory_space<hbm>>
    %dma_wait3A_197 = tpu.memref_squeeze %dma_wait3A_196 : memref<1x1x2x80xi32, #tpu.memory_space<hbm>> -> memref<2x80xi32, #tpu.memory_space<hbm>>
    %dma_wait3A_198 = arith.constant 0 : i32
    %dma_wait3A_199 = arith.constant 0 : i32
    %dma_wait3A_200 = tpu.memref_slice %arg3[%add3A, %dma_wait3A_193, %dma_wait3A_198, %dma_wait3A_199] : memref<32x125x2x80xi32, #tpu.memory_space<hbm>> -> memref<1x1x2x80xi32, #tpu.memory_space<hbm>>
    %dma_wait3A_201 = tpu.memref_squeeze %dma_wait3A_200 : memref<1x1x2x80xi32, #tpu.memory_space<hbm>> -> memref<2x80xi32, #tpu.memory_space<hbm>>
    tpu.wait_dma2 semaphore(%arg20 : memref<!tpu.dma_semaphore, #tpu.memory_space<semaphore_mem>>) src(%dma_wait3A_201 : memref<2x80xi32, #tpu.memory_space<hbm>>) dst(%arg7 : memref<2x80xi32, #tpu.memory_space<vmem>>)
    %dma_start3A_202 = arith.constant 0 : i32
    %dma_start3A_203 = arith.constant 0 : i32
    %dma_start3A_204 = tpu.memref_slice %arg7[%dma_start3A_202, %dma_start3A_203] : memref<2x80xi32, #tpu.memory_space<vmem>> -> memref<1x80xi32, #tpu.memory_space<vmem>>
    %dma_start3A_205 = tpu.memref_squeeze %dma_start3A_204 : memref<1x80xi32, #tpu.memory_space<vmem>> -> memref<80xi32, #tpu.memory_space<vmem>>
    %dma_start3A_206 = arith.constant 0 : i32
    %dma_start3A_207 = arith.constant 0 : i32
    %dma_start3A_208 = tpu.memref_slice %arg2[%dma_start3A_206, %dma_start3A_207] : memref<10000x128xf32, #tpu.memory_space<hbm>> -> memref<10000x128xf32, #tpu.memory_space<hbm>>
    tpu.enqueue_indirect_dma source(%dma_start3A_208 : memref<10000x128xf32, #tpu.memory_space<hbm>>) target(%arg15 : memref<80x128xf32, #tpu.memory_space<vmem>>) offsets(%dma_start3A_205 : memref<80xi32, #tpu.memory_space<vmem>>) semaphore(%arg28 : memref<!tpu.dma_semaphore, #tpu.memory_space<semaphore_mem>>)
    %dma_wait3A_209 = arith.constant 2 : i32
    %dma_wait3A_210 = arith.constant 0 : i32
    %dma_wait3A_211 = arith.constant 0 : i32
    %dma_wait3A_212 = tpu.memref_slice %arg3[%add3A, %dma_wait3A_209, %dma_wait3A_210, %dma_wait3A_211] : memref<32x125x2x80xi32, #tpu.memory_space<hbm>> -> memref<1x1x2x80xi32, #tpu.memory_space<hbm>>
    %dma_wait3A_213 = tpu.memref_squeeze %dma_wait3A_212 : memref<1x1x2x80xi32, #tpu.memory_space<hbm>> -> memref<2x80xi32, #tpu.memory_space<hbm>>
    %dma_wait3A_214 = arith.constant 0 : i32
    %dma_wait3A_215 = arith.constant 0 : i32
    %dma_wait3A_216 = tpu.memref_slice %arg3[%add3A, %dma_wait3A_209, %dma_wait3A_214, %dma_wait3A_215] : memref<32x125x2x80xi32, #tpu.memory_space<hbm>> -> memref<1x1x2x80xi32, #tpu.memory_space<hbm>>
    %dma_wait3A_217 = tpu.memref_squeeze %dma_wait3A_216 : memref<1x1x2x80xi32, #tpu.memory_space<hbm>> -> memref<2x80xi32, #tpu.memory_space<hbm>>
    tpu.wait_dma2 semaphore(%arg21 : memref<!tpu.dma_semaphore, #tpu.memory_space<semaphore_mem>>) src(%dma_wait3A_217 : memref<2x80xi32, #tpu.memory_space<hbm>>) dst(%arg8 : memref<2x80xi32, #tpu.memory_space<vmem>>)
    %dma_start3A_218 = arith.constant 0 : i32
    %dma_start3A_219 = arith.constant 0 : i32
    %dma_start3A_220 = tpu.memref_slice %arg8[%dma_start3A_218, %dma_start3A_219] : memref<2x80xi32, #tpu.memory_space<vmem>> -> memref<1x80xi32, #tpu.memory_space<vmem>>
    %dma_start3A_221 = tpu.memref_squeeze %dma_start3A_220 : memref<1x80xi32, #tpu.memory_space<vmem>> -> memref<80xi32, #tpu.memory_space<vmem>>
    %dma_start3A_222 = arith.constant 0 : i32
    %dma_start3A_223 = arith.constant 0 : i32
    %dma_start3A_224 = tpu.memref_slice %arg2[%dma_start3A_222, %dma_start3A_223] : memref<10000x128xf32, #tpu.memory_space<hbm>> -> memref<10000x128xf32, #tpu.memory_space<hbm>>
    tpu.enqueue_indirect_dma source(%dma_start3A_224 : memref<10000x128xf32, #tpu.memory_space<hbm>>) target(%arg16 : memref<80x128xf32, #tpu.memory_space<vmem>>) offsets(%dma_start3A_221 : memref<80xi32, #tpu.memory_space<vmem>>) semaphore(%arg29 : memref<!tpu.dma_semaphore, #tpu.memory_space<semaphore_mem>>)
    %scan3A_225 = arith.constant 0 : i32
    %scan3A_226 = arith.constant 0 : i32
    %scan3A_227 = arith.constant 16 : i32
    %scan3A_228 = arith.addi %scan3A_226, %scan3A_227 : i32
    %scan3A_229 = arith.constant 1 : i32
    scf.for %scan3A_310 = %scan3A_226 to %scan3A_228 step %scan3A_229  : i32 {
      %mul3A_311 = arith.constant 8 : i32
      %mul3A_312 = arith.muli %scan3A_310, %mul3A_311 : i32
      %add3A_313 = arith.constant 0 : i32
      %add3A_314 = arith.addi %mul3A_312, %add3A_313 : i32
      %lt3A_315 = arith.constant 125 : i32
      %lt3A_316 = arith.cmpi slt, %add3A_314, %lt3A_315 : i32
      %convert_element_type3A_317 = arith.extui %lt3A_316 : i1 to i32
      %cond3A_318 = arith.constant 0 : i32
      %cond3A_319 = arith.cmpi ne, %convert_element_type3A_317, %cond3A_318 : i32
      scf.if %cond3A_319 {
        %add3A_383 = arith.constant 4 : i32
        %add3A_384 = arith.addi %add3A_314, %add3A_383 : i32
        %sub3A = arith.constant 1 : i32
        %sub3A_385 = arith.subi %add3A_384, %sub3A : i32
        %lt3A_386 = arith.constant 125 : i32
        %lt3A_387 = arith.cmpi slt, %sub3A_385, %lt3A_386 : i32
        %convert_element_type3A_388 = arith.extui %lt3A_387 : i1 to i32
        %cond3A_389 = arith.constant 0 : i32
        %cond3A_390 = arith.cmpi ne, %convert_element_type3A_388, %cond3A_389 : i32
        scf.if %cond3A_390 {
          %dma_wait3A_417 = arith.constant 0 : i32
          %dma_wait3A_418 = arith.constant 0 : i32
          %dma_wait3A_419 = tpu.memref_slice %arg3[%add3A, %sub3A_385, %dma_wait3A_417, %dma_wait3A_418] : memref<32x125x2x80xi32, #tpu.memory_space<hbm>> -> memref<1x1x2x80xi32, #tpu.memory_space<hbm>>
          %dma_wait3A_420 = tpu.memref_squeeze %dma_wait3A_419 : memref<1x1x2x80xi32, #tpu.memory_space<hbm>> -> memref<2x80xi32, #tpu.memory_space<hbm>>
          %dma_wait3A_421 = arith.constant 0 : i32
          %dma_wait3A_422 = arith.constant 0 : i32
          %dma_wait3A_423 = tpu.memref_slice %arg3[%add3A, %sub3A_385, %dma_wait3A_421, %dma_wait3A_422] : memref<32x125x2x80xi32, #tpu.memory_space<hbm>> -> memref<1x1x2x80xi32, #tpu.memory_space<hbm>>
          %dma_wait3A_424 = tpu.memref_squeeze %dma_wait3A_423 : memref<1x1x2x80xi32, #tpu.memory_space<hbm>> -> memref<2x80xi32, #tpu.memory_space<hbm>>
          tpu.wait_dma2 semaphore(%arg22 : memref<!tpu.dma_semaphore, #tpu.memory_space<semaphore_mem>>) src(%dma_wait3A_424 : memref<2x80xi32, #tpu.memory_space<hbm>>) dst(%arg9 : memref<2x80xi32, #tpu.memory_space<vmem>>)
          %dma_start3A_425 = arith.constant 0 : i32
          %dma_start3A_426 = arith.constant 0 : i32
          %dma_start3A_427 = tpu.memref_slice %arg9[%dma_start3A_425, %dma_start3A_426] : memref<2x80xi32, #tpu.memory_space<vmem>> -> memref<1x80xi32, #tpu.memory_space<vmem>>
          %dma_start3A_428 = tpu.memref_squeeze %dma_start3A_427 : memref<1x80xi32, #tpu.memory_space<vmem>> -> memref<80xi32, #tpu.memory_space<vmem>>
          %dma_start3A_429 = arith.constant 0 : i32
          %dma_start3A_430 = arith.constant 0 : i32
          %dma_start3A_431 = tpu.memref_slice %arg2[%dma_start3A_429, %dma_start3A_430] : memref<10000x128xf32, #tpu.memory_space<hbm>> -> memref<10000x128xf32, #tpu.memory_space<hbm>>
          tpu.enqueue_indirect_dma source(%dma_start3A_431 : memref<10000x128xf32, #tpu.memory_space<hbm>>) target(%arg17 : memref<80x128xf32, #tpu.memory_space<vmem>>) offsets(%dma_start3A_428 : memref<80xi32, #tpu.memory_space<vmem>>) semaphore(%arg30 : memref<!tpu.dma_semaphore, #tpu.memory_space<semaphore_mem>>)
        } else {
        }
        %dma_wait3A_391 = arith.constant 0 : i32
        %dma_wait3A_392 = arith.constant 0 : i32
        %dma_wait3A_393 = tpu.memref_slice %arg6[%dma_wait3A_391, %dma_wait3A_392] : memref<2x80xi32, #tpu.memory_space<vmem>> -> memref<1x80xi32, #tpu.memory_space<vmem>>
        %dma_wait3A_394 = tpu.memref_squeeze %dma_wait3A_393 : memref<1x80xi32, #tpu.memory_space<vmem>> -> memref<80xi32, #tpu.memory_space<vmem>>
        %dma_wait3A_395 = arith.constant 0 : i32
        %dma_wait3A_396 = arith.constant 0 : i32
        %dma_wait3A_397 = tpu.memref_slice %arg2[%dma_wait3A_395, %dma_wait3A_396] : memref<10000x128xf32, #tpu.memory_space<hbm>> -> memref<10000x128xf32, #tpu.memory_space<hbm>>
        tpu.wait_indirect_dma semaphore(%arg27 : memref<!tpu.dma_semaphore, #tpu.memory_space<semaphore_mem>>) src(%dma_wait3A_397 : memref<10000x128xf32, #tpu.memory_space<hbm>>) dst(%arg14 : memref<80x128xf32, #tpu.memory_space<vmem>>)
        %run_scoped3A = arith.constant 1 : i32
        "tpu.region"() ({
          %run_scoped3A_417 = tpu.sem_alloc : memref<!tpu.dma_semaphore, #tpu.memory_space<semaphore_mem>>
          %dma_start3A_418 = arith.constant 0 : i32
          %dma_start3A_419 = tpu.memref_slice %arg6[%run_scoped3A, %dma_start3A_418] : memref<2x80xi32, #tpu.memory_space<vmem>> -> memref<1x80xi32, #tpu.memory_space<vmem>>
          %dma_start3A_420 = tpu.memref_squeeze %dma_start3A_419 : memref<1x80xi32, #tpu.memory_space<vmem>> -> memref<80xi32, #tpu.memory_space<vmem>>
          %dma_start3A_421 = arith.constant 0 : i32
          %dma_start3A_422 = arith.constant 0 : i32
          %dma_start3A_423 = tpu.memref_slice %arg18[%dma_start3A_421, %dma_start3A_422] : memref<10000x128xf32, #tpu.memory_space<vmem_shared>> -> memref<10000x128xf32, #tpu.memory_space<vmem_shared>>
          tpu.enqueue_indirect_dma source(%arg14 : memref<80x128xf32, #tpu.memory_space<vmem>>) target(%dma_start3A_423 : memref<10000x128xf32, #tpu.memory_space<vmem_shared>>) offsets(%dma_start3A_420 : memref<80xi32, #tpu.memory_space<vmem>>) semaphore(%run_scoped3A_417 : memref<!tpu.dma_semaphore, #tpu.memory_space<semaphore_mem>>) {add = true}
          %dma_wait3A_424 = arith.constant 0 : i32
          %dma_wait3A_425 = tpu.memref_slice %arg6[%run_scoped3A, %dma_wait3A_424] : memref<2x80xi32, #tpu.memory_space<vmem>> -> memref<1x80xi32, #tpu.memory_space<vmem>>
          %dma_wait3A_426 = tpu.memref_squeeze %dma_wait3A_425 : memref<1x80xi32, #tpu.memory_space<vmem>> -> memref<80xi32, #tpu.memory_space<vmem>>
          %dma_wait3A_427 = arith.constant 0 : i32
          %dma_wait3A_428 = arith.constant 0 : i32
          %dma_wait3A_429 = tpu.memref_slice %arg18[%dma_wait3A_427, %dma_wait3A_428] : memref<10000x128xf32, #tpu.memory_space<vmem_shared>> -> memref<10000x128xf32, #tpu.memory_space<vmem_shared>>
          tpu.wait_indirect_dma semaphore(%run_scoped3A_417 : memref<!tpu.dma_semaphore, #tpu.memory_space<semaphore_mem>>) src(%arg14 : memref<80x128xf32, #tpu.memory_space<vmem>>) dst(%dma_wait3A_429 : memref<10000x128xf32, #tpu.memory_space<vmem_shared>>)
          tpu.yield
        }) : () -> ()
        %ge3A = arith.constant 1 : i32
        %ge3A_398 = arith.cmpi sge, %add3A_314, %ge3A : i32
        %convert_element_type3A_399 = arith.extui %ge3A_398 : i1 to i32
        %cond3A_400 = arith.constant 0 : i32
        %cond3A_401 = arith.cmpi ne, %convert_element_type3A_399, %cond3A_400 : i32
        scf.if %cond3A_401 {
          %dma_wait3A_417 = arith.constant 1 : i32
          %dma_wait3A_418 = arith.constant 0 : i32
          %dma_wait3A_419 = tpu.memref_slice %arg13[%dma_wait3A_417, %dma_wait3A_418] : memref<2x80xi32, #tpu.memory_space<vmem>> -> memref<1x80xi32, #tpu.memory_space<vmem>>
          %dma_wait3A_420 = tpu.memref_squeeze %dma_wait3A_419 : memref<1x80xi32, #tpu.memory_space<vmem>> -> memref<80xi32, #tpu.memory_space<vmem>>
          %dma_wait3A_421 = arith.constant 0 : i32
          %dma_wait3A_422 = tpu.memref_slice %arg33[%dma_wait3A_421] : memref<10000xf32, #tpu.memory_space<vmem_shared>> -> memref<10000xf32, #tpu.memory_space<vmem_shared>>
          tpu.wait_indirect_dma semaphore(%arg35 : memref<!tpu.dma_semaphore, #tpu.memory_space<semaphore_mem>>) src(%arg31 : memref<80xf32, #tpu.memory_space<vmem>>) dst(%dma_wait3A_422 : memref<10000xf32, #tpu.memory_space<vmem_shared>>)
        } else {
        }
        %dma_start3A_402 = arith.constant 1 : i32
        %dma_start3A_403 = arith.constant 0 : i32
        %dma_start3A_404 = tpu.memref_slice %arg6[%dma_start3A_402, %dma_start3A_403] : memref<2x80xi32, #tpu.memory_space<vmem>> -> memref<1x80xi32, #tpu.memory_space<vmem>>
        %dma_start3A_405 = tpu.memref_squeeze %dma_start3A_404 : memref<1x80xi32, #tpu.memory_space<vmem>> -> memref<80xi32, #tpu.memory_space<vmem>>
        %dma_start3A_406 = arith.constant 0 : i32
        %dma_start3A_407 = tpu.memref_slice %arg33[%dma_start3A_406] : memref<10000xf32, #tpu.memory_space<vmem_shared>> -> memref<10000xf32, #tpu.memory_space<vmem_shared>>
        tpu.enqueue_indirect_dma source(%arg31 : memref<80xf32, #tpu.memory_space<vmem>>) target(%dma_start3A_407 : memref<10000xf32, #tpu.memory_space<vmem_shared>>) offsets(%dma_start3A_405 : memref<80xi32, #tpu.memory_space<vmem>>) semaphore(%arg34 : memref<!tpu.dma_semaphore, #tpu.memory_space<semaphore_mem>>) {add = true}
        %add3A_408 = arith.constant 8 : i32
        %add3A_409 = arith.addi %add3A_314, %add3A_408 : i32
        %sub3A_410 = arith.constant 2 : i32
        %sub3A_411 = arith.subi %add3A_409, %sub3A_410 : i32
        %lt3A_412 = arith.constant 125 : i32
        %lt3A_413 = arith.cmpi slt, %sub3A_411, %lt3A_412 : i32
        %convert_element_type3A_414 = arith.extui %lt3A_413 : i1 to i32
        %cond3A_415 = arith.constant 0 : i32
        %cond3A_416 = arith.cmpi ne, %convert_element_type3A_414, %cond3A_415 : i32
        scf.if %cond3A_416 {
          %dma_start3A_417 = arith.constant 0 : i32
          %dma_start3A_418 = arith.constant 0 : i32
          %dma_start3A_419 = tpu.memref_slice %arg3[%add3A, %sub3A_411, %dma_start3A_417, %dma_start3A_418] : memref<32x125x2x80xi32, #tpu.memory_space<hbm>> -> memref<1x1x2x80xi32, #tpu.memory_space<hbm>>
          %dma_start3A_420 = tpu.memref_squeeze %dma_start3A_419 : memref<1x1x2x80xi32, #tpu.memory_space<hbm>> -> memref<2x80xi32, #tpu.memory_space<hbm>>
          %dma_start3A_421 = arith.constant 0 : i32
          %dma_start3A_422 = arith.constant 0 : i32
          %dma_start3A_423 = tpu.memref_slice %arg3[%add3A, %sub3A_411, %dma_start3A_421, %dma_start3A_422] : memref<32x125x2x80xi32, #tpu.memory_space<hbm>> -> memref<1x1x2x80xi32, #tpu.memory_space<hbm>>
          %dma_start3A_424 = tpu.memref_squeeze %dma_start3A_423 : memref<1x1x2x80xi32, #tpu.memory_space<hbm>> -> memref<2x80xi32, #tpu.memory_space<hbm>>
          tpu.enqueue_dma source(%dma_start3A_424 : memref<2x80xi32, #tpu.memory_space<hbm>>) target(%arg12 : memref<2x80xi32, #tpu.memory_space<vmem>>) target_semaphore(%arg25 : memref<!tpu.dma_semaphore, #tpu.memory_space<semaphore_mem>>)
        } else {
        }
      } else {
      }
      %mul3A_320 = arith.constant 8 : i32
      %mul3A_321 = arith.muli %scan3A_310, %mul3A_320 : i32
      %add3A_322 = arith.constant 1 : i32
      %add3A_323 = arith.addi %mul3A_321, %add3A_322 : i32
      %lt3A_324 = arith.constant 125 : i32
      %lt3A_325 = arith.cmpi slt, %add3A_323, %lt3A_324 : i32
      %convert_element_type3A_326 = arith.extui %lt3A_325 : i1 to i32
      %cond3A_327 = arith.constant 0 : i32
      %cond3A_328 = arith.cmpi ne, %convert_element_type3A_326, %cond3A_327 : i32
      scf.if %cond3A_328 {
        %add3A_383 = arith.constant 4 : i32
        %add3A_384 = arith.addi %add3A_323, %add3A_383 : i32
        %sub3A = arith.constant 1 : i32
        %sub3A_385 = arith.subi %add3A_384, %sub3A : i32
        %lt3A_386 = arith.constant 125 : i32
        %lt3A_387 = arith.cmpi slt, %sub3A_385, %lt3A_386 : i32
        %convert_element_type3A_388 = arith.extui %lt3A_387 : i1 to i32
        %cond3A_389 = arith.constant 0 : i32
        %cond3A_390 = arith.cmpi ne, %convert_element_type3A_388, %cond3A_389 : i32
        scf.if %cond3A_390 {
          %dma_wait3A_417 = arith.constant 0 : i32
          %dma_wait3A_418 = arith.constant 0 : i32
          %dma_wait3A_419 = tpu.memref_slice %arg3[%add3A, %sub3A_385, %dma_wait3A_417, %dma_wait3A_418] : memref<32x125x2x80xi32, #tpu.memory_space<hbm>> -> memref<1x1x2x80xi32, #tpu.memory_space<hbm>>
          %dma_wait3A_420 = tpu.memref_squeeze %dma_wait3A_419 : memref<1x1x2x80xi32, #tpu.memory_space<hbm>> -> memref<2x80xi32, #tpu.memory_space<hbm>>
          %dma_wait3A_421 = arith.constant 0 : i32
          %dma_wait3A_422 = arith.constant 0 : i32
          %dma_wait3A_423 = tpu.memref_slice %arg3[%add3A, %sub3A_385, %dma_wait3A_421, %dma_wait3A_422] : memref<32x125x2x80xi32, #tpu.memory_space<hbm>> -> memref<1x1x2x80xi32, #tpu.memory_space<hbm>>
          %dma_wait3A_424 = tpu.memref_squeeze %dma_wait3A_423 : memref<1x1x2x80xi32, #tpu.memory_space<hbm>> -> memref<2x80xi32, #tpu.memory_space<hbm>>
          tpu.wait_dma2 semaphore(%arg23 : memref<!tpu.dma_semaphore, #tpu.memory_space<semaphore_mem>>) src(%dma_wait3A_424 : memref<2x80xi32, #tpu.memory_space<hbm>>) dst(%arg10 : memref<2x80xi32, #tpu.memory_space<vmem>>)
          %dma_start3A_425 = arith.constant 0 : i32
          %dma_start3A_426 = arith.constant 0 : i32
          %dma_start3A_427 = tpu.memref_slice %arg10[%dma_start3A_425, %dma_start3A_426] : memref<2x80xi32, #tpu.memory_space<vmem>> -> memref<1x80xi32, #tpu.memory_space<vmem>>
          %dma_start3A_428 = tpu.memref_squeeze %dma_start3A_427 : memref<1x80xi32, #tpu.memory_space<vmem>> -> memref<80xi32, #tpu.memory_space<vmem>>
          %dma_start3A_429 = arith.constant 0 : i32
          %dma_start3A_430 = arith.constant 0 : i32
          %dma_start3A_431 = tpu.memref_slice %arg2[%dma_start3A_429, %dma_start3A_430] : memref<10000x128xf32, #tpu.memory_space<hbm>> -> memref<10000x128xf32, #tpu.memory_space<hbm>>
          tpu.enqueue_indirect_dma source(%dma_start3A_431 : memref<10000x128xf32, #tpu.memory_space<hbm>>) target(%arg14 : memref<80x128xf32, #tpu.memory_space<vmem>>) offsets(%dma_start3A_428 : memref<80xi32, #tpu.memory_space<vmem>>) semaphore(%arg27 : memref<!tpu.dma_semaphore, #tpu.memory_space<semaphore_mem>>)
        } else {
        }
        %dma_wait3A_391 = arith.constant 0 : i32
        %dma_wait3A_392 = arith.constant 0 : i32
        %dma_wait3A_393 = tpu.memref_slice %arg7[%dma_wait3A_391, %dma_wait3A_392] : memref<2x80xi32, #tpu.memory_space<vmem>> -> memref<1x80xi32, #tpu.memory_space<vmem>>
        %dma_wait3A_394 = tpu.memref_squeeze %dma_wait3A_393 : memref<1x80xi32, #tpu.memory_space<vmem>> -> memref<80xi32, #tpu.memory_space<vmem>>
        %dma_wait3A_395 = arith.constant 0 : i32
        %dma_wait3A_396 = arith.constant 0 : i32
        %dma_wait3A_397 = tpu.memref_slice %arg2[%dma_wait3A_395, %dma_wait3A_396] : memref<10000x128xf32, #tpu.memory_space<hbm>> -> memref<10000x128xf32, #tpu.memory_space<hbm>>
        tpu.wait_indirect_dma semaphore(%arg28 : memref<!tpu.dma_semaphore, #tpu.memory_space<semaphore_mem>>) src(%dma_wait3A_397 : memref<10000x128xf32, #tpu.memory_space<hbm>>) dst(%arg15 : memref<80x128xf32, #tpu.memory_space<vmem>>)
        %run_scoped3A = arith.constant 1 : i32
        "tpu.region"() ({
          %run_scoped3A_417 = tpu.sem_alloc : memref<!tpu.dma_semaphore, #tpu.memory_space<semaphore_mem>>
          %dma_start3A_418 = arith.constant 0 : i32
          %dma_start3A_419 = tpu.memref_slice %arg7[%run_scoped3A, %dma_start3A_418] : memref<2x80xi32, #tpu.memory_space<vmem>> -> memref<1x80xi32, #tpu.memory_space<vmem>>
          %dma_start3A_420 = tpu.memref_squeeze %dma_start3A_419 : memref<1x80xi32, #tpu.memory_space<vmem>> -> memref<80xi32, #tpu.memory_space<vmem>>
          %dma_start3A_421 = arith.constant 0 : i32
          %dma_start3A_422 = arith.constant 0 : i32
          %dma_start3A_423 = tpu.memref_slice %arg18[%dma_start3A_421, %dma_start3A_422] : memref<10000x128xf32, #tpu.memory_space<vmem_shared>> -> memref<10000x128xf32, #tpu.memory_space<vmem_shared>>
          tpu.enqueue_indirect_dma source(%arg15 : memref<80x128xf32, #tpu.memory_space<vmem>>) target(%dma_start3A_423 : memref<10000x128xf32, #tpu.memory_space<vmem_shared>>) offsets(%dma_start3A_420 : memref<80xi32, #tpu.memory_space<vmem>>) semaphore(%run_scoped3A_417 : memref<!tpu.dma_semaphore, #tpu.memory_space<semaphore_mem>>) {add = true}
          %dma_wait3A_424 = arith.constant 0 : i32
          %dma_wait3A_425 = tpu.memref_slice %arg7[%run_scoped3A, %dma_wait3A_424] : memref<2x80xi32, #tpu.memory_space<vmem>> -> memref<1x80xi32, #tpu.memory_space<vmem>>
          %dma_wait3A_426 = tpu.memref_squeeze %dma_wait3A_425 : memref<1x80xi32, #tpu.memory_space<vmem>> -> memref<80xi32, #tpu.memory_space<vmem>>
          %dma_wait3A_427 = arith.constant 0 : i32
          %dma_wait3A_428 = arith.constant 0 : i32
          %dma_wait3A_429 = tpu.memref_slice %arg18[%dma_wait3A_427, %dma_wait3A_428] : memref<10000x128xf32, #tpu.memory_space<vmem_shared>> -> memref<10000x128xf32, #tpu.memory_space<vmem_shared>>
          tpu.wait_indirect_dma semaphore(%run_scoped3A_417 : memref<!tpu.dma_semaphore, #tpu.memory_space<semaphore_mem>>) src(%arg15 : memref<80x128xf32, #tpu.memory_space<vmem>>) dst(%dma_wait3A_429 : memref<10000x128xf32, #tpu.memory_space<vmem_shared>>)
          tpu.yield
        }) : () -> ()
        %ge3A = arith.constant 1 : i32
        %ge3A_398 = arith.cmpi sge, %add3A_323, %ge3A : i32
        %convert_element_type3A_399 = arith.extui %ge3A_398 : i1 to i32
        %cond3A_400 = arith.constant 0 : i32
        %cond3A_401 = arith.cmpi ne, %convert_element_type3A_399, %cond3A_400 : i32
        scf.if %cond3A_401 {
          %dma_wait3A_417 = arith.constant 1 : i32
          %dma_wait3A_418 = arith.constant 0 : i32
          %dma_wait3A_419 = tpu.memref_slice %arg6[%dma_wait3A_417, %dma_wait3A_418] : memref<2x80xi32, #tpu.memory_space<vmem>> -> memref<1x80xi32, #tpu.memory_space<vmem>>
          %dma_wait3A_420 = tpu.memref_squeeze %dma_wait3A_419 : memref<1x80xi32, #tpu.memory_space<vmem>> -> memref<80xi32, #tpu.memory_space<vmem>>
          %dma_wait3A_421 = arith.constant 0 : i32
          %dma_wait3A_422 = tpu.memref_slice %arg33[%dma_wait3A_421] : memref<10000xf32, #tpu.memory_space<vmem_shared>> -> memref<10000xf32, #tpu.memory_space<vmem_shared>>
          tpu.wait_indirect_dma semaphore(%arg34 : memref<!tpu.dma_semaphore, #tpu.memory_space<semaphore_mem>>) src(%arg31 : memref<80xf32, #tpu.memory_space<vmem>>) dst(%dma_wait3A_422 : memref<10000xf32, #tpu.memory_space<vmem_shared>>)
        } else {
        }
        %dma_start3A_402 = arith.constant 1 : i32
        %dma_start3A_403 = arith.constant 0 : i32
        %dma_start3A_404 = tpu.memref_slice %arg7[%dma_start3A_402, %dma_start3A_403] : memref<2x80xi32, #tpu.memory_space<vmem>> -> memref<1x80xi32, #tpu.memory_space<vmem>>
        %dma_start3A_405 = tpu.memref_squeeze %dma_start3A_404 : memref<1x80xi32, #tpu.memory_space<vmem>> -> memref<80xi32, #tpu.memory_space<vmem>>
        %dma_start3A_406 = arith.constant 0 : i32
        %dma_start3A_407 = tpu.memref_slice %arg33[%dma_start3A_406] : memref<10000xf32, #tpu.memory_space<vmem_shared>> -> memref<10000xf32, #tpu.memory_space<vmem_shared>>
        tpu.enqueue_indirect_dma source(%arg31 : memref<80xf32, #tpu.memory_space<vmem>>) target(%dma_start3A_407 : memref<10000xf32, #tpu.memory_space<vmem_shared>>) offsets(%dma_start3A_405 : memref<80xi32, #tpu.memory_space<vmem>>) semaphore(%arg35 : memref<!tpu.dma_semaphore, #tpu.memory_space<semaphore_mem>>) {add = true}
        %add3A_408 = arith.constant 8 : i32
        %add3A_409 = arith.addi %add3A_323, %add3A_408 : i32
        %sub3A_410 = arith.constant 2 : i32
        %sub3A_411 = arith.subi %add3A_409, %sub3A_410 : i32
        %lt3A_412 = arith.constant 125 : i32
        %lt3A_413 = arith.cmpi slt, %sub3A_411, %lt3A_412 : i32
        %convert_element_type3A_414 = arith.extui %lt3A_413 : i1 to i32
        %cond3A_415 = arith.constant 0 : i32
        %cond3A_416 = arith.cmpi ne, %convert_element_type3A_414, %cond3A_415 : i32
        scf.if %cond3A_416 {
          %dma_start3A_417 = arith.constant 0 : i32
          %dma_start3A_418 = arith.constant 0 : i32
          %dma_start3A_419 = tpu.memref_slice %arg3[%add3A, %sub3A_411, %dma_start3A_417, %dma_start3A_418] : memref<32x125x2x80xi32, #tpu.memory_space<hbm>> -> memref<1x1x2x80xi32, #tpu.memory_space<hbm>>
          %dma_start3A_420 = tpu.memref_squeeze %dma_start3A_419 : memref<1x1x2x80xi32, #tpu.memory_space<hbm>> -> memref<2x80xi32, #tpu.memory_space<hbm>>
          %dma_start3A_421 = arith.constant 0 : i32
          %dma_start3A_422 = arith.constant 0 : i32
          %dma_start3A_423 = tpu.memref_slice %arg3[%add3A, %sub3A_411, %dma_start3A_421, %dma_start3A_422] : memref<32x125x2x80xi32, #tpu.memory_space<hbm>> -> memref<1x1x2x80xi32, #tpu.memory_space<hbm>>
          %dma_start3A_424 = tpu.memref_squeeze %dma_start3A_423 : memref<1x1x2x80xi32, #tpu.memory_space<hbm>> -> memref<2x80xi32, #tpu.memory_space<hbm>>
          tpu.enqueue_dma source(%dma_start3A_424 : memref<2x80xi32, #tpu.memory_space<hbm>>) target(%arg13 : memref<2x80xi32, #tpu.memory_space<vmem>>) target_semaphore(%arg26 : memref<!tpu.dma_semaphore, #tpu.memory_space<semaphore_mem>>)
        } else {
        }
      } else {
      }
      %mul3A_329 = arith.constant 8 : i32
      %mul3A_330 = arith.muli %scan3A_310, %mul3A_329 : i32
      %add3A_331 = arith.constant 2 : i32
      %add3A_332 = arith.addi %mul3A_330, %add3A_331 : i32
      %lt3A_333 = arith.constant 125 : i32
      %lt3A_334 = arith.cmpi slt, %add3A_332, %lt3A_333 : i32
      %convert_element_type3A_335 = arith.extui %lt3A_334 : i1 to i32
      %cond3A_336 = arith.constant 0 : i32
      %cond3A_337 = arith.cmpi ne, %convert_element_type3A_335, %cond3A_336 : i32
      scf.if %cond3A_337 {
        %add3A_383 = arith.constant 4 : i32
        %add3A_384 = arith.addi %add3A_332, %add3A_383 : i32
        %sub3A = arith.constant 1 : i32
        %sub3A_385 = arith.subi %add3A_384, %sub3A : i32
        %lt3A_386 = arith.constant 125 : i32
        %lt3A_387 = arith.cmpi slt, %sub3A_385, %lt3A_386 : i32
        %convert_element_type3A_388 = arith.extui %lt3A_387 : i1 to i32
        %cond3A_389 = arith.constant 0 : i32
        %cond3A_390 = arith.cmpi ne, %convert_element_type3A_388, %cond3A_389 : i32
        scf.if %cond3A_390 {
          %dma_wait3A_417 = arith.constant 0 : i32
          %dma_wait3A_418 = arith.constant 0 : i32
          %dma_wait3A_419 = tpu.memref_slice %arg3[%add3A, %sub3A_385, %dma_wait3A_417, %dma_wait3A_418] : memref<32x125x2x80xi32, #tpu.memory_space<hbm>> -> memref<1x1x2x80xi32, #tpu.memory_space<hbm>>
          %dma_wait3A_420 = tpu.memref_squeeze %dma_wait3A_419 : memref<1x1x2x80xi32, #tpu.memory_space<hbm>> -> memref<2x80xi32, #tpu.memory_space<hbm>>
          %dma_wait3A_421 = arith.constant 0 : i32
          %dma_wait3A_422 = arith.constant 0 : i32
          %dma_wait3A_423 = tpu.memref_slice %arg3[%add3A, %sub3A_385, %dma_wait3A_421, %dma_wait3A_422] : memref<32x125x2x80xi32, #tpu.memory_space<hbm>> -> memref<1x1x2x80xi32, #tpu.memory_space<hbm>>
          %dma_wait3A_424 = tpu.memref_squeeze %dma_wait3A_423 : memref<1x1x2x80xi32, #tpu.memory_space<hbm>> -> memref<2x80xi32, #tpu.memory_space<hbm>>
          tpu.wait_dma2 semaphore(%arg24 : memref<!tpu.dma_semaphore, #tpu.memory_space<semaphore_mem>>) src(%dma_wait3A_424 : memref<2x80xi32, #tpu.memory_space<hbm>>) dst(%arg11 : memref<2x80xi32, #tpu.memory_space<vmem>>)
          %dma_start3A_425 = arith.constant 0 : i32
          %dma_start3A_426 = arith.constant 0 : i32
          %dma_start3A_427 = tpu.memref_slice %arg11[%dma_start3A_425, %dma_start3A_426] : memref<2x80xi32, #tpu.memory_space<vmem>> -> memref<1x80xi32, #tpu.memory_space<vmem>>
          %dma_start3A_428 = tpu.memref_squeeze %dma_start3A_427 : memref<1x80xi32, #tpu.memory_space<vmem>> -> memref<80xi32, #tpu.memory_space<vmem>>
          %dma_start3A_429 = arith.constant 0 : i32
          %dma_start3A_430 = arith.constant 0 : i32
          %dma_start3A_431 = tpu.memref_slice %arg2[%dma_start3A_429, %dma_start3A_430] : memref<10000x128xf32, #tpu.memory_space<hbm>> -> memref<10000x128xf32, #tpu.memory_space<hbm>>
          tpu.enqueue_indirect_dma source(%dma_start3A_431 : memref<10000x128xf32, #tpu.memory_space<hbm>>) target(%arg15 : memref<80x128xf32, #tpu.memory_space<vmem>>) offsets(%dma_start3A_428 : memref<80xi32, #tpu.memory_space<vmem>>) semaphore(%arg28 : memref<!tpu.dma_semaphore, #tpu.memory_space<semaphore_mem>>)
        } else {
        }
        %dma_wait3A_391 = arith.constant 0 : i32
        %dma_wait3A_392 = arith.constant 0 : i32
        %dma_wait3A_393 = tpu.memref_slice %arg8[%dma_wait3A_391, %dma_wait3A_392] : memref<2x80xi32, #tpu.memory_space<vmem>> -> memref<1x80xi32, #tpu.memory_space<vmem>>
        %dma_wait3A_394 = tpu.memref_squeeze %dma_wait3A_393 : memref<1x80xi32, #tpu.memory_space<vmem>> -> memref<80xi32, #tpu.memory_space<vmem>>
        %dma_wait3A_395 = arith.constant 0 : i32
        %dma_wait3A_396 = arith.constant 0 : i32
        %dma_wait3A_397 = tpu.memref_slice %arg2[%dma_wait3A_395, %dma_wait3A_396] : memref<10000x128xf32, #tpu.memory_space<hbm>> -> memref<10000x128xf32, #tpu.memory_space<hbm>>
        tpu.wait_indirect_dma semaphore(%arg29 : memref<!tpu.dma_semaphore, #tpu.memory_space<semaphore_mem>>) src(%dma_wait3A_397 : memref<10000x128xf32, #tpu.memory_space<hbm>>) dst(%arg16 : memref<80x128xf32, #tpu.memory_space<vmem>>)
        %run_scoped3A = arith.constant 1 : i32
        "tpu.region"() ({
          %run_scoped3A_417 = tpu.sem_alloc : memref<!tpu.dma_semaphore, #tpu.memory_space<semaphore_mem>>
          %dma_start3A_418 = arith.constant 0 : i32
          %dma_start3A_419 = tpu.memref_slice %arg8[%run_scoped3A, %dma_start3A_418] : memref<2x80xi32, #tpu.memory_space<vmem>> -> memref<1x80xi32, #tpu.memory_space<vmem>>
          %dma_start3A_420 = tpu.memref_squeeze %dma_start3A_419 : memref<1x80xi32, #tpu.memory_space<vmem>> -> memref<80xi32, #tpu.memory_space<vmem>>
          %dma_start3A_421 = arith.constant 0 : i32
          %dma_start3A_422 = arith.constant 0 : i32
          %dma_start3A_423 = tpu.memref_slice %arg18[%dma_start3A_421, %dma_start3A_422] : memref<10000x128xf32, #tpu.memory_space<vmem_shared>> -> memref<10000x128xf32, #tpu.memory_space<vmem_shared>>
          tpu.enqueue_indirect_dma source(%arg16 : memref<80x128xf32, #tpu.memory_space<vmem>>) target(%dma_start3A_423 : memref<10000x128xf32, #tpu.memory_space<vmem_shared>>) offsets(%dma_start3A_420 : memref<80xi32, #tpu.memory_space<vmem>>) semaphore(%run_scoped3A_417 : memref<!tpu.dma_semaphore, #tpu.memory_space<semaphore_mem>>) {add = true}
          %dma_wait3A_424 = arith.constant 0 : i32
          %dma_wait3A_425 = tpu.memref_slice %arg8[%run_scoped3A, %dma_wait3A_424] : memref<2x80xi32, #tpu.memory_space<vmem>> -> memref<1x80xi32, #tpu.memory_space<vmem>>
          %dma_wait3A_426 = tpu.memref_squeeze %dma_wait3A_425 : memref<1x80xi32, #tpu.memory_space<vmem>> -> memref<80xi32, #tpu.memory_space<vmem>>
          %dma_wait3A_427 = arith.constant 0 : i32
          %dma_wait3A_428 = arith.constant 0 : i32
          %dma_wait3A_429 = tpu.memref_slice %arg18[%dma_wait3A_427, %dma_wait3A_428] : memref<10000x128xf32, #tpu.memory_space<vmem_shared>> -> memref<10000x128xf32, #tpu.memory_space<vmem_shared>>
          tpu.wait_indirect_dma semaphore(%run_scoped3A_417 : memref<!tpu.dma_semaphore, #tpu.memory_space<semaphore_mem>>) src(%arg16 : memref<80x128xf32, #tpu.memory_space<vmem>>) dst(%dma_wait3A_429 : memref<10000x128xf32, #tpu.memory_space<vmem_shared>>)
          tpu.yield
        }) : () -> ()
        %ge3A = arith.constant 1 : i32
        %ge3A_398 = arith.cmpi sge, %add3A_332, %ge3A : i32
        %convert_element_type3A_399 = arith.extui %ge3A_398 : i1 to i32
        %cond3A_400 = arith.constant 0 : i32
        %cond3A_401 = arith.cmpi ne, %convert_element_type3A_399, %cond3A_400 : i32
        scf.if %cond3A_401 {
          %dma_wait3A_417 = arith.constant 1 : i32
          %dma_wait3A_418 = arith.constant 0 : i32
          %dma_wait3A_419 = tpu.memref_slice %arg7[%dma_wait3A_417, %dma_wait3A_418] : memref<2x80xi32, #tpu.memory_space<vmem>> -> memref<1x80xi32, #tpu.memory_space<vmem>>
          %dma_wait3A_420 = tpu.memref_squeeze %dma_wait3A_419 : memref<1x80xi32, #tpu.memory_space<vmem>> -> memref<80xi32, #tpu.memory_space<vmem>>
          %dma_wait3A_421 = arith.constant 0 : i32
          %dma_wait3A_422 = tpu.memref_slice %arg33[%dma_wait3A_421] : memref<10000xf32, #tpu.memory_space<vmem_shared>> -> memref<10000xf32, #tpu.memory_space<vmem_shared>>
          tpu.wait_indirect_dma semaphore(%arg35 : memref<!tpu.dma_semaphore, #tpu.memory_space<semaphore_mem>>) src(%arg31 : memref<80xf32, #tpu.memory_space<vmem>>) dst(%dma_wait3A_422 : memref<10000xf32, #tpu.memory_space<vmem_shared>>)
        } else {
        }
        %dma_start3A_402 = arith.constant 1 : i32
        %dma_start3A_403 = arith.constant 0 : i32
        %dma_start3A_404 = tpu.memref_slice %arg8[%dma_start3A_402, %dma_start3A_403] : memref<2x80xi32, #tpu.memory_space<vmem>> -> memref<1x80xi32, #tpu.memory_space<vmem>>
        %dma_start3A_405 = tpu.memref_squeeze %dma_start3A_404 : memref<1x80xi32, #tpu.memory_space<vmem>> -> memref<80xi32, #tpu.memory_space<vmem>>
        %dma_start3A_406 = arith.constant 0 : i32
        %dma_start3A_407 = tpu.memref_slice %arg33[%dma_start3A_406] : memref<10000xf32, #tpu.memory_space<vmem_shared>> -> memref<10000xf32, #tpu.memory_space<vmem_shared>>
        tpu.enqueue_indirect_dma source(%arg31 : memref<80xf32, #tpu.memory_space<vmem>>) target(%dma_start3A_407 : memref<10000xf32, #tpu.memory_space<vmem_shared>>) offsets(%dma_start3A_405 : memref<80xi32, #tpu.memory_space<vmem>>) semaphore(%arg34 : memref<!tpu.dma_semaphore, #tpu.memory_space<semaphore_mem>>) {add = true}
        %add3A_408 = arith.constant 8 : i32
        %add3A_409 = arith.addi %add3A_332, %add3A_408 : i32
        %sub3A_410 = arith.constant 2 : i32
        %sub3A_411 = arith.subi %add3A_409, %sub3A_410 : i32
        %lt3A_412 = arith.constant 125 : i32
        %lt3A_413 = arith.cmpi slt, %sub3A_411, %lt3A_412 : i32
        %convert_element_type3A_414 = arith.extui %lt3A_413 : i1 to i32
        %cond3A_415 = arith.constant 0 : i32
        %cond3A_416 = arith.cmpi ne, %convert_element_type3A_414, %cond3A_415 : i32
        scf.if %cond3A_416 {
          %dma_start3A_417 = arith.constant 0 : i32
          %dma_start3A_418 = arith.constant 0 : i32
          %dma_start3A_419 = tpu.memref_slice %arg3[%add3A, %sub3A_411, %dma_start3A_417, %dma_start3A_418] : memref<32x125x2x80xi32, #tpu.memory_space<hbm>> -> memref<1x1x2x80xi32, #tpu.memory_space<hbm>>
          %dma_start3A_420 = tpu.memref_squeeze %dma_start3A_419 : memref<1x1x2x80xi32, #tpu.memory_space<hbm>> -> memref<2x80xi32, #tpu.memory_space<hbm>>
          %dma_start3A_421 = arith.constant 0 : i32
          %dma_start3A_422 = arith.constant 0 : i32
          %dma_start3A_423 = tpu.memref_slice %arg3[%add3A, %sub3A_411, %dma_start3A_421, %dma_start3A_422] : memref<32x125x2x80xi32, #tpu.memory_space<hbm>> -> memref<1x1x2x80xi32, #tpu.memory_space<hbm>>
          %dma_start3A_424 = tpu.memref_squeeze %dma_start3A_423 : memref<1x1x2x80xi32, #tpu.memory_space<hbm>> -> memref<2x80xi32, #tpu.memory_space<hbm>>
          tpu.enqueue_dma source(%dma_start3A_424 : memref<2x80xi32, #tpu.memory_space<hbm>>) target(%arg6 : memref<2x80xi32, #tpu.memory_space<vmem>>) target_semaphore(%arg19 : memref<!tpu.dma_semaphore, #tpu.memory_space<semaphore_mem>>)
        } else {
        }
      } else {
      }
      %mul3A_338 = arith.constant 8 : i32
      %mul3A_339 = arith.muli %scan3A_310, %mul3A_338 : i32
      %add3A_340 = arith.constant 3 : i32
      %add3A_341 = arith.addi %mul3A_339, %add3A_340 : i32
      %lt3A_342 = arith.constant 125 : i32
      %lt3A_343 = arith.cmpi slt, %add3A_341, %lt3A_342 : i32
      %convert_element_type3A_344 = arith.extui %lt3A_343 : i1 to i32
      %cond3A_345 = arith.constant 0 : i32
      %cond3A_346 = arith.cmpi ne, %convert_element_type3A_344, %cond3A_345 : i32
      scf.if %cond3A_346 {
        %add3A_383 = arith.constant 4 : i32
        %add3A_384 = arith.addi %add3A_341, %add3A_383 : i32
        %sub3A = arith.constant 1 : i32
        %sub3A_385 = arith.subi %add3A_384, %sub3A : i32
        %lt3A_386 = arith.constant 125 : i32
        %lt3A_387 = arith.cmpi slt, %sub3A_385, %lt3A_386 : i32
        %convert_element_type3A_388 = arith.extui %lt3A_387 : i1 to i32
        %cond3A_389 = arith.constant 0 : i32
        %cond3A_390 = arith.cmpi ne, %convert_element_type3A_388, %cond3A_389 : i32
        scf.if %cond3A_390 {
          %dma_wait3A_417 = arith.constant 0 : i32
          %dma_wait3A_418 = arith.constant 0 : i32
          %dma_wait3A_419 = tpu.memref_slice %arg3[%add3A, %sub3A_385, %dma_wait3A_417, %dma_wait3A_418] : memref<32x125x2x80xi32, #tpu.memory_space<hbm>> -> memref<1x1x2x80xi32, #tpu.memory_space<hbm>>
          %dma_wait3A_420 = tpu.memref_squeeze %dma_wait3A_419 : memref<1x1x2x80xi32, #tpu.memory_space<hbm>> -> memref<2x80xi32, #tpu.memory_space<hbm>>
          %dma_wait3A_421 = arith.constant 0 : i32
          %dma_wait3A_422 = arith.constant 0 : i32
          %dma_wait3A_423 = tpu.memref_slice %arg3[%add3A, %sub3A_385, %dma_wait3A_421, %dma_wait3A_422] : memref<32x125x2x80xi32, #tpu.memory_space<hbm>> -> memref<1x1x2x80xi32, #tpu.memory_space<hbm>>
          %dma_wait3A_424 = tpu.memref_squeeze %dma_wait3A_423 : memref<1x1x2x80xi32, #tpu.memory_space<hbm>> -> memref<2x80xi32, #tpu.memory_space<hbm>>
          tpu.wait_dma2 semaphore(%arg25 : memref<!tpu.dma_semaphore, #tpu.memory_space<semaphore_mem>>) src(%dma_wait3A_424 : memref<2x80xi32, #tpu.memory_space<hbm>>) dst(%arg12 : memref<2x80xi32, #tpu.memory_space<vmem>>)
          %dma_start3A_425 = arith.constant 0 : i32
          %dma_start3A_426 = arith.constant 0 : i32
          %dma_start3A_427 = tpu.memref_slice %arg12[%dma_start3A_425, %dma_start3A_426] : memref<2x80xi32, #tpu.memory_space<vmem>> -> memref<1x80xi32, #tpu.memory_space<vmem>>
          %dma_start3A_428 = tpu.memref_squeeze %dma_start3A_427 : memref<1x80xi32, #tpu.memory_space<vmem>> -> memref<80xi32, #tpu.memory_space<vmem>>
          %dma_start3A_429 = arith.constant 0 : i32
          %dma_start3A_430 = arith.constant 0 : i32
          %dma_start3A_431 = tpu.memref_slice %arg2[%dma_start3A_429, %dma_start3A_430] : memref<10000x128xf32, #tpu.memory_space<hbm>> -> memref<10000x128xf32, #tpu.memory_space<hbm>>
          tpu.enqueue_indirect_dma source(%dma_start3A_431 : memref<10000x128xf32, #tpu.memory_space<hbm>>) target(%arg16 : memref<80x128xf32, #tpu.memory_space<vmem>>) offsets(%dma_start3A_428 : memref<80xi32, #tpu.memory_space<vmem>>) semaphore(%arg29 : memref<!tpu.dma_semaphore, #tpu.memory_space<semaphore_mem>>)
        } else {
        }
        %dma_wait3A_391 = arith.constant 0 : i32
        %dma_wait3A_392 = arith.constant 0 : i32
        %dma_wait3A_393 = tpu.memref_slice %arg9[%dma_wait3A_391, %dma_wait3A_392] : memref<2x80xi32, #tpu.memory_space<vmem>> -> memref<1x80xi32, #tpu.memory_space<vmem>>
        %dma_wait3A_394 = tpu.memref_squeeze %dma_wait3A_393 : memref<1x80xi32, #tpu.memory_space<vmem>> -> memref<80xi32, #tpu.memory_space<vmem>>
        %dma_wait3A_395 = arith.constant 0 : i32
        %dma_wait3A_396 = arith.constant 0 : i32
        %dma_wait3A_397 = tpu.memref_slice %arg2[%dma_wait3A_395, %dma_wait3A_396] : memref<10000x128xf32, #tpu.memory_space<hbm>> -> memref<10000x128xf32, #tpu.memory_space<hbm>>
        tpu.wait_indirect_dma semaphore(%arg30 : memref<!tpu.dma_semaphore, #tpu.memory_space<semaphore_mem>>) src(%dma_wait3A_397 : memref<10000x128xf32, #tpu.memory_space<hbm>>) dst(%arg17 : memref<80x128xf32, #tpu.memory_space<vmem>>)
        %run_scoped3A = arith.constant 1 : i32
        "tpu.region"() ({
          %run_scoped3A_417 = tpu.sem_alloc : memref<!tpu.dma_semaphore, #tpu.memory_space<semaphore_mem>>
          %dma_start3A_418 = arith.constant 0 : i32
          %dma_start3A_419 = tpu.memref_slice %arg9[%run_scoped3A, %dma_start3A_418] : memref<2x80xi32, #tpu.memory_space<vmem>> -> memref<1x80xi32, #tpu.memory_space<vmem>>
          %dma_start3A_420 = tpu.memref_squeeze %dma_start3A_419 : memref<1x80xi32, #tpu.memory_space<vmem>> -> memref<80xi32, #tpu.memory_space<vmem>>
          %dma_start3A_421 = arith.constant 0 : i32
          %dma_start3A_422 = arith.constant 0 : i32
          %dma_start3A_423 = tpu.memref_slice %arg18[%dma_start3A_421, %dma_start3A_422] : memref<10000x128xf32, #tpu.memory_space<vmem_shared>> -> memref<10000x128xf32, #tpu.memory_space<vmem_shared>>
          tpu.enqueue_indirect_dma source(%arg17 : memref<80x128xf32, #tpu.memory_space<vmem>>) target(%dma_start3A_423 : memref<10000x128xf32, #tpu.memory_space<vmem_shared>>) offsets(%dma_start3A_420 : memref<80xi32, #tpu.memory_space<vmem>>) semaphore(%run_scoped3A_417 : memref<!tpu.dma_semaphore, #tpu.memory_space<semaphore_mem>>) {add = true}
          %dma_wait3A_424 = arith.constant 0 : i32
          %dma_wait3A_425 = tpu.memref_slice %arg9[%run_scoped3A, %dma_wait3A_424] : memref<2x80xi32, #tpu.memory_space<vmem>> -> memref<1x80xi32, #tpu.memory_space<vmem>>
          %dma_wait3A_426 = tpu.memref_squeeze %dma_wait3A_425 : memref<1x80xi32, #tpu.memory_space<vmem>> -> memref<80xi32, #tpu.memory_space<vmem>>
          %dma_wait3A_427 = arith.constant 0 : i32
          %dma_wait3A_428 = arith.constant 0 : i32
          %dma_wait3A_429 = tpu.memref_slice %arg18[%dma_wait3A_427, %dma_wait3A_428] : memref<10000x128xf32, #tpu.memory_space<vmem_shared>> -> memref<10000x128xf32, #tpu.memory_space<vmem_shared>>
          tpu.wait_indirect_dma semaphore(%run_scoped3A_417 : memref<!tpu.dma_semaphore, #tpu.memory_space<semaphore_mem>>) src(%arg17 : memref<80x128xf32, #tpu.memory_space<vmem>>) dst(%dma_wait3A_429 : memref<10000x128xf32, #tpu.memory_space<vmem_shared>>)
          tpu.yield
        }) : () -> ()
        %ge3A = arith.constant 1 : i32
        %ge3A_398 = arith.cmpi sge, %add3A_341, %ge3A : i32
        %convert_element_type3A_399 = arith.extui %ge3A_398 : i1 to i32
        %cond3A_400 = arith.constant 0 : i32
        %cond3A_401 = arith.cmpi ne, %convert_element_type3A_399, %cond3A_400 : i32
        scf.if %cond3A_401 {
          %dma_wait3A_417 = arith.constant 1 : i32
          %dma_wait3A_418 = arith.constant 0 : i32
          %dma_wait3A_419 = tpu.memref_slice %arg8[%dma_wait3A_417, %dma_wait3A_418] : memref<2x80xi32, #tpu.memory_space<vmem>> -> memref<1x80xi32, #tpu.memory_space<vmem>>
          %dma_wait3A_420 = tpu.memref_squeeze %dma_wait3A_419 : memref<1x80xi32, #tpu.memory_space<vmem>> -> memref<80xi32, #tpu.memory_space<vmem>>
          %dma_wait3A_421 = arith.constant 0 : i32
          %dma_wait3A_422 = tpu.memref_slice %arg33[%dma_wait3A_421] : memref<10000xf32, #tpu.memory_space<vmem_shared>> -> memref<10000xf32, #tpu.memory_space<vmem_shared>>
          tpu.wait_indirect_dma semaphore(%arg34 : memref<!tpu.dma_semaphore, #tpu.memory_space<semaphore_mem>>) src(%arg31 : memref<80xf32, #tpu.memory_space<vmem>>) dst(%dma_wait3A_422 : memref<10000xf32, #tpu.memory_space<vmem_shared>>)
        } else {
        }
        %dma_start3A_402 = arith.constant 1 : i32
        %dma_start3A_403 = arith.constant 0 : i32
        %dma_start3A_404 = tpu.memref_slice %arg9[%dma_start3A_402, %dma_start3A_403] : memref<2x80xi32, #tpu.memory_space<vmem>> -> memref<1x80xi32, #tpu.memory_space<vmem>>
        %dma_start3A_405 = tpu.memref_squeeze %dma_start3A_404 : memref<1x80xi32, #tpu.memory_space<vmem>> -> memref<80xi32, #tpu.memory_space<vmem>>
        %dma_start3A_406 = arith.constant 0 : i32
        %dma_start3A_407 = tpu.memref_slice %arg33[%dma_start3A_406] : memref<10000xf32, #tpu.memory_space<vmem_shared>> -> memref<10000xf32, #tpu.memory_space<vmem_shared>>
        tpu.enqueue_indirect_dma source(%arg31 : memref<80xf32, #tpu.memory_space<vmem>>) target(%dma_start3A_407 : memref<10000xf32, #tpu.memory_space<vmem_shared>>) offsets(%dma_start3A_405 : memref<80xi32, #tpu.memory_space<vmem>>) semaphore(%arg35 : memref<!tpu.dma_semaphore, #tpu.memory_space<semaphore_mem>>) {add = true}
        %add3A_408 = arith.constant 8 : i32
        %add3A_409 = arith.addi %add3A_341, %add3A_408 : i32
        %sub3A_410 = arith.constant 2 : i32
        %sub3A_411 = arith.subi %add3A_409, %sub3A_410 : i32
        %lt3A_412 = arith.constant 125 : i32
        %lt3A_413 = arith.cmpi slt, %sub3A_411, %lt3A_412 : i32
        %convert_element_type3A_414 = arith.extui %lt3A_413 : i1 to i32
        %cond3A_415 = arith.constant 0 : i32
        %cond3A_416 = arith.cmpi ne, %convert_element_type3A_414, %cond3A_415 : i32
        scf.if %cond3A_416 {
          %dma_start3A_417 = arith.constant 0 : i32
          %dma_start3A_418 = arith.constant 0 : i32
          %dma_start3A_419 = tpu.memref_slice %arg3[%add3A, %sub3A_411, %dma_start3A_417, %dma_start3A_418] : memref<32x125x2x80xi32, #tpu.memory_space<hbm>> -> memref<1x1x2x80xi32, #tpu.memory_space<hbm>>
          %dma_start3A_420 = tpu.memref_squeeze %dma_start3A_419 : memref<1x1x2x80xi32, #tpu.memory_space<hbm>> -> memref<2x80xi32, #tpu.memory_space<hbm>>
          %dma_start3A_421 = arith.constant 0 : i32
          %dma_start3A_422 = arith.constant 0 : i32
          %dma_start3A_423 = tpu.memref_slice %arg3[%add3A, %sub3A_411, %dma_start3A_421, %dma_start3A_422] : memref<32x125x2x80xi32, #tpu.memory_space<hbm>> -> memref<1x1x2x80xi32, #tpu.memory_space<hbm>>
          %dma_start3A_424 = tpu.memref_squeeze %dma_start3A_423 : memref<1x1x2x80xi32, #tpu.memory_space<hbm>> -> memref<2x80xi32, #tpu.memory_space<hbm>>
          tpu.enqueue_dma source(%dma_start3A_424 : memref<2x80xi32, #tpu.memory_space<hbm>>) target(%arg7 : memref<2x80xi32, #tpu.memory_space<vmem>>) target_semaphore(%arg20 : memref<!tpu.dma_semaphore, #tpu.memory_space<semaphore_mem>>)
        } else {
        }
      } else {
      }
      %mul3A_347 = arith.constant 8 : i32
      %mul3A_348 = arith.muli %scan3A_310, %mul3A_347 : i32
      %add3A_349 = arith.constant 4 : i32
      %add3A_350 = arith.addi %mul3A_348, %add3A_349 : i32
      %lt3A_351 = arith.constant 125 : i32
      %lt3A_352 = arith.cmpi slt, %add3A_350, %lt3A_351 : i32
      %convert_element_type3A_353 = arith.extui %lt3A_352 : i1 to i32
      %cond3A_354 = arith.constant 0 : i32
      %cond3A_355 = arith.cmpi ne, %convert_element_type3A_353, %cond3A_354 : i32
      scf.if %cond3A_355 {
        %add3A_383 = arith.constant 4 : i32
        %add3A_384 = arith.addi %add3A_350, %add3A_383 : i32
        %sub3A = arith.constant 1 : i32
        %sub3A_385 = arith.subi %add3A_384, %sub3A : i32
        %lt3A_386 = arith.constant 125 : i32
        %lt3A_387 = arith.cmpi slt, %sub3A_385, %lt3A_386 : i32
        %convert_element_type3A_388 = arith.extui %lt3A_387 : i1 to i32
        %cond3A_389 = arith.constant 0 : i32
        %cond3A_390 = arith.cmpi ne, %convert_element_type3A_388, %cond3A_389 : i32
        scf.if %cond3A_390 {
          %dma_wait3A_417 = arith.constant 0 : i32
          %dma_wait3A_418 = arith.constant 0 : i32
          %dma_wait3A_419 = tpu.memref_slice %arg3[%add3A, %sub3A_385, %dma_wait3A_417, %dma_wait3A_418] : memref<32x125x2x80xi32, #tpu.memory_space<hbm>> -> memref<1x1x2x80xi32, #tpu.memory_space<hbm>>
          %dma_wait3A_420 = tpu.memref_squeeze %dma_wait3A_419 : memref<1x1x2x80xi32, #tpu.memory_space<hbm>> -> memref<2x80xi32, #tpu.memory_space<hbm>>
          %dma_wait3A_421 = arith.constant 0 : i32
          %dma_wait3A_422 = arith.constant 0 : i32
          %dma_wait3A_423 = tpu.memref_slice %arg3[%add3A, %sub3A_385, %dma_wait3A_421, %dma_wait3A_422] : memref<32x125x2x80xi32, #tpu.memory_space<hbm>> -> memref<1x1x2x80xi32, #tpu.memory_space<hbm>>
          %dma_wait3A_424 = tpu.memref_squeeze %dma_wait3A_423 : memref<1x1x2x80xi32, #tpu.memory_space<hbm>> -> memref<2x80xi32, #tpu.memory_space<hbm>>
          tpu.wait_dma2 semaphore(%arg26 : memref<!tpu.dma_semaphore, #tpu.memory_space<semaphore_mem>>) src(%dma_wait3A_424 : memref<2x80xi32, #tpu.memory_space<hbm>>) dst(%arg13 : memref<2x80xi32, #tpu.memory_space<vmem>>)
          %dma_start3A_425 = arith.constant 0 : i32
          %dma_start3A_426 = arith.constant 0 : i32
          %dma_start3A_427 = tpu.memref_slice %arg13[%dma_start3A_425, %dma_start3A_426] : memref<2x80xi32, #tpu.memory_space<vmem>> -> memref<1x80xi32, #tpu.memory_space<vmem>>
          %dma_start3A_428 = tpu.memref_squeeze %dma_start3A_427 : memref<1x80xi32, #tpu.memory_space<vmem>> -> memref<80xi32, #tpu.memory_space<vmem>>
          %dma_start3A_429 = arith.constant 0 : i32
          %dma_start3A_430 = arith.constant 0 : i32
          %dma_start3A_431 = tpu.memref_slice %arg2[%dma_start3A_429, %dma_start3A_430] : memref<10000x128xf32, #tpu.memory_space<hbm>> -> memref<10000x128xf32, #tpu.memory_space<hbm>>
          tpu.enqueue_indirect_dma source(%dma_start3A_431 : memref<10000x128xf32, #tpu.memory_space<hbm>>) target(%arg17 : memref<80x128xf32, #tpu.memory_space<vmem>>) offsets(%dma_start3A_428 : memref<80xi32, #tpu.memory_space<vmem>>) semaphore(%arg30 : memref<!tpu.dma_semaphore, #tpu.memory_space<semaphore_mem>>)
        } else {
        }
        %dma_wait3A_391 = arith.constant 0 : i32
        %dma_wait3A_392 = arith.constant 0 : i32
        %dma_wait3A_393 = tpu.memref_slice %arg10[%dma_wait3A_391, %dma_wait3A_392] : memref<2x80xi32, #tpu.memory_space<vmem>> -> memref<1x80xi32, #tpu.memory_space<vmem>>
        %dma_wait3A_394 = tpu.memref_squeeze %dma_wait3A_393 : memref<1x80xi32, #tpu.memory_space<vmem>> -> memref<80xi32, #tpu.memory_space<vmem>>
        %dma_wait3A_395 = arith.constant 0 : i32
        %dma_wait3A_396 = arith.constant 0 : i32
        %dma_wait3A_397 = tpu.memref_slice %arg2[%dma_wait3A_395, %dma_wait3A_396] : memref<10000x128xf32, #tpu.memory_space<hbm>> -> memref<10000x128xf32, #tpu.memory_space<hbm>>
        tpu.wait_indirect_dma semaphore(%arg27 : memref<!tpu.dma_semaphore, #tpu.memory_space<semaphore_mem>>) src(%dma_wait3A_397 : memref<10000x128xf32, #tpu.memory_space<hbm>>) dst(%arg14 : memref<80x128xf32, #tpu.memory_space<vmem>>)
        %run_scoped3A = arith.constant 1 : i32
        "tpu.region"() ({
          %run_scoped3A_417 = tpu.sem_alloc : memref<!tpu.dma_semaphore, #tpu.memory_space<semaphore_mem>>
          %dma_start3A_418 = arith.constant 0 : i32
          %dma_start3A_419 = tpu.memref_slice %arg10[%run_scoped3A, %dma_start3A_418] : memref<2x80xi32, #tpu.memory_space<vmem>> -> memref<1x80xi32, #tpu.memory_space<vmem>>
          %dma_start3A_420 = tpu.memref_squeeze %dma_start3A_419 : memref<1x80xi32, #tpu.memory_space<vmem>> -> memref<80xi32, #tpu.memory_space<vmem>>
          %dma_start3A_421 = arith.constant 0 : i32
          %dma_start3A_422 = arith.constant 0 : i32
          %dma_start3A_423 = tpu.memref_slice %arg18[%dma_start3A_421, %dma_start3A_422] : memref<10000x128xf32, #tpu.memory_space<vmem_shared>> -> memref<10000x128xf32, #tpu.memory_space<vmem_shared>>
          tpu.enqueue_indirect_dma source(%arg14 : memref<80x128xf32, #tpu.memory_space<vmem>>) target(%dma_start3A_423 : memref<10000x128xf32, #tpu.memory_space<vmem_shared>>) offsets(%dma_start3A_420 : memref<80xi32, #tpu.memory_space<vmem>>) semaphore(%run_scoped3A_417 : memref<!tpu.dma_semaphore, #tpu.memory_space<semaphore_mem>>) {add = true}
          %dma_wait3A_424 = arith.constant 0 : i32
          %dma_wait3A_425 = tpu.memref_slice %arg10[%run_scoped3A, %dma_wait3A_424] : memref<2x80xi32, #tpu.memory_space<vmem>> -> memref<1x80xi32, #tpu.memory_space<vmem>>
          %dma_wait3A_426 = tpu.memref_squeeze %dma_wait3A_425 : memref<1x80xi32, #tpu.memory_space<vmem>> -> memref<80xi32, #tpu.memory_space<vmem>>
          %dma_wait3A_427 = arith.constant 0 : i32
          %dma_wait3A_428 = arith.constant 0 : i32
          %dma_wait3A_429 = tpu.memref_slice %arg18[%dma_wait3A_427, %dma_wait3A_428] : memref<10000x128xf32, #tpu.memory_space<vmem_shared>> -> memref<10000x128xf32, #tpu.memory_space<vmem_shared>>
          tpu.wait_indirect_dma semaphore(%run_scoped3A_417 : memref<!tpu.dma_semaphore, #tpu.memory_space<semaphore_mem>>) src(%arg14 : memref<80x128xf32, #tpu.memory_space<vmem>>) dst(%dma_wait3A_429 : memref<10000x128xf32, #tpu.memory_space<vmem_shared>>)
          tpu.yield
        }) : () -> ()
        %ge3A = arith.constant 1 : i32
        %ge3A_398 = arith.cmpi sge, %add3A_350, %ge3A : i32
        %convert_element_type3A_399 = arith.extui %ge3A_398 : i1 to i32
        %cond3A_400 = arith.constant 0 : i32
        %cond3A_401 = arith.cmpi ne, %convert_element_type3A_399, %cond3A_400 : i32
        scf.if %cond3A_401 {
          %dma_wait3A_417 = arith.constant 1 : i32
          %dma_wait3A_418 = arith.constant 0 : i32
          %dma_wait3A_419 = tpu.memref_slice %arg9[%dma_wait3A_417, %dma_wait3A_418] : memref<2x80xi32, #tpu.memory_space<vmem>> -> memref<1x80xi32, #tpu.memory_space<vmem>>
          %dma_wait3A_420 = tpu.memref_squeeze %dma_wait3A_419 : memref<1x80xi32, #tpu.memory_space<vmem>> -> memref<80xi32, #tpu.memory_space<vmem>>
          %dma_wait3A_421 = arith.constant 0 : i32
          %dma_wait3A_422 = tpu.memref_slice %arg33[%dma_wait3A_421] : memref<10000xf32, #tpu.memory_space<vmem_shared>> -> memref<10000xf32, #tpu.memory_space<vmem_shared>>
          tpu.wait_indirect_dma semaphore(%arg35 : memref<!tpu.dma_semaphore, #tpu.memory_space<semaphore_mem>>) src(%arg31 : memref<80xf32, #tpu.memory_space<vmem>>) dst(%dma_wait3A_422 : memref<10000xf32, #tpu.memory_space<vmem_shared>>)
        } else {
        }
        %dma_start3A_402 = arith.constant 1 : i32
        %dma_start3A_403 = arith.constant 0 : i32
        %dma_start3A_404 = tpu.memref_slice %arg10[%dma_start3A_402, %dma_start3A_403] : memref<2x80xi32, #tpu.memory_space<vmem>> -> memref<1x80xi32, #tpu.memory_space<vmem>>
        %dma_start3A_405 = tpu.memref_squeeze %dma_start3A_404 : memref<1x80xi32, #tpu.memory_space<vmem>> -> memref<80xi32, #tpu.memory_space<vmem>>
        %dma_start3A_406 = arith.constant 0 : i32
        %dma_start3A_407 = tpu.memref_slice %arg33[%dma_start3A_406] : memref<10000xf32, #tpu.memory_space<vmem_shared>> -> memref<10000xf32, #tpu.memory_space<vmem_shared>>
        tpu.enqueue_indirect_dma source(%arg31 : memref<80xf32, #tpu.memory_space<vmem>>) target(%dma_start3A_407 : memref<10000xf32, #tpu.memory_space<vmem_shared>>) offsets(%dma_start3A_405 : memref<80xi32, #tpu.memory_space<vmem>>) semaphore(%arg34 : memref<!tpu.dma_semaphore, #tpu.memory_space<semaphore_mem>>) {add = true}
        %add3A_408 = arith.constant 8 : i32
        %add3A_409 = arith.addi %add3A_350, %add3A_408 : i32
        %sub3A_410 = arith.constant 2 : i32
        %sub3A_411 = arith.subi %add3A_409, %sub3A_410 : i32
        %lt3A_412 = arith.constant 125 : i32
        %lt3A_413 = arith.cmpi slt, %sub3A_411, %lt3A_412 : i32
        %convert_element_type3A_414 = arith.extui %lt3A_413 : i1 to i32
        %cond3A_415 = arith.constant 0 : i32
        %cond3A_416 = arith.cmpi ne, %convert_element_type3A_414, %cond3A_415 : i32
        scf.if %cond3A_416 {
          %dma_start3A_417 = arith.constant 0 : i32
          %dma_start3A_418 = arith.constant 0 : i32
          %dma_start3A_419 = tpu.memref_slice %arg3[%add3A, %sub3A_411, %dma_start3A_417, %dma_start3A_418] : memref<32x125x2x80xi32, #tpu.memory_space<hbm>> -> memref<1x1x2x80xi32, #tpu.memory_space<hbm>>
          %dma_start3A_420 = tpu.memref_squeeze %dma_start3A_419 : memref<1x1x2x80xi32, #tpu.memory_space<hbm>> -> memref<2x80xi32, #tpu.memory_space<hbm>>
          %dma_start3A_421 = arith.constant 0 : i32
          %dma_start3A_422 = arith.constant 0 : i32
          %dma_start3A_423 = tpu.memref_slice %arg3[%add3A, %sub3A_411, %dma_start3A_421, %dma_start3A_422] : memref<32x125x2x80xi32, #tpu.memory_space<hbm>> -> memref<1x1x2x80xi32, #tpu.memory_space<hbm>>
          %dma_start3A_424 = tpu.memref_squeeze %dma_start3A_423 : memref<1x1x2x80xi32, #tpu.memory_space<hbm>> -> memref<2x80xi32, #tpu.memory_space<hbm>>
          tpu.enqueue_dma source(%dma_start3A_424 : memref<2x80xi32, #tpu.memory_space<hbm>>) target(%arg8 : memref<2x80xi32, #tpu.memory_space<vmem>>) target_semaphore(%arg21 : memref<!tpu.dma_semaphore, #tpu.memory_space<semaphore_mem>>)
        } else {
        }
      } else {
      }
      %mul3A_356 = arith.constant 8 : i32
      %mul3A_357 = arith.muli %scan3A_310, %mul3A_356 : i32
      %add3A_358 = arith.constant 5 : i32
      %add3A_359 = arith.addi %mul3A_357, %add3A_358 : i32
      %lt3A_360 = arith.constant 125 : i32
      %lt3A_361 = arith.cmpi slt, %add3A_359, %lt3A_360 : i32
      %convert_element_type3A_362 = arith.extui %lt3A_361 : i1 to i32
      %cond3A_363 = arith.constant 0 : i32
      %cond3A_364 = arith.cmpi ne, %convert_element_type3A_362, %cond3A_363 : i32
      scf.if %cond3A_364 {
        %add3A_383 = arith.constant 4 : i32
        %add3A_384 = arith.addi %add3A_359, %add3A_383 : i32
        %sub3A = arith.constant 1 : i32
        %sub3A_385 = arith.subi %add3A_384, %sub3A : i32
        %lt3A_386 = arith.constant 125 : i32
        %lt3A_387 = arith.cmpi slt, %sub3A_385, %lt3A_386 : i32
        %convert_element_type3A_388 = arith.extui %lt3A_387 : i1 to i32
        %cond3A_389 = arith.constant 0 : i32
        %cond3A_390 = arith.cmpi ne, %convert_element_type3A_388, %cond3A_389 : i32
        scf.if %cond3A_390 {
          %dma_wait3A_417 = arith.constant 0 : i32
          %dma_wait3A_418 = arith.constant 0 : i32
          %dma_wait3A_419 = tpu.memref_slice %arg3[%add3A, %sub3A_385, %dma_wait3A_417, %dma_wait3A_418] : memref<32x125x2x80xi32, #tpu.memory_space<hbm>> -> memref<1x1x2x80xi32, #tpu.memory_space<hbm>>
          %dma_wait3A_420 = tpu.memref_squeeze %dma_wait3A_419 : memref<1x1x2x80xi32, #tpu.memory_space<hbm>> -> memref<2x80xi32, #tpu.memory_space<hbm>>
          %dma_wait3A_421 = arith.constant 0 : i32
          %dma_wait3A_422 = arith.constant 0 : i32
          %dma_wait3A_423 = tpu.memref_slice %arg3[%add3A, %sub3A_385, %dma_wait3A_421, %dma_wait3A_422] : memref<32x125x2x80xi32, #tpu.memory_space<hbm>> -> memref<1x1x2x80xi32, #tpu.memory_space<hbm>>
          %dma_wait3A_424 = tpu.memref_squeeze %dma_wait3A_423 : memref<1x1x2x80xi32, #tpu.memory_space<hbm>> -> memref<2x80xi32, #tpu.memory_space<hbm>>
          tpu.wait_dma2 semaphore(%arg19 : memref<!tpu.dma_semaphore, #tpu.memory_space<semaphore_mem>>) src(%dma_wait3A_424 : memref<2x80xi32, #tpu.memory_space<hbm>>) dst(%arg6 : memref<2x80xi32, #tpu.memory_space<vmem>>)
          %dma_start3A_425 = arith.constant 0 : i32
          %dma_start3A_426 = arith.constant 0 : i32
          %dma_start3A_427 = tpu.memref_slice %arg6[%dma_start3A_425, %dma_start3A_426] : memref<2x80xi32, #tpu.memory_space<vmem>> -> memref<1x80xi32, #tpu.memory_space<vmem>>
          %dma_start3A_428 = tpu.memref_squeeze %dma_start3A_427 : memref<1x80xi32, #tpu.memory_space<vmem>> -> memref<80xi32, #tpu.memory_space<vmem>>
          %dma_start3A_429 = arith.constant 0 : i32
          %dma_start3A_430 = arith.constant 0 : i32
          %dma_start3A_431 = tpu.memref_slice %arg2[%dma_start3A_429, %dma_start3A_430] : memref<10000x128xf32, #tpu.memory_space<hbm>> -> memref<10000x128xf32, #tpu.memory_space<hbm>>
          tpu.enqueue_indirect_dma source(%dma_start3A_431 : memref<10000x128xf32, #tpu.memory_space<hbm>>) target(%arg14 : memref<80x128xf32, #tpu.memory_space<vmem>>) offsets(%dma_start3A_428 : memref<80xi32, #tpu.memory_space<vmem>>) semaphore(%arg27 : memref<!tpu.dma_semaphore, #tpu.memory_space<semaphore_mem>>)
        } else {
        }
        %dma_wait3A_391 = arith.constant 0 : i32
        %dma_wait3A_392 = arith.constant 0 : i32
        %dma_wait3A_393 = tpu.memref_slice %arg11[%dma_wait3A_391, %dma_wait3A_392] : memref<2x80xi32, #tpu.memory_space<vmem>> -> memref<1x80xi32, #tpu.memory_space<vmem>>
        %dma_wait3A_394 = tpu.memref_squeeze %dma_wait3A_393 : memref<1x80xi32, #tpu.memory_space<vmem>> -> memref<80xi32, #tpu.memory_space<vmem>>
        %dma_wait3A_395 = arith.constant 0 : i32
        %dma_wait3A_396 = arith.constant 0 : i32
        %dma_wait3A_397 = tpu.memref_slice %arg2[%dma_wait3A_395, %dma_wait3A_396] : memref<10000x128xf32, #tpu.memory_space<hbm>> -> memref<10000x128xf32, #tpu.memory_space<hbm>>
        tpu.wait_indirect_dma semaphore(%arg28 : memref<!tpu.dma_semaphore, #tpu.memory_space<semaphore_mem>>) src(%dma_wait3A_397 : memref<10000x128xf32, #tpu.memory_space<hbm>>) dst(%arg15 : memref<80x128xf32, #tpu.memory_space<vmem>>)
        %run_scoped3A = arith.constant 1 : i32
        "tpu.region"() ({
          %run_scoped3A_417 = tpu.sem_alloc : memref<!tpu.dma_semaphore, #tpu.memory_space<semaphore_mem>>
          %dma_start3A_418 = arith.constant 0 : i32
          %dma_start3A_419 = tpu.memref_slice %arg11[%run_scoped3A, %dma_start3A_418] : memref<2x80xi32, #tpu.memory_space<vmem>> -> memref<1x80xi32, #tpu.memory_space<vmem>>
          %dma_start3A_420 = tpu.memref_squeeze %dma_start3A_419 : memref<1x80xi32, #tpu.memory_space<vmem>> -> memref<80xi32, #tpu.memory_space<vmem>>
          %dma_start3A_421 = arith.constant 0 : i32
          %dma_start3A_422 = arith.constant 0 : i32
          %dma_start3A_423 = tpu.memref_slice %arg18[%dma_start3A_421, %dma_start3A_422] : memref<10000x128xf32, #tpu.memory_space<vmem_shared>> -> memref<10000x128xf32, #tpu.memory_space<vmem_shared>>
          tpu.enqueue_indirect_dma source(%arg15 : memref<80x128xf32, #tpu.memory_space<vmem>>) target(%dma_start3A_423 : memref<10000x128xf32, #tpu.memory_space<vmem_shared>>) offsets(%dma_start3A_420 : memref<80xi32, #tpu.memory_space<vmem>>) semaphore(%run_scoped3A_417 : memref<!tpu.dma_semaphore, #tpu.memory_space<semaphore_mem>>) {add = true}
          %dma_wait3A_424 = arith.constant 0 : i32
          %dma_wait3A_425 = tpu.memref_slice %arg11[%run_scoped3A, %dma_wait3A_424] : memref<2x80xi32, #tpu.memory_space<vmem>> -> memref<1x80xi32, #tpu.memory_space<vmem>>
          %dma_wait3A_426 = tpu.memref_squeeze %dma_wait3A_425 : memref<1x80xi32, #tpu.memory_space<vmem>> -> memref<80xi32, #tpu.memory_space<vmem>>
          %dma_wait3A_427 = arith.constant 0 : i32
          %dma_wait3A_428 = arith.constant 0 : i32
          %dma_wait3A_429 = tpu.memref_slice %arg18[%dma_wait3A_427, %dma_wait3A_428] : memref<10000x128xf32, #tpu.memory_space<vmem_shared>> -> memref<10000x128xf32, #tpu.memory_space<vmem_shared>>
          tpu.wait_indirect_dma semaphore(%run_scoped3A_417 : memref<!tpu.dma_semaphore, #tpu.memory_space<semaphore_mem>>) src(%arg15 : memref<80x128xf32, #tpu.memory_space<vmem>>) dst(%dma_wait3A_429 : memref<10000x128xf32, #tpu.memory_space<vmem_shared>>)
          tpu.yield
        }) : () -> ()
        %ge3A = arith.constant 1 : i32
        %ge3A_398 = arith.cmpi sge, %add3A_359, %ge3A : i32
        %convert_element_type3A_399 = arith.extui %ge3A_398 : i1 to i32
        %cond3A_400 = arith.constant 0 : i32
        %cond3A_401 = arith.cmpi ne, %convert_element_type3A_399, %cond3A_400 : i32
        scf.if %cond3A_401 {
          %dma_wait3A_417 = arith.constant 1 : i32
          %dma_wait3A_418 = arith.constant 0 : i32
          %dma_wait3A_419 = tpu.memref_slice %arg10[%dma_wait3A_417, %dma_wait3A_418] : memref<2x80xi32, #tpu.memory_space<vmem>> -> memref<1x80xi32, #tpu.memory_space<vmem>>
          %dma_wait3A_420 = tpu.memref_squeeze %dma_wait3A_419 : memref<1x80xi32, #tpu.memory_space<vmem>> -> memref<80xi32, #tpu.memory_space<vmem>>
          %dma_wait3A_421 = arith.constant 0 : i32
          %dma_wait3A_422 = tpu.memref_slice %arg33[%dma_wait3A_421] : memref<10000xf32, #tpu.memory_space<vmem_shared>> -> memref<10000xf32, #tpu.memory_space<vmem_shared>>
          tpu.wait_indirect_dma semaphore(%arg34 : memref<!tpu.dma_semaphore, #tpu.memory_space<semaphore_mem>>) src(%arg31 : memref<80xf32, #tpu.memory_space<vmem>>) dst(%dma_wait3A_422 : memref<10000xf32, #tpu.memory_space<vmem_shared>>)
        } else {
        }
        %dma_start3A_402 = arith.constant 1 : i32
        %dma_start3A_403 = arith.constant 0 : i32
        %dma_start3A_404 = tpu.memref_slice %arg11[%dma_start3A_402, %dma_start3A_403] : memref<2x80xi32, #tpu.memory_space<vmem>> -> memref<1x80xi32, #tpu.memory_space<vmem>>
        %dma_start3A_405 = tpu.memref_squeeze %dma_start3A_404 : memref<1x80xi32, #tpu.memory_space<vmem>> -> memref<80xi32, #tpu.memory_space<vmem>>
        %dma_start3A_406 = arith.constant 0 : i32
        %dma_start3A_407 = tpu.memref_slice %arg33[%dma_start3A_406] : memref<10000xf32, #tpu.memory_space<vmem_shared>> -> memref<10000xf32, #tpu.memory_space<vmem_shared>>
        tpu.enqueue_indirect_dma source(%arg31 : memref<80xf32, #tpu.memory_space<vmem>>) target(%dma_start3A_407 : memref<10000xf32, #tpu.memory_space<vmem_shared>>) offsets(%dma_start3A_405 : memref<80xi32, #tpu.memory_space<vmem>>) semaphore(%arg35 : memref<!tpu.dma_semaphore, #tpu.memory_space<semaphore_mem>>) {add = true}
        %add3A_408 = arith.constant 8 : i32
        %add3A_409 = arith.addi %add3A_359, %add3A_408 : i32
        %sub3A_410 = arith.constant 2 : i32
        %sub3A_411 = arith.subi %add3A_409, %sub3A_410 : i32
        %lt3A_412 = arith.constant 125 : i32
        %lt3A_413 = arith.cmpi slt, %sub3A_411, %lt3A_412 : i32
        %convert_element_type3A_414 = arith.extui %lt3A_413 : i1 to i32
        %cond3A_415 = arith.constant 0 : i32
        %cond3A_416 = arith.cmpi ne, %convert_element_type3A_414, %cond3A_415 : i32
        scf.if %cond3A_416 {
          %dma_start3A_417 = arith.constant 0 : i32
          %dma_start3A_418 = arith.constant 0 : i32
          %dma_start3A_419 = tpu.memref_slice %arg3[%add3A, %sub3A_411, %dma_start3A_417, %dma_start3A_418] : memref<32x125x2x80xi32, #tpu.memory_space<hbm>> -> memref<1x1x2x80xi32, #tpu.memory_space<hbm>>
          %dma_start3A_420 = tpu.memref_squeeze %dma_start3A_419 : memref<1x1x2x80xi32, #tpu.memory_space<hbm>> -> memref<2x80xi32, #tpu.memory_space<hbm>>
          %dma_start3A_421 = arith.constant 0 : i32
          %dma_start3A_422 = arith.constant 0 : i32
          %dma_start3A_423 = tpu.memref_slice %arg3[%add3A, %sub3A_411, %dma_start3A_421, %dma_start3A_422] : memref<32x125x2x80xi32, #tpu.memory_space<hbm>> -> memref<1x1x2x80xi32, #tpu.memory_space<hbm>>
          %dma_start3A_424 = tpu.memref_squeeze %dma_start3A_423 : memref<1x1x2x80xi32, #tpu.memory_space<hbm>> -> memref<2x80xi32, #tpu.memory_space<hbm>>
          tpu.enqueue_dma source(%dma_start3A_424 : memref<2x80xi32, #tpu.memory_space<hbm>>) target(%arg9 : memref<2x80xi32, #tpu.memory_space<vmem>>) target_semaphore(%arg22 : memref<!tpu.dma_semaphore, #tpu.memory_space<semaphore_mem>>)
        } else {
        }
      } else {
      }
      %mul3A_365 = arith.constant 8 : i32
      %mul3A_366 = arith.muli %scan3A_310, %mul3A_365 : i32
      %add3A_367 = arith.constant 6 : i32
      %add3A_368 = arith.addi %mul3A_366, %add3A_367 : i32
      %lt3A_369 = arith.constant 125 : i32
      %lt3A_370 = arith.cmpi slt, %add3A_368, %lt3A_369 : i32
      %convert_element_type3A_371 = arith.extui %lt3A_370 : i1 to i32
      %cond3A_372 = arith.constant 0 : i32
      %cond3A_373 = arith.cmpi ne, %convert_element_type3A_371, %cond3A_372 : i32
      scf.if %cond3A_373 {
        %add3A_383 = arith.constant 4 : i32
        %add3A_384 = arith.addi %add3A_368, %add3A_383 : i32
        %sub3A = arith.constant 1 : i32
        %sub3A_385 = arith.subi %add3A_384, %sub3A : i32
        %lt3A_386 = arith.constant 125 : i32
        %lt3A_387 = arith.cmpi slt, %sub3A_385, %lt3A_386 : i32
        %convert_element_type3A_388 = arith.extui %lt3A_387 : i1 to i32
        %cond3A_389 = arith.constant 0 : i32
        %cond3A_390 = arith.cmpi ne, %convert_element_type3A_388, %cond3A_389 : i32
        scf.if %cond3A_390 {
          %dma_wait3A_417 = arith.constant 0 : i32
          %dma_wait3A_418 = arith.constant 0 : i32
          %dma_wait3A_419 = tpu.memref_slice %arg3[%add3A, %sub3A_385, %dma_wait3A_417, %dma_wait3A_418] : memref<32x125x2x80xi32, #tpu.memory_space<hbm>> -> memref<1x1x2x80xi32, #tpu.memory_space<hbm>>
          %dma_wait3A_420 = tpu.memref_squeeze %dma_wait3A_419 : memref<1x1x2x80xi32, #tpu.memory_space<hbm>> -> memref<2x80xi32, #tpu.memory_space<hbm>>
          %dma_wait3A_421 = arith.constant 0 : i32
          %dma_wait3A_422 = arith.constant 0 : i32
          %dma_wait3A_423 = tpu.memref_slice %arg3[%add3A, %sub3A_385, %dma_wait3A_421, %dma_wait3A_422] : memref<32x125x2x80xi32, #tpu.memory_space<hbm>> -> memref<1x1x2x80xi32, #tpu.memory_space<hbm>>
          %dma_wait3A_424 = tpu.memref_squeeze %dma_wait3A_423 : memref<1x1x2x80xi32, #tpu.memory_space<hbm>> -> memref<2x80xi32, #tpu.memory_space<hbm>>
          tpu.wait_dma2 semaphore(%arg20 : memref<!tpu.dma_semaphore, #tpu.memory_space<semaphore_mem>>) src(%dma_wait3A_424 : memref<2x80xi32, #tpu.memory_space<hbm>>) dst(%arg7 : memref<2x80xi32, #tpu.memory_space<vmem>>)
          %dma_start3A_425 = arith.constant 0 : i32
          %dma_start3A_426 = arith.constant 0 : i32
          %dma_start3A_427 = tpu.memref_slice %arg7[%dma_start3A_425, %dma_start3A_426] : memref<2x80xi32, #tpu.memory_space<vmem>> -> memref<1x80xi32, #tpu.memory_space<vmem>>
          %dma_start3A_428 = tpu.memref_squeeze %dma_start3A_427 : memref<1x80xi32, #tpu.memory_space<vmem>> -> memref<80xi32, #tpu.memory_space<vmem>>
          %dma_start3A_429 = arith.constant 0 : i32
          %dma_start3A_430 = arith.constant 0 : i32
          %dma_start3A_431 = tpu.memref_slice %arg2[%dma_start3A_429, %dma_start3A_430] : memref<10000x128xf32, #tpu.memory_space<hbm>> -> memref<10000x128xf32, #tpu.memory_space<hbm>>
          tpu.enqueue_indirect_dma source(%dma_start3A_431 : memref<10000x128xf32, #tpu.memory_space<hbm>>) target(%arg15 : memref<80x128xf32, #tpu.memory_space<vmem>>) offsets(%dma_start3A_428 : memref<80xi32, #tpu.memory_space<vmem>>) semaphore(%arg28 : memref<!tpu.dma_semaphore, #tpu.memory_space<semaphore_mem>>)
        } else {
        }
        %dma_wait3A_391 = arith.constant 0 : i32
        %dma_wait3A_392 = arith.constant 0 : i32
        %dma_wait3A_393 = tpu.memref_slice %arg12[%dma_wait3A_391, %dma_wait3A_392] : memref<2x80xi32, #tpu.memory_space<vmem>> -> memref<1x80xi32, #tpu.memory_space<vmem>>
        %dma_wait3A_394 = tpu.memref_squeeze %dma_wait3A_393 : memref<1x80xi32, #tpu.memory_space<vmem>> -> memref<80xi32, #tpu.memory_space<vmem>>
        %dma_wait3A_395 = arith.constant 0 : i32
        %dma_wait3A_396 = arith.constant 0 : i32
        %dma_wait3A_397 = tpu.memref_slice %arg2[%dma_wait3A_395, %dma_wait3A_396] : memref<10000x128xf32, #tpu.memory_space<hbm>> -> memref<10000x128xf32, #tpu.memory_space<hbm>>
        tpu.wait_indirect_dma semaphore(%arg29 : memref<!tpu.dma_semaphore, #tpu.memory_space<semaphore_mem>>) src(%dma_wait3A_397 : memref<10000x128xf32, #tpu.memory_space<hbm>>) dst(%arg16 : memref<80x128xf32, #tpu.memory_space<vmem>>)
        %run_scoped3A = arith.constant 1 : i32
        "tpu.region"() ({
          %run_scoped3A_417 = tpu.sem_alloc : memref<!tpu.dma_semaphore, #tpu.memory_space<semaphore_mem>>
          %dma_start3A_418 = arith.constant 0 : i32
          %dma_start3A_419 = tpu.memref_slice %arg12[%run_scoped3A, %dma_start3A_418] : memref<2x80xi32, #tpu.memory_space<vmem>> -> memref<1x80xi32, #tpu.memory_space<vmem>>
          %dma_start3A_420 = tpu.memref_squeeze %dma_start3A_419 : memref<1x80xi32, #tpu.memory_space<vmem>> -> memref<80xi32, #tpu.memory_space<vmem>>
          %dma_start3A_421 = arith.constant 0 : i32
          %dma_start3A_422 = arith.constant 0 : i32
          %dma_start3A_423 = tpu.memref_slice %arg18[%dma_start3A_421, %dma_start3A_422] : memref<10000x128xf32, #tpu.memory_space<vmem_shared>> -> memref<10000x128xf32, #tpu.memory_space<vmem_shared>>
          tpu.enqueue_indirect_dma source(%arg16 : memref<80x128xf32, #tpu.memory_space<vmem>>) target(%dma_start3A_423 : memref<10000x128xf32, #tpu.memory_space<vmem_shared>>) offsets(%dma_start3A_420 : memref<80xi32, #tpu.memory_space<vmem>>) semaphore(%run_scoped3A_417 : memref<!tpu.dma_semaphore, #tpu.memory_space<semaphore_mem>>) {add = true}
          %dma_wait3A_424 = arith.constant 0 : i32
          %dma_wait3A_425 = tpu.memref_slice %arg12[%run_scoped3A, %dma_wait3A_424] : memref<2x80xi32, #tpu.memory_space<vmem>> -> memref<1x80xi32, #tpu.memory_space<vmem>>
          %dma_wait3A_426 = tpu.memref_squeeze %dma_wait3A_425 : memref<1x80xi32, #tpu.memory_space<vmem>> -> memref<80xi32, #tpu.memory_space<vmem>>
          %dma_wait3A_427 = arith.constant 0 : i32
          %dma_wait3A_428 = arith.constant 0 : i32
          %dma_wait3A_429 = tpu.memref_slice %arg18[%dma_wait3A_427, %dma_wait3A_428] : memref<10000x128xf32, #tpu.memory_space<vmem_shared>> -> memref<10000x128xf32, #tpu.memory_space<vmem_shared>>
          tpu.wait_indirect_dma semaphore(%run_scoped3A_417 : memref<!tpu.dma_semaphore, #tpu.memory_space<semaphore_mem>>) src(%arg16 : memref<80x128xf32, #tpu.memory_space<vmem>>) dst(%dma_wait3A_429 : memref<10000x128xf32, #tpu.memory_space<vmem_shared>>)
          tpu.yield
        }) : () -> ()
        %ge3A = arith.constant 1 : i32
        %ge3A_398 = arith.cmpi sge, %add3A_368, %ge3A : i32
        %convert_element_type3A_399 = arith.extui %ge3A_398 : i1 to i32
        %cond3A_400 = arith.constant 0 : i32
        %cond3A_401 = arith.cmpi ne, %convert_element_type3A_399, %cond3A_400 : i32
        scf.if %cond3A_401 {
          %dma_wait3A_417 = arith.constant 1 : i32
          %dma_wait3A_418 = arith.constant 0 : i32
          %dma_wait3A_419 = tpu.memref_slice %arg11[%dma_wait3A_417, %dma_wait3A_418] : memref<2x80xi32, #tpu.memory_space<vmem>> -> memref<1x80xi32, #tpu.memory_space<vmem>>
          %dma_wait3A_420 = tpu.memref_squeeze %dma_wait3A_419 : memref<1x80xi32, #tpu.memory_space<vmem>> -> memref<80xi32, #tpu.memory_space<vmem>>
          %dma_wait3A_421 = arith.constant 0 : i32
          %dma_wait3A_422 = tpu.memref_slice %arg33[%dma_wait3A_421] : memref<10000xf32, #tpu.memory_space<vmem_shared>> -> memref<10000xf32, #tpu.memory_space<vmem_shared>>
          tpu.wait_indirect_dma semaphore(%arg35 : memref<!tpu.dma_semaphore, #tpu.memory_space<semaphore_mem>>) src(%arg31 : memref<80xf32, #tpu.memory_space<vmem>>) dst(%dma_wait3A_422 : memref<10000xf32, #tpu.memory_space<vmem_shared>>)
        } else {
        }
        %dma_start3A_402 = arith.constant 1 : i32
        %dma_start3A_403 = arith.constant 0 : i32
        %dma_start3A_404 = tpu.memref_slice %arg12[%dma_start3A_402, %dma_start3A_403] : memref<2x80xi32, #tpu.memory_space<vmem>> -> memref<1x80xi32, #tpu.memory_space<vmem>>
        %dma_start3A_405 = tpu.memref_squeeze %dma_start3A_404 : memref<1x80xi32, #tpu.memory_space<vmem>> -> memref<80xi32, #tpu.memory_space<vmem>>
        %dma_start3A_406 = arith.constant 0 : i32
        %dma_start3A_407 = tpu.memref_slice %arg33[%dma_start3A_406] : memref<10000xf32, #tpu.memory_space<vmem_shared>> -> memref<10000xf32, #tpu.memory_space<vmem_shared>>
        tpu.enqueue_indirect_dma source(%arg31 : memref<80xf32, #tpu.memory_space<vmem>>) target(%dma_start3A_407 : memref<10000xf32, #tpu.memory_space<vmem_shared>>) offsets(%dma_start3A_405 : memref<80xi32, #tpu.memory_space<vmem>>) semaphore(%arg34 : memref<!tpu.dma_semaphore, #tpu.memory_space<semaphore_mem>>) {add = true}
        %add3A_408 = arith.constant 8 : i32
        %add3A_409 = arith.addi %add3A_368, %add3A_408 : i32
        %sub3A_410 = arith.constant 2 : i32
        %sub3A_411 = arith.subi %add3A_409, %sub3A_410 : i32
        %lt3A_412 = arith.constant 125 : i32
        %lt3A_413 = arith.cmpi slt, %sub3A_411, %lt3A_412 : i32
        %convert_element_type3A_414 = arith.extui %lt3A_413 : i1 to i32
        %cond3A_415 = arith.constant 0 : i32
        %cond3A_416 = arith.cmpi ne, %convert_element_type3A_414, %cond3A_415 : i32
        scf.if %cond3A_416 {
          %dma_start3A_417 = arith.constant 0 : i32
          %dma_start3A_418 = arith.constant 0 : i32
          %dma_start3A_419 = tpu.memref_slice %arg3[%add3A, %sub3A_411, %dma_start3A_417, %dma_start3A_418] : memref<32x125x2x80xi32, #tpu.memory_space<hbm>> -> memref<1x1x2x80xi32, #tpu.memory_space<hbm>>
          %dma_start3A_420 = tpu.memref_squeeze %dma_start3A_419 : memref<1x1x2x80xi32, #tpu.memory_space<hbm>> -> memref<2x80xi32, #tpu.memory_space<hbm>>
          %dma_start3A_421 = arith.constant 0 : i32
          %dma_start3A_422 = arith.constant 0 : i32
          %dma_start3A_423 = tpu.memref_slice %arg3[%add3A, %sub3A_411, %dma_start3A_421, %dma_start3A_422] : memref<32x125x2x80xi32, #tpu.memory_space<hbm>> -> memref<1x1x2x80xi32, #tpu.memory_space<hbm>>
          %dma_start3A_424 = tpu.memref_squeeze %dma_start3A_423 : memref<1x1x2x80xi32, #tpu.memory_space<hbm>> -> memref<2x80xi32, #tpu.memory_space<hbm>>
          tpu.enqueue_dma source(%dma_start3A_424 : memref<2x80xi32, #tpu.memory_space<hbm>>) target(%arg10 : memref<2x80xi32, #tpu.memory_space<vmem>>) target_semaphore(%arg23 : memref<!tpu.dma_semaphore, #tpu.memory_space<semaphore_mem>>)
        } else {
        }
      } else {
      }
      %mul3A_374 = arith.constant 8 : i32
      %mul3A_375 = arith.muli %scan3A_310, %mul3A_374 : i32
      %add3A_376 = arith.constant 7 : i32
      %add3A_377 = arith.addi %mul3A_375, %add3A_376 : i32
      %lt3A_378 = arith.constant 125 : i32
      %lt3A_379 = arith.cmpi slt, %add3A_377, %lt3A_378 : i32
      %convert_element_type3A_380 = arith.extui %lt3A_379 : i1 to i32
      %cond3A_381 = arith.constant 0 : i32
      %cond3A_382 = arith.cmpi ne, %convert_element_type3A_380, %cond3A_381 : i32
      scf.if %cond3A_382 {
        %add3A_383 = arith.constant 4 : i32
        %add3A_384 = arith.addi %add3A_377, %add3A_383 : i32
        %sub3A = arith.constant 1 : i32
        %sub3A_385 = arith.subi %add3A_384, %sub3A : i32
        %lt3A_386 = arith.constant 125 : i32
        %lt3A_387 = arith.cmpi slt, %sub3A_385, %lt3A_386 : i32
        %convert_element_type3A_388 = arith.extui %lt3A_387 : i1 to i32
        %cond3A_389 = arith.constant 0 : i32
        %cond3A_390 = arith.cmpi ne, %convert_element_type3A_388, %cond3A_389 : i32
        scf.if %cond3A_390 {
          %dma_wait3A_417 = arith.constant 0 : i32
          %dma_wait3A_418 = arith.constant 0 : i32
          %dma_wait3A_419 = tpu.memref_slice %arg3[%add3A, %sub3A_385, %dma_wait3A_417, %dma_wait3A_418] : memref<32x125x2x80xi32, #tpu.memory_space<hbm>> -> memref<1x1x2x80xi32, #tpu.memory_space<hbm>>
          %dma_wait3A_420 = tpu.memref_squeeze %dma_wait3A_419 : memref<1x1x2x80xi32, #tpu.memory_space<hbm>> -> memref<2x80xi32, #tpu.memory_space<hbm>>
          %dma_wait3A_421 = arith.constant 0 : i32
          %dma_wait3A_422 = arith.constant 0 : i32
          %dma_wait3A_423 = tpu.memref_slice %arg3[%add3A, %sub3A_385, %dma_wait3A_421, %dma_wait3A_422] : memref<32x125x2x80xi32, #tpu.memory_space<hbm>> -> memref<1x1x2x80xi32, #tpu.memory_space<hbm>>
          %dma_wait3A_424 = tpu.memref_squeeze %dma_wait3A_423 : memref<1x1x2x80xi32, #tpu.memory_space<hbm>> -> memref<2x80xi32, #tpu.memory_space<hbm>>
          tpu.wait_dma2 semaphore(%arg21 : memref<!tpu.dma_semaphore, #tpu.memory_space<semaphore_mem>>) src(%dma_wait3A_424 : memref<2x80xi32, #tpu.memory_space<hbm>>) dst(%arg8 : memref<2x80xi32, #tpu.memory_space<vmem>>)
          %dma_start3A_425 = arith.constant 0 : i32
          %dma_start3A_426 = arith.constant 0 : i32
          %dma_start3A_427 = tpu.memref_slice %arg8[%dma_start3A_425, %dma_start3A_426] : memref<2x80xi32, #tpu.memory_space<vmem>> -> memref<1x80xi32, #tpu.memory_space<vmem>>
          %dma_start3A_428 = tpu.memref_squeeze %dma_start3A_427 : memref<1x80xi32, #tpu.memory_space<vmem>> -> memref<80xi32, #tpu.memory_space<vmem>>
          %dma_start3A_429 = arith.constant 0 : i32
          %dma_start3A_430 = arith.constant 0 : i32
          %dma_start3A_431 = tpu.memref_slice %arg2[%dma_start3A_429, %dma_start3A_430] : memref<10000x128xf32, #tpu.memory_space<hbm>> -> memref<10000x128xf32, #tpu.memory_space<hbm>>
          tpu.enqueue_indirect_dma source(%dma_start3A_431 : memref<10000x128xf32, #tpu.memory_space<hbm>>) target(%arg16 : memref<80x128xf32, #tpu.memory_space<vmem>>) offsets(%dma_start3A_428 : memref<80xi32, #tpu.memory_space<vmem>>) semaphore(%arg29 : memref<!tpu.dma_semaphore, #tpu.memory_space<semaphore_mem>>)
        } else {
        }
        %dma_wait3A_391 = arith.constant 0 : i32
        %dma_wait3A_392 = arith.constant 0 : i32
        %dma_wait3A_393 = tpu.memref_slice %arg13[%dma_wait3A_391, %dma_wait3A_392] : memref<2x80xi32, #tpu.memory_space<vmem>> -> memref<1x80xi32, #tpu.memory_space<vmem>>
        %dma_wait3A_394 = tpu.memref_squeeze %dma_wait3A_393 : memref<1x80xi32, #tpu.memory_space<vmem>> -> memref<80xi32, #tpu.memory_space<vmem>>
        %dma_wait3A_395 = arith.constant 0 : i32
        %dma_wait3A_396 = arith.constant 0 : i32
        %dma_wait3A_397 = tpu.memref_slice %arg2[%dma_wait3A_395, %dma_wait3A_396] : memref<10000x128xf32, #tpu.memory_space<hbm>> -> memref<10000x128xf32, #tpu.memory_space<hbm>>
        tpu.wait_indirect_dma semaphore(%arg30 : memref<!tpu.dma_semaphore, #tpu.memory_space<semaphore_mem>>) src(%dma_wait3A_397 : memref<10000x128xf32, #tpu.memory_space<hbm>>) dst(%arg17 : memref<80x128xf32, #tpu.memory_space<vmem>>)
        %run_scoped3A = arith.constant 1 : i32
        "tpu.region"() ({
          %run_scoped3A_417 = tpu.sem_alloc : memref<!tpu.dma_semaphore, #tpu.memory_space<semaphore_mem>>
          %dma_start3A_418 = arith.constant 0 : i32
          %dma_start3A_419 = tpu.memref_slice %arg13[%run_scoped3A, %dma_start3A_418] : memref<2x80xi32, #tpu.memory_space<vmem>> -> memref<1x80xi32, #tpu.memory_space<vmem>>
          %dma_start3A_420 = tpu.memref_squeeze %dma_start3A_419 : memref<1x80xi32, #tpu.memory_space<vmem>> -> memref<80xi32, #tpu.memory_space<vmem>>
          %dma_start3A_421 = arith.constant 0 : i32
          %dma_start3A_422 = arith.constant 0 : i32
          %dma_start3A_423 = tpu.memref_slice %arg18[%dma_start3A_421, %dma_start3A_422] : memref<10000x128xf32, #tpu.memory_space<vmem_shared>> -> memref<10000x128xf32, #tpu.memory_space<vmem_shared>>
          tpu.enqueue_indirect_dma source(%arg17 : memref<80x128xf32, #tpu.memory_space<vmem>>) target(%dma_start3A_423 : memref<10000x128xf32, #tpu.memory_space<vmem_shared>>) offsets(%dma_start3A_420 : memref<80xi32, #tpu.memory_space<vmem>>) semaphore(%run_scoped3A_417 : memref<!tpu.dma_semaphore, #tpu.memory_space<semaphore_mem>>) {add = true}
          %dma_wait3A_424 = arith.constant 0 : i32
          %dma_wait3A_425 = tpu.memref_slice %arg13[%run_scoped3A, %dma_wait3A_424] : memref<2x80xi32, #tpu.memory_space<vmem>> -> memref<1x80xi32, #tpu.memory_space<vmem>>
          %dma_wait3A_426 = tpu.memref_squeeze %dma_wait3A_425 : memref<1x80xi32, #tpu.memory_space<vmem>> -> memref<80xi32, #tpu.memory_space<vmem>>
          %dma_wait3A_427 = arith.constant 0 : i32
          %dma_wait3A_428 = arith.constant 0 : i32
          %dma_wait3A_429 = tpu.memref_slice %arg18[%dma_wait3A_427, %dma_wait3A_428] : memref<10000x128xf32, #tpu.memory_space<vmem_shared>> -> memref<10000x128xf32, #tpu.memory_space<vmem_shared>>
          tpu.wait_indirect_dma semaphore(%run_scoped3A_417 : memref<!tpu.dma_semaphore, #tpu.memory_space<semaphore_mem>>) src(%arg17 : memref<80x128xf32, #tpu.memory_space<vmem>>) dst(%dma_wait3A_429 : memref<10000x128xf32, #tpu.memory_space<vmem_shared>>)
          tpu.yield
        }) : () -> ()
        %ge3A = arith.constant 1 : i32
        %ge3A_398 = arith.cmpi sge, %add3A_377, %ge3A : i32
        %convert_element_type3A_399 = arith.extui %ge3A_398 : i1 to i32
        %cond3A_400 = arith.constant 0 : i32
        %cond3A_401 = arith.cmpi ne, %convert_element_type3A_399, %cond3A_400 : i32
        scf.if %cond3A_401 {
          %dma_wait3A_417 = arith.constant 1 : i32
          %dma_wait3A_418 = arith.constant 0 : i32
          %dma_wait3A_419 = tpu.memref_slice %arg12[%dma_wait3A_417, %dma_wait3A_418] : memref<2x80xi32, #tpu.memory_space<vmem>> -> memref<1x80xi32, #tpu.memory_space<vmem>>
          %dma_wait3A_420 = tpu.memref_squeeze %dma_wait3A_419 : memref<1x80xi32, #tpu.memory_space<vmem>> -> memref<80xi32, #tpu.memory_space<vmem>>
          %dma_wait3A_421 = arith.constant 0 : i32
          %dma_wait3A_422 = tpu.memref_slice %arg33[%dma_wait3A_421] : memref<10000xf32, #tpu.memory_space<vmem_shared>> -> memref<10000xf32, #tpu.memory_space<vmem_shared>>
          tpu.wait_indirect_dma semaphore(%arg34 : memref<!tpu.dma_semaphore, #tpu.memory_space<semaphore_mem>>) src(%arg31 : memref<80xf32, #tpu.memory_space<vmem>>) dst(%dma_wait3A_422 : memref<10000xf32, #tpu.memory_space<vmem_shared>>)
        } else {
        }
        %dma_start3A_402 = arith.constant 1 : i32
        %dma_start3A_403 = arith.constant 0 : i32
        %dma_start3A_404 = tpu.memref_slice %arg13[%dma_start3A_402, %dma_start3A_403] : memref<2x80xi32, #tpu.memory_space<vmem>> -> memref<1x80xi32, #tpu.memory_space<vmem>>
        %dma_start3A_405 = tpu.memref_squeeze %dma_start3A_404 : memref<1x80xi32, #tpu.memory_space<vmem>> -> memref<80xi32, #tpu.memory_space<vmem>>
        %dma_start3A_406 = arith.constant 0 : i32
        %dma_start3A_407 = tpu.memref_slice %arg33[%dma_start3A_406] : memref<10000xf32, #tpu.memory_space<vmem_shared>> -> memref<10000xf32, #tpu.memory_space<vmem_shared>>
        tpu.enqueue_indirect_dma source(%arg31 : memref<80xf32, #tpu.memory_space<vmem>>) target(%dma_start3A_407 : memref<10000xf32, #tpu.memory_space<vmem_shared>>) offsets(%dma_start3A_405 : memref<80xi32, #tpu.memory_space<vmem>>) semaphore(%arg35 : memref<!tpu.dma_semaphore, #tpu.memory_space<semaphore_mem>>) {add = true}
        %add3A_408 = arith.constant 8 : i32
        %add3A_409 = arith.addi %add3A_377, %add3A_408 : i32
        %sub3A_410 = arith.constant 2 : i32
        %sub3A_411 = arith.subi %add3A_409, %sub3A_410 : i32
        %lt3A_412 = arith.constant 125 : i32
        %lt3A_413 = arith.cmpi slt, %sub3A_411, %lt3A_412 : i32
        %convert_element_type3A_414 = arith.extui %lt3A_413 : i1 to i32
        %cond3A_415 = arith.constant 0 : i32
        %cond3A_416 = arith.cmpi ne, %convert_element_type3A_414, %cond3A_415 : i32
        scf.if %cond3A_416 {
          %dma_start3A_417 = arith.constant 0 : i32
          %dma_start3A_418 = arith.constant 0 : i32
          %dma_start3A_419 = tpu.memref_slice %arg3[%add3A, %sub3A_411, %dma_start3A_417, %dma_start3A_418] : memref<32x125x2x80xi32, #tpu.memory_space<hbm>> -> memref<1x1x2x80xi32, #tpu.memory_space<hbm>>
          %dma_start3A_420 = tpu.memref_squeeze %dma_start3A_419 : memref<1x1x2x80xi32, #tpu.memory_space<hbm>> -> memref<2x80xi32, #tpu.memory_space<hbm>>
          %dma_start3A_421 = arith.constant 0 : i32
          %dma_start3A_422 = arith.constant 0 : i32
          %dma_start3A_423 = tpu.memref_slice %arg3[%add3A, %sub3A_411, %dma_start3A_421, %dma_start3A_422] : memref<32x125x2x80xi32, #tpu.memory_space<hbm>> -> memref<1x1x2x80xi32, #tpu.memory_space<hbm>>
          %dma_start3A_424 = tpu.memref_squeeze %dma_start3A_423 : memref<1x1x2x80xi32, #tpu.memory_space<hbm>> -> memref<2x80xi32, #tpu.memory_space<hbm>>
          tpu.enqueue_dma source(%dma_start3A_424 : memref<2x80xi32, #tpu.memory_space<hbm>>) target(%arg11 : memref<2x80xi32, #tpu.memory_space<vmem>>) target_semaphore(%arg24 : memref<!tpu.dma_semaphore, #tpu.memory_space<semaphore_mem>>)
        } else {
        }
      } else {
      }
    }
    %scan3A_230 = arith.constant 16 : i32
    %dma_wait3A_231 = arith.constant 1 : i32
    %dma_wait3A_232 = arith.constant 0 : i32
    %dma_wait3A_233 = tpu.memref_slice %arg10[%dma_wait3A_231, %dma_wait3A_232] : memref<2x80xi32, #tpu.memory_space<vmem>> -> memref<1x80xi32, #tpu.memory_space<vmem>>
    %dma_wait3A_234 = tpu.memref_squeeze %dma_wait3A_233 : memref<1x80xi32, #tpu.memory_space<vmem>> -> memref<80xi32, #tpu.memory_space<vmem>>
    %dma_wait3A_235 = arith.constant 0 : i32
    %dma_wait3A_236 = tpu.memref_slice %arg33[%dma_wait3A_235] : memref<10000xf32, #tpu.memory_space<vmem_shared>> -> memref<10000xf32, #tpu.memory_space<vmem_shared>>
    tpu.wait_indirect_dma semaphore(%arg34 : memref<!tpu.dma_semaphore, #tpu.memory_space<semaphore_mem>>) src(%arg31 : memref<80xf32, #tpu.memory_space<vmem>>) dst(%dma_wait3A_236 : memref<10000xf32, #tpu.memory_space<vmem_shared>>)
    %barrier3A_237 = arith.constant 0 : index
    tpu.barrier barrier_id(%barrier3A_237)
    %mul3A_238 = arith.constant 8 : i32
    %mul3A_239 = arith.muli %arg1, %mul3A_238 : i32
    %add3A_240 = arith.constant 0 : i32
    %add3A_241 = arith.addi %mul3A_239, %add3A_240 : i32
    %lt3A_242 = arith.constant 125 : i32
    %lt3A_243 = arith.cmpi slt, %add3A_241, %lt3A_242 : i32
    %convert_element_type3A_244 = arith.extui %lt3A_243 : i1 to i32
    %cond3A_245 = arith.constant 0 : i32
    %cond3A_246 = arith.cmpi ne, %convert_element_type3A_244, %cond3A_245 : i32
    scf.if %cond3A_246 {
      %mul3A_310 = arith.constant 80 : i32
      %mul3A_311 = arith.muli %add3A_241, %mul3A_310 : i32
      %mul3A_312 = arith.constant 80 : i32
      %mul3A_313 = arith.muli %add3A_241, %mul3A_312 : i32
      "tpu.region"() ({
        %run_scoped3A = tpu.sem_alloc : memref<!tpu.dma_semaphore, #tpu.memory_space<semaphore_mem>>
        %dma_start3A_321 = arith.constant 0 : i32
        %dma_start3A_322 = tpu.memref_slice %arg4[%arg0, %mul3A_313, %dma_start3A_321] : memref<2x10000x128xf32, #tpu.memory_space<hbm>> -> memref<1x80x128xf32, #tpu.memory_space<hbm>>
        %dma_start3A_323 = tpu.memref_squeeze %dma_start3A_322 : memref<1x80x128xf32, #tpu.memory_space<hbm>> -> memref<80x128xf32, #tpu.memory_space<hbm>>
        %dma_start3A_324 = arith.constant 0 : i32
        %dma_start3A_325 = tpu.memref_slice %arg18[%mul3A_311, %dma_start3A_324] : memref<10000x128xf32, #tpu.memory_space<vmem_shared>> -> memref<80x128xf32, #tpu.memory_space<vmem_shared>>
        tpu.enqueue_dma source(%dma_start3A_325 : memref<80x128xf32, #tpu.memory_space<vmem_shared>>) target(%dma_start3A_323 : memref<80x128xf32, #tpu.memory_space<hbm>>) target_semaphore(%run_scoped3A : memref<!tpu.dma_semaphore, #tpu.memory_space<semaphore_mem>>)
        %dma_wait3A_326 = arith.constant 0 : i32
        %dma_wait3A_327 = tpu.memref_slice %arg4[%arg0, %mul3A_313, %dma_wait3A_326] : memref<2x10000x128xf32, #tpu.memory_space<hbm>> -> memref<1x80x128xf32, #tpu.memory_space<hbm>>
        %dma_wait3A_328 = tpu.memref_squeeze %dma_wait3A_327 : memref<1x80x128xf32, #tpu.memory_space<hbm>> -> memref<80x128xf32, #tpu.memory_space<hbm>>
        %dma_wait3A_329 = arith.constant 0 : i32
        %dma_wait3A_330 = tpu.memref_slice %arg18[%mul3A_311, %dma_wait3A_329] : memref<10000x128xf32, #tpu.memory_space<vmem_shared>> -> memref<80x128xf32, #tpu.memory_space<vmem_shared>>
        tpu.wait_dma2 semaphore(%run_scoped3A : memref<!tpu.dma_semaphore, #tpu.memory_space<semaphore_mem>>) src(%dma_wait3A_330 : memref<80x128xf32, #tpu.memory_space<vmem_shared>>) dst(%dma_wait3A_328 : memref<80x128xf32, #tpu.memory_space<hbm>>)
        tpu.yield
      }) : () -> ()
      %mul3A_314 = arith.constant 80 : i32
      %mul3A_315 = arith.muli %add3A_241, %mul3A_314 : i32
      "tpu.region"() ({
        %run_scoped3A = tpu.sem_alloc : memref<!tpu.dma_semaphore, #tpu.memory_space<semaphore_mem>>
        %dma_start3A_321 = tpu.memref_slice %arg33[%mul3A_315] : memref<10000xf32, #tpu.memory_space<vmem_shared>> -> memref<80xf32, #tpu.memory_space<vmem_shared>>
        %dma_start3A_322 = tpu.memref_slice %arg33[%mul3A_315] : memref<10000xf32, #tpu.memory_space<vmem_shared>> -> memref<80xf32, #tpu.memory_space<vmem_shared>>
        tpu.enqueue_dma source(%dma_start3A_322 : memref<80xf32, #tpu.memory_space<vmem_shared>>) target(%arg32 : memref<80xf32, #tpu.memory_space<vmem>>) target_semaphore(%run_scoped3A : memref<!tpu.dma_semaphore, #tpu.memory_space<semaphore_mem>>)
        %dma_wait3A_323 = tpu.memref_slice %arg33[%mul3A_315] : memref<10000xf32, #tpu.memory_space<vmem_shared>> -> memref<80xf32, #tpu.memory_space<vmem_shared>>
        %dma_wait3A_324 = tpu.memref_slice %arg33[%mul3A_315] : memref<10000xf32, #tpu.memory_space<vmem_shared>> -> memref<80xf32, #tpu.memory_space<vmem_shared>>
        tpu.wait_dma2 semaphore(%run_scoped3A : memref<!tpu.dma_semaphore, #tpu.memory_space<semaphore_mem>>) src(%dma_wait3A_324 : memref<80xf32, #tpu.memory_space<vmem_shared>>) dst(%arg32 : memref<80xf32, #tpu.memory_space<vmem>>)
        tpu.yield
      }) : () -> ()
      %mul3A_316 = arith.constant 10000 : i32
      %mul3A_317 = arith.muli %arg0, %mul3A_316 : i32
      %mul3A_318 = arith.constant 80 : i32
      %mul3A_319 = arith.muli %add3A_241, %mul3A_318 : i32
      %add3A_320 = arith.addi %mul3A_317, %mul3A_319 : i32
      "tpu.region"() ({
        %run_scoped3A = tpu.sem_alloc : memref<!tpu.dma_semaphore, #tpu.memory_space<semaphore_mem>>
        %dma_start3A_321 = tpu.memref_slice %arg5[%add3A_320] : memref<20000xf32, #tpu.memory_space<hbm>> -> memref<80xf32, #tpu.memory_space<hbm>>
        %dma_start3A_322 = tpu.memref_slice %arg5[%add3A_320] : memref<20000xf32, #tpu.memory_space<hbm>> -> memref<80xf32, #tpu.memory_space<hbm>>
        tpu.enqueue_dma source(%arg32 : memref<80xf32, #tpu.memory_space<vmem>>) target(%dma_start3A_322 : memref<80xf32, #tpu.memory_space<hbm>>) target_semaphore(%run_scoped3A : memref<!tpu.dma_semaphore, #tpu.memory_space<semaphore_mem>>)
        %dma_wait3A_323 = tpu.memref_slice %arg5[%add3A_320] : memref<20000xf32, #tpu.memory_space<hbm>> -> memref<80xf32, #tpu.memory_space<hbm>>
        %dma_wait3A_324 = tpu.memref_slice %arg5[%add3A_320] : memref<20000xf32, #tpu.memory_space<hbm>> -> memref<80xf32, #tpu.memory_space<hbm>>
        tpu.wait_dma2 semaphore(%run_scoped3A : memref<!tpu.dma_semaphore, #tpu.memory_space<semaphore_mem>>) src(%arg32 : memref<80xf32, #tpu.memory_space<vmem>>) dst(%dma_wait3A_324 : memref<80xf32, #tpu.memory_space<hbm>>)
        tpu.yield
      }) : () -> ()
    } else {
    }
    %mul3A_247 = arith.constant 8 : i32
    %mul3A_248 = arith.muli %arg1, %mul3A_247 : i32
    %add3A_249 = arith.constant 1 : i32
    %add3A_250 = arith.addi %mul3A_248, %add3A_249 : i32
    %lt3A_251 = arith.constant 125 : i32
    %lt3A_252 = arith.cmpi slt, %add3A_250, %lt3A_251 : i32
    %convert_element_type3A_253 = arith.extui %lt3A_252 : i1 to i32
    %cond3A_254 = arith.constant 0 : i32
    %cond3A_255 = arith.cmpi ne, %convert_element_type3A_253, %cond3A_254 : i32
    scf.if %cond3A_255 {
      %mul3A_310 = arith.constant 80 : i32
      %mul3A_311 = arith.muli %add3A_250, %mul3A_310 : i32
      %mul3A_312 = arith.constant 80 : i32
      %mul3A_313 = arith.muli %add3A_250, %mul3A_312 : i32
      "tpu.region"() ({
        %run_scoped3A = tpu.sem_alloc : memref<!tpu.dma_semaphore, #tpu.memory_space<semaphore_mem>>
        %dma_start3A_321 = arith.constant 0 : i32
        %dma_start3A_322 = tpu.memref_slice %arg4[%arg0, %mul3A_313, %dma_start3A_321] : memref<2x10000x128xf32, #tpu.memory_space<hbm>> -> memref<1x80x128xf32, #tpu.memory_space<hbm>>
        %dma_start3A_323 = tpu.memref_squeeze %dma_start3A_322 : memref<1x80x128xf32, #tpu.memory_space<hbm>> -> memref<80x128xf32, #tpu.memory_space<hbm>>
        %dma_start3A_324 = arith.constant 0 : i32
        %dma_start3A_325 = tpu.memref_slice %arg18[%mul3A_311, %dma_start3A_324] : memref<10000x128xf32, #tpu.memory_space<vmem_shared>> -> memref<80x128xf32, #tpu.memory_space<vmem_shared>>
        tpu.enqueue_dma source(%dma_start3A_325 : memref<80x128xf32, #tpu.memory_space<vmem_shared>>) target(%dma_start3A_323 : memref<80x128xf32, #tpu.memory_space<hbm>>) target_semaphore(%run_scoped3A : memref<!tpu.dma_semaphore, #tpu.memory_space<semaphore_mem>>)
        %dma_wait3A_326 = arith.constant 0 : i32
        %dma_wait3A_327 = tpu.memref_slice %arg4[%arg0, %mul3A_313, %dma_wait3A_326] : memref<2x10000x128xf32, #tpu.memory_space<hbm>> -> memref<1x80x128xf32, #tpu.memory_space<hbm>>
        %dma_wait3A_328 = tpu.memref_squeeze %dma_wait3A_327 : memref<1x80x128xf32, #tpu.memory_space<hbm>> -> memref<80x128xf32, #tpu.memory_space<hbm>>
        %dma_wait3A_329 = arith.constant 0 : i32
        %dma_wait3A_330 = tpu.memref_slice %arg18[%mul3A_311, %dma_wait3A_329] : memref<10000x128xf32, #tpu.memory_space<vmem_shared>> -> memref<80x128xf32, #tpu.memory_space<vmem_shared>>
        tpu.wait_dma2 semaphore(%run_scoped3A : memref<!tpu.dma_semaphore, #tpu.memory_space<semaphore_mem>>) src(%dma_wait3A_330 : memref<80x128xf32, #tpu.memory_space<vmem_shared>>) dst(%dma_wait3A_328 : memref<80x128xf32, #tpu.memory_space<hbm>>)
        tpu.yield
      }) : () -> ()
      %mul3A_314 = arith.constant 80 : i32
      %mul3A_315 = arith.muli %add3A_250, %mul3A_314 : i32
      "tpu.region"() ({
        %run_scoped3A = tpu.sem_alloc : memref<!tpu.dma_semaphore, #tpu.memory_space<semaphore_mem>>
        %dma_start3A_321 = tpu.memref_slice %arg33[%mul3A_315] : memref<10000xf32, #tpu.memory_space<vmem_shared>> -> memref<80xf32, #tpu.memory_space<vmem_shared>>
        %dma_start3A_322 = tpu.memref_slice %arg33[%mul3A_315] : memref<10000xf32, #tpu.memory_space<vmem_shared>> -> memref<80xf32, #tpu.memory_space<vmem_shared>>
        tpu.enqueue_dma source(%dma_start3A_322 : memref<80xf32, #tpu.memory_space<vmem_shared>>) target(%arg32 : memref<80xf32, #tpu.memory_space<vmem>>) target_semaphore(%run_scoped3A : memref<!tpu.dma_semaphore, #tpu.memory_space<semaphore_mem>>)
        %dma_wait3A_323 = tpu.memref_slice %arg33[%mul3A_315] : memref<10000xf32, #tpu.memory_space<vmem_shared>> -> memref<80xf32, #tpu.memory_space<vmem_shared>>
        %dma_wait3A_324 = tpu.memref_slice %arg33[%mul3A_315] : memref<10000xf32, #tpu.memory_space<vmem_shared>> -> memref<80xf32, #tpu.memory_space<vmem_shared>>
        tpu.wait_dma2 semaphore(%run_scoped3A : memref<!tpu.dma_semaphore, #tpu.memory_space<semaphore_mem>>) src(%dma_wait3A_324 : memref<80xf32, #tpu.memory_space<vmem_shared>>) dst(%arg32 : memref<80xf32, #tpu.memory_space<vmem>>)
        tpu.yield
      }) : () -> ()
      %mul3A_316 = arith.constant 10000 : i32
      %mul3A_317 = arith.muli %arg0, %mul3A_316 : i32
      %mul3A_318 = arith.constant 80 : i32
      %mul3A_319 = arith.muli %add3A_250, %mul3A_318 : i32
      %add3A_320 = arith.addi %mul3A_317, %mul3A_319 : i32
      "tpu.region"() ({
        %run_scoped3A = tpu.sem_alloc : memref<!tpu.dma_semaphore, #tpu.memory_space<semaphore_mem>>
        %dma_start3A_321 = tpu.memref_slice %arg5[%add3A_320] : memref<20000xf32, #tpu.memory_space<hbm>> -> memref<80xf32, #tpu.memory_space<hbm>>
        %dma_start3A_322 = tpu.memref_slice %arg5[%add3A_320] : memref<20000xf32, #tpu.memory_space<hbm>> -> memref<80xf32, #tpu.memory_space<hbm>>
        tpu.enqueue_dma source(%arg32 : memref<80xf32, #tpu.memory_space<vmem>>) target(%dma_start3A_322 : memref<80xf32, #tpu.memory_space<hbm>>) target_semaphore(%run_scoped3A : memref<!tpu.dma_semaphore, #tpu.memory_space<semaphore_mem>>)
        %dma_wait3A_323 = tpu.memref_slice %arg5[%add3A_320] : memref<20000xf32, #tpu.memory_space<hbm>> -> memref<80xf32, #tpu.memory_space<hbm>>
        %dma_wait3A_324 = tpu.memref_slice %arg5[%add3A_320] : memref<20000xf32, #tpu.memory_space<hbm>> -> memref<80xf32, #tpu.memory_space<hbm>>
        tpu.wait_dma2 semaphore(%run_scoped3A : memref<!tpu.dma_semaphore, #tpu.memory_space<semaphore_mem>>) src(%arg32 : memref<80xf32, #tpu.memory_space<vmem>>) dst(%dma_wait3A_324 : memref<80xf32, #tpu.memory_space<hbm>>)
        tpu.yield
      }) : () -> ()
    } else {
    }
    %mul3A_256 = arith.constant 8 : i32
    %mul3A_257 = arith.muli %arg1, %mul3A_256 : i32
    %add3A_258 = arith.constant 2 : i32
    %add3A_259 = arith.addi %mul3A_257, %add3A_258 : i32
    %lt3A_260 = arith.constant 125 : i32
    %lt3A_261 = arith.cmpi slt, %add3A_259, %lt3A_260 : i32
    %convert_element_type3A_262 = arith.extui %lt3A_261 : i1 to i32
    %cond3A_263 = arith.constant 0 : i32
    %cond3A_264 = arith.cmpi ne, %convert_element_type3A_262, %cond3A_263 : i32
    scf.if %cond3A_264 {
      %mul3A_310 = arith.constant 80 : i32
      %mul3A_311 = arith.muli %add3A_259, %mul3A_310 : i32
      %mul3A_312 = arith.constant 80 : i32
      %mul3A_313 = arith.muli %add3A_259, %mul3A_312 : i32
      "tpu.region"() ({
        %run_scoped3A = tpu.sem_alloc : memref<!tpu.dma_semaphore, #tpu.memory_space<semaphore_mem>>
        %dma_start3A_321 = arith.constant 0 : i32
        %dma_start3A_322 = tpu.memref_slice %arg4[%arg0, %mul3A_313, %dma_start3A_321] : memref<2x10000x128xf32, #tpu.memory_space<hbm>> -> memref<1x80x128xf32, #tpu.memory_space<hbm>>
        %dma_start3A_323 = tpu.memref_squeeze %dma_start3A_322 : memref<1x80x128xf32, #tpu.memory_space<hbm>> -> memref<80x128xf32, #tpu.memory_space<hbm>>
        %dma_start3A_324 = arith.constant 0 : i32
        %dma_start3A_325 = tpu.memref_slice %arg18[%mul3A_311, %dma_start3A_324] : memref<10000x128xf32, #tpu.memory_space<vmem_shared>> -> memref<80x128xf32, #tpu.memory_space<vmem_shared>>
        tpu.enqueue_dma source(%dma_start3A_325 : memref<80x128xf32, #tpu.memory_space<vmem_shared>>) target(%dma_start3A_323 : memref<80x128xf32, #tpu.memory_space<hbm>>) target_semaphore(%run_scoped3A : memref<!tpu.dma_semaphore, #tpu.memory_space<semaphore_mem>>)
        %dma_wait3A_326 = arith.constant 0 : i32
        %dma_wait3A_327 = tpu.memref_slice %arg4[%arg0, %mul3A_313, %dma_wait3A_326] : memref<2x10000x128xf32, #tpu.memory_space<hbm>> -> memref<1x80x128xf32, #tpu.memory_space<hbm>>
        %dma_wait3A_328 = tpu.memref_squeeze %dma_wait3A_327 : memref<1x80x128xf32, #tpu.memory_space<hbm>> -> memref<80x128xf32, #tpu.memory_space<hbm>>
        %dma_wait3A_329 = arith.constant 0 : i32
        %dma_wait3A_330 = tpu.memref_slice %arg18[%mul3A_311, %dma_wait3A_329] : memref<10000x128xf32, #tpu.memory_space<vmem_shared>> -> memref<80x128xf32, #tpu.memory_space<vmem_shared>>
        tpu.wait_dma2 semaphore(%run_scoped3A : memref<!tpu.dma_semaphore, #tpu.memory_space<semaphore_mem>>) src(%dma_wait3A_330 : memref<80x128xf32, #tpu.memory_space<vmem_shared>>) dst(%dma_wait3A_328 : memref<80x128xf32, #tpu.memory_space<hbm>>)
        tpu.yield
      }) : () -> ()
      %mul3A_314 = arith.constant 80 : i32
      %mul3A_315 = arith.muli %add3A_259, %mul3A_314 : i32
      "tpu.region"() ({
        %run_scoped3A = tpu.sem_alloc : memref<!tpu.dma_semaphore, #tpu.memory_space<semaphore_mem>>
        %dma_start3A_321 = tpu.memref_slice %arg33[%mul3A_315] : memref<10000xf32, #tpu.memory_space<vmem_shared>> -> memref<80xf32, #tpu.memory_space<vmem_shared>>
        %dma_start3A_322 = tpu.memref_slice %arg33[%mul3A_315] : memref<10000xf32, #tpu.memory_space<vmem_shared>> -> memref<80xf32, #tpu.memory_space<vmem_shared>>
        tpu.enqueue_dma source(%dma_start3A_322 : memref<80xf32, #tpu.memory_space<vmem_shared>>) target(%arg32 : memref<80xf32, #tpu.memory_space<vmem>>) target_semaphore(%run_scoped3A : memref<!tpu.dma_semaphore, #tpu.memory_space<semaphore_mem>>)
        %dma_wait3A_323 = tpu.memref_slice %arg33[%mul3A_315] : memref<10000xf32, #tpu.memory_space<vmem_shared>> -> memref<80xf32, #tpu.memory_space<vmem_shared>>
        %dma_wait3A_324 = tpu.memref_slice %arg33[%mul3A_315] : memref<10000xf32, #tpu.memory_space<vmem_shared>> -> memref<80xf32, #tpu.memory_space<vmem_shared>>
        tpu.wait_dma2 semaphore(%run_scoped3A : memref<!tpu.dma_semaphore, #tpu.memory_space<semaphore_mem>>) src(%dma_wait3A_324 : memref<80xf32, #tpu.memory_space<vmem_shared>>) dst(%arg32 : memref<80xf32, #tpu.memory_space<vmem>>)
        tpu.yield
      }) : () -> ()
      %mul3A_316 = arith.constant 10000 : i32
      %mul3A_317 = arith.muli %arg0, %mul3A_316 : i32
      %mul3A_318 = arith.constant 80 : i32
      %mul3A_319 = arith.muli %add3A_259, %mul3A_318 : i32
      %add3A_320 = arith.addi %mul3A_317, %mul3A_319 : i32
      "tpu.region"() ({
        %run_scoped3A = tpu.sem_alloc : memref<!tpu.dma_semaphore, #tpu.memory_space<semaphore_mem>>
        %dma_start3A_321 = tpu.memref_slice %arg5[%add3A_320] : memref<20000xf32, #tpu.memory_space<hbm>> -> memref<80xf32, #tpu.memory_space<hbm>>
        %dma_start3A_322 = tpu.memref_slice %arg5[%add3A_320] : memref<20000xf32, #tpu.memory_space<hbm>> -> memref<80xf32, #tpu.memory_space<hbm>>
        tpu.enqueue_dma source(%arg32 : memref<80xf32, #tpu.memory_space<vmem>>) target(%dma_start3A_322 : memref<80xf32, #tpu.memory_space<hbm>>) target_semaphore(%run_scoped3A : memref<!tpu.dma_semaphore, #tpu.memory_space<semaphore_mem>>)
        %dma_wait3A_323 = tpu.memref_slice %arg5[%add3A_320] : memref<20000xf32, #tpu.memory_space<hbm>> -> memref<80xf32, #tpu.memory_space<hbm>>
        %dma_wait3A_324 = tpu.memref_slice %arg5[%add3A_320] : memref<20000xf32, #tpu.memory_space<hbm>> -> memref<80xf32, #tpu.memory_space<hbm>>
        tpu.wait_dma2 semaphore(%run_scoped3A : memref<!tpu.dma_semaphore, #tpu.memory_space<semaphore_mem>>) src(%arg32 : memref<80xf32, #tpu.memory_space<vmem>>) dst(%dma_wait3A_324 : memref<80xf32, #tpu.memory_space<hbm>>)
        tpu.yield
      }) : () -> ()
    } else {
    }
    %mul3A_265 = arith.constant 8 : i32
    %mul3A_266 = arith.muli %arg1, %mul3A_265 : i32
    %add3A_267 = arith.constant 3 : i32
    %add3A_268 = arith.addi %mul3A_266, %add3A_267 : i32
    %lt3A_269 = arith.constant 125 : i32
    %lt3A_270 = arith.cmpi slt, %add3A_268, %lt3A_269 : i32
    %convert_element_type3A_271 = arith.extui %lt3A_270 : i1 to i32
    %cond3A_272 = arith.constant 0 : i32
    %cond3A_273 = arith.cmpi ne, %convert_element_type3A_271, %cond3A_272 : i32
    scf.if %cond3A_273 {
      %mul3A_310 = arith.constant 80 : i32
      %mul3A_311 = arith.muli %add3A_268, %mul3A_310 : i32
      %mul3A_312 = arith.constant 80 : i32
      %mul3A_313 = arith.muli %add3A_268, %mul3A_312 : i32
      "tpu.region"() ({
        %run_scoped3A = tpu.sem_alloc : memref<!tpu.dma_semaphore, #tpu.memory_space<semaphore_mem>>
        %dma_start3A_321 = arith.constant 0 : i32
        %dma_start3A_322 = tpu.memref_slice %arg4[%arg0, %mul3A_313, %dma_start3A_321] : memref<2x10000x128xf32, #tpu.memory_space<hbm>> -> memref<1x80x128xf32, #tpu.memory_space<hbm>>
        %dma_start3A_323 = tpu.memref_squeeze %dma_start3A_322 : memref<1x80x128xf32, #tpu.memory_space<hbm>> -> memref<80x128xf32, #tpu.memory_space<hbm>>
        %dma_start3A_324 = arith.constant 0 : i32
        %dma_start3A_325 = tpu.memref_slice %arg18[%mul3A_311, %dma_start3A_324] : memref<10000x128xf32, #tpu.memory_space<vmem_shared>> -> memref<80x128xf32, #tpu.memory_space<vmem_shared>>
        tpu.enqueue_dma source(%dma_start3A_325 : memref<80x128xf32, #tpu.memory_space<vmem_shared>>) target(%dma_start3A_323 : memref<80x128xf32, #tpu.memory_space<hbm>>) target_semaphore(%run_scoped3A : memref<!tpu.dma_semaphore, #tpu.memory_space<semaphore_mem>>)
        %dma_wait3A_326 = arith.constant 0 : i32
        %dma_wait3A_327 = tpu.memref_slice %arg4[%arg0, %mul3A_313, %dma_wait3A_326] : memref<2x10000x128xf32, #tpu.memory_space<hbm>> -> memref<1x80x128xf32, #tpu.memory_space<hbm>>
        %dma_wait3A_328 = tpu.memref_squeeze %dma_wait3A_327 : memref<1x80x128xf32, #tpu.memory_space<hbm>> -> memref<80x128xf32, #tpu.memory_space<hbm>>
        %dma_wait3A_329 = arith.constant 0 : i32
        %dma_wait3A_330 = tpu.memref_slice %arg18[%mul3A_311, %dma_wait3A_329] : memref<10000x128xf32, #tpu.memory_space<vmem_shared>> -> memref<80x128xf32, #tpu.memory_space<vmem_shared>>
        tpu.wait_dma2 semaphore(%run_scoped3A : memref<!tpu.dma_semaphore, #tpu.memory_space<semaphore_mem>>) src(%dma_wait3A_330 : memref<80x128xf32, #tpu.memory_space<vmem_shared>>) dst(%dma_wait3A_328 : memref<80x128xf32, #tpu.memory_space<hbm>>)
        tpu.yield
      }) : () -> ()
      %mul3A_314 = arith.constant 80 : i32
      %mul3A_315 = arith.muli %add3A_268, %mul3A_314 : i32
      "tpu.region"() ({
        %run_scoped3A = tpu.sem_alloc : memref<!tpu.dma_semaphore, #tpu.memory_space<semaphore_mem>>
        %dma_start3A_321 = tpu.memref_slice %arg33[%mul3A_315] : memref<10000xf32, #tpu.memory_space<vmem_shared>> -> memref<80xf32, #tpu.memory_space<vmem_shared>>
        %dma_start3A_322 = tpu.memref_slice %arg33[%mul3A_315] : memref<10000xf32, #tpu.memory_space<vmem_shared>> -> memref<80xf32, #tpu.memory_space<vmem_shared>>
        tpu.enqueue_dma source(%dma_start3A_322 : memref<80xf32, #tpu.memory_space<vmem_shared>>) target(%arg32 : memref<80xf32, #tpu.memory_space<vmem>>) target_semaphore(%run_scoped3A : memref<!tpu.dma_semaphore, #tpu.memory_space<semaphore_mem>>)
        %dma_wait3A_323 = tpu.memref_slice %arg33[%mul3A_315] : memref<10000xf32, #tpu.memory_space<vmem_shared>> -> memref<80xf32, #tpu.memory_space<vmem_shared>>
        %dma_wait3A_324 = tpu.memref_slice %arg33[%mul3A_315] : memref<10000xf32, #tpu.memory_space<vmem_shared>> -> memref<80xf32, #tpu.memory_space<vmem_shared>>
        tpu.wait_dma2 semaphore(%run_scoped3A : memref<!tpu.dma_semaphore, #tpu.memory_space<semaphore_mem>>) src(%dma_wait3A_324 : memref<80xf32, #tpu.memory_space<vmem_shared>>) dst(%arg32 : memref<80xf32, #tpu.memory_space<vmem>>)
        tpu.yield
      }) : () -> ()
      %mul3A_316 = arith.constant 10000 : i32
      %mul3A_317 = arith.muli %arg0, %mul3A_316 : i32
      %mul3A_318 = arith.constant 80 : i32
      %mul3A_319 = arith.muli %add3A_268, %mul3A_318 : i32
      %add3A_320 = arith.addi %mul3A_317, %mul3A_319 : i32
      "tpu.region"() ({
        %run_scoped3A = tpu.sem_alloc : memref<!tpu.dma_semaphore, #tpu.memory_space<semaphore_mem>>
        %dma_start3A_321 = tpu.memref_slice %arg5[%add3A_320] : memref<20000xf32, #tpu.memory_space<hbm>> -> memref<80xf32, #tpu.memory_space<hbm>>
        %dma_start3A_322 = tpu.memref_slice %arg5[%add3A_320] : memref<20000xf32, #tpu.memory_space<hbm>> -> memref<80xf32, #tpu.memory_space<hbm>>
        tpu.enqueue_dma source(%arg32 : memref<80xf32, #tpu.memory_space<vmem>>) target(%dma_start3A_322 : memref<80xf32, #tpu.memory_space<hbm>>) target_semaphore(%run_scoped3A : memref<!tpu.dma_semaphore, #tpu.memory_space<semaphore_mem>>)
        %dma_wait3A_323 = tpu.memref_slice %arg5[%add3A_320] : memref<20000xf32, #tpu.memory_space<hbm>> -> memref<80xf32, #tpu.memory_space<hbm>>
        %dma_wait3A_324 = tpu.memref_slice %arg5[%add3A_320] : memref<20000xf32, #tpu.memory_space<hbm>> -> memref<80xf32, #tpu.memory_space<hbm>>
        tpu.wait_dma2 semaphore(%run_scoped3A : memref<!tpu.dma_semaphore, #tpu.memory_space<semaphore_mem>>) src(%arg32 : memref<80xf32, #tpu.memory_space<vmem>>) dst(%dma_wait3A_324 : memref<80xf32, #tpu.memory_space<hbm>>)
        tpu.yield
      }) : () -> ()
    } else {
    }
    %mul3A_274 = arith.constant 8 : i32
    %mul3A_275 = arith.muli %arg1, %mul3A_274 : i32
    %add3A_276 = arith.constant 4 : i32
    %add3A_277 = arith.addi %mul3A_275, %add3A_276 : i32
    %lt3A_278 = arith.constant 125 : i32
    %lt3A_279 = arith.cmpi slt, %add3A_277, %lt3A_278 : i32
    %convert_element_type3A_280 = arith.extui %lt3A_279 : i1 to i32
    %cond3A_281 = arith.constant 0 : i32
    %cond3A_282 = arith.cmpi ne, %convert_element_type3A_280, %cond3A_281 : i32
    scf.if %cond3A_282 {
      %mul3A_310 = arith.constant 80 : i32
      %mul3A_311 = arith.muli %add3A_277, %mul3A_310 : i32
      %mul3A_312 = arith.constant 80 : i32
      %mul3A_313 = arith.muli %add3A_277, %mul3A_312 : i32
      "tpu.region"() ({
        %run_scoped3A = tpu.sem_alloc : memref<!tpu.dma_semaphore, #tpu.memory_space<semaphore_mem>>
        %dma_start3A_321 = arith.constant 0 : i32
        %dma_start3A_322 = tpu.memref_slice %arg4[%arg0, %mul3A_313, %dma_start3A_321] : memref<2x10000x128xf32, #tpu.memory_space<hbm>> -> memref<1x80x128xf32, #tpu.memory_space<hbm>>
        %dma_start3A_323 = tpu.memref_squeeze %dma_start3A_322 : memref<1x80x128xf32, #tpu.memory_space<hbm>> -> memref<80x128xf32, #tpu.memory_space<hbm>>
        %dma_start3A_324 = arith.constant 0 : i32
        %dma_start3A_325 = tpu.memref_slice %arg18[%mul3A_311, %dma_start3A_324] : memref<10000x128xf32, #tpu.memory_space<vmem_shared>> -> memref<80x128xf32, #tpu.memory_space<vmem_shared>>
        tpu.enqueue_dma source(%dma_start3A_325 : memref<80x128xf32, #tpu.memory_space<vmem_shared>>) target(%dma_start3A_323 : memref<80x128xf32, #tpu.memory_space<hbm>>) target_semaphore(%run_scoped3A : memref<!tpu.dma_semaphore, #tpu.memory_space<semaphore_mem>>)
        %dma_wait3A_326 = arith.constant 0 : i32
        %dma_wait3A_327 = tpu.memref_slice %arg4[%arg0, %mul3A_313, %dma_wait3A_326] : memref<2x10000x128xf32, #tpu.memory_space<hbm>> -> memref<1x80x128xf32, #tpu.memory_space<hbm>>
        %dma_wait3A_328 = tpu.memref_squeeze %dma_wait3A_327 : memref<1x80x128xf32, #tpu.memory_space<hbm>> -> memref<80x128xf32, #tpu.memory_space<hbm>>
        %dma_wait3A_329 = arith.constant 0 : i32
        %dma_wait3A_330 = tpu.memref_slice %arg18[%mul3A_311, %dma_wait3A_329] : memref<10000x128xf32, #tpu.memory_space<vmem_shared>> -> memref<80x128xf32, #tpu.memory_space<vmem_shared>>
        tpu.wait_dma2 semaphore(%run_scoped3A : memref<!tpu.dma_semaphore, #tpu.memory_space<semaphore_mem>>) src(%dma_wait3A_330 : memref<80x128xf32, #tpu.memory_space<vmem_shared>>) dst(%dma_wait3A_328 : memref<80x128xf32, #tpu.memory_space<hbm>>)
        tpu.yield
      }) : () -> ()
      %mul3A_314 = arith.constant 80 : i32
      %mul3A_315 = arith.muli %add3A_277, %mul3A_314 : i32
      "tpu.region"() ({
        %run_scoped3A = tpu.sem_alloc : memref<!tpu.dma_semaphore, #tpu.memory_space<semaphore_mem>>
        %dma_start3A_321 = tpu.memref_slice %arg33[%mul3A_315] : memref<10000xf32, #tpu.memory_space<vmem_shared>> -> memref<80xf32, #tpu.memory_space<vmem_shared>>
        %dma_start3A_322 = tpu.memref_slice %arg33[%mul3A_315] : memref<10000xf32, #tpu.memory_space<vmem_shared>> -> memref<80xf32, #tpu.memory_space<vmem_shared>>
        tpu.enqueue_dma source(%dma_start3A_322 : memref<80xf32, #tpu.memory_space<vmem_shared>>) target(%arg32 : memref<80xf32, #tpu.memory_space<vmem>>) target_semaphore(%run_scoped3A : memref<!tpu.dma_semaphore, #tpu.memory_space<semaphore_mem>>)
        %dma_wait3A_323 = tpu.memref_slice %arg33[%mul3A_315] : memref<10000xf32, #tpu.memory_space<vmem_shared>> -> memref<80xf32, #tpu.memory_space<vmem_shared>>
        %dma_wait3A_324 = tpu.memref_slice %arg33[%mul3A_315] : memref<10000xf32, #tpu.memory_space<vmem_shared>> -> memref<80xf32, #tpu.memory_space<vmem_shared>>
        tpu.wait_dma2 semaphore(%run_scoped3A : memref<!tpu.dma_semaphore, #tpu.memory_space<semaphore_mem>>) src(%dma_wait3A_324 : memref<80xf32, #tpu.memory_space<vmem_shared>>) dst(%arg32 : memref<80xf32, #tpu.memory_space<vmem>>)
        tpu.yield
      }) : () -> ()
      %mul3A_316 = arith.constant 10000 : i32
      %mul3A_317 = arith.muli %arg0, %mul3A_316 : i32
      %mul3A_318 = arith.constant 80 : i32
      %mul3A_319 = arith.muli %add3A_277, %mul3A_318 : i32
      %add3A_320 = arith.addi %mul3A_317, %mul3A_319 : i32
      "tpu.region"() ({
        %run_scoped3A = tpu.sem_alloc : memref<!tpu.dma_semaphore, #tpu.memory_space<semaphore_mem>>
        %dma_start3A_321 = tpu.memref_slice %arg5[%add3A_320] : memref<20000xf32, #tpu.memory_space<hbm>> -> memref<80xf32, #tpu.memory_space<hbm>>
        %dma_start3A_322 = tpu.memref_slice %arg5[%add3A_320] : memref<20000xf32, #tpu.memory_space<hbm>> -> memref<80xf32, #tpu.memory_space<hbm>>
        tpu.enqueue_dma source(%arg32 : memref<80xf32, #tpu.memory_space<vmem>>) target(%dma_start3A_322 : memref<80xf32, #tpu.memory_space<hbm>>) target_semaphore(%run_scoped3A : memref<!tpu.dma_semaphore, #tpu.memory_space<semaphore_mem>>)
        %dma_wait3A_323 = tpu.memref_slice %arg5[%add3A_320] : memref<20000xf32, #tpu.memory_space<hbm>> -> memref<80xf32, #tpu.memory_space<hbm>>
        %dma_wait3A_324 = tpu.memref_slice %arg5[%add3A_320] : memref<20000xf32, #tpu.memory_space<hbm>> -> memref<80xf32, #tpu.memory_space<hbm>>
        tpu.wait_dma2 semaphore(%run_scoped3A : memref<!tpu.dma_semaphore, #tpu.memory_space<semaphore_mem>>) src(%arg32 : memref<80xf32, #tpu.memory_space<vmem>>) dst(%dma_wait3A_324 : memref<80xf32, #tpu.memory_space<hbm>>)
        tpu.yield
      }) : () -> ()
    } else {
    }
    %mul3A_283 = arith.constant 8 : i32
    %mul3A_284 = arith.muli %arg1, %mul3A_283 : i32
    %add3A_285 = arith.constant 5 : i32
    %add3A_286 = arith.addi %mul3A_284, %add3A_285 : i32
    %lt3A_287 = arith.constant 125 : i32
    %lt3A_288 = arith.cmpi slt, %add3A_286, %lt3A_287 : i32
    %convert_element_type3A_289 = arith.extui %lt3A_288 : i1 to i32
    %cond3A_290 = arith.constant 0 : i32
    %cond3A_291 = arith.cmpi ne, %convert_element_type3A_289, %cond3A_290 : i32
    scf.if %cond3A_291 {
      %mul3A_310 = arith.constant 80 : i32
      %mul3A_311 = arith.muli %add3A_286, %mul3A_310 : i32
      %mul3A_312 = arith.constant 80 : i32
      %mul3A_313 = arith.muli %add3A_286, %mul3A_312 : i32
      "tpu.region"() ({
        %run_scoped3A = tpu.sem_alloc : memref<!tpu.dma_semaphore, #tpu.memory_space<semaphore_mem>>
        %dma_start3A_321 = arith.constant 0 : i32
        %dma_start3A_322 = tpu.memref_slice %arg4[%arg0, %mul3A_313, %dma_start3A_321] : memref<2x10000x128xf32, #tpu.memory_space<hbm>> -> memref<1x80x128xf32, #tpu.memory_space<hbm>>
        %dma_start3A_323 = tpu.memref_squeeze %dma_start3A_322 : memref<1x80x128xf32, #tpu.memory_space<hbm>> -> memref<80x128xf32, #tpu.memory_space<hbm>>
        %dma_start3A_324 = arith.constant 0 : i32
        %dma_start3A_325 = tpu.memref_slice %arg18[%mul3A_311, %dma_start3A_324] : memref<10000x128xf32, #tpu.memory_space<vmem_shared>> -> memref<80x128xf32, #tpu.memory_space<vmem_shared>>
        tpu.enqueue_dma source(%dma_start3A_325 : memref<80x128xf32, #tpu.memory_space<vmem_shared>>) target(%dma_start3A_323 : memref<80x128xf32, #tpu.memory_space<hbm>>) target_semaphore(%run_scoped3A : memref<!tpu.dma_semaphore, #tpu.memory_space<semaphore_mem>>)
        %dma_wait3A_326 = arith.constant 0 : i32
        %dma_wait3A_327 = tpu.memref_slice %arg4[%arg0, %mul3A_313, %dma_wait3A_326] : memref<2x10000x128xf32, #tpu.memory_space<hbm>> -> memref<1x80x128xf32, #tpu.memory_space<hbm>>
        %dma_wait3A_328 = tpu.memref_squeeze %dma_wait3A_327 : memref<1x80x128xf32, #tpu.memory_space<hbm>> -> memref<80x128xf32, #tpu.memory_space<hbm>>
        %dma_wait3A_329 = arith.constant 0 : i32
        %dma_wait3A_330 = tpu.memref_slice %arg18[%mul3A_311, %dma_wait3A_329] : memref<10000x128xf32, #tpu.memory_space<vmem_shared>> -> memref<80x128xf32, #tpu.memory_space<vmem_shared>>
        tpu.wait_dma2 semaphore(%run_scoped3A : memref<!tpu.dma_semaphore, #tpu.memory_space<semaphore_mem>>) src(%dma_wait3A_330 : memref<80x128xf32, #tpu.memory_space<vmem_shared>>) dst(%dma_wait3A_328 : memref<80x128xf32, #tpu.memory_space<hbm>>)
        tpu.yield
      }) : () -> ()
      %mul3A_314 = arith.constant 80 : i32
      %mul3A_315 = arith.muli %add3A_286, %mul3A_314 : i32
      "tpu.region"() ({
        %run_scoped3A = tpu.sem_alloc : memref<!tpu.dma_semaphore, #tpu.memory_space<semaphore_mem>>
        %dma_start3A_321 = tpu.memref_slice %arg33[%mul3A_315] : memref<10000xf32, #tpu.memory_space<vmem_shared>> -> memref<80xf32, #tpu.memory_space<vmem_shared>>
        %dma_start3A_322 = tpu.memref_slice %arg33[%mul3A_315] : memref<10000xf32, #tpu.memory_space<vmem_shared>> -> memref<80xf32, #tpu.memory_space<vmem_shared>>
        tpu.enqueue_dma source(%dma_start3A_322 : memref<80xf32, #tpu.memory_space<vmem_shared>>) target(%arg32 : memref<80xf32, #tpu.memory_space<vmem>>) target_semaphore(%run_scoped3A : memref<!tpu.dma_semaphore, #tpu.memory_space<semaphore_mem>>)
        %dma_wait3A_323 = tpu.memref_slice %arg33[%mul3A_315] : memref<10000xf32, #tpu.memory_space<vmem_shared>> -> memref<80xf32, #tpu.memory_space<vmem_shared>>
        %dma_wait3A_324 = tpu.memref_slice %arg33[%mul3A_315] : memref<10000xf32, #tpu.memory_space<vmem_shared>> -> memref<80xf32, #tpu.memory_space<vmem_shared>>
        tpu.wait_dma2 semaphore(%run_scoped3A : memref<!tpu.dma_semaphore, #tpu.memory_space<semaphore_mem>>) src(%dma_wait3A_324 : memref<80xf32, #tpu.memory_space<vmem_shared>>) dst(%arg32 : memref<80xf32, #tpu.memory_space<vmem>>)
        tpu.yield
      }) : () -> ()
      %mul3A_316 = arith.constant 10000 : i32
      %mul3A_317 = arith.muli %arg0, %mul3A_316 : i32
      %mul3A_318 = arith.constant 80 : i32
      %mul3A_319 = arith.muli %add3A_286, %mul3A_318 : i32
      %add3A_320 = arith.addi %mul3A_317, %mul3A_319 : i32
      "tpu.region"() ({
        %run_scoped3A = tpu.sem_alloc : memref<!tpu.dma_semaphore, #tpu.memory_space<semaphore_mem>>
        %dma_start3A_321 = tpu.memref_slice %arg5[%add3A_320] : memref<20000xf32, #tpu.memory_space<hbm>> -> memref<80xf32, #tpu.memory_space<hbm>>
        %dma_start3A_322 = tpu.memref_slice %arg5[%add3A_320] : memref<20000xf32, #tpu.memory_space<hbm>> -> memref<80xf32, #tpu.memory_space<hbm>>
        tpu.enqueue_dma source(%arg32 : memref<80xf32, #tpu.memory_space<vmem>>) target(%dma_start3A_322 : memref<80xf32, #tpu.memory_space<hbm>>) target_semaphore(%run_scoped3A : memref<!tpu.dma_semaphore, #tpu.memory_space<semaphore_mem>>)
        %dma_wait3A_323 = tpu.memref_slice %arg5[%add3A_320] : memref<20000xf32, #tpu.memory_space<hbm>> -> memref<80xf32, #tpu.memory_space<hbm>>
        %dma_wait3A_324 = tpu.memref_slice %arg5[%add3A_320] : memref<20000xf32, #tpu.memory_space<hbm>> -> memref<80xf32, #tpu.memory_space<hbm>>
        tpu.wait_dma2 semaphore(%run_scoped3A : memref<!tpu.dma_semaphore, #tpu.memory_space<semaphore_mem>>) src(%arg32 : memref<80xf32, #tpu.memory_space<vmem>>) dst(%dma_wait3A_324 : memref<80xf32, #tpu.memory_space<hbm>>)
        tpu.yield
      }) : () -> ()
    } else {
    }
    %mul3A_292 = arith.constant 8 : i32
    %mul3A_293 = arith.muli %arg1, %mul3A_292 : i32
    %add3A_294 = arith.constant 6 : i32
    %add3A_295 = arith.addi %mul3A_293, %add3A_294 : i32
    %lt3A_296 = arith.constant 125 : i32
    %lt3A_297 = arith.cmpi slt, %add3A_295, %lt3A_296 : i32
    %convert_element_type3A_298 = arith.extui %lt3A_297 : i1 to i32
    %cond3A_299 = arith.constant 0 : i32
    %cond3A_300 = arith.cmpi ne, %convert_element_type3A_298, %cond3A_299 : i32
    scf.if %cond3A_300 {
      %mul3A_310 = arith.constant 80 : i32
      %mul3A_311 = arith.muli %add3A_295, %mul3A_310 : i32
      %mul3A_312 = arith.constant 80 : i32
      %mul3A_313 = arith.muli %add3A_295, %mul3A_312 : i32
      "tpu.region"() ({
        %run_scoped3A = tpu.sem_alloc : memref<!tpu.dma_semaphore, #tpu.memory_space<semaphore_mem>>
        %dma_start3A_321 = arith.constant 0 : i32
        %dma_start3A_322 = tpu.memref_slice %arg4[%arg0, %mul3A_313, %dma_start3A_321] : memref<2x10000x128xf32, #tpu.memory_space<hbm>> -> memref<1x80x128xf32, #tpu.memory_space<hbm>>
        %dma_start3A_323 = tpu.memref_squeeze %dma_start3A_322 : memref<1x80x128xf32, #tpu.memory_space<hbm>> -> memref<80x128xf32, #tpu.memory_space<hbm>>
        %dma_start3A_324 = arith.constant 0 : i32
        %dma_start3A_325 = tpu.memref_slice %arg18[%mul3A_311, %dma_start3A_324] : memref<10000x128xf32, #tpu.memory_space<vmem_shared>> -> memref<80x128xf32, #tpu.memory_space<vmem_shared>>
        tpu.enqueue_dma source(%dma_start3A_325 : memref<80x128xf32, #tpu.memory_space<vmem_shared>>) target(%dma_start3A_323 : memref<80x128xf32, #tpu.memory_space<hbm>>) target_semaphore(%run_scoped3A : memref<!tpu.dma_semaphore, #tpu.memory_space<semaphore_mem>>)
        %dma_wait3A_326 = arith.constant 0 : i32
        %dma_wait3A_327 = tpu.memref_slice %arg4[%arg0, %mul3A_313, %dma_wait3A_326] : memref<2x10000x128xf32, #tpu.memory_space<hbm>> -> memref<1x80x128xf32, #tpu.memory_space<hbm>>
        %dma_wait3A_328 = tpu.memref_squeeze %dma_wait3A_327 : memref<1x80x128xf32, #tpu.memory_space<hbm>> -> memref<80x128xf32, #tpu.memory_space<hbm>>
        %dma_wait3A_329 = arith.constant 0 : i32
        %dma_wait3A_330 = tpu.memref_slice %arg18[%mul3A_311, %dma_wait3A_329] : memref<10000x128xf32, #tpu.memory_space<vmem_shared>> -> memref<80x128xf32, #tpu.memory_space<vmem_shared>>
        tpu.wait_dma2 semaphore(%run_scoped3A : memref<!tpu.dma_semaphore, #tpu.memory_space<semaphore_mem>>) src(%dma_wait3A_330 : memref<80x128xf32, #tpu.memory_space<vmem_shared>>) dst(%dma_wait3A_328 : memref<80x128xf32, #tpu.memory_space<hbm>>)
        tpu.yield
      }) : () -> ()
      %mul3A_314 = arith.constant 80 : i32
      %mul3A_315 = arith.muli %add3A_295, %mul3A_314 : i32
      "tpu.region"() ({
        %run_scoped3A = tpu.sem_alloc : memref<!tpu.dma_semaphore, #tpu.memory_space<semaphore_mem>>
        %dma_start3A_321 = tpu.memref_slice %arg33[%mul3A_315] : memref<10000xf32, #tpu.memory_space<vmem_shared>> -> memref<80xf32, #tpu.memory_space<vmem_shared>>
        %dma_start3A_322 = tpu.memref_slice %arg33[%mul3A_315] : memref<10000xf32, #tpu.memory_space<vmem_shared>> -> memref<80xf32, #tpu.memory_space<vmem_shared>>
        tpu.enqueue_dma source(%dma_start3A_322 : memref<80xf32, #tpu.memory_space<vmem_shared>>) target(%arg32 : memref<80xf32, #tpu.memory_space<vmem>>) target_semaphore(%run_scoped3A : memref<!tpu.dma_semaphore, #tpu.memory_space<semaphore_mem>>)
        %dma_wait3A_323 = tpu.memref_slice %arg33[%mul3A_315] : memref<10000xf32, #tpu.memory_space<vmem_shared>> -> memref<80xf32, #tpu.memory_space<vmem_shared>>
        %dma_wait3A_324 = tpu.memref_slice %arg33[%mul3A_315] : memref<10000xf32, #tpu.memory_space<vmem_shared>> -> memref<80xf32, #tpu.memory_space<vmem_shared>>
        tpu.wait_dma2 semaphore(%run_scoped3A : memref<!tpu.dma_semaphore, #tpu.memory_space<semaphore_mem>>) src(%dma_wait3A_324 : memref<80xf32, #tpu.memory_space<vmem_shared>>) dst(%arg32 : memref<80xf32, #tpu.memory_space<vmem>>)
        tpu.yield
      }) : () -> ()
      %mul3A_316 = arith.constant 10000 : i32
      %mul3A_317 = arith.muli %arg0, %mul3A_316 : i32
      %mul3A_318 = arith.constant 80 : i32
      %mul3A_319 = arith.muli %add3A_295, %mul3A_318 : i32
      %add3A_320 = arith.addi %mul3A_317, %mul3A_319 : i32
      "tpu.region"() ({
        %run_scoped3A = tpu.sem_alloc : memref<!tpu.dma_semaphore, #tpu.memory_space<semaphore_mem>>
        %dma_start3A_321 = tpu.memref_slice %arg5[%add3A_320] : memref<20000xf32, #tpu.memory_space<hbm>> -> memref<80xf32, #tpu.memory_space<hbm>>
        %dma_start3A_322 = tpu.memref_slice %arg5[%add3A_320] : memref<20000xf32, #tpu.memory_space<hbm>> -> memref<80xf32, #tpu.memory_space<hbm>>
        tpu.enqueue_dma source(%arg32 : memref<80xf32, #tpu.memory_space<vmem>>) target(%dma_start3A_322 : memref<80xf32, #tpu.memory_space<hbm>>) target_semaphore(%run_scoped3A : memref<!tpu.dma_semaphore, #tpu.memory_space<semaphore_mem>>)
        %dma_wait3A_323 = tpu.memref_slice %arg5[%add3A_320] : memref<20000xf32, #tpu.memory_space<hbm>> -> memref<80xf32, #tpu.memory_space<hbm>>
        %dma_wait3A_324 = tpu.memref_slice %arg5[%add3A_320] : memref<20000xf32, #tpu.memory_space<hbm>> -> memref<80xf32, #tpu.memory_space<hbm>>
        tpu.wait_dma2 semaphore(%run_scoped3A : memref<!tpu.dma_semaphore, #tpu.memory_space<semaphore_mem>>) src(%arg32 : memref<80xf32, #tpu.memory_space<vmem>>) dst(%dma_wait3A_324 : memref<80xf32, #tpu.memory_space<hbm>>)
        tpu.yield
      }) : () -> ()
    } else {
    }
    %mul3A_301 = arith.constant 8 : i32
    %mul3A_302 = arith.muli %arg1, %mul3A_301 : i32
    %add3A_303 = arith.constant 7 : i32
    %add3A_304 = arith.addi %mul3A_302, %add3A_303 : i32
    %lt3A_305 = arith.constant 125 : i32
    %lt3A_306 = arith.cmpi slt, %add3A_304, %lt3A_305 : i32
    %convert_element_type3A_307 = arith.extui %lt3A_306 : i1 to i32
    %cond3A_308 = arith.constant 0 : i32
    %cond3A_309 = arith.cmpi ne, %convert_element_type3A_307, %cond3A_308 : i32
    scf.if %cond3A_309 {
      %mul3A_310 = arith.constant 80 : i32
      %mul3A_311 = arith.muli %add3A_304, %mul3A_310 : i32
      %mul3A_312 = arith.constant 80 : i32
      %mul3A_313 = arith.muli %add3A_304, %mul3A_312 : i32
      "tpu.region"() ({
        %run_scoped3A = tpu.sem_alloc : memref<!tpu.dma_semaphore, #tpu.memory_space<semaphore_mem>>
        %dma_start3A_321 = arith.constant 0 : i32
        %dma_start3A_322 = tpu.memref_slice %arg4[%arg0, %mul3A_313, %dma_start3A_321] : memref<2x10000x128xf32, #tpu.memory_space<hbm>> -> memref<1x80x128xf32, #tpu.memory_space<hbm>>
        %dma_start3A_323 = tpu.memref_squeeze %dma_start3A_322 : memref<1x80x128xf32, #tpu.memory_space<hbm>> -> memref<80x128xf32, #tpu.memory_space<hbm>>
        %dma_start3A_324 = arith.constant 0 : i32
        %dma_start3A_325 = tpu.memref_slice %arg18[%mul3A_311, %dma_start3A_324] : memref<10000x128xf32, #tpu.memory_space<vmem_shared>> -> memref<80x128xf32, #tpu.memory_space<vmem_shared>>
        tpu.enqueue_dma source(%dma_start3A_325 : memref<80x128xf32, #tpu.memory_space<vmem_shared>>) target(%dma_start3A_323 : memref<80x128xf32, #tpu.memory_space<hbm>>) target_semaphore(%run_scoped3A : memref<!tpu.dma_semaphore, #tpu.memory_space<semaphore_mem>>)
        %dma_wait3A_326 = arith.constant 0 : i32
        %dma_wait3A_327 = tpu.memref_slice %arg4[%arg0, %mul3A_313, %dma_wait3A_326] : memref<2x10000x128xf32, #tpu.memory_space<hbm>> -> memref<1x80x128xf32, #tpu.memory_space<hbm>>
        %dma_wait3A_328 = tpu.memref_squeeze %dma_wait3A_327 : memref<1x80x128xf32, #tpu.memory_space<hbm>> -> memref<80x128xf32, #tpu.memory_space<hbm>>
        %dma_wait3A_329 = arith.constant 0 : i32
        %dma_wait3A_330 = tpu.memref_slice %arg18[%mul3A_311, %dma_wait3A_329] : memref<10000x128xf32, #tpu.memory_space<vmem_shared>> -> memref<80x128xf32, #tpu.memory_space<vmem_shared>>
        tpu.wait_dma2 semaphore(%run_scoped3A : memref<!tpu.dma_semaphore, #tpu.memory_space<semaphore_mem>>) src(%dma_wait3A_330 : memref<80x128xf32, #tpu.memory_space<vmem_shared>>) dst(%dma_wait3A_328 : memref<80x128xf32, #tpu.memory_space<hbm>>)
        tpu.yield
      }) : () -> ()
      %mul3A_314 = arith.constant 80 : i32
      %mul3A_315 = arith.muli %add3A_304, %mul3A_314 : i32
      "tpu.region"() ({
        %run_scoped3A = tpu.sem_alloc : memref<!tpu.dma_semaphore, #tpu.memory_space<semaphore_mem>>
        %dma_start3A_321 = tpu.memref_slice %arg33[%mul3A_315] : memref<10000xf32, #tpu.memory_space<vmem_shared>> -> memref<80xf32, #tpu.memory_space<vmem_shared>>
        %dma_start3A_322 = tpu.memref_slice %arg33[%mul3A_315] : memref<10000xf32, #tpu.memory_space<vmem_shared>> -> memref<80xf32, #tpu.memory_space<vmem_shared>>
        tpu.enqueue_dma source(%dma_start3A_322 : memref<80xf32, #tpu.memory_space<vmem_shared>>) target(%arg32 : memref<80xf32, #tpu.memory_space<vmem>>) target_semaphore(%run_scoped3A : memref<!tpu.dma_semaphore, #tpu.memory_space<semaphore_mem>>)
        %dma_wait3A_323 = tpu.memref_slice %arg33[%mul3A_315] : memref<10000xf32, #tpu.memory_space<vmem_shared>> -> memref<80xf32, #tpu.memory_space<vmem_shared>>
        %dma_wait3A_324 = tpu.memref_slice %arg33[%mul3A_315] : memref<10000xf32, #tpu.memory_space<vmem_shared>> -> memref<80xf32, #tpu.memory_space<vmem_shared>>
        tpu.wait_dma2 semaphore(%run_scoped3A : memref<!tpu.dma_semaphore, #tpu.memory_space<semaphore_mem>>) src(%dma_wait3A_324 : memref<80xf32, #tpu.memory_space<vmem_shared>>) dst(%arg32 : memref<80xf32, #tpu.memory_space<vmem>>)
        tpu.yield
      }) : () -> ()
      %mul3A_316 = arith.constant 10000 : i32
      %mul3A_317 = arith.muli %arg0, %mul3A_316 : i32
      %mul3A_318 = arith.constant 80 : i32
      %mul3A_319 = arith.muli %add3A_304, %mul3A_318 : i32
      %add3A_320 = arith.addi %mul3A_317, %mul3A_319 : i32
      "tpu.region"() ({
        %run_scoped3A = tpu.sem_alloc : memref<!tpu.dma_semaphore, #tpu.memory_space<semaphore_mem>>
        %dma_start3A_321 = tpu.memref_slice %arg5[%add3A_320] : memref<20000xf32, #tpu.memory_space<hbm>> -> memref<80xf32, #tpu.memory_space<hbm>>
        %dma_start3A_322 = tpu.memref_slice %arg5[%add3A_320] : memref<20000xf32, #tpu.memory_space<hbm>> -> memref<80xf32, #tpu.memory_space<hbm>>
        tpu.enqueue_dma source(%arg32 : memref<80xf32, #tpu.memory_space<vmem>>) target(%dma_start3A_322 : memref<80xf32, #tpu.memory_space<hbm>>) target_semaphore(%run_scoped3A : memref<!tpu.dma_semaphore, #tpu.memory_space<semaphore_mem>>)
        %dma_wait3A_323 = tpu.memref_slice %arg5[%add3A_320] : memref<20000xf32, #tpu.memory_space<hbm>> -> memref<80xf32, #tpu.memory_space<hbm>>
        %dma_wait3A_324 = tpu.memref_slice %arg5[%add3A_320] : memref<20000xf32, #tpu.memory_space<hbm>> -> memref<80xf32, #tpu.memory_space<hbm>>
        tpu.wait_dma2 semaphore(%run_scoped3A : memref<!tpu.dma_semaphore, #tpu.memory_space<semaphore_mem>>) src(%arg32 : memref<80xf32, #tpu.memory_space<vmem>>) dst(%dma_wait3A_324 : memref<80xf32, #tpu.memory_space<hbm>>)
        tpu.yield
      }) : () -> ()
    } else {
    }
    return
  }
}

#map = affine_map<(d0, d1) -> (0, 0)>
#map1 = affine_map<(d0, d1) -> (0, 0, 0, 0)>
#map2 = affine_map<(d0, d1) -> (0, 0, 0)>
module attributes {stable_mosaic.version = 14 : i64} {
  func.func @body(%arg0: i32, %arg1: i32, %arg2: memref<10000x64xf32, #tpu.memory_space<hbm>>, %arg3: memref<32x125x2x80xi32, #tpu.memory_space<hbm>>, %arg4: memref<2x10000x64xf32, #tpu.memory_space<hbm>>, %arg5: memref<2x80xi32, #tpu.memory_space<vmem>>, %arg6: memref<2x80xi32, #tpu.memory_space<vmem>>, %arg7: memref<2x80xi32, #tpu.memory_space<vmem>>, %arg8: memref<2x80xi32, #tpu.memory_space<vmem>>, %arg9: memref<2x80xi32, #tpu.memory_space<vmem>>, %arg10: memref<2x80xi32, #tpu.memory_space<vmem>>, %arg11: memref<2x80xi32, #tpu.memory_space<vmem>>, %arg12: memref<2x80xi32, #tpu.memory_space<vmem>>, %arg13: memref<2x80xi32, #tpu.memory_space<vmem>>, %arg14: memref<2x80xi32, #tpu.memory_space<vmem>>, %arg15: memref<2x80xi32, #tpu.memory_space<vmem>>, %arg16: memref<2x80xi32, #tpu.memory_space<vmem>>, %arg17: memref<2x80xi32, #tpu.memory_space<vmem>>, %arg18: memref<2x80xi32, #tpu.memory_space<vmem>>, %arg19: memref<2x80xi32, #tpu.memory_space<vmem>>, %arg20: memref<2x80xi32, #tpu.memory_space<vmem>>, %arg21: memref<80x64xf32, #tpu.memory_space<vmem>>, %arg22: memref<80x64xf32, #tpu.memory_space<vmem>>, %arg23: memref<80x64xf32, #tpu.memory_space<vmem>>, %arg24: memref<80x64xf32, #tpu.memory_space<vmem>>, %arg25: memref<80x64xf32, #tpu.memory_space<vmem>>, %arg26: memref<80x64xf32, #tpu.memory_space<vmem>>, %arg27: memref<80x64xf32, #tpu.memory_space<vmem>>, %arg28: memref<80x64xf32, #tpu.memory_space<vmem>>, %arg29: memref<10000x64xf32, #tpu.memory_space<vmem_shared>>, %arg30: memref<!tpu.dma_semaphore, #tpu.memory_space<semaphore_mem>>, %arg31: memref<!tpu.dma_semaphore, #tpu.memory_space<semaphore_mem>>, %arg32: memref<!tpu.dma_semaphore, #tpu.memory_space<semaphore_mem>>, %arg33: memref<!tpu.dma_semaphore, #tpu.memory_space<semaphore_mem>>, %arg34: memref<!tpu.dma_semaphore, #tpu.memory_space<semaphore_mem>>, %arg35: memref<!tpu.dma_semaphore, #tpu.memory_space<semaphore_mem>>, %arg36: memref<!tpu.dma_semaphore, #tpu.memory_space<semaphore_mem>>, %arg37: memref<!tpu.dma_semaphore, #tpu.memory_space<semaphore_mem>>, %arg38: memref<!tpu.dma_semaphore, #tpu.memory_space<semaphore_mem>>, %arg39: memref<!tpu.dma_semaphore, #tpu.memory_space<semaphore_mem>>, %arg40: memref<!tpu.dma_semaphore, #tpu.memory_space<semaphore_mem>>, %arg41: memref<!tpu.dma_semaphore, #tpu.memory_space<semaphore_mem>>, %arg42: memref<!tpu.dma_semaphore, #tpu.memory_space<semaphore_mem>>, %arg43: memref<!tpu.dma_semaphore, #tpu.memory_space<semaphore_mem>>, %arg44: memref<!tpu.dma_semaphore, #tpu.memory_space<semaphore_mem>>, %arg45: memref<!tpu.dma_semaphore, #tpu.memory_space<semaphore_mem>>, %arg46: memref<!tpu.dma_semaphore, #tpu.memory_space<semaphore_mem>>, %arg47: memref<!tpu.dma_semaphore, #tpu.memory_space<semaphore_mem>>, %arg48: memref<!tpu.dma_semaphore, #tpu.memory_space<semaphore_mem>>, %arg49: memref<!tpu.dma_semaphore, #tpu.memory_space<semaphore_mem>>, %arg50: memref<!tpu.dma_semaphore, #tpu.memory_space<semaphore_mem>>, %arg51: memref<!tpu.dma_semaphore, #tpu.memory_space<semaphore_mem>>, %arg52: memref<!tpu.dma_semaphore, #tpu.memory_space<semaphore_mem>>, %arg53: memref<!tpu.dma_semaphore, #tpu.memory_space<semaphore_mem>>) attributes {dimension_semantics = [#tpu.dimension_semantics<core_parallel>, #tpu.dimension_semantics<subcore_parallel>], iteration_bounds = array<i64: 2, 16>, scalar_prefetch = 0 : i64, scratch_operands = 49 : i64, tpu.core_type = #tpu.core_type<sc_vector_subcore>, window_params = [{transform_indices = #map}, {transform_indices = #map1}, {transform_indices = #map2}]} {
    %mul3A = arith.constant 16 : i32
    %mul3A_0 = arith.muli %arg0, %mul3A : i32
    %add3A = arith.addi %mul3A_0, %arg1 : i32
    %dma_start3A = arith.constant 0 : i32
    %dma_start3A_1 = arith.constant 0 : i32
    %dma_start3A_2 = arith.constant 0 : i32
    %dma_start3A_3 = tpu.memref_slice %arg3[%add3A, %dma_start3A, %dma_start3A_1, %dma_start3A_2] : memref<32x125x2x80xi32, #tpu.memory_space<hbm>> -> memref<1x1x2x80xi32, #tpu.memory_space<hbm>>
    %dma_start3A_4 = tpu.memref_squeeze %dma_start3A_3 : memref<1x1x2x80xi32, #tpu.memory_space<hbm>> -> memref<2x80xi32, #tpu.memory_space<hbm>>
    %dma_start3A_5 = arith.constant 0 : i32
    %dma_start3A_6 = arith.constant 0 : i32
    %dma_start3A_7 = tpu.memref_slice %arg3[%add3A, %dma_start3A, %dma_start3A_5, %dma_start3A_6] : memref<32x125x2x80xi32, #tpu.memory_space<hbm>> -> memref<1x1x2x80xi32, #tpu.memory_space<hbm>>
    %dma_start3A_8 = tpu.memref_squeeze %dma_start3A_7 : memref<1x1x2x80xi32, #tpu.memory_space<hbm>> -> memref<2x80xi32, #tpu.memory_space<hbm>>
    tpu.enqueue_dma source(%dma_start3A_8 : memref<2x80xi32, #tpu.memory_space<hbm>>) target(%arg5 : memref<2x80xi32, #tpu.memory_space<vmem>>) target_semaphore(%arg30 : memref<!tpu.dma_semaphore, #tpu.memory_space<semaphore_mem>>)
    %dma_start3A_9 = arith.constant 1 : i32
    %dma_start3A_10 = arith.constant 0 : i32
    %dma_start3A_11 = arith.constant 0 : i32
    %dma_start3A_12 = tpu.memref_slice %arg3[%add3A, %dma_start3A_9, %dma_start3A_10, %dma_start3A_11] : memref<32x125x2x80xi32, #tpu.memory_space<hbm>> -> memref<1x1x2x80xi32, #tpu.memory_space<hbm>>
    %dma_start3A_13 = tpu.memref_squeeze %dma_start3A_12 : memref<1x1x2x80xi32, #tpu.memory_space<hbm>> -> memref<2x80xi32, #tpu.memory_space<hbm>>
    %dma_start3A_14 = arith.constant 0 : i32
    %dma_start3A_15 = arith.constant 0 : i32
    %dma_start3A_16 = tpu.memref_slice %arg3[%add3A, %dma_start3A_9, %dma_start3A_14, %dma_start3A_15] : memref<32x125x2x80xi32, #tpu.memory_space<hbm>> -> memref<1x1x2x80xi32, #tpu.memory_space<hbm>>
    %dma_start3A_17 = tpu.memref_squeeze %dma_start3A_16 : memref<1x1x2x80xi32, #tpu.memory_space<hbm>> -> memref<2x80xi32, #tpu.memory_space<hbm>>
    tpu.enqueue_dma source(%dma_start3A_17 : memref<2x80xi32, #tpu.memory_space<hbm>>) target(%arg6 : memref<2x80xi32, #tpu.memory_space<vmem>>) target_semaphore(%arg31 : memref<!tpu.dma_semaphore, #tpu.memory_space<semaphore_mem>>)
    %dma_start3A_18 = arith.constant 2 : i32
    %dma_start3A_19 = arith.constant 0 : i32
    %dma_start3A_20 = arith.constant 0 : i32
    %dma_start3A_21 = tpu.memref_slice %arg3[%add3A, %dma_start3A_18, %dma_start3A_19, %dma_start3A_20] : memref<32x125x2x80xi32, #tpu.memory_space<hbm>> -> memref<1x1x2x80xi32, #tpu.memory_space<hbm>>
    %dma_start3A_22 = tpu.memref_squeeze %dma_start3A_21 : memref<1x1x2x80xi32, #tpu.memory_space<hbm>> -> memref<2x80xi32, #tpu.memory_space<hbm>>
    %dma_start3A_23 = arith.constant 0 : i32
    %dma_start3A_24 = arith.constant 0 : i32
    %dma_start3A_25 = tpu.memref_slice %arg3[%add3A, %dma_start3A_18, %dma_start3A_23, %dma_start3A_24] : memref<32x125x2x80xi32, #tpu.memory_space<hbm>> -> memref<1x1x2x80xi32, #tpu.memory_space<hbm>>
    %dma_start3A_26 = tpu.memref_squeeze %dma_start3A_25 : memref<1x1x2x80xi32, #tpu.memory_space<hbm>> -> memref<2x80xi32, #tpu.memory_space<hbm>>
    tpu.enqueue_dma source(%dma_start3A_26 : memref<2x80xi32, #tpu.memory_space<hbm>>) target(%arg7 : memref<2x80xi32, #tpu.memory_space<vmem>>) target_semaphore(%arg32 : memref<!tpu.dma_semaphore, #tpu.memory_space<semaphore_mem>>)
    %dma_start3A_27 = arith.constant 3 : i32
    %dma_start3A_28 = arith.constant 0 : i32
    %dma_start3A_29 = arith.constant 0 : i32
    %dma_start3A_30 = tpu.memref_slice %arg3[%add3A, %dma_start3A_27, %dma_start3A_28, %dma_start3A_29] : memref<32x125x2x80xi32, #tpu.memory_space<hbm>> -> memref<1x1x2x80xi32, #tpu.memory_space<hbm>>
    %dma_start3A_31 = tpu.memref_squeeze %dma_start3A_30 : memref<1x1x2x80xi32, #tpu.memory_space<hbm>> -> memref<2x80xi32, #tpu.memory_space<hbm>>
    %dma_start3A_32 = arith.constant 0 : i32
    %dma_start3A_33 = arith.constant 0 : i32
    %dma_start3A_34 = tpu.memref_slice %arg3[%add3A, %dma_start3A_27, %dma_start3A_32, %dma_start3A_33] : memref<32x125x2x80xi32, #tpu.memory_space<hbm>> -> memref<1x1x2x80xi32, #tpu.memory_space<hbm>>
    %dma_start3A_35 = tpu.memref_squeeze %dma_start3A_34 : memref<1x1x2x80xi32, #tpu.memory_space<hbm>> -> memref<2x80xi32, #tpu.memory_space<hbm>>
    tpu.enqueue_dma source(%dma_start3A_35 : memref<2x80xi32, #tpu.memory_space<hbm>>) target(%arg8 : memref<2x80xi32, #tpu.memory_space<vmem>>) target_semaphore(%arg33 : memref<!tpu.dma_semaphore, #tpu.memory_space<semaphore_mem>>)
    %dma_start3A_36 = arith.constant 4 : i32
    %dma_start3A_37 = arith.constant 0 : i32
    %dma_start3A_38 = arith.constant 0 : i32
    %dma_start3A_39 = tpu.memref_slice %arg3[%add3A, %dma_start3A_36, %dma_start3A_37, %dma_start3A_38] : memref<32x125x2x80xi32, #tpu.memory_space<hbm>> -> memref<1x1x2x80xi32, #tpu.memory_space<hbm>>
    %dma_start3A_40 = tpu.memref_squeeze %dma_start3A_39 : memref<1x1x2x80xi32, #tpu.memory_space<hbm>> -> memref<2x80xi32, #tpu.memory_space<hbm>>
    %dma_start3A_41 = arith.constant 0 : i32
    %dma_start3A_42 = arith.constant 0 : i32
    %dma_start3A_43 = tpu.memref_slice %arg3[%add3A, %dma_start3A_36, %dma_start3A_41, %dma_start3A_42] : memref<32x125x2x80xi32, #tpu.memory_space<hbm>> -> memref<1x1x2x80xi32, #tpu.memory_space<hbm>>
    %dma_start3A_44 = tpu.memref_squeeze %dma_start3A_43 : memref<1x1x2x80xi32, #tpu.memory_space<hbm>> -> memref<2x80xi32, #tpu.memory_space<hbm>>
    tpu.enqueue_dma source(%dma_start3A_44 : memref<2x80xi32, #tpu.memory_space<hbm>>) target(%arg9 : memref<2x80xi32, #tpu.memory_space<vmem>>) target_semaphore(%arg34 : memref<!tpu.dma_semaphore, #tpu.memory_space<semaphore_mem>>)
    %dma_start3A_45 = arith.constant 5 : i32
    %dma_start3A_46 = arith.constant 0 : i32
    %dma_start3A_47 = arith.constant 0 : i32
    %dma_start3A_48 = tpu.memref_slice %arg3[%add3A, %dma_start3A_45, %dma_start3A_46, %dma_start3A_47] : memref<32x125x2x80xi32, #tpu.memory_space<hbm>> -> memref<1x1x2x80xi32, #tpu.memory_space<hbm>>
    %dma_start3A_49 = tpu.memref_squeeze %dma_start3A_48 : memref<1x1x2x80xi32, #tpu.memory_space<hbm>> -> memref<2x80xi32, #tpu.memory_space<hbm>>
    %dma_start3A_50 = arith.constant 0 : i32
    %dma_start3A_51 = arith.constant 0 : i32
    %dma_start3A_52 = tpu.memref_slice %arg3[%add3A, %dma_start3A_45, %dma_start3A_50, %dma_start3A_51] : memref<32x125x2x80xi32, #tpu.memory_space<hbm>> -> memref<1x1x2x80xi32, #tpu.memory_space<hbm>>
    %dma_start3A_53 = tpu.memref_squeeze %dma_start3A_52 : memref<1x1x2x80xi32, #tpu.memory_space<hbm>> -> memref<2x80xi32, #tpu.memory_space<hbm>>
    tpu.enqueue_dma source(%dma_start3A_53 : memref<2x80xi32, #tpu.memory_space<hbm>>) target(%arg10 : memref<2x80xi32, #tpu.memory_space<vmem>>) target_semaphore(%arg35 : memref<!tpu.dma_semaphore, #tpu.memory_space<semaphore_mem>>)
    %dma_start3A_54 = arith.constant 6 : i32
    %dma_start3A_55 = arith.constant 0 : i32
    %dma_start3A_56 = arith.constant 0 : i32
    %dma_start3A_57 = tpu.memref_slice %arg3[%add3A, %dma_start3A_54, %dma_start3A_55, %dma_start3A_56] : memref<32x125x2x80xi32, #tpu.memory_space<hbm>> -> memref<1x1x2x80xi32, #tpu.memory_space<hbm>>
    %dma_start3A_58 = tpu.memref_squeeze %dma_start3A_57 : memref<1x1x2x80xi32, #tpu.memory_space<hbm>> -> memref<2x80xi32, #tpu.memory_space<hbm>>
    %dma_start3A_59 = arith.constant 0 : i32
    %dma_start3A_60 = arith.constant 0 : i32
    %dma_start3A_61 = tpu.memref_slice %arg3[%add3A, %dma_start3A_54, %dma_start3A_59, %dma_start3A_60] : memref<32x125x2x80xi32, #tpu.memory_space<hbm>> -> memref<1x1x2x80xi32, #tpu.memory_space<hbm>>
    %dma_start3A_62 = tpu.memref_squeeze %dma_start3A_61 : memref<1x1x2x80xi32, #tpu.memory_space<hbm>> -> memref<2x80xi32, #tpu.memory_space<hbm>>
    tpu.enqueue_dma source(%dma_start3A_62 : memref<2x80xi32, #tpu.memory_space<hbm>>) target(%arg11 : memref<2x80xi32, #tpu.memory_space<vmem>>) target_semaphore(%arg36 : memref<!tpu.dma_semaphore, #tpu.memory_space<semaphore_mem>>)
    %dma_start3A_63 = arith.constant 7 : i32
    %dma_start3A_64 = arith.constant 0 : i32
    %dma_start3A_65 = arith.constant 0 : i32
    %dma_start3A_66 = tpu.memref_slice %arg3[%add3A, %dma_start3A_63, %dma_start3A_64, %dma_start3A_65] : memref<32x125x2x80xi32, #tpu.memory_space<hbm>> -> memref<1x1x2x80xi32, #tpu.memory_space<hbm>>
    %dma_start3A_67 = tpu.memref_squeeze %dma_start3A_66 : memref<1x1x2x80xi32, #tpu.memory_space<hbm>> -> memref<2x80xi32, #tpu.memory_space<hbm>>
    %dma_start3A_68 = arith.constant 0 : i32
    %dma_start3A_69 = arith.constant 0 : i32
    %dma_start3A_70 = tpu.memref_slice %arg3[%add3A, %dma_start3A_63, %dma_start3A_68, %dma_start3A_69] : memref<32x125x2x80xi32, #tpu.memory_space<hbm>> -> memref<1x1x2x80xi32, #tpu.memory_space<hbm>>
    %dma_start3A_71 = tpu.memref_squeeze %dma_start3A_70 : memref<1x1x2x80xi32, #tpu.memory_space<hbm>> -> memref<2x80xi32, #tpu.memory_space<hbm>>
    tpu.enqueue_dma source(%dma_start3A_71 : memref<2x80xi32, #tpu.memory_space<hbm>>) target(%arg12 : memref<2x80xi32, #tpu.memory_space<vmem>>) target_semaphore(%arg37 : memref<!tpu.dma_semaphore, #tpu.memory_space<semaphore_mem>>)
    %dma_start3A_72 = arith.constant 8 : i32
    %dma_start3A_73 = arith.constant 0 : i32
    %dma_start3A_74 = arith.constant 0 : i32
    %dma_start3A_75 = tpu.memref_slice %arg3[%add3A, %dma_start3A_72, %dma_start3A_73, %dma_start3A_74] : memref<32x125x2x80xi32, #tpu.memory_space<hbm>> -> memref<1x1x2x80xi32, #tpu.memory_space<hbm>>
    %dma_start3A_76 = tpu.memref_squeeze %dma_start3A_75 : memref<1x1x2x80xi32, #tpu.memory_space<hbm>> -> memref<2x80xi32, #tpu.memory_space<hbm>>
    %dma_start3A_77 = arith.constant 0 : i32
    %dma_start3A_78 = arith.constant 0 : i32
    %dma_start3A_79 = tpu.memref_slice %arg3[%add3A, %dma_start3A_72, %dma_start3A_77, %dma_start3A_78] : memref<32x125x2x80xi32, #tpu.memory_space<hbm>> -> memref<1x1x2x80xi32, #tpu.memory_space<hbm>>
    %dma_start3A_80 = tpu.memref_squeeze %dma_start3A_79 : memref<1x1x2x80xi32, #tpu.memory_space<hbm>> -> memref<2x80xi32, #tpu.memory_space<hbm>>
    tpu.enqueue_dma source(%dma_start3A_80 : memref<2x80xi32, #tpu.memory_space<hbm>>) target(%arg13 : memref<2x80xi32, #tpu.memory_space<vmem>>) target_semaphore(%arg38 : memref<!tpu.dma_semaphore, #tpu.memory_space<semaphore_mem>>)
    %dma_start3A_81 = arith.constant 9 : i32
    %dma_start3A_82 = arith.constant 0 : i32
    %dma_start3A_83 = arith.constant 0 : i32
    %dma_start3A_84 = tpu.memref_slice %arg3[%add3A, %dma_start3A_81, %dma_start3A_82, %dma_start3A_83] : memref<32x125x2x80xi32, #tpu.memory_space<hbm>> -> memref<1x1x2x80xi32, #tpu.memory_space<hbm>>
    %dma_start3A_85 = tpu.memref_squeeze %dma_start3A_84 : memref<1x1x2x80xi32, #tpu.memory_space<hbm>> -> memref<2x80xi32, #tpu.memory_space<hbm>>
    %dma_start3A_86 = arith.constant 0 : i32
    %dma_start3A_87 = arith.constant 0 : i32
    %dma_start3A_88 = tpu.memref_slice %arg3[%add3A, %dma_start3A_81, %dma_start3A_86, %dma_start3A_87] : memref<32x125x2x80xi32, #tpu.memory_space<hbm>> -> memref<1x1x2x80xi32, #tpu.memory_space<hbm>>
    %dma_start3A_89 = tpu.memref_squeeze %dma_start3A_88 : memref<1x1x2x80xi32, #tpu.memory_space<hbm>> -> memref<2x80xi32, #tpu.memory_space<hbm>>
    tpu.enqueue_dma source(%dma_start3A_89 : memref<2x80xi32, #tpu.memory_space<hbm>>) target(%arg14 : memref<2x80xi32, #tpu.memory_space<vmem>>) target_semaphore(%arg39 : memref<!tpu.dma_semaphore, #tpu.memory_space<semaphore_mem>>)
    %dma_start3A_90 = arith.constant 10 : i32
    %dma_start3A_91 = arith.constant 0 : i32
    %dma_start3A_92 = arith.constant 0 : i32
    %dma_start3A_93 = tpu.memref_slice %arg3[%add3A, %dma_start3A_90, %dma_start3A_91, %dma_start3A_92] : memref<32x125x2x80xi32, #tpu.memory_space<hbm>> -> memref<1x1x2x80xi32, #tpu.memory_space<hbm>>
    %dma_start3A_94 = tpu.memref_squeeze %dma_start3A_93 : memref<1x1x2x80xi32, #tpu.memory_space<hbm>> -> memref<2x80xi32, #tpu.memory_space<hbm>>
    %dma_start3A_95 = arith.constant 0 : i32
    %dma_start3A_96 = arith.constant 0 : i32
    %dma_start3A_97 = tpu.memref_slice %arg3[%add3A, %dma_start3A_90, %dma_start3A_95, %dma_start3A_96] : memref<32x125x2x80xi32, #tpu.memory_space<hbm>> -> memref<1x1x2x80xi32, #tpu.memory_space<hbm>>
    %dma_start3A_98 = tpu.memref_squeeze %dma_start3A_97 : memref<1x1x2x80xi32, #tpu.memory_space<hbm>> -> memref<2x80xi32, #tpu.memory_space<hbm>>
    tpu.enqueue_dma source(%dma_start3A_98 : memref<2x80xi32, #tpu.memory_space<hbm>>) target(%arg15 : memref<2x80xi32, #tpu.memory_space<vmem>>) target_semaphore(%arg40 : memref<!tpu.dma_semaphore, #tpu.memory_space<semaphore_mem>>)
    %dma_start3A_99 = arith.constant 11 : i32
    %dma_start3A_100 = arith.constant 0 : i32
    %dma_start3A_101 = arith.constant 0 : i32
    %dma_start3A_102 = tpu.memref_slice %arg3[%add3A, %dma_start3A_99, %dma_start3A_100, %dma_start3A_101] : memref<32x125x2x80xi32, #tpu.memory_space<hbm>> -> memref<1x1x2x80xi32, #tpu.memory_space<hbm>>
    %dma_start3A_103 = tpu.memref_squeeze %dma_start3A_102 : memref<1x1x2x80xi32, #tpu.memory_space<hbm>> -> memref<2x80xi32, #tpu.memory_space<hbm>>
    %dma_start3A_104 = arith.constant 0 : i32
    %dma_start3A_105 = arith.constant 0 : i32
    %dma_start3A_106 = tpu.memref_slice %arg3[%add3A, %dma_start3A_99, %dma_start3A_104, %dma_start3A_105] : memref<32x125x2x80xi32, #tpu.memory_space<hbm>> -> memref<1x1x2x80xi32, #tpu.memory_space<hbm>>
    %dma_start3A_107 = tpu.memref_squeeze %dma_start3A_106 : memref<1x1x2x80xi32, #tpu.memory_space<hbm>> -> memref<2x80xi32, #tpu.memory_space<hbm>>
    tpu.enqueue_dma source(%dma_start3A_107 : memref<2x80xi32, #tpu.memory_space<hbm>>) target(%arg16 : memref<2x80xi32, #tpu.memory_space<vmem>>) target_semaphore(%arg41 : memref<!tpu.dma_semaphore, #tpu.memory_space<semaphore_mem>>)
    %dma_start3A_108 = arith.constant 12 : i32
    %dma_start3A_109 = arith.constant 0 : i32
    %dma_start3A_110 = arith.constant 0 : i32
    %dma_start3A_111 = tpu.memref_slice %arg3[%add3A, %dma_start3A_108, %dma_start3A_109, %dma_start3A_110] : memref<32x125x2x80xi32, #tpu.memory_space<hbm>> -> memref<1x1x2x80xi32, #tpu.memory_space<hbm>>
    %dma_start3A_112 = tpu.memref_squeeze %dma_start3A_111 : memref<1x1x2x80xi32, #tpu.memory_space<hbm>> -> memref<2x80xi32, #tpu.memory_space<hbm>>
    %dma_start3A_113 = arith.constant 0 : i32
    %dma_start3A_114 = arith.constant 0 : i32
    %dma_start3A_115 = tpu.memref_slice %arg3[%add3A, %dma_start3A_108, %dma_start3A_113, %dma_start3A_114] : memref<32x125x2x80xi32, #tpu.memory_space<hbm>> -> memref<1x1x2x80xi32, #tpu.memory_space<hbm>>
    %dma_start3A_116 = tpu.memref_squeeze %dma_start3A_115 : memref<1x1x2x80xi32, #tpu.memory_space<hbm>> -> memref<2x80xi32, #tpu.memory_space<hbm>>
    tpu.enqueue_dma source(%dma_start3A_116 : memref<2x80xi32, #tpu.memory_space<hbm>>) target(%arg17 : memref<2x80xi32, #tpu.memory_space<vmem>>) target_semaphore(%arg42 : memref<!tpu.dma_semaphore, #tpu.memory_space<semaphore_mem>>)
    %dma_start3A_117 = arith.constant 13 : i32
    %dma_start3A_118 = arith.constant 0 : i32
    %dma_start3A_119 = arith.constant 0 : i32
    %dma_start3A_120 = tpu.memref_slice %arg3[%add3A, %dma_start3A_117, %dma_start3A_118, %dma_start3A_119] : memref<32x125x2x80xi32, #tpu.memory_space<hbm>> -> memref<1x1x2x80xi32, #tpu.memory_space<hbm>>
    %dma_start3A_121 = tpu.memref_squeeze %dma_start3A_120 : memref<1x1x2x80xi32, #tpu.memory_space<hbm>> -> memref<2x80xi32, #tpu.memory_space<hbm>>
    %dma_start3A_122 = arith.constant 0 : i32
    %dma_start3A_123 = arith.constant 0 : i32
    %dma_start3A_124 = tpu.memref_slice %arg3[%add3A, %dma_start3A_117, %dma_start3A_122, %dma_start3A_123] : memref<32x125x2x80xi32, #tpu.memory_space<hbm>> -> memref<1x1x2x80xi32, #tpu.memory_space<hbm>>
    %dma_start3A_125 = tpu.memref_squeeze %dma_start3A_124 : memref<1x1x2x80xi32, #tpu.memory_space<hbm>> -> memref<2x80xi32, #tpu.memory_space<hbm>>
    tpu.enqueue_dma source(%dma_start3A_125 : memref<2x80xi32, #tpu.memory_space<hbm>>) target(%arg18 : memref<2x80xi32, #tpu.memory_space<vmem>>) target_semaphore(%arg43 : memref<!tpu.dma_semaphore, #tpu.memory_space<semaphore_mem>>)
    %broadcast_in_dim3A = arith.constant 0.000000e+00 : f32
    %broadcast_in_dim3A_126 = vector.broadcast %broadcast_in_dim3A : f32 to vector<16xf32>
    %scan3A = arith.constant 0 : i32
    %scan3A_127 = arith.constant 0 : i32
    %scan3A_128 = arith.constant 80 : i32
    %scan3A_129 = arith.addi %scan3A_127, %scan3A_128 : i32
    %scan3A_130 = arith.constant 1 : i32
    scf.for %scan3A_391 = %scan3A_127 to %scan3A_129 step %scan3A_130  : i32 {
      %swap3A = arith.index_cast %scan3A_391 : i32 to index
      %swap3A_392 = arith.constant 0 : index
      %swap3A_393 = tpu.vector_load %arg21[%swap3A, %swap3A_392] {strides = array<i32>} : memref<80x64xf32, #tpu.memory_space<vmem>>, vector<1x16xf32>,
      %swap3A_394 = vector.shape_cast %swap3A_393 : vector<1x16xf32> to vector<16xf32>
      %swap3A_395 = vector.shape_cast %broadcast_in_dim3A_126 : vector<16xf32> to vector<1x16xf32>
      tpu.vector_store %arg21[%swap3A, %swap3A_392], %swap3A_395 {strides = array<i32>} : memref<80x64xf32, #tpu.memory_space<vmem>>, vector<1x16xf32>,
      %swap3A_396 = arith.index_cast %scan3A_391 : i32 to index
      %swap3A_397 = arith.constant 16 : index
      %swap3A_398 = tpu.vector_load %arg21[%swap3A_396, %swap3A_397] {strides = array<i32>} : memref<80x64xf32, #tpu.memory_space<vmem>>, vector<1x16xf32>,
      %swap3A_399 = vector.shape_cast %swap3A_398 : vector<1x16xf32> to vector<16xf32>
      %swap3A_400 = vector.shape_cast %broadcast_in_dim3A_126 : vector<16xf32> to vector<1x16xf32>
      tpu.vector_store %arg21[%swap3A_396, %swap3A_397], %swap3A_400 {strides = array<i32>} : memref<80x64xf32, #tpu.memory_space<vmem>>, vector<1x16xf32>,
      %swap3A_401 = arith.index_cast %scan3A_391 : i32 to index
      %swap3A_402 = arith.constant 32 : index
      %swap3A_403 = tpu.vector_load %arg21[%swap3A_401, %swap3A_402] {strides = array<i32>} : memref<80x64xf32, #tpu.memory_space<vmem>>, vector<1x16xf32>,
      %swap3A_404 = vector.shape_cast %swap3A_403 : vector<1x16xf32> to vector<16xf32>
      %swap3A_405 = vector.shape_cast %broadcast_in_dim3A_126 : vector<16xf32> to vector<1x16xf32>
      tpu.vector_store %arg21[%swap3A_401, %swap3A_402], %swap3A_405 {strides = array<i32>} : memref<80x64xf32, #tpu.memory_space<vmem>>, vector<1x16xf32>,
      %swap3A_406 = arith.index_cast %scan3A_391 : i32 to index
      %swap3A_407 = arith.constant 48 : index
      %swap3A_408 = tpu.vector_load %arg21[%swap3A_406, %swap3A_407] {strides = array<i32>} : memref<80x64xf32, #tpu.memory_space<vmem>>, vector<1x16xf32>,
      %swap3A_409 = vector.shape_cast %swap3A_408 : vector<1x16xf32> to vector<16xf32>
      %swap3A_410 = vector.shape_cast %broadcast_in_dim3A_126 : vector<16xf32> to vector<1x16xf32>
      tpu.vector_store %arg21[%swap3A_406, %swap3A_407], %swap3A_410 {strides = array<i32>} : memref<80x64xf32, #tpu.memory_space<vmem>>, vector<1x16xf32>,
    }
    %scan3A_131 = arith.constant 80 : i32
    %mul3A_132 = arith.constant 8 : i32
    %mul3A_133 = arith.muli %arg1, %mul3A_132 : i32
    %add3A_134 = arith.constant 0 : i32
    %add3A_135 = arith.addi %mul3A_133, %add3A_134 : i32
    %lt3A = arith.constant 125 : i32
    %lt3A_136 = arith.cmpi slt, %add3A_135, %lt3A : i32
    %convert_element_type3A = arith.extui %lt3A_136 : i1 to i32
    %cond3A = arith.constant 0 : i32
    %cond3A_137 = arith.cmpi ne, %convert_element_type3A, %cond3A : i32
    scf.if %cond3A_137 {
      %mul3A_391 = arith.constant 80 : i32
      %mul3A_392 = arith.muli %add3A_135, %mul3A_391 : i32
      "tpu.region"() ({
        %run_scoped3A = tpu.sem_alloc : memref<!tpu.dma_semaphore, #tpu.memory_space<semaphore_mem>>
        %dma_start3A_393 = arith.constant 0 : i32
        %dma_start3A_394 = tpu.memref_slice %arg29[%mul3A_392, %dma_start3A_393] : memref<10000x64xf32, #tpu.memory_space<vmem_shared>> -> memref<80x64xf32, #tpu.memory_space<vmem_shared>>
        %dma_start3A_395 = arith.constant 0 : i32
        %dma_start3A_396 = tpu.memref_slice %arg29[%mul3A_392, %dma_start3A_395] : memref<10000x64xf32, #tpu.memory_space<vmem_shared>> -> memref<80x64xf32, #tpu.memory_space<vmem_shared>>
        tpu.enqueue_dma source(%arg21 : memref<80x64xf32, #tpu.memory_space<vmem>>) target(%dma_start3A_396 : memref<80x64xf32, #tpu.memory_space<vmem_shared>>) target_semaphore(%run_scoped3A : memref<!tpu.dma_semaphore, #tpu.memory_space<semaphore_mem>>)
        %dma_wait3A_397 = arith.constant 0 : i32
        %dma_wait3A_398 = tpu.memref_slice %arg29[%mul3A_392, %dma_wait3A_397] : memref<10000x64xf32, #tpu.memory_space<vmem_shared>> -> memref<80x64xf32, #tpu.memory_space<vmem_shared>>
        %dma_wait3A_399 = arith.constant 0 : i32
        %dma_wait3A_400 = tpu.memref_slice %arg29[%mul3A_392, %dma_wait3A_399] : memref<10000x64xf32, #tpu.memory_space<vmem_shared>> -> memref<80x64xf32, #tpu.memory_space<vmem_shared>>
        tpu.wait_dma2 semaphore(%run_scoped3A : memref<!tpu.dma_semaphore, #tpu.memory_space<semaphore_mem>>) src(%arg21 : memref<80x64xf32, #tpu.memory_space<vmem>>) dst(%dma_wait3A_400 : memref<80x64xf32, #tpu.memory_space<vmem_shared>>)
        tpu.yield
      }) : () -> ()
    } else {
    }
    %mul3A_138 = arith.constant 8 : i32
    %mul3A_139 = arith.muli %arg1, %mul3A_138 : i32
    %add3A_140 = arith.constant 1 : i32
    %add3A_141 = arith.addi %mul3A_139, %add3A_140 : i32
    %lt3A_142 = arith.constant 125 : i32
    %lt3A_143 = arith.cmpi slt, %add3A_141, %lt3A_142 : i32
    %convert_element_type3A_144 = arith.extui %lt3A_143 : i1 to i32
    %cond3A_145 = arith.constant 0 : i32
    %cond3A_146 = arith.cmpi ne, %convert_element_type3A_144, %cond3A_145 : i32
    scf.if %cond3A_146 {
      %mul3A_391 = arith.constant 80 : i32
      %mul3A_392 = arith.muli %add3A_141, %mul3A_391 : i32
      "tpu.region"() ({
        %run_scoped3A = tpu.sem_alloc : memref<!tpu.dma_semaphore, #tpu.memory_space<semaphore_mem>>
        %dma_start3A_393 = arith.constant 0 : i32
        %dma_start3A_394 = tpu.memref_slice %arg29[%mul3A_392, %dma_start3A_393] : memref<10000x64xf32, #tpu.memory_space<vmem_shared>> -> memref<80x64xf32, #tpu.memory_space<vmem_shared>>
        %dma_start3A_395 = arith.constant 0 : i32
        %dma_start3A_396 = tpu.memref_slice %arg29[%mul3A_392, %dma_start3A_395] : memref<10000x64xf32, #tpu.memory_space<vmem_shared>> -> memref<80x64xf32, #tpu.memory_space<vmem_shared>>
        tpu.enqueue_dma source(%arg21 : memref<80x64xf32, #tpu.memory_space<vmem>>) target(%dma_start3A_396 : memref<80x64xf32, #tpu.memory_space<vmem_shared>>) target_semaphore(%run_scoped3A : memref<!tpu.dma_semaphore, #tpu.memory_space<semaphore_mem>>)
        %dma_wait3A_397 = arith.constant 0 : i32
        %dma_wait3A_398 = tpu.memref_slice %arg29[%mul3A_392, %dma_wait3A_397] : memref<10000x64xf32, #tpu.memory_space<vmem_shared>> -> memref<80x64xf32, #tpu.memory_space<vmem_shared>>
        %dma_wait3A_399 = arith.constant 0 : i32
        %dma_wait3A_400 = tpu.memref_slice %arg29[%mul3A_392, %dma_wait3A_399] : memref<10000x64xf32, #tpu.memory_space<vmem_shared>> -> memref<80x64xf32, #tpu.memory_space<vmem_shared>>
        tpu.wait_dma2 semaphore(%run_scoped3A : memref<!tpu.dma_semaphore, #tpu.memory_space<semaphore_mem>>) src(%arg21 : memref<80x64xf32, #tpu.memory_space<vmem>>) dst(%dma_wait3A_400 : memref<80x64xf32, #tpu.memory_space<vmem_shared>>)
        tpu.yield
      }) : () -> ()
    } else {
    }
    %mul3A_147 = arith.constant 8 : i32
    %mul3A_148 = arith.muli %arg1, %mul3A_147 : i32
    %add3A_149 = arith.constant 2 : i32
    %add3A_150 = arith.addi %mul3A_148, %add3A_149 : i32
    %lt3A_151 = arith.constant 125 : i32
    %lt3A_152 = arith.cmpi slt, %add3A_150, %lt3A_151 : i32
    %convert_element_type3A_153 = arith.extui %lt3A_152 : i1 to i32
    %cond3A_154 = arith.constant 0 : i32
    %cond3A_155 = arith.cmpi ne, %convert_element_type3A_153, %cond3A_154 : i32
    scf.if %cond3A_155 {
      %mul3A_391 = arith.constant 80 : i32
      %mul3A_392 = arith.muli %add3A_150, %mul3A_391 : i32
      "tpu.region"() ({
        %run_scoped3A = tpu.sem_alloc : memref<!tpu.dma_semaphore, #tpu.memory_space<semaphore_mem>>
        %dma_start3A_393 = arith.constant 0 : i32
        %dma_start3A_394 = tpu.memref_slice %arg29[%mul3A_392, %dma_start3A_393] : memref<10000x64xf32, #tpu.memory_space<vmem_shared>> -> memref<80x64xf32, #tpu.memory_space<vmem_shared>>
        %dma_start3A_395 = arith.constant 0 : i32
        %dma_start3A_396 = tpu.memref_slice %arg29[%mul3A_392, %dma_start3A_395] : memref<10000x64xf32, #tpu.memory_space<vmem_shared>> -> memref<80x64xf32, #tpu.memory_space<vmem_shared>>
        tpu.enqueue_dma source(%arg21 : memref<80x64xf32, #tpu.memory_space<vmem>>) target(%dma_start3A_396 : memref<80x64xf32, #tpu.memory_space<vmem_shared>>) target_semaphore(%run_scoped3A : memref<!tpu.dma_semaphore, #tpu.memory_space<semaphore_mem>>)
        %dma_wait3A_397 = arith.constant 0 : i32
        %dma_wait3A_398 = tpu.memref_slice %arg29[%mul3A_392, %dma_wait3A_397] : memref<10000x64xf32, #tpu.memory_space<vmem_shared>> -> memref<80x64xf32, #tpu.memory_space<vmem_shared>>
        %dma_wait3A_399 = arith.constant 0 : i32
        %dma_wait3A_400 = tpu.memref_slice %arg29[%mul3A_392, %dma_wait3A_399] : memref<10000x64xf32, #tpu.memory_space<vmem_shared>> -> memref<80x64xf32, #tpu.memory_space<vmem_shared>>
        tpu.wait_dma2 semaphore(%run_scoped3A : memref<!tpu.dma_semaphore, #tpu.memory_space<semaphore_mem>>) src(%arg21 : memref<80x64xf32, #tpu.memory_space<vmem>>) dst(%dma_wait3A_400 : memref<80x64xf32, #tpu.memory_space<vmem_shared>>)
        tpu.yield
      }) : () -> ()
    } else {
    }
    %mul3A_156 = arith.constant 8 : i32
    %mul3A_157 = arith.muli %arg1, %mul3A_156 : i32
    %add3A_158 = arith.constant 3 : i32
    %add3A_159 = arith.addi %mul3A_157, %add3A_158 : i32
    %lt3A_160 = arith.constant 125 : i32
    %lt3A_161 = arith.cmpi slt, %add3A_159, %lt3A_160 : i32
    %convert_element_type3A_162 = arith.extui %lt3A_161 : i1 to i32
    %cond3A_163 = arith.constant 0 : i32
    %cond3A_164 = arith.cmpi ne, %convert_element_type3A_162, %cond3A_163 : i32
    scf.if %cond3A_164 {
      %mul3A_391 = arith.constant 80 : i32
      %mul3A_392 = arith.muli %add3A_159, %mul3A_391 : i32
      "tpu.region"() ({
        %run_scoped3A = tpu.sem_alloc : memref<!tpu.dma_semaphore, #tpu.memory_space<semaphore_mem>>
        %dma_start3A_393 = arith.constant 0 : i32
        %dma_start3A_394 = tpu.memref_slice %arg29[%mul3A_392, %dma_start3A_393] : memref<10000x64xf32, #tpu.memory_space<vmem_shared>> -> memref<80x64xf32, #tpu.memory_space<vmem_shared>>
        %dma_start3A_395 = arith.constant 0 : i32
        %dma_start3A_396 = tpu.memref_slice %arg29[%mul3A_392, %dma_start3A_395] : memref<10000x64xf32, #tpu.memory_space<vmem_shared>> -> memref<80x64xf32, #tpu.memory_space<vmem_shared>>
        tpu.enqueue_dma source(%arg21 : memref<80x64xf32, #tpu.memory_space<vmem>>) target(%dma_start3A_396 : memref<80x64xf32, #tpu.memory_space<vmem_shared>>) target_semaphore(%run_scoped3A : memref<!tpu.dma_semaphore, #tpu.memory_space<semaphore_mem>>)
        %dma_wait3A_397 = arith.constant 0 : i32
        %dma_wait3A_398 = tpu.memref_slice %arg29[%mul3A_392, %dma_wait3A_397] : memref<10000x64xf32, #tpu.memory_space<vmem_shared>> -> memref<80x64xf32, #tpu.memory_space<vmem_shared>>
        %dma_wait3A_399 = arith.constant 0 : i32
        %dma_wait3A_400 = tpu.memref_slice %arg29[%mul3A_392, %dma_wait3A_399] : memref<10000x64xf32, #tpu.memory_space<vmem_shared>> -> memref<80x64xf32, #tpu.memory_space<vmem_shared>>
        tpu.wait_dma2 semaphore(%run_scoped3A : memref<!tpu.dma_semaphore, #tpu.memory_space<semaphore_mem>>) src(%arg21 : memref<80x64xf32, #tpu.memory_space<vmem>>) dst(%dma_wait3A_400 : memref<80x64xf32, #tpu.memory_space<vmem_shared>>)
        tpu.yield
      }) : () -> ()
    } else {
    }
    %mul3A_165 = arith.constant 8 : i32
    %mul3A_166 = arith.muli %arg1, %mul3A_165 : i32
    %add3A_167 = arith.constant 4 : i32
    %add3A_168 = arith.addi %mul3A_166, %add3A_167 : i32
    %lt3A_169 = arith.constant 125 : i32
    %lt3A_170 = arith.cmpi slt, %add3A_168, %lt3A_169 : i32
    %convert_element_type3A_171 = arith.extui %lt3A_170 : i1 to i32
    %cond3A_172 = arith.constant 0 : i32
    %cond3A_173 = arith.cmpi ne, %convert_element_type3A_171, %cond3A_172 : i32
    scf.if %cond3A_173 {
      %mul3A_391 = arith.constant 80 : i32
      %mul3A_392 = arith.muli %add3A_168, %mul3A_391 : i32
      "tpu.region"() ({
        %run_scoped3A = tpu.sem_alloc : memref<!tpu.dma_semaphore, #tpu.memory_space<semaphore_mem>>
        %dma_start3A_393 = arith.constant 0 : i32
        %dma_start3A_394 = tpu.memref_slice %arg29[%mul3A_392, %dma_start3A_393] : memref<10000x64xf32, #tpu.memory_space<vmem_shared>> -> memref<80x64xf32, #tpu.memory_space<vmem_shared>>
        %dma_start3A_395 = arith.constant 0 : i32
        %dma_start3A_396 = tpu.memref_slice %arg29[%mul3A_392, %dma_start3A_395] : memref<10000x64xf32, #tpu.memory_space<vmem_shared>> -> memref<80x64xf32, #tpu.memory_space<vmem_shared>>
        tpu.enqueue_dma source(%arg21 : memref<80x64xf32, #tpu.memory_space<vmem>>) target(%dma_start3A_396 : memref<80x64xf32, #tpu.memory_space<vmem_shared>>) target_semaphore(%run_scoped3A : memref<!tpu.dma_semaphore, #tpu.memory_space<semaphore_mem>>)
        %dma_wait3A_397 = arith.constant 0 : i32
        %dma_wait3A_398 = tpu.memref_slice %arg29[%mul3A_392, %dma_wait3A_397] : memref<10000x64xf32, #tpu.memory_space<vmem_shared>> -> memref<80x64xf32, #tpu.memory_space<vmem_shared>>
        %dma_wait3A_399 = arith.constant 0 : i32
        %dma_wait3A_400 = tpu.memref_slice %arg29[%mul3A_392, %dma_wait3A_399] : memref<10000x64xf32, #tpu.memory_space<vmem_shared>> -> memref<80x64xf32, #tpu.memory_space<vmem_shared>>
        tpu.wait_dma2 semaphore(%run_scoped3A : memref<!tpu.dma_semaphore, #tpu.memory_space<semaphore_mem>>) src(%arg21 : memref<80x64xf32, #tpu.memory_space<vmem>>) dst(%dma_wait3A_400 : memref<80x64xf32, #tpu.memory_space<vmem_shared>>)
        tpu.yield
      }) : () -> ()
    } else {
    }
    %mul3A_174 = arith.constant 8 : i32
    %mul3A_175 = arith.muli %arg1, %mul3A_174 : i32
    %add3A_176 = arith.constant 5 : i32
    %add3A_177 = arith.addi %mul3A_175, %add3A_176 : i32
    %lt3A_178 = arith.constant 125 : i32
    %lt3A_179 = arith.cmpi slt, %add3A_177, %lt3A_178 : i32
    %convert_element_type3A_180 = arith.extui %lt3A_179 : i1 to i32
    %cond3A_181 = arith.constant 0 : i32
    %cond3A_182 = arith.cmpi ne, %convert_element_type3A_180, %cond3A_181 : i32
    scf.if %cond3A_182 {
      %mul3A_391 = arith.constant 80 : i32
      %mul3A_392 = arith.muli %add3A_177, %mul3A_391 : i32
      "tpu.region"() ({
        %run_scoped3A = tpu.sem_alloc : memref<!tpu.dma_semaphore, #tpu.memory_space<semaphore_mem>>
        %dma_start3A_393 = arith.constant 0 : i32
        %dma_start3A_394 = tpu.memref_slice %arg29[%mul3A_392, %dma_start3A_393] : memref<10000x64xf32, #tpu.memory_space<vmem_shared>> -> memref<80x64xf32, #tpu.memory_space<vmem_shared>>
        %dma_start3A_395 = arith.constant 0 : i32
        %dma_start3A_396 = tpu.memref_slice %arg29[%mul3A_392, %dma_start3A_395] : memref<10000x64xf32, #tpu.memory_space<vmem_shared>> -> memref<80x64xf32, #tpu.memory_space<vmem_shared>>
        tpu.enqueue_dma source(%arg21 : memref<80x64xf32, #tpu.memory_space<vmem>>) target(%dma_start3A_396 : memref<80x64xf32, #tpu.memory_space<vmem_shared>>) target_semaphore(%run_scoped3A : memref<!tpu.dma_semaphore, #tpu.memory_space<semaphore_mem>>)
        %dma_wait3A_397 = arith.constant 0 : i32
        %dma_wait3A_398 = tpu.memref_slice %arg29[%mul3A_392, %dma_wait3A_397] : memref<10000x64xf32, #tpu.memory_space<vmem_shared>> -> memref<80x64xf32, #tpu.memory_space<vmem_shared>>
        %dma_wait3A_399 = arith.constant 0 : i32
        %dma_wait3A_400 = tpu.memref_slice %arg29[%mul3A_392, %dma_wait3A_399] : memref<10000x64xf32, #tpu.memory_space<vmem_shared>> -> memref<80x64xf32, #tpu.memory_space<vmem_shared>>
        tpu.wait_dma2 semaphore(%run_scoped3A : memref<!tpu.dma_semaphore, #tpu.memory_space<semaphore_mem>>) src(%arg21 : memref<80x64xf32, #tpu.memory_space<vmem>>) dst(%dma_wait3A_400 : memref<80x64xf32, #tpu.memory_space<vmem_shared>>)
        tpu.yield
      }) : () -> ()
    } else {
    }
    %mul3A_183 = arith.constant 8 : i32
    %mul3A_184 = arith.muli %arg1, %mul3A_183 : i32
    %add3A_185 = arith.constant 6 : i32
    %add3A_186 = arith.addi %mul3A_184, %add3A_185 : i32
    %lt3A_187 = arith.constant 125 : i32
    %lt3A_188 = arith.cmpi slt, %add3A_186, %lt3A_187 : i32
    %convert_element_type3A_189 = arith.extui %lt3A_188 : i1 to i32
    %cond3A_190 = arith.constant 0 : i32
    %cond3A_191 = arith.cmpi ne, %convert_element_type3A_189, %cond3A_190 : i32
    scf.if %cond3A_191 {
      %mul3A_391 = arith.constant 80 : i32
      %mul3A_392 = arith.muli %add3A_186, %mul3A_391 : i32
      "tpu.region"() ({
        %run_scoped3A = tpu.sem_alloc : memref<!tpu.dma_semaphore, #tpu.memory_space<semaphore_mem>>
        %dma_start3A_393 = arith.constant 0 : i32
        %dma_start3A_394 = tpu.memref_slice %arg29[%mul3A_392, %dma_start3A_393] : memref<10000x64xf32, #tpu.memory_space<vmem_shared>> -> memref<80x64xf32, #tpu.memory_space<vmem_shared>>
        %dma_start3A_395 = arith.constant 0 : i32
        %dma_start3A_396 = tpu.memref_slice %arg29[%mul3A_392, %dma_start3A_395] : memref<10000x64xf32, #tpu.memory_space<vmem_shared>> -> memref<80x64xf32, #tpu.memory_space<vmem_shared>>
        tpu.enqueue_dma source(%arg21 : memref<80x64xf32, #tpu.memory_space<vmem>>) target(%dma_start3A_396 : memref<80x64xf32, #tpu.memory_space<vmem_shared>>) target_semaphore(%run_scoped3A : memref<!tpu.dma_semaphore, #tpu.memory_space<semaphore_mem>>)
        %dma_wait3A_397 = arith.constant 0 : i32
        %dma_wait3A_398 = tpu.memref_slice %arg29[%mul3A_392, %dma_wait3A_397] : memref<10000x64xf32, #tpu.memory_space<vmem_shared>> -> memref<80x64xf32, #tpu.memory_space<vmem_shared>>
        %dma_wait3A_399 = arith.constant 0 : i32
        %dma_wait3A_400 = tpu.memref_slice %arg29[%mul3A_392, %dma_wait3A_399] : memref<10000x64xf32, #tpu.memory_space<vmem_shared>> -> memref<80x64xf32, #tpu.memory_space<vmem_shared>>
        tpu.wait_dma2 semaphore(%run_scoped3A : memref<!tpu.dma_semaphore, #tpu.memory_space<semaphore_mem>>) src(%arg21 : memref<80x64xf32, #tpu.memory_space<vmem>>) dst(%dma_wait3A_400 : memref<80x64xf32, #tpu.memory_space<vmem_shared>>)
        tpu.yield
      }) : () -> ()
    } else {
    }
    %mul3A_192 = arith.constant 8 : i32
    %mul3A_193 = arith.muli %arg1, %mul3A_192 : i32
    %add3A_194 = arith.constant 7 : i32
    %add3A_195 = arith.addi %mul3A_193, %add3A_194 : i32
    %lt3A_196 = arith.constant 125 : i32
    %lt3A_197 = arith.cmpi slt, %add3A_195, %lt3A_196 : i32
    %convert_element_type3A_198 = arith.extui %lt3A_197 : i1 to i32
    %cond3A_199 = arith.constant 0 : i32
    %cond3A_200 = arith.cmpi ne, %convert_element_type3A_198, %cond3A_199 : i32
    scf.if %cond3A_200 {
      %mul3A_391 = arith.constant 80 : i32
      %mul3A_392 = arith.muli %add3A_195, %mul3A_391 : i32
      "tpu.region"() ({
        %run_scoped3A = tpu.sem_alloc : memref<!tpu.dma_semaphore, #tpu.memory_space<semaphore_mem>>
        %dma_start3A_393 = arith.constant 0 : i32
        %dma_start3A_394 = tpu.memref_slice %arg29[%mul3A_392, %dma_start3A_393] : memref<10000x64xf32, #tpu.memory_space<vmem_shared>> -> memref<80x64xf32, #tpu.memory_space<vmem_shared>>
        %dma_start3A_395 = arith.constant 0 : i32
        %dma_start3A_396 = tpu.memref_slice %arg29[%mul3A_392, %dma_start3A_395] : memref<10000x64xf32, #tpu.memory_space<vmem_shared>> -> memref<80x64xf32, #tpu.memory_space<vmem_shared>>
        tpu.enqueue_dma source(%arg21 : memref<80x64xf32, #tpu.memory_space<vmem>>) target(%dma_start3A_396 : memref<80x64xf32, #tpu.memory_space<vmem_shared>>) target_semaphore(%run_scoped3A : memref<!tpu.dma_semaphore, #tpu.memory_space<semaphore_mem>>)
        %dma_wait3A_397 = arith.constant 0 : i32
        %dma_wait3A_398 = tpu.memref_slice %arg29[%mul3A_392, %dma_wait3A_397] : memref<10000x64xf32, #tpu.memory_space<vmem_shared>> -> memref<80x64xf32, #tpu.memory_space<vmem_shared>>
        %dma_wait3A_399 = arith.constant 0 : i32
        %dma_wait3A_400 = tpu.memref_slice %arg29[%mul3A_392, %dma_wait3A_399] : memref<10000x64xf32, #tpu.memory_space<vmem_shared>> -> memref<80x64xf32, #tpu.memory_space<vmem_shared>>
        tpu.wait_dma2 semaphore(%run_scoped3A : memref<!tpu.dma_semaphore, #tpu.memory_space<semaphore_mem>>) src(%arg21 : memref<80x64xf32, #tpu.memory_space<vmem>>) dst(%dma_wait3A_400 : memref<80x64xf32, #tpu.memory_space<vmem_shared>>)
        tpu.yield
      }) : () -> ()
    } else {
    }
    %barrier3A = arith.constant 0 : index
    tpu.barrier barrier_id(%barrier3A)
    %dma_wait3A = arith.constant 0 : i32
    %dma_wait3A_201 = arith.constant 0 : i32
    %dma_wait3A_202 = arith.constant 0 : i32
    %dma_wait3A_203 = tpu.memref_slice %arg3[%add3A, %dma_wait3A, %dma_wait3A_201, %dma_wait3A_202] : memref<32x125x2x80xi32, #tpu.memory_space<hbm>> -> memref<1x1x2x80xi32, #tpu.memory_space<hbm>>
    %dma_wait3A_204 = tpu.memref_squeeze %dma_wait3A_203 : memref<1x1x2x80xi32, #tpu.memory_space<hbm>> -> memref<2x80xi32, #tpu.memory_space<hbm>>
    %dma_wait3A_205 = arith.constant 0 : i32
    %dma_wait3A_206 = arith.constant 0 : i32
    %dma_wait3A_207 = tpu.memref_slice %arg3[%add3A, %dma_wait3A, %dma_wait3A_205, %dma_wait3A_206] : memref<32x125x2x80xi32, #tpu.memory_space<hbm>> -> memref<1x1x2x80xi32, #tpu.memory_space<hbm>>
    %dma_wait3A_208 = tpu.memref_squeeze %dma_wait3A_207 : memref<1x1x2x80xi32, #tpu.memory_space<hbm>> -> memref<2x80xi32, #tpu.memory_space<hbm>>
    tpu.wait_dma2 semaphore(%arg30 : memref<!tpu.dma_semaphore, #tpu.memory_space<semaphore_mem>>) src(%dma_wait3A_208 : memref<2x80xi32, #tpu.memory_space<hbm>>) dst(%arg5 : memref<2x80xi32, #tpu.memory_space<vmem>>)
    %dma_start3A_209 = arith.constant 0 : i32
    %dma_start3A_210 = arith.constant 0 : i32
    %dma_start3A_211 = tpu.memref_slice %arg5[%dma_start3A_209, %dma_start3A_210] : memref<2x80xi32, #tpu.memory_space<vmem>> -> memref<1x80xi32, #tpu.memory_space<vmem>>
    %dma_start3A_212 = tpu.memref_squeeze %dma_start3A_211 : memref<1x80xi32, #tpu.memory_space<vmem>> -> memref<80xi32, #tpu.memory_space<vmem>>
    %dma_start3A_213 = arith.constant 0 : i32
    %dma_start3A_214 = arith.constant 0 : i32
    %dma_start3A_215 = tpu.memref_slice %arg2[%dma_start3A_213, %dma_start3A_214] : memref<10000x64xf32, #tpu.memory_space<hbm>> -> memref<10000x64xf32, #tpu.memory_space<hbm>>
    tpu.enqueue_indirect_dma source(%dma_start3A_215 : memref<10000x64xf32, #tpu.memory_space<hbm>>) target(%arg21 : memref<80x64xf32, #tpu.memory_space<vmem>>) offsets(%dma_start3A_212 : memref<80xi32, #tpu.memory_space<vmem>>) semaphore(%arg46 : memref<!tpu.dma_semaphore, #tpu.memory_space<semaphore_mem>>)
    %dma_wait3A_216 = arith.constant 1 : i32
    %dma_wait3A_217 = arith.constant 0 : i32
    %dma_wait3A_218 = arith.constant 0 : i32
    %dma_wait3A_219 = tpu.memref_slice %arg3[%add3A, %dma_wait3A_216, %dma_wait3A_217, %dma_wait3A_218] : memref<32x125x2x80xi32, #tpu.memory_space<hbm>> -> memref<1x1x2x80xi32, #tpu.memory_space<hbm>>
    %dma_wait3A_220 = tpu.memref_squeeze %dma_wait3A_219 : memref<1x1x2x80xi32, #tpu.memory_space<hbm>> -> memref<2x80xi32, #tpu.memory_space<hbm>>
    %dma_wait3A_221 = arith.constant 0 : i32
    %dma_wait3A_222 = arith.constant 0 : i32
    %dma_wait3A_223 = tpu.memref_slice %arg3[%add3A, %dma_wait3A_216, %dma_wait3A_221, %dma_wait3A_222] : memref<32x125x2x80xi32, #tpu.memory_space<hbm>> -> memref<1x1x2x80xi32, #tpu.memory_space<hbm>>
    %dma_wait3A_224 = tpu.memref_squeeze %dma_wait3A_223 : memref<1x1x2x80xi32, #tpu.memory_space<hbm>> -> memref<2x80xi32, #tpu.memory_space<hbm>>
    tpu.wait_dma2 semaphore(%arg31 : memref<!tpu.dma_semaphore, #tpu.memory_space<semaphore_mem>>) src(%dma_wait3A_224 : memref<2x80xi32, #tpu.memory_space<hbm>>) dst(%arg6 : memref<2x80xi32, #tpu.memory_space<vmem>>)
    %dma_start3A_225 = arith.constant 0 : i32
    %dma_start3A_226 = arith.constant 0 : i32
    %dma_start3A_227 = tpu.memref_slice %arg6[%dma_start3A_225, %dma_start3A_226] : memref<2x80xi32, #tpu.memory_space<vmem>> -> memref<1x80xi32, #tpu.memory_space<vmem>>
    %dma_start3A_228 = tpu.memref_squeeze %dma_start3A_227 : memref<1x80xi32, #tpu.memory_space<vmem>> -> memref<80xi32, #tpu.memory_space<vmem>>
    %dma_start3A_229 = arith.constant 0 : i32
    %dma_start3A_230 = arith.constant 0 : i32
    %dma_start3A_231 = tpu.memref_slice %arg2[%dma_start3A_229, %dma_start3A_230] : memref<10000x64xf32, #tpu.memory_space<hbm>> -> memref<10000x64xf32, #tpu.memory_space<hbm>>
    tpu.enqueue_indirect_dma source(%dma_start3A_231 : memref<10000x64xf32, #tpu.memory_space<hbm>>) target(%arg22 : memref<80x64xf32, #tpu.memory_space<vmem>>) offsets(%dma_start3A_228 : memref<80xi32, #tpu.memory_space<vmem>>) semaphore(%arg47 : memref<!tpu.dma_semaphore, #tpu.memory_space<semaphore_mem>>)
    %dma_wait3A_232 = arith.constant 2 : i32
    %dma_wait3A_233 = arith.constant 0 : i32
    %dma_wait3A_234 = arith.constant 0 : i32
    %dma_wait3A_235 = tpu.memref_slice %arg3[%add3A, %dma_wait3A_232, %dma_wait3A_233, %dma_wait3A_234] : memref<32x125x2x80xi32, #tpu.memory_space<hbm>> -> memref<1x1x2x80xi32, #tpu.memory_space<hbm>>
    %dma_wait3A_236 = tpu.memref_squeeze %dma_wait3A_235 : memref<1x1x2x80xi32, #tpu.memory_space<hbm>> -> memref<2x80xi32, #tpu.memory_space<hbm>>
    %dma_wait3A_237 = arith.constant 0 : i32
    %dma_wait3A_238 = arith.constant 0 : i32
    %dma_wait3A_239 = tpu.memref_slice %arg3[%add3A, %dma_wait3A_232, %dma_wait3A_237, %dma_wait3A_238] : memref<32x125x2x80xi32, #tpu.memory_space<hbm>> -> memref<1x1x2x80xi32, #tpu.memory_space<hbm>>
    %dma_wait3A_240 = tpu.memref_squeeze %dma_wait3A_239 : memref<1x1x2x80xi32, #tpu.memory_space<hbm>> -> memref<2x80xi32, #tpu.memory_space<hbm>>
    tpu.wait_dma2 semaphore(%arg32 : memref<!tpu.dma_semaphore, #tpu.memory_space<semaphore_mem>>) src(%dma_wait3A_240 : memref<2x80xi32, #tpu.memory_space<hbm>>) dst(%arg7 : memref<2x80xi32, #tpu.memory_space<vmem>>)
    %dma_start3A_241 = arith.constant 0 : i32
    %dma_start3A_242 = arith.constant 0 : i32
    %dma_start3A_243 = tpu.memref_slice %arg7[%dma_start3A_241, %dma_start3A_242] : memref<2x80xi32, #tpu.memory_space<vmem>> -> memref<1x80xi32, #tpu.memory_space<vmem>>
    %dma_start3A_244 = tpu.memref_squeeze %dma_start3A_243 : memref<1x80xi32, #tpu.memory_space<vmem>> -> memref<80xi32, #tpu.memory_space<vmem>>
    %dma_start3A_245 = arith.constant 0 : i32
    %dma_start3A_246 = arith.constant 0 : i32
    %dma_start3A_247 = tpu.memref_slice %arg2[%dma_start3A_245, %dma_start3A_246] : memref<10000x64xf32, #tpu.memory_space<hbm>> -> memref<10000x64xf32, #tpu.memory_space<hbm>>
    tpu.enqueue_indirect_dma source(%dma_start3A_247 : memref<10000x64xf32, #tpu.memory_space<hbm>>) target(%arg23 : memref<80x64xf32, #tpu.memory_space<vmem>>) offsets(%dma_start3A_244 : memref<80xi32, #tpu.memory_space<vmem>>) semaphore(%arg48 : memref<!tpu.dma_semaphore, #tpu.memory_space<semaphore_mem>>)
    %dma_wait3A_248 = arith.constant 3 : i32
    %dma_wait3A_249 = arith.constant 0 : i32
    %dma_wait3A_250 = arith.constant 0 : i32
    %dma_wait3A_251 = tpu.memref_slice %arg3[%add3A, %dma_wait3A_248, %dma_wait3A_249, %dma_wait3A_250] : memref<32x125x2x80xi32, #tpu.memory_space<hbm>> -> memref<1x1x2x80xi32, #tpu.memory_space<hbm>>
    %dma_wait3A_252 = tpu.memref_squeeze %dma_wait3A_251 : memref<1x1x2x80xi32, #tpu.memory_space<hbm>> -> memref<2x80xi32, #tpu.memory_space<hbm>>
    %dma_wait3A_253 = arith.constant 0 : i32
    %dma_wait3A_254 = arith.constant 0 : i32
    %dma_wait3A_255 = tpu.memref_slice %arg3[%add3A, %dma_wait3A_248, %dma_wait3A_253, %dma_wait3A_254] : memref<32x125x2x80xi32, #tpu.memory_space<hbm>> -> memref<1x1x2x80xi32, #tpu.memory_space<hbm>>
    %dma_wait3A_256 = tpu.memref_squeeze %dma_wait3A_255 : memref<1x1x2x80xi32, #tpu.memory_space<hbm>> -> memref<2x80xi32, #tpu.memory_space<hbm>>
    tpu.wait_dma2 semaphore(%arg33 : memref<!tpu.dma_semaphore, #tpu.memory_space<semaphore_mem>>) src(%dma_wait3A_256 : memref<2x80xi32, #tpu.memory_space<hbm>>) dst(%arg8 : memref<2x80xi32, #tpu.memory_space<vmem>>)
    %dma_start3A_257 = arith.constant 0 : i32
    %dma_start3A_258 = arith.constant 0 : i32
    %dma_start3A_259 = tpu.memref_slice %arg8[%dma_start3A_257, %dma_start3A_258] : memref<2x80xi32, #tpu.memory_space<vmem>> -> memref<1x80xi32, #tpu.memory_space<vmem>>
    %dma_start3A_260 = tpu.memref_squeeze %dma_start3A_259 : memref<1x80xi32, #tpu.memory_space<vmem>> -> memref<80xi32, #tpu.memory_space<vmem>>
    %dma_start3A_261 = arith.constant 0 : i32
    %dma_start3A_262 = arith.constant 0 : i32
    %dma_start3A_263 = tpu.memref_slice %arg2[%dma_start3A_261, %dma_start3A_262] : memref<10000x64xf32, #tpu.memory_space<hbm>> -> memref<10000x64xf32, #tpu.memory_space<hbm>>
    tpu.enqueue_indirect_dma source(%dma_start3A_263 : memref<10000x64xf32, #tpu.memory_space<hbm>>) target(%arg24 : memref<80x64xf32, #tpu.memory_space<vmem>>) offsets(%dma_start3A_260 : memref<80xi32, #tpu.memory_space<vmem>>) semaphore(%arg49 : memref<!tpu.dma_semaphore, #tpu.memory_space<semaphore_mem>>)
    %dma_wait3A_264 = arith.constant 4 : i32
    %dma_wait3A_265 = arith.constant 0 : i32
    %dma_wait3A_266 = arith.constant 0 : i32
    %dma_wait3A_267 = tpu.memref_slice %arg3[%add3A, %dma_wait3A_264, %dma_wait3A_265, %dma_wait3A_266] : memref<32x125x2x80xi32, #tpu.memory_space<hbm>> -> memref<1x1x2x80xi32, #tpu.memory_space<hbm>>
    %dma_wait3A_268 = tpu.memref_squeeze %dma_wait3A_267 : memref<1x1x2x80xi32, #tpu.memory_space<hbm>> -> memref<2x80xi32, #tpu.memory_space<hbm>>
    %dma_wait3A_269 = arith.constant 0 : i32
    %dma_wait3A_270 = arith.constant 0 : i32
    %dma_wait3A_271 = tpu.memref_slice %arg3[%add3A, %dma_wait3A_264, %dma_wait3A_269, %dma_wait3A_270] : memref<32x125x2x80xi32, #tpu.memory_space<hbm>> -> memref<1x1x2x80xi32, #tpu.memory_space<hbm>>
    %dma_wait3A_272 = tpu.memref_squeeze %dma_wait3A_271 : memref<1x1x2x80xi32, #tpu.memory_space<hbm>> -> memref<2x80xi32, #tpu.memory_space<hbm>>
    tpu.wait_dma2 semaphore(%arg34 : memref<!tpu.dma_semaphore, #tpu.memory_space<semaphore_mem>>) src(%dma_wait3A_272 : memref<2x80xi32, #tpu.memory_space<hbm>>) dst(%arg9 : memref<2x80xi32, #tpu.memory_space<vmem>>)
    %dma_start3A_273 = arith.constant 0 : i32
    %dma_start3A_274 = arith.constant 0 : i32
    %dma_start3A_275 = tpu.memref_slice %arg9[%dma_start3A_273, %dma_start3A_274] : memref<2x80xi32, #tpu.memory_space<vmem>> -> memref<1x80xi32, #tpu.memory_space<vmem>>
    %dma_start3A_276 = tpu.memref_squeeze %dma_start3A_275 : memref<1x80xi32, #tpu.memory_space<vmem>> -> memref<80xi32, #tpu.memory_space<vmem>>
    %dma_start3A_277 = arith.constant 0 : i32
    %dma_start3A_278 = arith.constant 0 : i32
    %dma_start3A_279 = tpu.memref_slice %arg2[%dma_start3A_277, %dma_start3A_278] : memref<10000x64xf32, #tpu.memory_space<hbm>> -> memref<10000x64xf32, #tpu.memory_space<hbm>>
    tpu.enqueue_indirect_dma source(%dma_start3A_279 : memref<10000x64xf32, #tpu.memory_space<hbm>>) target(%arg25 : memref<80x64xf32, #tpu.memory_space<vmem>>) offsets(%dma_start3A_276 : memref<80xi32, #tpu.memory_space<vmem>>) semaphore(%arg50 : memref<!tpu.dma_semaphore, #tpu.memory_space<semaphore_mem>>)
    %dma_wait3A_280 = arith.constant 5 : i32
    %dma_wait3A_281 = arith.constant 0 : i32
    %dma_wait3A_282 = arith.constant 0 : i32
    %dma_wait3A_283 = tpu.memref_slice %arg3[%add3A, %dma_wait3A_280, %dma_wait3A_281, %dma_wait3A_282] : memref<32x125x2x80xi32, #tpu.memory_space<hbm>> -> memref<1x1x2x80xi32, #tpu.memory_space<hbm>>
    %dma_wait3A_284 = tpu.memref_squeeze %dma_wait3A_283 : memref<1x1x2x80xi32, #tpu.memory_space<hbm>> -> memref<2x80xi32, #tpu.memory_space<hbm>>
    %dma_wait3A_285 = arith.constant 0 : i32
    %dma_wait3A_286 = arith.constant 0 : i32
    %dma_wait3A_287 = tpu.memref_slice %arg3[%add3A, %dma_wait3A_280, %dma_wait3A_285, %dma_wait3A_286] : memref<32x125x2x80xi32, #tpu.memory_space<hbm>> -> memref<1x1x2x80xi32, #tpu.memory_space<hbm>>
    %dma_wait3A_288 = tpu.memref_squeeze %dma_wait3A_287 : memref<1x1x2x80xi32, #tpu.memory_space<hbm>> -> memref<2x80xi32, #tpu.memory_space<hbm>>
    tpu.wait_dma2 semaphore(%arg35 : memref<!tpu.dma_semaphore, #tpu.memory_space<semaphore_mem>>) src(%dma_wait3A_288 : memref<2x80xi32, #tpu.memory_space<hbm>>) dst(%arg10 : memref<2x80xi32, #tpu.memory_space<vmem>>)
    %dma_start3A_289 = arith.constant 0 : i32
    %dma_start3A_290 = arith.constant 0 : i32
    %dma_start3A_291 = tpu.memref_slice %arg10[%dma_start3A_289, %dma_start3A_290] : memref<2x80xi32, #tpu.memory_space<vmem>> -> memref<1x80xi32, #tpu.memory_space<vmem>>
    %dma_start3A_292 = tpu.memref_squeeze %dma_start3A_291 : memref<1x80xi32, #tpu.memory_space<vmem>> -> memref<80xi32, #tpu.memory_space<vmem>>
    %dma_start3A_293 = arith.constant 0 : i32
    %dma_start3A_294 = arith.constant 0 : i32
    %dma_start3A_295 = tpu.memref_slice %arg2[%dma_start3A_293, %dma_start3A_294] : memref<10000x64xf32, #tpu.memory_space<hbm>> -> memref<10000x64xf32, #tpu.memory_space<hbm>>
    tpu.enqueue_indirect_dma source(%dma_start3A_295 : memref<10000x64xf32, #tpu.memory_space<hbm>>) target(%arg26 : memref<80x64xf32, #tpu.memory_space<vmem>>) offsets(%dma_start3A_292 : memref<80xi32, #tpu.memory_space<vmem>>) semaphore(%arg51 : memref<!tpu.dma_semaphore, #tpu.memory_space<semaphore_mem>>)
    %dma_wait3A_296 = arith.constant 6 : i32
    %dma_wait3A_297 = arith.constant 0 : i32
    %dma_wait3A_298 = arith.constant 0 : i32
    %dma_wait3A_299 = tpu.memref_slice %arg3[%add3A, %dma_wait3A_296, %dma_wait3A_297, %dma_wait3A_298] : memref<32x125x2x80xi32, #tpu.memory_space<hbm>> -> memref<1x1x2x80xi32, #tpu.memory_space<hbm>>
    %dma_wait3A_300 = tpu.memref_squeeze %dma_wait3A_299 : memref<1x1x2x80xi32, #tpu.memory_space<hbm>> -> memref<2x80xi32, #tpu.memory_space<hbm>>
    %dma_wait3A_301 = arith.constant 0 : i32
    %dma_wait3A_302 = arith.constant 0 : i32
    %dma_wait3A_303 = tpu.memref_slice %arg3[%add3A, %dma_wait3A_296, %dma_wait3A_301, %dma_wait3A_302] : memref<32x125x2x80xi32, #tpu.memory_space<hbm>> -> memref<1x1x2x80xi32, #tpu.memory_space<hbm>>
    %dma_wait3A_304 = tpu.memref_squeeze %dma_wait3A_303 : memref<1x1x2x80xi32, #tpu.memory_space<hbm>> -> memref<2x80xi32, #tpu.memory_space<hbm>>
    tpu.wait_dma2 semaphore(%arg36 : memref<!tpu.dma_semaphore, #tpu.memory_space<semaphore_mem>>) src(%dma_wait3A_304 : memref<2x80xi32, #tpu.memory_space<hbm>>) dst(%arg11 : memref<2x80xi32, #tpu.memory_space<vmem>>)
    %dma_start3A_305 = arith.constant 0 : i32
    %dma_start3A_306 = arith.constant 0 : i32
    %dma_start3A_307 = tpu.memref_slice %arg11[%dma_start3A_305, %dma_start3A_306] : memref<2x80xi32, #tpu.memory_space<vmem>> -> memref<1x80xi32, #tpu.memory_space<vmem>>
    %dma_start3A_308 = tpu.memref_squeeze %dma_start3A_307 : memref<1x80xi32, #tpu.memory_space<vmem>> -> memref<80xi32, #tpu.memory_space<vmem>>
    %dma_start3A_309 = arith.constant 0 : i32
    %dma_start3A_310 = arith.constant 0 : i32
    %dma_start3A_311 = tpu.memref_slice %arg2[%dma_start3A_309, %dma_start3A_310] : memref<10000x64xf32, #tpu.memory_space<hbm>> -> memref<10000x64xf32, #tpu.memory_space<hbm>>
    tpu.enqueue_indirect_dma source(%dma_start3A_311 : memref<10000x64xf32, #tpu.memory_space<hbm>>) target(%arg27 : memref<80x64xf32, #tpu.memory_space<vmem>>) offsets(%dma_start3A_308 : memref<80xi32, #tpu.memory_space<vmem>>) semaphore(%arg52 : memref<!tpu.dma_semaphore, #tpu.memory_space<semaphore_mem>>)
    %scan3A_312 = arith.constant 0 : i32
    %scan3A_313 = arith.constant 0 : i32
    %scan3A_314 = arith.constant 8 : i32
    %scan3A_315 = arith.addi %scan3A_313, %scan3A_314 : i32
    %scan3A_316 = arith.constant 1 : i32
    scf.for %scan3A_391 = %scan3A_313 to %scan3A_315 step %scan3A_316  : i32 {
      %mul3A_392 = arith.constant 16 : i32
      %mul3A_393 = arith.muli %scan3A_391, %mul3A_392 : i32
      %add3A_394 = arith.constant 0 : i32
      %add3A_395 = arith.addi %mul3A_393, %add3A_394 : i32
      %lt3A_396 = arith.constant 125 : i32
      %lt3A_397 = arith.cmpi slt, %add3A_395, %lt3A_396 : i32
      %convert_element_type3A_398 = arith.extui %lt3A_397 : i1 to i32
      %cond3A_399 = arith.constant 0 : i32
      %cond3A_400 = arith.cmpi ne, %convert_element_type3A_398, %cond3A_399 : i32
      scf.if %cond3A_400 {
        %add3A_536 = arith.constant 8 : i32
        %add3A_537 = arith.addi %add3A_395, %add3A_536 : i32
        %sub3A = arith.constant 1 : i32
        %sub3A_538 = arith.subi %add3A_537, %sub3A : i32
        %lt3A_539 = arith.constant 125 : i32
        %lt3A_540 = arith.cmpi slt, %sub3A_538, %lt3A_539 : i32
        %convert_element_type3A_541 = arith.extui %lt3A_540 : i1 to i32
        %cond3A_542 = arith.constant 0 : i32
        %cond3A_543 = arith.cmpi ne, %convert_element_type3A_541, %cond3A_542 : i32
        scf.if %cond3A_543 {
          %dma_wait3A_560 = arith.constant 0 : i32
          %dma_wait3A_561 = arith.constant 0 : i32
          %dma_wait3A_562 = tpu.memref_slice %arg3[%add3A, %sub3A_538, %dma_wait3A_560, %dma_wait3A_561] : memref<32x125x2x80xi32, #tpu.memory_space<hbm>> -> memref<1x1x2x80xi32, #tpu.memory_space<hbm>>
          %dma_wait3A_563 = tpu.memref_squeeze %dma_wait3A_562 : memref<1x1x2x80xi32, #tpu.memory_space<hbm>> -> memref<2x80xi32, #tpu.memory_space<hbm>>
          %dma_wait3A_564 = arith.constant 0 : i32
          %dma_wait3A_565 = arith.constant 0 : i32
          %dma_wait3A_566 = tpu.memref_slice %arg3[%add3A, %sub3A_538, %dma_wait3A_564, %dma_wait3A_565] : memref<32x125x2x80xi32, #tpu.memory_space<hbm>> -> memref<1x1x2x80xi32, #tpu.memory_space<hbm>>
          %dma_wait3A_567 = tpu.memref_squeeze %dma_wait3A_566 : memref<1x1x2x80xi32, #tpu.memory_space<hbm>> -> memref<2x80xi32, #tpu.memory_space<hbm>>
          tpu.wait_dma2 semaphore(%arg37 : memref<!tpu.dma_semaphore, #tpu.memory_space<semaphore_mem>>) src(%dma_wait3A_567 : memref<2x80xi32, #tpu.memory_space<hbm>>) dst(%arg12 : memref<2x80xi32, #tpu.memory_space<vmem>>)
          %dma_start3A_568 = arith.constant 0 : i32
          %dma_start3A_569 = arith.constant 0 : i32
          %dma_start3A_570 = tpu.memref_slice %arg12[%dma_start3A_568, %dma_start3A_569] : memref<2x80xi32, #tpu.memory_space<vmem>> -> memref<1x80xi32, #tpu.memory_space<vmem>>
          %dma_start3A_571 = tpu.memref_squeeze %dma_start3A_570 : memref<1x80xi32, #tpu.memory_space<vmem>> -> memref<80xi32, #tpu.memory_space<vmem>>
          %dma_start3A_572 = arith.constant 0 : i32
          %dma_start3A_573 = arith.constant 0 : i32
          %dma_start3A_574 = tpu.memref_slice %arg2[%dma_start3A_572, %dma_start3A_573] : memref<10000x64xf32, #tpu.memory_space<hbm>> -> memref<10000x64xf32, #tpu.memory_space<hbm>>
          tpu.enqueue_indirect_dma source(%dma_start3A_574 : memref<10000x64xf32, #tpu.memory_space<hbm>>) target(%arg28 : memref<80x64xf32, #tpu.memory_space<vmem>>) offsets(%dma_start3A_571 : memref<80xi32, #tpu.memory_space<vmem>>) semaphore(%arg53 : memref<!tpu.dma_semaphore, #tpu.memory_space<semaphore_mem>>)
        } else {
        }
        %dma_wait3A_544 = arith.constant 0 : i32
        %dma_wait3A_545 = arith.constant 0 : i32
        %dma_wait3A_546 = tpu.memref_slice %arg5[%dma_wait3A_544, %dma_wait3A_545] : memref<2x80xi32, #tpu.memory_space<vmem>> -> memref<1x80xi32, #tpu.memory_space<vmem>>
        %dma_wait3A_547 = tpu.memref_squeeze %dma_wait3A_546 : memref<1x80xi32, #tpu.memory_space<vmem>> -> memref<80xi32, #tpu.memory_space<vmem>>
        %dma_wait3A_548 = arith.constant 0 : i32
        %dma_wait3A_549 = arith.constant 0 : i32
        %dma_wait3A_550 = tpu.memref_slice %arg2[%dma_wait3A_548, %dma_wait3A_549] : memref<10000x64xf32, #tpu.memory_space<hbm>> -> memref<10000x64xf32, #tpu.memory_space<hbm>>
        tpu.wait_indirect_dma semaphore(%arg46 : memref<!tpu.dma_semaphore, #tpu.memory_space<semaphore_mem>>) src(%dma_wait3A_550 : memref<10000x64xf32, #tpu.memory_space<hbm>>) dst(%arg21 : memref<80x64xf32, #tpu.memory_space<vmem>>)
        %run_scoped3A = arith.constant 1 : i32
        "tpu.region"() ({
          %run_scoped3A_560 = tpu.sem_alloc : memref<!tpu.dma_semaphore, #tpu.memory_space<semaphore_mem>>
          %dma_start3A_561 = arith.constant 0 : i32
          %dma_start3A_562 = tpu.memref_slice %arg5[%run_scoped3A, %dma_start3A_561] : memref<2x80xi32, #tpu.memory_space<vmem>> -> memref<1x80xi32, #tpu.memory_space<vmem>>
          %dma_start3A_563 = tpu.memref_squeeze %dma_start3A_562 : memref<1x80xi32, #tpu.memory_space<vmem>> -> memref<80xi32, #tpu.memory_space<vmem>>
          %dma_start3A_564 = arith.constant 0 : i32
          %dma_start3A_565 = arith.constant 0 : i32
          %dma_start3A_566 = tpu.memref_slice %arg29[%dma_start3A_564, %dma_start3A_565] : memref<10000x64xf32, #tpu.memory_space<vmem_shared>> -> memref<10000x64xf32, #tpu.memory_space<vmem_shared>>
          tpu.enqueue_indirect_dma source(%arg21 : memref<80x64xf32, #tpu.memory_space<vmem>>) target(%dma_start3A_566 : memref<10000x64xf32, #tpu.memory_space<vmem_shared>>) offsets(%dma_start3A_563 : memref<80xi32, #tpu.memory_space<vmem>>) semaphore(%run_scoped3A_560 : memref<!tpu.dma_semaphore, #tpu.memory_space<semaphore_mem>>) {add = true}
          %dma_wait3A_567 = arith.constant 0 : i32
          %dma_wait3A_568 = tpu.memref_slice %arg5[%run_scoped3A, %dma_wait3A_567] : memref<2x80xi32, #tpu.memory_space<vmem>> -> memref<1x80xi32, #tpu.memory_space<vmem>>
          %dma_wait3A_569 = tpu.memref_squeeze %dma_wait3A_568 : memref<1x80xi32, #tpu.memory_space<vmem>> -> memref<80xi32, #tpu.memory_space<vmem>>
          %dma_wait3A_570 = arith.constant 0 : i32
          %dma_wait3A_571 = arith.constant 0 : i32
          %dma_wait3A_572 = tpu.memref_slice %arg29[%dma_wait3A_570, %dma_wait3A_571] : memref<10000x64xf32, #tpu.memory_space<vmem_shared>> -> memref<10000x64xf32, #tpu.memory_space<vmem_shared>>
          tpu.wait_indirect_dma semaphore(%run_scoped3A_560 : memref<!tpu.dma_semaphore, #tpu.memory_space<semaphore_mem>>) src(%arg21 : memref<80x64xf32, #tpu.memory_space<vmem>>) dst(%dma_wait3A_572 : memref<10000x64xf32, #tpu.memory_space<vmem_shared>>)
          tpu.yield
        }) : () -> ()
        %add3A_551 = arith.constant 16 : i32
        %add3A_552 = arith.addi %add3A_395, %add3A_551 : i32
        %sub3A_553 = arith.constant 2 : i32
        %sub3A_554 = arith.subi %add3A_552, %sub3A_553 : i32
        %lt3A_555 = arith.constant 125 : i32
        %lt3A_556 = arith.cmpi slt, %sub3A_554, %lt3A_555 : i32
        %convert_element_type3A_557 = arith.extui %lt3A_556 : i1 to i32
        %cond3A_558 = arith.constant 0 : i32
        %cond3A_559 = arith.cmpi ne, %convert_element_type3A_557, %cond3A_558 : i32
        scf.if %cond3A_559 {
          %dma_start3A_560 = arith.constant 0 : i32
          %dma_start3A_561 = arith.constant 0 : i32
          %dma_start3A_562 = tpu.memref_slice %arg3[%add3A, %sub3A_554, %dma_start3A_560, %dma_start3A_561] : memref<32x125x2x80xi32, #tpu.memory_space<hbm>> -> memref<1x1x2x80xi32, #tpu.memory_space<hbm>>
          %dma_start3A_563 = tpu.memref_squeeze %dma_start3A_562 : memref<1x1x2x80xi32, #tpu.memory_space<hbm>> -> memref<2x80xi32, #tpu.memory_space<hbm>>
          %dma_start3A_564 = arith.constant 0 : i32
          %dma_start3A_565 = arith.constant 0 : i32
          %dma_start3A_566 = tpu.memref_slice %arg3[%add3A, %sub3A_554, %dma_start3A_564, %dma_start3A_565] : memref<32x125x2x80xi32, #tpu.memory_space<hbm>> -> memref<1x1x2x80xi32, #tpu.memory_space<hbm>>
          %dma_start3A_567 = tpu.memref_squeeze %dma_start3A_566 : memref<1x1x2x80xi32, #tpu.memory_space<hbm>> -> memref<2x80xi32, #tpu.memory_space<hbm>>
          tpu.enqueue_dma source(%dma_start3A_567 : memref<2x80xi32, #tpu.memory_space<hbm>>) target(%arg19 : memref<2x80xi32, #tpu.memory_space<vmem>>) target_semaphore(%arg44 : memref<!tpu.dma_semaphore, #tpu.memory_space<semaphore_mem>>)
        } else {
        }
      } else {
      }
      %mul3A_401 = arith.constant 16 : i32
      %mul3A_402 = arith.muli %scan3A_391, %mul3A_401 : i32
      %add3A_403 = arith.constant 1 : i32
      %add3A_404 = arith.addi %mul3A_402, %add3A_403 : i32
      %lt3A_405 = arith.constant 125 : i32
      %lt3A_406 = arith.cmpi slt, %add3A_404, %lt3A_405 : i32
      %convert_element_type3A_407 = arith.extui %lt3A_406 : i1 to i32
      %cond3A_408 = arith.constant 0 : i32
      %cond3A_409 = arith.cmpi ne, %convert_element_type3A_407, %cond3A_408 : i32
      scf.if %cond3A_409 {
        %add3A_536 = arith.constant 8 : i32
        %add3A_537 = arith.addi %add3A_404, %add3A_536 : i32
        %sub3A = arith.constant 1 : i32
        %sub3A_538 = arith.subi %add3A_537, %sub3A : i32
        %lt3A_539 = arith.constant 125 : i32
        %lt3A_540 = arith.cmpi slt, %sub3A_538, %lt3A_539 : i32
        %convert_element_type3A_541 = arith.extui %lt3A_540 : i1 to i32
        %cond3A_542 = arith.constant 0 : i32
        %cond3A_543 = arith.cmpi ne, %convert_element_type3A_541, %cond3A_542 : i32
        scf.if %cond3A_543 {
          %dma_wait3A_560 = arith.constant 0 : i32
          %dma_wait3A_561 = arith.constant 0 : i32
          %dma_wait3A_562 = tpu.memref_slice %arg3[%add3A, %sub3A_538, %dma_wait3A_560, %dma_wait3A_561] : memref<32x125x2x80xi32, #tpu.memory_space<hbm>> -> memref<1x1x2x80xi32, #tpu.memory_space<hbm>>
          %dma_wait3A_563 = tpu.memref_squeeze %dma_wait3A_562 : memref<1x1x2x80xi32, #tpu.memory_space<hbm>> -> memref<2x80xi32, #tpu.memory_space<hbm>>
          %dma_wait3A_564 = arith.constant 0 : i32
          %dma_wait3A_565 = arith.constant 0 : i32
          %dma_wait3A_566 = tpu.memref_slice %arg3[%add3A, %sub3A_538, %dma_wait3A_564, %dma_wait3A_565] : memref<32x125x2x80xi32, #tpu.memory_space<hbm>> -> memref<1x1x2x80xi32, #tpu.memory_space<hbm>>
          %dma_wait3A_567 = tpu.memref_squeeze %dma_wait3A_566 : memref<1x1x2x80xi32, #tpu.memory_space<hbm>> -> memref<2x80xi32, #tpu.memory_space<hbm>>
          tpu.wait_dma2 semaphore(%arg38 : memref<!tpu.dma_semaphore, #tpu.memory_space<semaphore_mem>>) src(%dma_wait3A_567 : memref<2x80xi32, #tpu.memory_space<hbm>>) dst(%arg13 : memref<2x80xi32, #tpu.memory_space<vmem>>)
          %dma_start3A_568 = arith.constant 0 : i32
          %dma_start3A_569 = arith.constant 0 : i32
          %dma_start3A_570 = tpu.memref_slice %arg13[%dma_start3A_568, %dma_start3A_569] : memref<2x80xi32, #tpu.memory_space<vmem>> -> memref<1x80xi32, #tpu.memory_space<vmem>>
          %dma_start3A_571 = tpu.memref_squeeze %dma_start3A_570 : memref<1x80xi32, #tpu.memory_space<vmem>> -> memref<80xi32, #tpu.memory_space<vmem>>
          %dma_start3A_572 = arith.constant 0 : i32
          %dma_start3A_573 = arith.constant 0 : i32
          %dma_start3A_574 = tpu.memref_slice %arg2[%dma_start3A_572, %dma_start3A_573] : memref<10000x64xf32, #tpu.memory_space<hbm>> -> memref<10000x64xf32, #tpu.memory_space<hbm>>
          tpu.enqueue_indirect_dma source(%dma_start3A_574 : memref<10000x64xf32, #tpu.memory_space<hbm>>) target(%arg21 : memref<80x64xf32, #tpu.memory_space<vmem>>) offsets(%dma_start3A_571 : memref<80xi32, #tpu.memory_space<vmem>>) semaphore(%arg46 : memref<!tpu.dma_semaphore, #tpu.memory_space<semaphore_mem>>)
        } else {
        }
        %dma_wait3A_544 = arith.constant 0 : i32
        %dma_wait3A_545 = arith.constant 0 : i32
        %dma_wait3A_546 = tpu.memref_slice %arg6[%dma_wait3A_544, %dma_wait3A_545] : memref<2x80xi32, #tpu.memory_space<vmem>> -> memref<1x80xi32, #tpu.memory_space<vmem>>
        %dma_wait3A_547 = tpu.memref_squeeze %dma_wait3A_546 : memref<1x80xi32, #tpu.memory_space<vmem>> -> memref<80xi32, #tpu.memory_space<vmem>>
        %dma_wait3A_548 = arith.constant 0 : i32
        %dma_wait3A_549 = arith.constant 0 : i32
        %dma_wait3A_550 = tpu.memref_slice %arg2[%dma_wait3A_548, %dma_wait3A_549] : memref<10000x64xf32, #tpu.memory_space<hbm>> -> memref<10000x64xf32, #tpu.memory_space<hbm>>
        tpu.wait_indirect_dma semaphore(%arg47 : memref<!tpu.dma_semaphore, #tpu.memory_space<semaphore_mem>>) src(%dma_wait3A_550 : memref<10000x64xf32, #tpu.memory_space<hbm>>) dst(%arg22 : memref<80x64xf32, #tpu.memory_space<vmem>>)
        %run_scoped3A = arith.constant 1 : i32
        "tpu.region"() ({
          %run_scoped3A_560 = tpu.sem_alloc : memref<!tpu.dma_semaphore, #tpu.memory_space<semaphore_mem>>
          %dma_start3A_561 = arith.constant 0 : i32
          %dma_start3A_562 = tpu.memref_slice %arg6[%run_scoped3A, %dma_start3A_561] : memref<2x80xi32, #tpu.memory_space<vmem>> -> memref<1x80xi32, #tpu.memory_space<vmem>>
          %dma_start3A_563 = tpu.memref_squeeze %dma_start3A_562 : memref<1x80xi32, #tpu.memory_space<vmem>> -> memref<80xi32, #tpu.memory_space<vmem>>
          %dma_start3A_564 = arith.constant 0 : i32
          %dma_start3A_565 = arith.constant 0 : i32
          %dma_start3A_566 = tpu.memref_slice %arg29[%dma_start3A_564, %dma_start3A_565] : memref<10000x64xf32, #tpu.memory_space<vmem_shared>> -> memref<10000x64xf32, #tpu.memory_space<vmem_shared>>
          tpu.enqueue_indirect_dma source(%arg22 : memref<80x64xf32, #tpu.memory_space<vmem>>) target(%dma_start3A_566 : memref<10000x64xf32, #tpu.memory_space<vmem_shared>>) offsets(%dma_start3A_563 : memref<80xi32, #tpu.memory_space<vmem>>) semaphore(%run_scoped3A_560 : memref<!tpu.dma_semaphore, #tpu.memory_space<semaphore_mem>>) {add = true}
          %dma_wait3A_567 = arith.constant 0 : i32
          %dma_wait3A_568 = tpu.memref_slice %arg6[%run_scoped3A, %dma_wait3A_567] : memref<2x80xi32, #tpu.memory_space<vmem>> -> memref<1x80xi32, #tpu.memory_space<vmem>>
          %dma_wait3A_569 = tpu.memref_squeeze %dma_wait3A_568 : memref<1x80xi32, #tpu.memory_space<vmem>> -> memref<80xi32, #tpu.memory_space<vmem>>
          %dma_wait3A_570 = arith.constant 0 : i32
          %dma_wait3A_571 = arith.constant 0 : i32
          %dma_wait3A_572 = tpu.memref_slice %arg29[%dma_wait3A_570, %dma_wait3A_571] : memref<10000x64xf32, #tpu.memory_space<vmem_shared>> -> memref<10000x64xf32, #tpu.memory_space<vmem_shared>>
          tpu.wait_indirect_dma semaphore(%run_scoped3A_560 : memref<!tpu.dma_semaphore, #tpu.memory_space<semaphore_mem>>) src(%arg22 : memref<80x64xf32, #tpu.memory_space<vmem>>) dst(%dma_wait3A_572 : memref<10000x64xf32, #tpu.memory_space<vmem_shared>>)
          tpu.yield
        }) : () -> ()
        %add3A_551 = arith.constant 16 : i32
        %add3A_552 = arith.addi %add3A_404, %add3A_551 : i32
        %sub3A_553 = arith.constant 2 : i32
        %sub3A_554 = arith.subi %add3A_552, %sub3A_553 : i32
        %lt3A_555 = arith.constant 125 : i32
        %lt3A_556 = arith.cmpi slt, %sub3A_554, %lt3A_555 : i32
        %convert_element_type3A_557 = arith.extui %lt3A_556 : i1 to i32
        %cond3A_558 = arith.constant 0 : i32
        %cond3A_559 = arith.cmpi ne, %convert_element_type3A_557, %cond3A_558 : i32
        scf.if %cond3A_559 {
          %dma_start3A_560 = arith.constant 0 : i32
          %dma_start3A_561 = arith.constant 0 : i32
          %dma_start3A_562 = tpu.memref_slice %arg3[%add3A, %sub3A_554, %dma_start3A_560, %dma_start3A_561] : memref<32x125x2x80xi32, #tpu.memory_space<hbm>> -> memref<1x1x2x80xi32, #tpu.memory_space<hbm>>
          %dma_start3A_563 = tpu.memref_squeeze %dma_start3A_562 : memref<1x1x2x80xi32, #tpu.memory_space<hbm>> -> memref<2x80xi32, #tpu.memory_space<hbm>>
          %dma_start3A_564 = arith.constant 0 : i32
          %dma_start3A_565 = arith.constant 0 : i32
          %dma_start3A_566 = tpu.memref_slice %arg3[%add3A, %sub3A_554, %dma_start3A_564, %dma_start3A_565] : memref<32x125x2x80xi32, #tpu.memory_space<hbm>> -> memref<1x1x2x80xi32, #tpu.memory_space<hbm>>
          %dma_start3A_567 = tpu.memref_squeeze %dma_start3A_566 : memref<1x1x2x80xi32, #tpu.memory_space<hbm>> -> memref<2x80xi32, #tpu.memory_space<hbm>>
          tpu.enqueue_dma source(%dma_start3A_567 : memref<2x80xi32, #tpu.memory_space<hbm>>) target(%arg20 : memref<2x80xi32, #tpu.memory_space<vmem>>) target_semaphore(%arg45 : memref<!tpu.dma_semaphore, #tpu.memory_space<semaphore_mem>>)
        } else {
        }
      } else {
      }
      %mul3A_410 = arith.constant 16 : i32
      %mul3A_411 = arith.muli %scan3A_391, %mul3A_410 : i32
      %add3A_412 = arith.constant 2 : i32
      %add3A_413 = arith.addi %mul3A_411, %add3A_412 : i32
      %lt3A_414 = arith.constant 125 : i32
      %lt3A_415 = arith.cmpi slt, %add3A_413, %lt3A_414 : i32
      %convert_element_type3A_416 = arith.extui %lt3A_415 : i1 to i32
      %cond3A_417 = arith.constant 0 : i32
      %cond3A_418 = arith.cmpi ne, %convert_element_type3A_416, %cond3A_417 : i32
      scf.if %cond3A_418 {
        %add3A_536 = arith.constant 8 : i32
        %add3A_537 = arith.addi %add3A_413, %add3A_536 : i32
        %sub3A = arith.constant 1 : i32
        %sub3A_538 = arith.subi %add3A_537, %sub3A : i32
        %lt3A_539 = arith.constant 125 : i32
        %lt3A_540 = arith.cmpi slt, %sub3A_538, %lt3A_539 : i32
        %convert_element_type3A_541 = arith.extui %lt3A_540 : i1 to i32
        %cond3A_542 = arith.constant 0 : i32
        %cond3A_543 = arith.cmpi ne, %convert_element_type3A_541, %cond3A_542 : i32
        scf.if %cond3A_543 {
          %dma_wait3A_560 = arith.constant 0 : i32
          %dma_wait3A_561 = arith.constant 0 : i32
          %dma_wait3A_562 = tpu.memref_slice %arg3[%add3A, %sub3A_538, %dma_wait3A_560, %dma_wait3A_561] : memref<32x125x2x80xi32, #tpu.memory_space<hbm>> -> memref<1x1x2x80xi32, #tpu.memory_space<hbm>>
          %dma_wait3A_563 = tpu.memref_squeeze %dma_wait3A_562 : memref<1x1x2x80xi32, #tpu.memory_space<hbm>> -> memref<2x80xi32, #tpu.memory_space<hbm>>
          %dma_wait3A_564 = arith.constant 0 : i32
          %dma_wait3A_565 = arith.constant 0 : i32
          %dma_wait3A_566 = tpu.memref_slice %arg3[%add3A, %sub3A_538, %dma_wait3A_564, %dma_wait3A_565] : memref<32x125x2x80xi32, #tpu.memory_space<hbm>> -> memref<1x1x2x80xi32, #tpu.memory_space<hbm>>
          %dma_wait3A_567 = tpu.memref_squeeze %dma_wait3A_566 : memref<1x1x2x80xi32, #tpu.memory_space<hbm>> -> memref<2x80xi32, #tpu.memory_space<hbm>>
          tpu.wait_dma2 semaphore(%arg39 : memref<!tpu.dma_semaphore, #tpu.memory_space<semaphore_mem>>) src(%dma_wait3A_567 : memref<2x80xi32, #tpu.memory_space<hbm>>) dst(%arg14 : memref<2x80xi32, #tpu.memory_space<vmem>>)
          %dma_start3A_568 = arith.constant 0 : i32
          %dma_start3A_569 = arith.constant 0 : i32
          %dma_start3A_570 = tpu.memref_slice %arg14[%dma_start3A_568, %dma_start3A_569] : memref<2x80xi32, #tpu.memory_space<vmem>> -> memref<1x80xi32, #tpu.memory_space<vmem>>
          %dma_start3A_571 = tpu.memref_squeeze %dma_start3A_570 : memref<1x80xi32, #tpu.memory_space<vmem>> -> memref<80xi32, #tpu.memory_space<vmem>>
          %dma_start3A_572 = arith.constant 0 : i32
          %dma_start3A_573 = arith.constant 0 : i32
          %dma_start3A_574 = tpu.memref_slice %arg2[%dma_start3A_572, %dma_start3A_573] : memref<10000x64xf32, #tpu.memory_space<hbm>> -> memref<10000x64xf32, #tpu.memory_space<hbm>>
          tpu.enqueue_indirect_dma source(%dma_start3A_574 : memref<10000x64xf32, #tpu.memory_space<hbm>>) target(%arg22 : memref<80x64xf32, #tpu.memory_space<vmem>>) offsets(%dma_start3A_571 : memref<80xi32, #tpu.memory_space<vmem>>) semaphore(%arg47 : memref<!tpu.dma_semaphore, #tpu.memory_space<semaphore_mem>>)
        } else {
        }
        %dma_wait3A_544 = arith.constant 0 : i32
        %dma_wait3A_545 = arith.constant 0 : i32
        %dma_wait3A_546 = tpu.memref_slice %arg7[%dma_wait3A_544, %dma_wait3A_545] : memref<2x80xi32, #tpu.memory_space<vmem>> -> memref<1x80xi32, #tpu.memory_space<vmem>>
        %dma_wait3A_547 = tpu.memref_squeeze %dma_wait3A_546 : memref<1x80xi32, #tpu.memory_space<vmem>> -> memref<80xi32, #tpu.memory_space<vmem>>
        %dma_wait3A_548 = arith.constant 0 : i32
        %dma_wait3A_549 = arith.constant 0 : i32
        %dma_wait3A_550 = tpu.memref_slice %arg2[%dma_wait3A_548, %dma_wait3A_549] : memref<10000x64xf32, #tpu.memory_space<hbm>> -> memref<10000x64xf32, #tpu.memory_space<hbm>>
        tpu.wait_indirect_dma semaphore(%arg48 : memref<!tpu.dma_semaphore, #tpu.memory_space<semaphore_mem>>) src(%dma_wait3A_550 : memref<10000x64xf32, #tpu.memory_space<hbm>>) dst(%arg23 : memref<80x64xf32, #tpu.memory_space<vmem>>)
        %run_scoped3A = arith.constant 1 : i32
        "tpu.region"() ({
          %run_scoped3A_560 = tpu.sem_alloc : memref<!tpu.dma_semaphore, #tpu.memory_space<semaphore_mem>>
          %dma_start3A_561 = arith.constant 0 : i32
          %dma_start3A_562 = tpu.memref_slice %arg7[%run_scoped3A, %dma_start3A_561] : memref<2x80xi32, #tpu.memory_space<vmem>> -> memref<1x80xi32, #tpu.memory_space<vmem>>
          %dma_start3A_563 = tpu.memref_squeeze %dma_start3A_562 : memref<1x80xi32, #tpu.memory_space<vmem>> -> memref<80xi32, #tpu.memory_space<vmem>>
          %dma_start3A_564 = arith.constant 0 : i32
          %dma_start3A_565 = arith.constant 0 : i32
          %dma_start3A_566 = tpu.memref_slice %arg29[%dma_start3A_564, %dma_start3A_565] : memref<10000x64xf32, #tpu.memory_space<vmem_shared>> -> memref<10000x64xf32, #tpu.memory_space<vmem_shared>>
          tpu.enqueue_indirect_dma source(%arg23 : memref<80x64xf32, #tpu.memory_space<vmem>>) target(%dma_start3A_566 : memref<10000x64xf32, #tpu.memory_space<vmem_shared>>) offsets(%dma_start3A_563 : memref<80xi32, #tpu.memory_space<vmem>>) semaphore(%run_scoped3A_560 : memref<!tpu.dma_semaphore, #tpu.memory_space<semaphore_mem>>) {add = true}
          %dma_wait3A_567 = arith.constant 0 : i32
          %dma_wait3A_568 = tpu.memref_slice %arg7[%run_scoped3A, %dma_wait3A_567] : memref<2x80xi32, #tpu.memory_space<vmem>> -> memref<1x80xi32, #tpu.memory_space<vmem>>
          %dma_wait3A_569 = tpu.memref_squeeze %dma_wait3A_568 : memref<1x80xi32, #tpu.memory_space<vmem>> -> memref<80xi32, #tpu.memory_space<vmem>>
          %dma_wait3A_570 = arith.constant 0 : i32
          %dma_wait3A_571 = arith.constant 0 : i32
          %dma_wait3A_572 = tpu.memref_slice %arg29[%dma_wait3A_570, %dma_wait3A_571] : memref<10000x64xf32, #tpu.memory_space<vmem_shared>> -> memref<10000x64xf32, #tpu.memory_space<vmem_shared>>
          tpu.wait_indirect_dma semaphore(%run_scoped3A_560 : memref<!tpu.dma_semaphore, #tpu.memory_space<semaphore_mem>>) src(%arg23 : memref<80x64xf32, #tpu.memory_space<vmem>>) dst(%dma_wait3A_572 : memref<10000x64xf32, #tpu.memory_space<vmem_shared>>)
          tpu.yield
        }) : () -> ()
        %add3A_551 = arith.constant 16 : i32
        %add3A_552 = arith.addi %add3A_413, %add3A_551 : i32
        %sub3A_553 = arith.constant 2 : i32
        %sub3A_554 = arith.subi %add3A_552, %sub3A_553 : i32
        %lt3A_555 = arith.constant 125 : i32
        %lt3A_556 = arith.cmpi slt, %sub3A_554, %lt3A_555 : i32
        %convert_element_type3A_557 = arith.extui %lt3A_556 : i1 to i32
        %cond3A_558 = arith.constant 0 : i32
        %cond3A_559 = arith.cmpi ne, %convert_element_type3A_557, %cond3A_558 : i32
        scf.if %cond3A_559 {
          %dma_start3A_560 = arith.constant 0 : i32
          %dma_start3A_561 = arith.constant 0 : i32
          %dma_start3A_562 = tpu.memref_slice %arg3[%add3A, %sub3A_554, %dma_start3A_560, %dma_start3A_561] : memref<32x125x2x80xi32, #tpu.memory_space<hbm>> -> memref<1x1x2x80xi32, #tpu.memory_space<hbm>>
          %dma_start3A_563 = tpu.memref_squeeze %dma_start3A_562 : memref<1x1x2x80xi32, #tpu.memory_space<hbm>> -> memref<2x80xi32, #tpu.memory_space<hbm>>
          %dma_start3A_564 = arith.constant 0 : i32
          %dma_start3A_565 = arith.constant 0 : i32
          %dma_start3A_566 = tpu.memref_slice %arg3[%add3A, %sub3A_554, %dma_start3A_564, %dma_start3A_565] : memref<32x125x2x80xi32, #tpu.memory_space<hbm>> -> memref<1x1x2x80xi32, #tpu.memory_space<hbm>>
          %dma_start3A_567 = tpu.memref_squeeze %dma_start3A_566 : memref<1x1x2x80xi32, #tpu.memory_space<hbm>> -> memref<2x80xi32, #tpu.memory_space<hbm>>
          tpu.enqueue_dma source(%dma_start3A_567 : memref<2x80xi32, #tpu.memory_space<hbm>>) target(%arg5 : memref<2x80xi32, #tpu.memory_space<vmem>>) target_semaphore(%arg30 : memref<!tpu.dma_semaphore, #tpu.memory_space<semaphore_mem>>)
        } else {
        }
      } else {
      }
      %mul3A_419 = arith.constant 16 : i32
      %mul3A_420 = arith.muli %scan3A_391, %mul3A_419 : i32
      %add3A_421 = arith.constant 3 : i32
      %add3A_422 = arith.addi %mul3A_420, %add3A_421 : i32
      %lt3A_423 = arith.constant 125 : i32
      %lt3A_424 = arith.cmpi slt, %add3A_422, %lt3A_423 : i32
      %convert_element_type3A_425 = arith.extui %lt3A_424 : i1 to i32
      %cond3A_426 = arith.constant 0 : i32
      %cond3A_427 = arith.cmpi ne, %convert_element_type3A_425, %cond3A_426 : i32
      scf.if %cond3A_427 {
        %add3A_536 = arith.constant 8 : i32
        %add3A_537 = arith.addi %add3A_422, %add3A_536 : i32
        %sub3A = arith.constant 1 : i32
        %sub3A_538 = arith.subi %add3A_537, %sub3A : i32
        %lt3A_539 = arith.constant 125 : i32
        %lt3A_540 = arith.cmpi slt, %sub3A_538, %lt3A_539 : i32
        %convert_element_type3A_541 = arith.extui %lt3A_540 : i1 to i32
        %cond3A_542 = arith.constant 0 : i32
        %cond3A_543 = arith.cmpi ne, %convert_element_type3A_541, %cond3A_542 : i32
        scf.if %cond3A_543 {
          %dma_wait3A_560 = arith.constant 0 : i32
          %dma_wait3A_561 = arith.constant 0 : i32
          %dma_wait3A_562 = tpu.memref_slice %arg3[%add3A, %sub3A_538, %dma_wait3A_560, %dma_wait3A_561] : memref<32x125x2x80xi32, #tpu.memory_space<hbm>> -> memref<1x1x2x80xi32, #tpu.memory_space<hbm>>
          %dma_wait3A_563 = tpu.memref_squeeze %dma_wait3A_562 : memref<1x1x2x80xi32, #tpu.memory_space<hbm>> -> memref<2x80xi32, #tpu.memory_space<hbm>>
          %dma_wait3A_564 = arith.constant 0 : i32
          %dma_wait3A_565 = arith.constant 0 : i32
          %dma_wait3A_566 = tpu.memref_slice %arg3[%add3A, %sub3A_538, %dma_wait3A_564, %dma_wait3A_565] : memref<32x125x2x80xi32, #tpu.memory_space<hbm>> -> memref<1x1x2x80xi32, #tpu.memory_space<hbm>>
          %dma_wait3A_567 = tpu.memref_squeeze %dma_wait3A_566 : memref<1x1x2x80xi32, #tpu.memory_space<hbm>> -> memref<2x80xi32, #tpu.memory_space<hbm>>
          tpu.wait_dma2 semaphore(%arg40 : memref<!tpu.dma_semaphore, #tpu.memory_space<semaphore_mem>>) src(%dma_wait3A_567 : memref<2x80xi32, #tpu.memory_space<hbm>>) dst(%arg15 : memref<2x80xi32, #tpu.memory_space<vmem>>)
          %dma_start3A_568 = arith.constant 0 : i32
          %dma_start3A_569 = arith.constant 0 : i32
          %dma_start3A_570 = tpu.memref_slice %arg15[%dma_start3A_568, %dma_start3A_569] : memref<2x80xi32, #tpu.memory_space<vmem>> -> memref<1x80xi32, #tpu.memory_space<vmem>>
          %dma_start3A_571 = tpu.memref_squeeze %dma_start3A_570 : memref<1x80xi32, #tpu.memory_space<vmem>> -> memref<80xi32, #tpu.memory_space<vmem>>
          %dma_start3A_572 = arith.constant 0 : i32
          %dma_start3A_573 = arith.constant 0 : i32
          %dma_start3A_574 = tpu.memref_slice %arg2[%dma_start3A_572, %dma_start3A_573] : memref<10000x64xf32, #tpu.memory_space<hbm>> -> memref<10000x64xf32, #tpu.memory_space<hbm>>
          tpu.enqueue_indirect_dma source(%dma_start3A_574 : memref<10000x64xf32, #tpu.memory_space<hbm>>) target(%arg23 : memref<80x64xf32, #tpu.memory_space<vmem>>) offsets(%dma_start3A_571 : memref<80xi32, #tpu.memory_space<vmem>>) semaphore(%arg48 : memref<!tpu.dma_semaphore, #tpu.memory_space<semaphore_mem>>)
        } else {
        }
        %dma_wait3A_544 = arith.constant 0 : i32
        %dma_wait3A_545 = arith.constant 0 : i32
        %dma_wait3A_546 = tpu.memref_slice %arg8[%dma_wait3A_544, %dma_wait3A_545] : memref<2x80xi32, #tpu.memory_space<vmem>> -> memref<1x80xi32, #tpu.memory_space<vmem>>
        %dma_wait3A_547 = tpu.memref_squeeze %dma_wait3A_546 : memref<1x80xi32, #tpu.memory_space<vmem>> -> memref<80xi32, #tpu.memory_space<vmem>>
        %dma_wait3A_548 = arith.constant 0 : i32
        %dma_wait3A_549 = arith.constant 0 : i32
        %dma_wait3A_550 = tpu.memref_slice %arg2[%dma_wait3A_548, %dma_wait3A_549] : memref<10000x64xf32, #tpu.memory_space<hbm>> -> memref<10000x64xf32, #tpu.memory_space<hbm>>
        tpu.wait_indirect_dma semaphore(%arg49 : memref<!tpu.dma_semaphore, #tpu.memory_space<semaphore_mem>>) src(%dma_wait3A_550 : memref<10000x64xf32, #tpu.memory_space<hbm>>) dst(%arg24 : memref<80x64xf32, #tpu.memory_space<vmem>>)
        %run_scoped3A = arith.constant 1 : i32
        "tpu.region"() ({
          %run_scoped3A_560 = tpu.sem_alloc : memref<!tpu.dma_semaphore, #tpu.memory_space<semaphore_mem>>
          %dma_start3A_561 = arith.constant 0 : i32
          %dma_start3A_562 = tpu.memref_slice %arg8[%run_scoped3A, %dma_start3A_561] : memref<2x80xi32, #tpu.memory_space<vmem>> -> memref<1x80xi32, #tpu.memory_space<vmem>>
          %dma_start3A_563 = tpu.memref_squeeze %dma_start3A_562 : memref<1x80xi32, #tpu.memory_space<vmem>> -> memref<80xi32, #tpu.memory_space<vmem>>
          %dma_start3A_564 = arith.constant 0 : i32
          %dma_start3A_565 = arith.constant 0 : i32
          %dma_start3A_566 = tpu.memref_slice %arg29[%dma_start3A_564, %dma_start3A_565] : memref<10000x64xf32, #tpu.memory_space<vmem_shared>> -> memref<10000x64xf32, #tpu.memory_space<vmem_shared>>
          tpu.enqueue_indirect_dma source(%arg24 : memref<80x64xf32, #tpu.memory_space<vmem>>) target(%dma_start3A_566 : memref<10000x64xf32, #tpu.memory_space<vmem_shared>>) offsets(%dma_start3A_563 : memref<80xi32, #tpu.memory_space<vmem>>) semaphore(%run_scoped3A_560 : memref<!tpu.dma_semaphore, #tpu.memory_space<semaphore_mem>>) {add = true}
          %dma_wait3A_567 = arith.constant 0 : i32
          %dma_wait3A_568 = tpu.memref_slice %arg8[%run_scoped3A, %dma_wait3A_567] : memref<2x80xi32, #tpu.memory_space<vmem>> -> memref<1x80xi32, #tpu.memory_space<vmem>>
          %dma_wait3A_569 = tpu.memref_squeeze %dma_wait3A_568 : memref<1x80xi32, #tpu.memory_space<vmem>> -> memref<80xi32, #tpu.memory_space<vmem>>
          %dma_wait3A_570 = arith.constant 0 : i32
          %dma_wait3A_571 = arith.constant 0 : i32
          %dma_wait3A_572 = tpu.memref_slice %arg29[%dma_wait3A_570, %dma_wait3A_571] : memref<10000x64xf32, #tpu.memory_space<vmem_shared>> -> memref<10000x64xf32, #tpu.memory_space<vmem_shared>>
          tpu.wait_indirect_dma semaphore(%run_scoped3A_560 : memref<!tpu.dma_semaphore, #tpu.memory_space<semaphore_mem>>) src(%arg24 : memref<80x64xf32, #tpu.memory_space<vmem>>) dst(%dma_wait3A_572 : memref<10000x64xf32, #tpu.memory_space<vmem_shared>>)
          tpu.yield
        }) : () -> ()
        %add3A_551 = arith.constant 16 : i32
        %add3A_552 = arith.addi %add3A_422, %add3A_551 : i32
        %sub3A_553 = arith.constant 2 : i32
        %sub3A_554 = arith.subi %add3A_552, %sub3A_553 : i32
        %lt3A_555 = arith.constant 125 : i32
        %lt3A_556 = arith.cmpi slt, %sub3A_554, %lt3A_555 : i32
        %convert_element_type3A_557 = arith.extui %lt3A_556 : i1 to i32
        %cond3A_558 = arith.constant 0 : i32
        %cond3A_559 = arith.cmpi ne, %convert_element_type3A_557, %cond3A_558 : i32
        scf.if %cond3A_559 {
          %dma_start3A_560 = arith.constant 0 : i32
          %dma_start3A_561 = arith.constant 0 : i32
          %dma_start3A_562 = tpu.memref_slice %arg3[%add3A, %sub3A_554, %dma_start3A_560, %dma_start3A_561] : memref<32x125x2x80xi32, #tpu.memory_space<hbm>> -> memref<1x1x2x80xi32, #tpu.memory_space<hbm>>
          %dma_start3A_563 = tpu.memref_squeeze %dma_start3A_562 : memref<1x1x2x80xi32, #tpu.memory_space<hbm>> -> memref<2x80xi32, #tpu.memory_space<hbm>>
          %dma_start3A_564 = arith.constant 0 : i32
          %dma_start3A_565 = arith.constant 0 : i32
          %dma_start3A_566 = tpu.memref_slice %arg3[%add3A, %sub3A_554, %dma_start3A_564, %dma_start3A_565] : memref<32x125x2x80xi32, #tpu.memory_space<hbm>> -> memref<1x1x2x80xi32, #tpu.memory_space<hbm>>
          %dma_start3A_567 = tpu.memref_squeeze %dma_start3A_566 : memref<1x1x2x80xi32, #tpu.memory_space<hbm>> -> memref<2x80xi32, #tpu.memory_space<hbm>>
          tpu.enqueue_dma source(%dma_start3A_567 : memref<2x80xi32, #tpu.memory_space<hbm>>) target(%arg6 : memref<2x80xi32, #tpu.memory_space<vmem>>) target_semaphore(%arg31 : memref<!tpu.dma_semaphore, #tpu.memory_space<semaphore_mem>>)
        } else {
        }
      } else {
      }
      %mul3A_428 = arith.constant 16 : i32
      %mul3A_429 = arith.muli %scan3A_391, %mul3A_428 : i32
      %add3A_430 = arith.constant 4 : i32
      %add3A_431 = arith.addi %mul3A_429, %add3A_430 : i32
      %lt3A_432 = arith.constant 125 : i32
      %lt3A_433 = arith.cmpi slt, %add3A_431, %lt3A_432 : i32
      %convert_element_type3A_434 = arith.extui %lt3A_433 : i1 to i32
      %cond3A_435 = arith.constant 0 : i32
      %cond3A_436 = arith.cmpi ne, %convert_element_type3A_434, %cond3A_435 : i32
      scf.if %cond3A_436 {
        %add3A_536 = arith.constant 8 : i32
        %add3A_537 = arith.addi %add3A_431, %add3A_536 : i32
        %sub3A = arith.constant 1 : i32
        %sub3A_538 = arith.subi %add3A_537, %sub3A : i32
        %lt3A_539 = arith.constant 125 : i32
        %lt3A_540 = arith.cmpi slt, %sub3A_538, %lt3A_539 : i32
        %convert_element_type3A_541 = arith.extui %lt3A_540 : i1 to i32
        %cond3A_542 = arith.constant 0 : i32
        %cond3A_543 = arith.cmpi ne, %convert_element_type3A_541, %cond3A_542 : i32
        scf.if %cond3A_543 {
          %dma_wait3A_560 = arith.constant 0 : i32
          %dma_wait3A_561 = arith.constant 0 : i32
          %dma_wait3A_562 = tpu.memref_slice %arg3[%add3A, %sub3A_538, %dma_wait3A_560, %dma_wait3A_561] : memref<32x125x2x80xi32, #tpu.memory_space<hbm>> -> memref<1x1x2x80xi32, #tpu.memory_space<hbm>>
          %dma_wait3A_563 = tpu.memref_squeeze %dma_wait3A_562 : memref<1x1x2x80xi32, #tpu.memory_space<hbm>> -> memref<2x80xi32, #tpu.memory_space<hbm>>
          %dma_wait3A_564 = arith.constant 0 : i32
          %dma_wait3A_565 = arith.constant 0 : i32
          %dma_wait3A_566 = tpu.memref_slice %arg3[%add3A, %sub3A_538, %dma_wait3A_564, %dma_wait3A_565] : memref<32x125x2x80xi32, #tpu.memory_space<hbm>> -> memref<1x1x2x80xi32, #tpu.memory_space<hbm>>
          %dma_wait3A_567 = tpu.memref_squeeze %dma_wait3A_566 : memref<1x1x2x80xi32, #tpu.memory_space<hbm>> -> memref<2x80xi32, #tpu.memory_space<hbm>>
          tpu.wait_dma2 semaphore(%arg41 : memref<!tpu.dma_semaphore, #tpu.memory_space<semaphore_mem>>) src(%dma_wait3A_567 : memref<2x80xi32, #tpu.memory_space<hbm>>) dst(%arg16 : memref<2x80xi32, #tpu.memory_space<vmem>>)
          %dma_start3A_568 = arith.constant 0 : i32
          %dma_start3A_569 = arith.constant 0 : i32
          %dma_start3A_570 = tpu.memref_slice %arg16[%dma_start3A_568, %dma_start3A_569] : memref<2x80xi32, #tpu.memory_space<vmem>> -> memref<1x80xi32, #tpu.memory_space<vmem>>
          %dma_start3A_571 = tpu.memref_squeeze %dma_start3A_570 : memref<1x80xi32, #tpu.memory_space<vmem>> -> memref<80xi32, #tpu.memory_space<vmem>>
          %dma_start3A_572 = arith.constant 0 : i32
          %dma_start3A_573 = arith.constant 0 : i32
          %dma_start3A_574 = tpu.memref_slice %arg2[%dma_start3A_572, %dma_start3A_573] : memref<10000x64xf32, #tpu.memory_space<hbm>> -> memref<10000x64xf32, #tpu.memory_space<hbm>>
          tpu.enqueue_indirect_dma source(%dma_start3A_574 : memref<10000x64xf32, #tpu.memory_space<hbm>>) target(%arg24 : memref<80x64xf32, #tpu.memory_space<vmem>>) offsets(%dma_start3A_571 : memref<80xi32, #tpu.memory_space<vmem>>) semaphore(%arg49 : memref<!tpu.dma_semaphore, #tpu.memory_space<semaphore_mem>>)
        } else {
        }
        %dma_wait3A_544 = arith.constant 0 : i32
        %dma_wait3A_545 = arith.constant 0 : i32
        %dma_wait3A_546 = tpu.memref_slice %arg9[%dma_wait3A_544, %dma_wait3A_545] : memref<2x80xi32, #tpu.memory_space<vmem>> -> memref<1x80xi32, #tpu.memory_space<vmem>>
        %dma_wait3A_547 = tpu.memref_squeeze %dma_wait3A_546 : memref<1x80xi32, #tpu.memory_space<vmem>> -> memref<80xi32, #tpu.memory_space<vmem>>
        %dma_wait3A_548 = arith.constant 0 : i32
        %dma_wait3A_549 = arith.constant 0 : i32
        %dma_wait3A_550 = tpu.memref_slice %arg2[%dma_wait3A_548, %dma_wait3A_549] : memref<10000x64xf32, #tpu.memory_space<hbm>> -> memref<10000x64xf32, #tpu.memory_space<hbm>>
        tpu.wait_indirect_dma semaphore(%arg50 : memref<!tpu.dma_semaphore, #tpu.memory_space<semaphore_mem>>) src(%dma_wait3A_550 : memref<10000x64xf32, #tpu.memory_space<hbm>>) dst(%arg25 : memref<80x64xf32, #tpu.memory_space<vmem>>)
        %run_scoped3A = arith.constant 1 : i32
        "tpu.region"() ({
          %run_scoped3A_560 = tpu.sem_alloc : memref<!tpu.dma_semaphore, #tpu.memory_space<semaphore_mem>>
          %dma_start3A_561 = arith.constant 0 : i32
          %dma_start3A_562 = tpu.memref_slice %arg9[%run_scoped3A, %dma_start3A_561] : memref<2x80xi32, #tpu.memory_space<vmem>> -> memref<1x80xi32, #tpu.memory_space<vmem>>
          %dma_start3A_563 = tpu.memref_squeeze %dma_start3A_562 : memref<1x80xi32, #tpu.memory_space<vmem>> -> memref<80xi32, #tpu.memory_space<vmem>>
          %dma_start3A_564 = arith.constant 0 : i32
          %dma_start3A_565 = arith.constant 0 : i32
          %dma_start3A_566 = tpu.memref_slice %arg29[%dma_start3A_564, %dma_start3A_565] : memref<10000x64xf32, #tpu.memory_space<vmem_shared>> -> memref<10000x64xf32, #tpu.memory_space<vmem_shared>>
          tpu.enqueue_indirect_dma source(%arg25 : memref<80x64xf32, #tpu.memory_space<vmem>>) target(%dma_start3A_566 : memref<10000x64xf32, #tpu.memory_space<vmem_shared>>) offsets(%dma_start3A_563 : memref<80xi32, #tpu.memory_space<vmem>>) semaphore(%run_scoped3A_560 : memref<!tpu.dma_semaphore, #tpu.memory_space<semaphore_mem>>) {add = true}
          %dma_wait3A_567 = arith.constant 0 : i32
          %dma_wait3A_568 = tpu.memref_slice %arg9[%run_scoped3A, %dma_wait3A_567] : memref<2x80xi32, #tpu.memory_space<vmem>> -> memref<1x80xi32, #tpu.memory_space<vmem>>
          %dma_wait3A_569 = tpu.memref_squeeze %dma_wait3A_568 : memref<1x80xi32, #tpu.memory_space<vmem>> -> memref<80xi32, #tpu.memory_space<vmem>>
          %dma_wait3A_570 = arith.constant 0 : i32
          %dma_wait3A_571 = arith.constant 0 : i32
          %dma_wait3A_572 = tpu.memref_slice %arg29[%dma_wait3A_570, %dma_wait3A_571] : memref<10000x64xf32, #tpu.memory_space<vmem_shared>> -> memref<10000x64xf32, #tpu.memory_space<vmem_shared>>
          tpu.wait_indirect_dma semaphore(%run_scoped3A_560 : memref<!tpu.dma_semaphore, #tpu.memory_space<semaphore_mem>>) src(%arg25 : memref<80x64xf32, #tpu.memory_space<vmem>>) dst(%dma_wait3A_572 : memref<10000x64xf32, #tpu.memory_space<vmem_shared>>)
          tpu.yield
        }) : () -> ()
        %add3A_551 = arith.constant 16 : i32
        %add3A_552 = arith.addi %add3A_431, %add3A_551 : i32
        %sub3A_553 = arith.constant 2 : i32
        %sub3A_554 = arith.subi %add3A_552, %sub3A_553 : i32
        %lt3A_555 = arith.constant 125 : i32
        %lt3A_556 = arith.cmpi slt, %sub3A_554, %lt3A_555 : i32
        %convert_element_type3A_557 = arith.extui %lt3A_556 : i1 to i32
        %cond3A_558 = arith.constant 0 : i32
        %cond3A_559 = arith.cmpi ne, %convert_element_type3A_557, %cond3A_558 : i32
        scf.if %cond3A_559 {
          %dma_start3A_560 = arith.constant 0 : i32
          %dma_start3A_561 = arith.constant 0 : i32
          %dma_start3A_562 = tpu.memref_slice %arg3[%add3A, %sub3A_554, %dma_start3A_560, %dma_start3A_561] : memref<32x125x2x80xi32, #tpu.memory_space<hbm>> -> memref<1x1x2x80xi32, #tpu.memory_space<hbm>>
          %dma_start3A_563 = tpu.memref_squeeze %dma_start3A_562 : memref<1x1x2x80xi32, #tpu.memory_space<hbm>> -> memref<2x80xi32, #tpu.memory_space<hbm>>
          %dma_start3A_564 = arith.constant 0 : i32
          %dma_start3A_565 = arith.constant 0 : i32
          %dma_start3A_566 = tpu.memref_slice %arg3[%add3A, %sub3A_554, %dma_start3A_564, %dma_start3A_565] : memref<32x125x2x80xi32, #tpu.memory_space<hbm>> -> memref<1x1x2x80xi32, #tpu.memory_space<hbm>>
          %dma_start3A_567 = tpu.memref_squeeze %dma_start3A_566 : memref<1x1x2x80xi32, #tpu.memory_space<hbm>> -> memref<2x80xi32, #tpu.memory_space<hbm>>
          tpu.enqueue_dma source(%dma_start3A_567 : memref<2x80xi32, #tpu.memory_space<hbm>>) target(%arg7 : memref<2x80xi32, #tpu.memory_space<vmem>>) target_semaphore(%arg32 : memref<!tpu.dma_semaphore, #tpu.memory_space<semaphore_mem>>)
        } else {
        }
      } else {
      }
      %mul3A_437 = arith.constant 16 : i32
      %mul3A_438 = arith.muli %scan3A_391, %mul3A_437 : i32
      %add3A_439 = arith.constant 5 : i32
      %add3A_440 = arith.addi %mul3A_438, %add3A_439 : i32
      %lt3A_441 = arith.constant 125 : i32
      %lt3A_442 = arith.cmpi slt, %add3A_440, %lt3A_441 : i32
      %convert_element_type3A_443 = arith.extui %lt3A_442 : i1 to i32
      %cond3A_444 = arith.constant 0 : i32
      %cond3A_445 = arith.cmpi ne, %convert_element_type3A_443, %cond3A_444 : i32
      scf.if %cond3A_445 {
        %add3A_536 = arith.constant 8 : i32
        %add3A_537 = arith.addi %add3A_440, %add3A_536 : i32
        %sub3A = arith.constant 1 : i32
        %sub3A_538 = arith.subi %add3A_537, %sub3A : i32
        %lt3A_539 = arith.constant 125 : i32
        %lt3A_540 = arith.cmpi slt, %sub3A_538, %lt3A_539 : i32
        %convert_element_type3A_541 = arith.extui %lt3A_540 : i1 to i32
        %cond3A_542 = arith.constant 0 : i32
        %cond3A_543 = arith.cmpi ne, %convert_element_type3A_541, %cond3A_542 : i32
        scf.if %cond3A_543 {
          %dma_wait3A_560 = arith.constant 0 : i32
          %dma_wait3A_561 = arith.constant 0 : i32
          %dma_wait3A_562 = tpu.memref_slice %arg3[%add3A, %sub3A_538, %dma_wait3A_560, %dma_wait3A_561] : memref<32x125x2x80xi32, #tpu.memory_space<hbm>> -> memref<1x1x2x80xi32, #tpu.memory_space<hbm>>
          %dma_wait3A_563 = tpu.memref_squeeze %dma_wait3A_562 : memref<1x1x2x80xi32, #tpu.memory_space<hbm>> -> memref<2x80xi32, #tpu.memory_space<hbm>>
          %dma_wait3A_564 = arith.constant 0 : i32
          %dma_wait3A_565 = arith.constant 0 : i32
          %dma_wait3A_566 = tpu.memref_slice %arg3[%add3A, %sub3A_538, %dma_wait3A_564, %dma_wait3A_565] : memref<32x125x2x80xi32, #tpu.memory_space<hbm>> -> memref<1x1x2x80xi32, #tpu.memory_space<hbm>>
          %dma_wait3A_567 = tpu.memref_squeeze %dma_wait3A_566 : memref<1x1x2x80xi32, #tpu.memory_space<hbm>> -> memref<2x80xi32, #tpu.memory_space<hbm>>
          tpu.wait_dma2 semaphore(%arg42 : memref<!tpu.dma_semaphore, #tpu.memory_space<semaphore_mem>>) src(%dma_wait3A_567 : memref<2x80xi32, #tpu.memory_space<hbm>>) dst(%arg17 : memref<2x80xi32, #tpu.memory_space<vmem>>)
          %dma_start3A_568 = arith.constant 0 : i32
          %dma_start3A_569 = arith.constant 0 : i32
          %dma_start3A_570 = tpu.memref_slice %arg17[%dma_start3A_568, %dma_start3A_569] : memref<2x80xi32, #tpu.memory_space<vmem>> -> memref<1x80xi32, #tpu.memory_space<vmem>>
          %dma_start3A_571 = tpu.memref_squeeze %dma_start3A_570 : memref<1x80xi32, #tpu.memory_space<vmem>> -> memref<80xi32, #tpu.memory_space<vmem>>
          %dma_start3A_572 = arith.constant 0 : i32
          %dma_start3A_573 = arith.constant 0 : i32
          %dma_start3A_574 = tpu.memref_slice %arg2[%dma_start3A_572, %dma_start3A_573] : memref<10000x64xf32, #tpu.memory_space<hbm>> -> memref<10000x64xf32, #tpu.memory_space<hbm>>
          tpu.enqueue_indirect_dma source(%dma_start3A_574 : memref<10000x64xf32, #tpu.memory_space<hbm>>) target(%arg25 : memref<80x64xf32, #tpu.memory_space<vmem>>) offsets(%dma_start3A_571 : memref<80xi32, #tpu.memory_space<vmem>>) semaphore(%arg50 : memref<!tpu.dma_semaphore, #tpu.memory_space<semaphore_mem>>)
        } else {
        }
        %dma_wait3A_544 = arith.constant 0 : i32
        %dma_wait3A_545 = arith.constant 0 : i32
        %dma_wait3A_546 = tpu.memref_slice %arg10[%dma_wait3A_544, %dma_wait3A_545] : memref<2x80xi32, #tpu.memory_space<vmem>> -> memref<1x80xi32, #tpu.memory_space<vmem>>
        %dma_wait3A_547 = tpu.memref_squeeze %dma_wait3A_546 : memref<1x80xi32, #tpu.memory_space<vmem>> -> memref<80xi32, #tpu.memory_space<vmem>>
        %dma_wait3A_548 = arith.constant 0 : i32
        %dma_wait3A_549 = arith.constant 0 : i32
        %dma_wait3A_550 = tpu.memref_slice %arg2[%dma_wait3A_548, %dma_wait3A_549] : memref<10000x64xf32, #tpu.memory_space<hbm>> -> memref<10000x64xf32, #tpu.memory_space<hbm>>
        tpu.wait_indirect_dma semaphore(%arg51 : memref<!tpu.dma_semaphore, #tpu.memory_space<semaphore_mem>>) src(%dma_wait3A_550 : memref<10000x64xf32, #tpu.memory_space<hbm>>) dst(%arg26 : memref<80x64xf32, #tpu.memory_space<vmem>>)
        %run_scoped3A = arith.constant 1 : i32
        "tpu.region"() ({
          %run_scoped3A_560 = tpu.sem_alloc : memref<!tpu.dma_semaphore, #tpu.memory_space<semaphore_mem>>
          %dma_start3A_561 = arith.constant 0 : i32
          %dma_start3A_562 = tpu.memref_slice %arg10[%run_scoped3A, %dma_start3A_561] : memref<2x80xi32, #tpu.memory_space<vmem>> -> memref<1x80xi32, #tpu.memory_space<vmem>>
          %dma_start3A_563 = tpu.memref_squeeze %dma_start3A_562 : memref<1x80xi32, #tpu.memory_space<vmem>> -> memref<80xi32, #tpu.memory_space<vmem>>
          %dma_start3A_564 = arith.constant 0 : i32
          %dma_start3A_565 = arith.constant 0 : i32
          %dma_start3A_566 = tpu.memref_slice %arg29[%dma_start3A_564, %dma_start3A_565] : memref<10000x64xf32, #tpu.memory_space<vmem_shared>> -> memref<10000x64xf32, #tpu.memory_space<vmem_shared>>
          tpu.enqueue_indirect_dma source(%arg26 : memref<80x64xf32, #tpu.memory_space<vmem>>) target(%dma_start3A_566 : memref<10000x64xf32, #tpu.memory_space<vmem_shared>>) offsets(%dma_start3A_563 : memref<80xi32, #tpu.memory_space<vmem>>) semaphore(%run_scoped3A_560 : memref<!tpu.dma_semaphore, #tpu.memory_space<semaphore_mem>>) {add = true}
          %dma_wait3A_567 = arith.constant 0 : i32
          %dma_wait3A_568 = tpu.memref_slice %arg10[%run_scoped3A, %dma_wait3A_567] : memref<2x80xi32, #tpu.memory_space<vmem>> -> memref<1x80xi32, #tpu.memory_space<vmem>>
          %dma_wait3A_569 = tpu.memref_squeeze %dma_wait3A_568 : memref<1x80xi32, #tpu.memory_space<vmem>> -> memref<80xi32, #tpu.memory_space<vmem>>
          %dma_wait3A_570 = arith.constant 0 : i32
          %dma_wait3A_571 = arith.constant 0 : i32
          %dma_wait3A_572 = tpu.memref_slice %arg29[%dma_wait3A_570, %dma_wait3A_571] : memref<10000x64xf32, #tpu.memory_space<vmem_shared>> -> memref<10000x64xf32, #tpu.memory_space<vmem_shared>>
          tpu.wait_indirect_dma semaphore(%run_scoped3A_560 : memref<!tpu.dma_semaphore, #tpu.memory_space<semaphore_mem>>) src(%arg26 : memref<80x64xf32, #tpu.memory_space<vmem>>) dst(%dma_wait3A_572 : memref<10000x64xf32, #tpu.memory_space<vmem_shared>>)
          tpu.yield
        }) : () -> ()
        %add3A_551 = arith.constant 16 : i32
        %add3A_552 = arith.addi %add3A_440, %add3A_551 : i32
        %sub3A_553 = arith.constant 2 : i32
        %sub3A_554 = arith.subi %add3A_552, %sub3A_553 : i32
        %lt3A_555 = arith.constant 125 : i32
        %lt3A_556 = arith.cmpi slt, %sub3A_554, %lt3A_555 : i32
        %convert_element_type3A_557 = arith.extui %lt3A_556 : i1 to i32
        %cond3A_558 = arith.constant 0 : i32
        %cond3A_559 = arith.cmpi ne, %convert_element_type3A_557, %cond3A_558 : i32
        scf.if %cond3A_559 {
          %dma_start3A_560 = arith.constant 0 : i32
          %dma_start3A_561 = arith.constant 0 : i32
          %dma_start3A_562 = tpu.memref_slice %arg3[%add3A, %sub3A_554, %dma_start3A_560, %dma_start3A_561] : memref<32x125x2x80xi32, #tpu.memory_space<hbm>> -> memref<1x1x2x80xi32, #tpu.memory_space<hbm>>
          %dma_start3A_563 = tpu.memref_squeeze %dma_start3A_562 : memref<1x1x2x80xi32, #tpu.memory_space<hbm>> -> memref<2x80xi32, #tpu.memory_space<hbm>>
          %dma_start3A_564 = arith.constant 0 : i32
          %dma_start3A_565 = arith.constant 0 : i32
          %dma_start3A_566 = tpu.memref_slice %arg3[%add3A, %sub3A_554, %dma_start3A_564, %dma_start3A_565] : memref<32x125x2x80xi32, #tpu.memory_space<hbm>> -> memref<1x1x2x80xi32, #tpu.memory_space<hbm>>
          %dma_start3A_567 = tpu.memref_squeeze %dma_start3A_566 : memref<1x1x2x80xi32, #tpu.memory_space<hbm>> -> memref<2x80xi32, #tpu.memory_space<hbm>>
          tpu.enqueue_dma source(%dma_start3A_567 : memref<2x80xi32, #tpu.memory_space<hbm>>) target(%arg8 : memref<2x80xi32, #tpu.memory_space<vmem>>) target_semaphore(%arg33 : memref<!tpu.dma_semaphore, #tpu.memory_space<semaphore_mem>>)
        } else {
        }
      } else {
      }
      %mul3A_446 = arith.constant 16 : i32
      %mul3A_447 = arith.muli %scan3A_391, %mul3A_446 : i32
      %add3A_448 = arith.constant 6 : i32
      %add3A_449 = arith.addi %mul3A_447, %add3A_448 : i32
      %lt3A_450 = arith.constant 125 : i32
      %lt3A_451 = arith.cmpi slt, %add3A_449, %lt3A_450 : i32
      %convert_element_type3A_452 = arith.extui %lt3A_451 : i1 to i32
      %cond3A_453 = arith.constant 0 : i32
      %cond3A_454 = arith.cmpi ne, %convert_element_type3A_452, %cond3A_453 : i32
      scf.if %cond3A_454 {
        %add3A_536 = arith.constant 8 : i32
        %add3A_537 = arith.addi %add3A_449, %add3A_536 : i32
        %sub3A = arith.constant 1 : i32
        %sub3A_538 = arith.subi %add3A_537, %sub3A : i32
        %lt3A_539 = arith.constant 125 : i32
        %lt3A_540 = arith.cmpi slt, %sub3A_538, %lt3A_539 : i32
        %convert_element_type3A_541 = arith.extui %lt3A_540 : i1 to i32
        %cond3A_542 = arith.constant 0 : i32
        %cond3A_543 = arith.cmpi ne, %convert_element_type3A_541, %cond3A_542 : i32
        scf.if %cond3A_543 {
          %dma_wait3A_560 = arith.constant 0 : i32
          %dma_wait3A_561 = arith.constant 0 : i32
          %dma_wait3A_562 = tpu.memref_slice %arg3[%add3A, %sub3A_538, %dma_wait3A_560, %dma_wait3A_561] : memref<32x125x2x80xi32, #tpu.memory_space<hbm>> -> memref<1x1x2x80xi32, #tpu.memory_space<hbm>>
          %dma_wait3A_563 = tpu.memref_squeeze %dma_wait3A_562 : memref<1x1x2x80xi32, #tpu.memory_space<hbm>> -> memref<2x80xi32, #tpu.memory_space<hbm>>
          %dma_wait3A_564 = arith.constant 0 : i32
          %dma_wait3A_565 = arith.constant 0 : i32
          %dma_wait3A_566 = tpu.memref_slice %arg3[%add3A, %sub3A_538, %dma_wait3A_564, %dma_wait3A_565] : memref<32x125x2x80xi32, #tpu.memory_space<hbm>> -> memref<1x1x2x80xi32, #tpu.memory_space<hbm>>
          %dma_wait3A_567 = tpu.memref_squeeze %dma_wait3A_566 : memref<1x1x2x80xi32, #tpu.memory_space<hbm>> -> memref<2x80xi32, #tpu.memory_space<hbm>>
          tpu.wait_dma2 semaphore(%arg43 : memref<!tpu.dma_semaphore, #tpu.memory_space<semaphore_mem>>) src(%dma_wait3A_567 : memref<2x80xi32, #tpu.memory_space<hbm>>) dst(%arg18 : memref<2x80xi32, #tpu.memory_space<vmem>>)
          %dma_start3A_568 = arith.constant 0 : i32
          %dma_start3A_569 = arith.constant 0 : i32
          %dma_start3A_570 = tpu.memref_slice %arg18[%dma_start3A_568, %dma_start3A_569] : memref<2x80xi32, #tpu.memory_space<vmem>> -> memref<1x80xi32, #tpu.memory_space<vmem>>
          %dma_start3A_571 = tpu.memref_squeeze %dma_start3A_570 : memref<1x80xi32, #tpu.memory_space<vmem>> -> memref<80xi32, #tpu.memory_space<vmem>>
          %dma_start3A_572 = arith.constant 0 : i32
          %dma_start3A_573 = arith.constant 0 : i32
          %dma_start3A_574 = tpu.memref_slice %arg2[%dma_start3A_572, %dma_start3A_573] : memref<10000x64xf32, #tpu.memory_space<hbm>> -> memref<10000x64xf32, #tpu.memory_space<hbm>>
          tpu.enqueue_indirect_dma source(%dma_start3A_574 : memref<10000x64xf32, #tpu.memory_space<hbm>>) target(%arg26 : memref<80x64xf32, #tpu.memory_space<vmem>>) offsets(%dma_start3A_571 : memref<80xi32, #tpu.memory_space<vmem>>) semaphore(%arg51 : memref<!tpu.dma_semaphore, #tpu.memory_space<semaphore_mem>>)
        } else {
        }
        %dma_wait3A_544 = arith.constant 0 : i32
        %dma_wait3A_545 = arith.constant 0 : i32
        %dma_wait3A_546 = tpu.memref_slice %arg11[%dma_wait3A_544, %dma_wait3A_545] : memref<2x80xi32, #tpu.memory_space<vmem>> -> memref<1x80xi32, #tpu.memory_space<vmem>>
        %dma_wait3A_547 = tpu.memref_squeeze %dma_wait3A_546 : memref<1x80xi32, #tpu.memory_space<vmem>> -> memref<80xi32, #tpu.memory_space<vmem>>
        %dma_wait3A_548 = arith.constant 0 : i32
        %dma_wait3A_549 = arith.constant 0 : i32
        %dma_wait3A_550 = tpu.memref_slice %arg2[%dma_wait3A_548, %dma_wait3A_549] : memref<10000x64xf32, #tpu.memory_space<hbm>> -> memref<10000x64xf32, #tpu.memory_space<hbm>>
        tpu.wait_indirect_dma semaphore(%arg52 : memref<!tpu.dma_semaphore, #tpu.memory_space<semaphore_mem>>) src(%dma_wait3A_550 : memref<10000x64xf32, #tpu.memory_space<hbm>>) dst(%arg27 : memref<80x64xf32, #tpu.memory_space<vmem>>)
        %run_scoped3A = arith.constant 1 : i32
        "tpu.region"() ({
          %run_scoped3A_560 = tpu.sem_alloc : memref<!tpu.dma_semaphore, #tpu.memory_space<semaphore_mem>>
          %dma_start3A_561 = arith.constant 0 : i32
          %dma_start3A_562 = tpu.memref_slice %arg11[%run_scoped3A, %dma_start3A_561] : memref<2x80xi32, #tpu.memory_space<vmem>> -> memref<1x80xi32, #tpu.memory_space<vmem>>
          %dma_start3A_563 = tpu.memref_squeeze %dma_start3A_562 : memref<1x80xi32, #tpu.memory_space<vmem>> -> memref<80xi32, #tpu.memory_space<vmem>>
          %dma_start3A_564 = arith.constant 0 : i32
          %dma_start3A_565 = arith.constant 0 : i32
          %dma_start3A_566 = tpu.memref_slice %arg29[%dma_start3A_564, %dma_start3A_565] : memref<10000x64xf32, #tpu.memory_space<vmem_shared>> -> memref<10000x64xf32, #tpu.memory_space<vmem_shared>>
          tpu.enqueue_indirect_dma source(%arg27 : memref<80x64xf32, #tpu.memory_space<vmem>>) target(%dma_start3A_566 : memref<10000x64xf32, #tpu.memory_space<vmem_shared>>) offsets(%dma_start3A_563 : memref<80xi32, #tpu.memory_space<vmem>>) semaphore(%run_scoped3A_560 : memref<!tpu.dma_semaphore, #tpu.memory_space<semaphore_mem>>) {add = true}
          %dma_wait3A_567 = arith.constant 0 : i32
          %dma_wait3A_568 = tpu.memref_slice %arg11[%run_scoped3A, %dma_wait3A_567] : memref<2x80xi32, #tpu.memory_space<vmem>> -> memref<1x80xi32, #tpu.memory_space<vmem>>
          %dma_wait3A_569 = tpu.memref_squeeze %dma_wait3A_568 : memref<1x80xi32, #tpu.memory_space<vmem>> -> memref<80xi32, #tpu.memory_space<vmem>>
          %dma_wait3A_570 = arith.constant 0 : i32
          %dma_wait3A_571 = arith.constant 0 : i32
          %dma_wait3A_572 = tpu.memref_slice %arg29[%dma_wait3A_570, %dma_wait3A_571] : memref<10000x64xf32, #tpu.memory_space<vmem_shared>> -> memref<10000x64xf32, #tpu.memory_space<vmem_shared>>
          tpu.wait_indirect_dma semaphore(%run_scoped3A_560 : memref<!tpu.dma_semaphore, #tpu.memory_space<semaphore_mem>>) src(%arg27 : memref<80x64xf32, #tpu.memory_space<vmem>>) dst(%dma_wait3A_572 : memref<10000x64xf32, #tpu.memory_space<vmem_shared>>)
          tpu.yield
        }) : () -> ()
        %add3A_551 = arith.constant 16 : i32
        %add3A_552 = arith.addi %add3A_449, %add3A_551 : i32
        %sub3A_553 = arith.constant 2 : i32
        %sub3A_554 = arith.subi %add3A_552, %sub3A_553 : i32
        %lt3A_555 = arith.constant 125 : i32
        %lt3A_556 = arith.cmpi slt, %sub3A_554, %lt3A_555 : i32
        %convert_element_type3A_557 = arith.extui %lt3A_556 : i1 to i32
        %cond3A_558 = arith.constant 0 : i32
        %cond3A_559 = arith.cmpi ne, %convert_element_type3A_557, %cond3A_558 : i32
        scf.if %cond3A_559 {
          %dma_start3A_560 = arith.constant 0 : i32
          %dma_start3A_561 = arith.constant 0 : i32
          %dma_start3A_562 = tpu.memref_slice %arg3[%add3A, %sub3A_554, %dma_start3A_560, %dma_start3A_561] : memref<32x125x2x80xi32, #tpu.memory_space<hbm>> -> memref<1x1x2x80xi32, #tpu.memory_space<hbm>>
          %dma_start3A_563 = tpu.memref_squeeze %dma_start3A_562 : memref<1x1x2x80xi32, #tpu.memory_space<hbm>> -> memref<2x80xi32, #tpu.memory_space<hbm>>
          %dma_start3A_564 = arith.constant 0 : i32
          %dma_start3A_565 = arith.constant 0 : i32
          %dma_start3A_566 = tpu.memref_slice %arg3[%add3A, %sub3A_554, %dma_start3A_564, %dma_start3A_565] : memref<32x125x2x80xi32, #tpu.memory_space<hbm>> -> memref<1x1x2x80xi32, #tpu.memory_space<hbm>>
          %dma_start3A_567 = tpu.memref_squeeze %dma_start3A_566 : memref<1x1x2x80xi32, #tpu.memory_space<hbm>> -> memref<2x80xi32, #tpu.memory_space<hbm>>
          tpu.enqueue_dma source(%dma_start3A_567 : memref<2x80xi32, #tpu.memory_space<hbm>>) target(%arg9 : memref<2x80xi32, #tpu.memory_space<vmem>>) target_semaphore(%arg34 : memref<!tpu.dma_semaphore, #tpu.memory_space<semaphore_mem>>)
        } else {
        }
      } else {
      }
      %mul3A_455 = arith.constant 16 : i32
      %mul3A_456 = arith.muli %scan3A_391, %mul3A_455 : i32
      %add3A_457 = arith.constant 7 : i32
      %add3A_458 = arith.addi %mul3A_456, %add3A_457 : i32
      %lt3A_459 = arith.constant 125 : i32
      %lt3A_460 = arith.cmpi slt, %add3A_458, %lt3A_459 : i32
      %convert_element_type3A_461 = arith.extui %lt3A_460 : i1 to i32
      %cond3A_462 = arith.constant 0 : i32
      %cond3A_463 = arith.cmpi ne, %convert_element_type3A_461, %cond3A_462 : i32
      scf.if %cond3A_463 {
        %add3A_536 = arith.constant 8 : i32
        %add3A_537 = arith.addi %add3A_458, %add3A_536 : i32
        %sub3A = arith.constant 1 : i32
        %sub3A_538 = arith.subi %add3A_537, %sub3A : i32
        %lt3A_539 = arith.constant 125 : i32
        %lt3A_540 = arith.cmpi slt, %sub3A_538, %lt3A_539 : i32
        %convert_element_type3A_541 = arith.extui %lt3A_540 : i1 to i32
        %cond3A_542 = arith.constant 0 : i32
        %cond3A_543 = arith.cmpi ne, %convert_element_type3A_541, %cond3A_542 : i32
        scf.if %cond3A_543 {
          %dma_wait3A_560 = arith.constant 0 : i32
          %dma_wait3A_561 = arith.constant 0 : i32
          %dma_wait3A_562 = tpu.memref_slice %arg3[%add3A, %sub3A_538, %dma_wait3A_560, %dma_wait3A_561] : memref<32x125x2x80xi32, #tpu.memory_space<hbm>> -> memref<1x1x2x80xi32, #tpu.memory_space<hbm>>
          %dma_wait3A_563 = tpu.memref_squeeze %dma_wait3A_562 : memref<1x1x2x80xi32, #tpu.memory_space<hbm>> -> memref<2x80xi32, #tpu.memory_space<hbm>>
          %dma_wait3A_564 = arith.constant 0 : i32
          %dma_wait3A_565 = arith.constant 0 : i32
          %dma_wait3A_566 = tpu.memref_slice %arg3[%add3A, %sub3A_538, %dma_wait3A_564, %dma_wait3A_565] : memref<32x125x2x80xi32, #tpu.memory_space<hbm>> -> memref<1x1x2x80xi32, #tpu.memory_space<hbm>>
          %dma_wait3A_567 = tpu.memref_squeeze %dma_wait3A_566 : memref<1x1x2x80xi32, #tpu.memory_space<hbm>> -> memref<2x80xi32, #tpu.memory_space<hbm>>
          tpu.wait_dma2 semaphore(%arg44 : memref<!tpu.dma_semaphore, #tpu.memory_space<semaphore_mem>>) src(%dma_wait3A_567 : memref<2x80xi32, #tpu.memory_space<hbm>>) dst(%arg19 : memref<2x80xi32, #tpu.memory_space<vmem>>)
          %dma_start3A_568 = arith.constant 0 : i32
          %dma_start3A_569 = arith.constant 0 : i32
          %dma_start3A_570 = tpu.memref_slice %arg19[%dma_start3A_568, %dma_start3A_569] : memref<2x80xi32, #tpu.memory_space<vmem>> -> memref<1x80xi32, #tpu.memory_space<vmem>>
          %dma_start3A_571 = tpu.memref_squeeze %dma_start3A_570 : memref<1x80xi32, #tpu.memory_space<vmem>> -> memref<80xi32, #tpu.memory_space<vmem>>
          %dma_start3A_572 = arith.constant 0 : i32
          %dma_start3A_573 = arith.constant 0 : i32
          %dma_start3A_574 = tpu.memref_slice %arg2[%dma_start3A_572, %dma_start3A_573] : memref<10000x64xf32, #tpu.memory_space<hbm>> -> memref<10000x64xf32, #tpu.memory_space<hbm>>
          tpu.enqueue_indirect_dma source(%dma_start3A_574 : memref<10000x64xf32, #tpu.memory_space<hbm>>) target(%arg27 : memref<80x64xf32, #tpu.memory_space<vmem>>) offsets(%dma_start3A_571 : memref<80xi32, #tpu.memory_space<vmem>>) semaphore(%arg52 : memref<!tpu.dma_semaphore, #tpu.memory_space<semaphore_mem>>)
        } else {
        }
        %dma_wait3A_544 = arith.constant 0 : i32
        %dma_wait3A_545 = arith.constant 0 : i32
        %dma_wait3A_546 = tpu.memref_slice %arg12[%dma_wait3A_544, %dma_wait3A_545] : memref<2x80xi32, #tpu.memory_space<vmem>> -> memref<1x80xi32, #tpu.memory_space<vmem>>
        %dma_wait3A_547 = tpu.memref_squeeze %dma_wait3A_546 : memref<1x80xi32, #tpu.memory_space<vmem>> -> memref<80xi32, #tpu.memory_space<vmem>>
        %dma_wait3A_548 = arith.constant 0 : i32
        %dma_wait3A_549 = arith.constant 0 : i32
        %dma_wait3A_550 = tpu.memref_slice %arg2[%dma_wait3A_548, %dma_wait3A_549] : memref<10000x64xf32, #tpu.memory_space<hbm>> -> memref<10000x64xf32, #tpu.memory_space<hbm>>
        tpu.wait_indirect_dma semaphore(%arg53 : memref<!tpu.dma_semaphore, #tpu.memory_space<semaphore_mem>>) src(%dma_wait3A_550 : memref<10000x64xf32, #tpu.memory_space<hbm>>) dst(%arg28 : memref<80x64xf32, #tpu.memory_space<vmem>>)
        %run_scoped3A = arith.constant 1 : i32
        "tpu.region"() ({
          %run_scoped3A_560 = tpu.sem_alloc : memref<!tpu.dma_semaphore, #tpu.memory_space<semaphore_mem>>
          %dma_start3A_561 = arith.constant 0 : i32
          %dma_start3A_562 = tpu.memref_slice %arg12[%run_scoped3A, %dma_start3A_561] : memref<2x80xi32, #tpu.memory_space<vmem>> -> memref<1x80xi32, #tpu.memory_space<vmem>>
          %dma_start3A_563 = tpu.memref_squeeze %dma_start3A_562 : memref<1x80xi32, #tpu.memory_space<vmem>> -> memref<80xi32, #tpu.memory_space<vmem>>
          %dma_start3A_564 = arith.constant 0 : i32
          %dma_start3A_565 = arith.constant 0 : i32
          %dma_start3A_566 = tpu.memref_slice %arg29[%dma_start3A_564, %dma_start3A_565] : memref<10000x64xf32, #tpu.memory_space<vmem_shared>> -> memref<10000x64xf32, #tpu.memory_space<vmem_shared>>
          tpu.enqueue_indirect_dma source(%arg28 : memref<80x64xf32, #tpu.memory_space<vmem>>) target(%dma_start3A_566 : memref<10000x64xf32, #tpu.memory_space<vmem_shared>>) offsets(%dma_start3A_563 : memref<80xi32, #tpu.memory_space<vmem>>) semaphore(%run_scoped3A_560 : memref<!tpu.dma_semaphore, #tpu.memory_space<semaphore_mem>>) {add = true}
          %dma_wait3A_567 = arith.constant 0 : i32
          %dma_wait3A_568 = tpu.memref_slice %arg12[%run_scoped3A, %dma_wait3A_567] : memref<2x80xi32, #tpu.memory_space<vmem>> -> memref<1x80xi32, #tpu.memory_space<vmem>>
          %dma_wait3A_569 = tpu.memref_squeeze %dma_wait3A_568 : memref<1x80xi32, #tpu.memory_space<vmem>> -> memref<80xi32, #tpu.memory_space<vmem>>
          %dma_wait3A_570 = arith.constant 0 : i32
          %dma_wait3A_571 = arith.constant 0 : i32
          %dma_wait3A_572 = tpu.memref_slice %arg29[%dma_wait3A_570, %dma_wait3A_571] : memref<10000x64xf32, #tpu.memory_space<vmem_shared>> -> memref<10000x64xf32, #tpu.memory_space<vmem_shared>>
          tpu.wait_indirect_dma semaphore(%run_scoped3A_560 : memref<!tpu.dma_semaphore, #tpu.memory_space<semaphore_mem>>) src(%arg28 : memref<80x64xf32, #tpu.memory_space<vmem>>) dst(%dma_wait3A_572 : memref<10000x64xf32, #tpu.memory_space<vmem_shared>>)
          tpu.yield
        }) : () -> ()
        %add3A_551 = arith.constant 16 : i32
        %add3A_552 = arith.addi %add3A_458, %add3A_551 : i32
        %sub3A_553 = arith.constant 2 : i32
        %sub3A_554 = arith.subi %add3A_552, %sub3A_553 : i32
        %lt3A_555 = arith.constant 125 : i32
        %lt3A_556 = arith.cmpi slt, %sub3A_554, %lt3A_555 : i32
        %convert_element_type3A_557 = arith.extui %lt3A_556 : i1 to i32
        %cond3A_558 = arith.constant 0 : i32
        %cond3A_559 = arith.cmpi ne, %convert_element_type3A_557, %cond3A_558 : i32
        scf.if %cond3A_559 {
          %dma_start3A_560 = arith.constant 0 : i32
          %dma_start3A_561 = arith.constant 0 : i32
          %dma_start3A_562 = tpu.memref_slice %arg3[%add3A, %sub3A_554, %dma_start3A_560, %dma_start3A_561] : memref<32x125x2x80xi32, #tpu.memory_space<hbm>> -> memref<1x1x2x80xi32, #tpu.memory_space<hbm>>
          %dma_start3A_563 = tpu.memref_squeeze %dma_start3A_562 : memref<1x1x2x80xi32, #tpu.memory_space<hbm>> -> memref<2x80xi32, #tpu.memory_space<hbm>>
          %dma_start3A_564 = arith.constant 0 : i32
          %dma_start3A_565 = arith.constant 0 : i32
          %dma_start3A_566 = tpu.memref_slice %arg3[%add3A, %sub3A_554, %dma_start3A_564, %dma_start3A_565] : memref<32x125x2x80xi32, #tpu.memory_space<hbm>> -> memref<1x1x2x80xi32, #tpu.memory_space<hbm>>
          %dma_start3A_567 = tpu.memref_squeeze %dma_start3A_566 : memref<1x1x2x80xi32, #tpu.memory_space<hbm>> -> memref<2x80xi32, #tpu.memory_space<hbm>>
          tpu.enqueue_dma source(%dma_start3A_567 : memref<2x80xi32, #tpu.memory_space<hbm>>) target(%arg10 : memref<2x80xi32, #tpu.memory_space<vmem>>) target_semaphore(%arg35 : memref<!tpu.dma_semaphore, #tpu.memory_space<semaphore_mem>>)
        } else {
        }
      } else {
      }
      %mul3A_464 = arith.constant 16 : i32
      %mul3A_465 = arith.muli %scan3A_391, %mul3A_464 : i32
      %add3A_466 = arith.constant 8 : i32
      %add3A_467 = arith.addi %mul3A_465, %add3A_466 : i32
      %lt3A_468 = arith.constant 125 : i32
      %lt3A_469 = arith.cmpi slt, %add3A_467, %lt3A_468 : i32
      %convert_element_type3A_470 = arith.extui %lt3A_469 : i1 to i32
      %cond3A_471 = arith.constant 0 : i32
      %cond3A_472 = arith.cmpi ne, %convert_element_type3A_470, %cond3A_471 : i32
      scf.if %cond3A_472 {
        %add3A_536 = arith.constant 8 : i32
        %add3A_537 = arith.addi %add3A_467, %add3A_536 : i32
        %sub3A = arith.constant 1 : i32
        %sub3A_538 = arith.subi %add3A_537, %sub3A : i32
        %lt3A_539 = arith.constant 125 : i32
        %lt3A_540 = arith.cmpi slt, %sub3A_538, %lt3A_539 : i32
        %convert_element_type3A_541 = arith.extui %lt3A_540 : i1 to i32
        %cond3A_542 = arith.constant 0 : i32
        %cond3A_543 = arith.cmpi ne, %convert_element_type3A_541, %cond3A_542 : i32
        scf.if %cond3A_543 {
          %dma_wait3A_560 = arith.constant 0 : i32
          %dma_wait3A_561 = arith.constant 0 : i32
          %dma_wait3A_562 = tpu.memref_slice %arg3[%add3A, %sub3A_538, %dma_wait3A_560, %dma_wait3A_561] : memref<32x125x2x80xi32, #tpu.memory_space<hbm>> -> memref<1x1x2x80xi32, #tpu.memory_space<hbm>>
          %dma_wait3A_563 = tpu.memref_squeeze %dma_wait3A_562 : memref<1x1x2x80xi32, #tpu.memory_space<hbm>> -> memref<2x80xi32, #tpu.memory_space<hbm>>
          %dma_wait3A_564 = arith.constant 0 : i32
          %dma_wait3A_565 = arith.constant 0 : i32
          %dma_wait3A_566 = tpu.memref_slice %arg3[%add3A, %sub3A_538, %dma_wait3A_564, %dma_wait3A_565] : memref<32x125x2x80xi32, #tpu.memory_space<hbm>> -> memref<1x1x2x80xi32, #tpu.memory_space<hbm>>
          %dma_wait3A_567 = tpu.memref_squeeze %dma_wait3A_566 : memref<1x1x2x80xi32, #tpu.memory_space<hbm>> -> memref<2x80xi32, #tpu.memory_space<hbm>>
          tpu.wait_dma2 semaphore(%arg45 : memref<!tpu.dma_semaphore, #tpu.memory_space<semaphore_mem>>) src(%dma_wait3A_567 : memref<2x80xi32, #tpu.memory_space<hbm>>) dst(%arg20 : memref<2x80xi32, #tpu.memory_space<vmem>>)
          %dma_start3A_568 = arith.constant 0 : i32
          %dma_start3A_569 = arith.constant 0 : i32
          %dma_start3A_570 = tpu.memref_slice %arg20[%dma_start3A_568, %dma_start3A_569] : memref<2x80xi32, #tpu.memory_space<vmem>> -> memref<1x80xi32, #tpu.memory_space<vmem>>
          %dma_start3A_571 = tpu.memref_squeeze %dma_start3A_570 : memref<1x80xi32, #tpu.memory_space<vmem>> -> memref<80xi32, #tpu.memory_space<vmem>>
          %dma_start3A_572 = arith.constant 0 : i32
          %dma_start3A_573 = arith.constant 0 : i32
          %dma_start3A_574 = tpu.memref_slice %arg2[%dma_start3A_572, %dma_start3A_573] : memref<10000x64xf32, #tpu.memory_space<hbm>> -> memref<10000x64xf32, #tpu.memory_space<hbm>>
          tpu.enqueue_indirect_dma source(%dma_start3A_574 : memref<10000x64xf32, #tpu.memory_space<hbm>>) target(%arg28 : memref<80x64xf32, #tpu.memory_space<vmem>>) offsets(%dma_start3A_571 : memref<80xi32, #tpu.memory_space<vmem>>) semaphore(%arg53 : memref<!tpu.dma_semaphore, #tpu.memory_space<semaphore_mem>>)
        } else {
        }
        %dma_wait3A_544 = arith.constant 0 : i32
        %dma_wait3A_545 = arith.constant 0 : i32
        %dma_wait3A_546 = tpu.memref_slice %arg13[%dma_wait3A_544, %dma_wait3A_545] : memref<2x80xi32, #tpu.memory_space<vmem>> -> memref<1x80xi32, #tpu.memory_space<vmem>>
        %dma_wait3A_547 = tpu.memref_squeeze %dma_wait3A_546 : memref<1x80xi32, #tpu.memory_space<vmem>> -> memref<80xi32, #tpu.memory_space<vmem>>
        %dma_wait3A_548 = arith.constant 0 : i32
        %dma_wait3A_549 = arith.constant 0 : i32
        %dma_wait3A_550 = tpu.memref_slice %arg2[%dma_wait3A_548, %dma_wait3A_549] : memref<10000x64xf32, #tpu.memory_space<hbm>> -> memref<10000x64xf32, #tpu.memory_space<hbm>>
        tpu.wait_indirect_dma semaphore(%arg46 : memref<!tpu.dma_semaphore, #tpu.memory_space<semaphore_mem>>) src(%dma_wait3A_550 : memref<10000x64xf32, #tpu.memory_space<hbm>>) dst(%arg21 : memref<80x64xf32, #tpu.memory_space<vmem>>)
        %run_scoped3A = arith.constant 1 : i32
        "tpu.region"() ({
          %run_scoped3A_560 = tpu.sem_alloc : memref<!tpu.dma_semaphore, #tpu.memory_space<semaphore_mem>>
          %dma_start3A_561 = arith.constant 0 : i32
          %dma_start3A_562 = tpu.memref_slice %arg13[%run_scoped3A, %dma_start3A_561] : memref<2x80xi32, #tpu.memory_space<vmem>> -> memref<1x80xi32, #tpu.memory_space<vmem>>
          %dma_start3A_563 = tpu.memref_squeeze %dma_start3A_562 : memref<1x80xi32, #tpu.memory_space<vmem>> -> memref<80xi32, #tpu.memory_space<vmem>>
          %dma_start3A_564 = arith.constant 0 : i32
          %dma_start3A_565 = arith.constant 0 : i32
          %dma_start3A_566 = tpu.memref_slice %arg29[%dma_start3A_564, %dma_start3A_565] : memref<10000x64xf32, #tpu.memory_space<vmem_shared>> -> memref<10000x64xf32, #tpu.memory_space<vmem_shared>>
          tpu.enqueue_indirect_dma source(%arg21 : memref<80x64xf32, #tpu.memory_space<vmem>>) target(%dma_start3A_566 : memref<10000x64xf32, #tpu.memory_space<vmem_shared>>) offsets(%dma_start3A_563 : memref<80xi32, #tpu.memory_space<vmem>>) semaphore(%run_scoped3A_560 : memref<!tpu.dma_semaphore, #tpu.memory_space<semaphore_mem>>) {add = true}
          %dma_wait3A_567 = arith.constant 0 : i32
          %dma_wait3A_568 = tpu.memref_slice %arg13[%run_scoped3A, %dma_wait3A_567] : memref<2x80xi32, #tpu.memory_space<vmem>> -> memref<1x80xi32, #tpu.memory_space<vmem>>
          %dma_wait3A_569 = tpu.memref_squeeze %dma_wait3A_568 : memref<1x80xi32, #tpu.memory_space<vmem>> -> memref<80xi32, #tpu.memory_space<vmem>>
          %dma_wait3A_570 = arith.constant 0 : i32
          %dma_wait3A_571 = arith.constant 0 : i32
          %dma_wait3A_572 = tpu.memref_slice %arg29[%dma_wait3A_570, %dma_wait3A_571] : memref<10000x64xf32, #tpu.memory_space<vmem_shared>> -> memref<10000x64xf32, #tpu.memory_space<vmem_shared>>
          tpu.wait_indirect_dma semaphore(%run_scoped3A_560 : memref<!tpu.dma_semaphore, #tpu.memory_space<semaphore_mem>>) src(%arg21 : memref<80x64xf32, #tpu.memory_space<vmem>>) dst(%dma_wait3A_572 : memref<10000x64xf32, #tpu.memory_space<vmem_shared>>)
          tpu.yield
        }) : () -> ()
        %add3A_551 = arith.constant 16 : i32
        %add3A_552 = arith.addi %add3A_467, %add3A_551 : i32
        %sub3A_553 = arith.constant 2 : i32
        %sub3A_554 = arith.subi %add3A_552, %sub3A_553 : i32
        %lt3A_555 = arith.constant 125 : i32
        %lt3A_556 = arith.cmpi slt, %sub3A_554, %lt3A_555 : i32
        %convert_element_type3A_557 = arith.extui %lt3A_556 : i1 to i32
        %cond3A_558 = arith.constant 0 : i32
        %cond3A_559 = arith.cmpi ne, %convert_element_type3A_557, %cond3A_558 : i32
        scf.if %cond3A_559 {
          %dma_start3A_560 = arith.constant 0 : i32
          %dma_start3A_561 = arith.constant 0 : i32
          %dma_start3A_562 = tpu.memref_slice %arg3[%add3A, %sub3A_554, %dma_start3A_560, %dma_start3A_561] : memref<32x125x2x80xi32, #tpu.memory_space<hbm>> -> memref<1x1x2x80xi32, #tpu.memory_space<hbm>>
          %dma_start3A_563 = tpu.memref_squeeze %dma_start3A_562 : memref<1x1x2x80xi32, #tpu.memory_space<hbm>> -> memref<2x80xi32, #tpu.memory_space<hbm>>
          %dma_start3A_564 = arith.constant 0 : i32
          %dma_start3A_565 = arith.constant 0 : i32
          %dma_start3A_566 = tpu.memref_slice %arg3[%add3A, %sub3A_554, %dma_start3A_564, %dma_start3A_565] : memref<32x125x2x80xi32, #tpu.memory_space<hbm>> -> memref<1x1x2x80xi32, #tpu.memory_space<hbm>>
          %dma_start3A_567 = tpu.memref_squeeze %dma_start3A_566 : memref<1x1x2x80xi32, #tpu.memory_space<hbm>> -> memref<2x80xi32, #tpu.memory_space<hbm>>
          tpu.enqueue_dma source(%dma_start3A_567 : memref<2x80xi32, #tpu.memory_space<hbm>>) target(%arg11 : memref<2x80xi32, #tpu.memory_space<vmem>>) target_semaphore(%arg36 : memref<!tpu.dma_semaphore, #tpu.memory_space<semaphore_mem>>)
        } else {
        }
      } else {
      }
      %mul3A_473 = arith.constant 16 : i32
      %mul3A_474 = arith.muli %scan3A_391, %mul3A_473 : i32
      %add3A_475 = arith.constant 9 : i32
      %add3A_476 = arith.addi %mul3A_474, %add3A_475 : i32
      %lt3A_477 = arith.constant 125 : i32
      %lt3A_478 = arith.cmpi slt, %add3A_476, %lt3A_477 : i32
      %convert_element_type3A_479 = arith.extui %lt3A_478 : i1 to i32
      %cond3A_480 = arith.constant 0 : i32
      %cond3A_481 = arith.cmpi ne, %convert_element_type3A_479, %cond3A_480 : i32
      scf.if %cond3A_481 {
        %add3A_536 = arith.constant 8 : i32
        %add3A_537 = arith.addi %add3A_476, %add3A_536 : i32
        %sub3A = arith.constant 1 : i32
        %sub3A_538 = arith.subi %add3A_537, %sub3A : i32
        %lt3A_539 = arith.constant 125 : i32
        %lt3A_540 = arith.cmpi slt, %sub3A_538, %lt3A_539 : i32
        %convert_element_type3A_541 = arith.extui %lt3A_540 : i1 to i32
        %cond3A_542 = arith.constant 0 : i32
        %cond3A_543 = arith.cmpi ne, %convert_element_type3A_541, %cond3A_542 : i32
        scf.if %cond3A_543 {
          %dma_wait3A_560 = arith.constant 0 : i32
          %dma_wait3A_561 = arith.constant 0 : i32
          %dma_wait3A_562 = tpu.memref_slice %arg3[%add3A, %sub3A_538, %dma_wait3A_560, %dma_wait3A_561] : memref<32x125x2x80xi32, #tpu.memory_space<hbm>> -> memref<1x1x2x80xi32, #tpu.memory_space<hbm>>
          %dma_wait3A_563 = tpu.memref_squeeze %dma_wait3A_562 : memref<1x1x2x80xi32, #tpu.memory_space<hbm>> -> memref<2x80xi32, #tpu.memory_space<hbm>>
          %dma_wait3A_564 = arith.constant 0 : i32
          %dma_wait3A_565 = arith.constant 0 : i32
          %dma_wait3A_566 = tpu.memref_slice %arg3[%add3A, %sub3A_538, %dma_wait3A_564, %dma_wait3A_565] : memref<32x125x2x80xi32, #tpu.memory_space<hbm>> -> memref<1x1x2x80xi32, #tpu.memory_space<hbm>>
          %dma_wait3A_567 = tpu.memref_squeeze %dma_wait3A_566 : memref<1x1x2x80xi32, #tpu.memory_space<hbm>> -> memref<2x80xi32, #tpu.memory_space<hbm>>
          tpu.wait_dma2 semaphore(%arg30 : memref<!tpu.dma_semaphore, #tpu.memory_space<semaphore_mem>>) src(%dma_wait3A_567 : memref<2x80xi32, #tpu.memory_space<hbm>>) dst(%arg5 : memref<2x80xi32, #tpu.memory_space<vmem>>)
          %dma_start3A_568 = arith.constant 0 : i32
          %dma_start3A_569 = arith.constant 0 : i32
          %dma_start3A_570 = tpu.memref_slice %arg5[%dma_start3A_568, %dma_start3A_569] : memref<2x80xi32, #tpu.memory_space<vmem>> -> memref<1x80xi32, #tpu.memory_space<vmem>>
          %dma_start3A_571 = tpu.memref_squeeze %dma_start3A_570 : memref<1x80xi32, #tpu.memory_space<vmem>> -> memref<80xi32, #tpu.memory_space<vmem>>
          %dma_start3A_572 = arith.constant 0 : i32
          %dma_start3A_573 = arith.constant 0 : i32
          %dma_start3A_574 = tpu.memref_slice %arg2[%dma_start3A_572, %dma_start3A_573] : memref<10000x64xf32, #tpu.memory_space<hbm>> -> memref<10000x64xf32, #tpu.memory_space<hbm>>
          tpu.enqueue_indirect_dma source(%dma_start3A_574 : memref<10000x64xf32, #tpu.memory_space<hbm>>) target(%arg21 : memref<80x64xf32, #tpu.memory_space<vmem>>) offsets(%dma_start3A_571 : memref<80xi32, #tpu.memory_space<vmem>>) semaphore(%arg46 : memref<!tpu.dma_semaphore, #tpu.memory_space<semaphore_mem>>)
        } else {
        }
        %dma_wait3A_544 = arith.constant 0 : i32
        %dma_wait3A_545 = arith.constant 0 : i32
        %dma_wait3A_546 = tpu.memref_slice %arg14[%dma_wait3A_544, %dma_wait3A_545] : memref<2x80xi32, #tpu.memory_space<vmem>> -> memref<1x80xi32, #tpu.memory_space<vmem>>
        %dma_wait3A_547 = tpu.memref_squeeze %dma_wait3A_546 : memref<1x80xi32, #tpu.memory_space<vmem>> -> memref<80xi32, #tpu.memory_space<vmem>>
        %dma_wait3A_548 = arith.constant 0 : i32
        %dma_wait3A_549 = arith.constant 0 : i32
        %dma_wait3A_550 = tpu.memref_slice %arg2[%dma_wait3A_548, %dma_wait3A_549] : memref<10000x64xf32, #tpu.memory_space<hbm>> -> memref<10000x64xf32, #tpu.memory_space<hbm>>
        tpu.wait_indirect_dma semaphore(%arg47 : memref<!tpu.dma_semaphore, #tpu.memory_space<semaphore_mem>>) src(%dma_wait3A_550 : memref<10000x64xf32, #tpu.memory_space<hbm>>) dst(%arg22 : memref<80x64xf32, #tpu.memory_space<vmem>>)
        %run_scoped3A = arith.constant 1 : i32
        "tpu.region"() ({
          %run_scoped3A_560 = tpu.sem_alloc : memref<!tpu.dma_semaphore, #tpu.memory_space<semaphore_mem>>
          %dma_start3A_561 = arith.constant 0 : i32
          %dma_start3A_562 = tpu.memref_slice %arg14[%run_scoped3A, %dma_start3A_561] : memref<2x80xi32, #tpu.memory_space<vmem>> -> memref<1x80xi32, #tpu.memory_space<vmem>>
          %dma_start3A_563 = tpu.memref_squeeze %dma_start3A_562 : memref<1x80xi32, #tpu.memory_space<vmem>> -> memref<80xi32, #tpu.memory_space<vmem>>
          %dma_start3A_564 = arith.constant 0 : i32
          %dma_start3A_565 = arith.constant 0 : i32
          %dma_start3A_566 = tpu.memref_slice %arg29[%dma_start3A_564, %dma_start3A_565] : memref<10000x64xf32, #tpu.memory_space<vmem_shared>> -> memref<10000x64xf32, #tpu.memory_space<vmem_shared>>
          tpu.enqueue_indirect_dma source(%arg22 : memref<80x64xf32, #tpu.memory_space<vmem>>) target(%dma_start3A_566 : memref<10000x64xf32, #tpu.memory_space<vmem_shared>>) offsets(%dma_start3A_563 : memref<80xi32, #tpu.memory_space<vmem>>) semaphore(%run_scoped3A_560 : memref<!tpu.dma_semaphore, #tpu.memory_space<semaphore_mem>>) {add = true}
          %dma_wait3A_567 = arith.constant 0 : i32
          %dma_wait3A_568 = tpu.memref_slice %arg14[%run_scoped3A, %dma_wait3A_567] : memref<2x80xi32, #tpu.memory_space<vmem>> -> memref<1x80xi32, #tpu.memory_space<vmem>>
          %dma_wait3A_569 = tpu.memref_squeeze %dma_wait3A_568 : memref<1x80xi32, #tpu.memory_space<vmem>> -> memref<80xi32, #tpu.memory_space<vmem>>
          %dma_wait3A_570 = arith.constant 0 : i32
          %dma_wait3A_571 = arith.constant 0 : i32
          %dma_wait3A_572 = tpu.memref_slice %arg29[%dma_wait3A_570, %dma_wait3A_571] : memref<10000x64xf32, #tpu.memory_space<vmem_shared>> -> memref<10000x64xf32, #tpu.memory_space<vmem_shared>>
          tpu.wait_indirect_dma semaphore(%run_scoped3A_560 : memref<!tpu.dma_semaphore, #tpu.memory_space<semaphore_mem>>) src(%arg22 : memref<80x64xf32, #tpu.memory_space<vmem>>) dst(%dma_wait3A_572 : memref<10000x64xf32, #tpu.memory_space<vmem_shared>>)
          tpu.yield
        }) : () -> ()
        %add3A_551 = arith.constant 16 : i32
        %add3A_552 = arith.addi %add3A_476, %add3A_551 : i32
        %sub3A_553 = arith.constant 2 : i32
        %sub3A_554 = arith.subi %add3A_552, %sub3A_553 : i32
        %lt3A_555 = arith.constant 125 : i32
        %lt3A_556 = arith.cmpi slt, %sub3A_554, %lt3A_555 : i32
        %convert_element_type3A_557 = arith.extui %lt3A_556 : i1 to i32
        %cond3A_558 = arith.constant 0 : i32
        %cond3A_559 = arith.cmpi ne, %convert_element_type3A_557, %cond3A_558 : i32
        scf.if %cond3A_559 {
          %dma_start3A_560 = arith.constant 0 : i32
          %dma_start3A_561 = arith.constant 0 : i32
          %dma_start3A_562 = tpu.memref_slice %arg3[%add3A, %sub3A_554, %dma_start3A_560, %dma_start3A_561] : memref<32x125x2x80xi32, #tpu.memory_space<hbm>> -> memref<1x1x2x80xi32, #tpu.memory_space<hbm>>
          %dma_start3A_563 = tpu.memref_squeeze %dma_start3A_562 : memref<1x1x2x80xi32, #tpu.memory_space<hbm>> -> memref<2x80xi32, #tpu.memory_space<hbm>>
          %dma_start3A_564 = arith.constant 0 : i32
          %dma_start3A_565 = arith.constant 0 : i32
          %dma_start3A_566 = tpu.memref_slice %arg3[%add3A, %sub3A_554, %dma_start3A_564, %dma_start3A_565] : memref<32x125x2x80xi32, #tpu.memory_space<hbm>> -> memref<1x1x2x80xi32, #tpu.memory_space<hbm>>
          %dma_start3A_567 = tpu.memref_squeeze %dma_start3A_566 : memref<1x1x2x80xi32, #tpu.memory_space<hbm>> -> memref<2x80xi32, #tpu.memory_space<hbm>>
          tpu.enqueue_dma source(%dma_start3A_567 : memref<2x80xi32, #tpu.memory_space<hbm>>) target(%arg12 : memref<2x80xi32, #tpu.memory_space<vmem>>) target_semaphore(%arg37 : memref<!tpu.dma_semaphore, #tpu.memory_space<semaphore_mem>>)
        } else {
        }
      } else {
      }
      %mul3A_482 = arith.constant 16 : i32
      %mul3A_483 = arith.muli %scan3A_391, %mul3A_482 : i32
      %add3A_484 = arith.constant 10 : i32
      %add3A_485 = arith.addi %mul3A_483, %add3A_484 : i32
      %lt3A_486 = arith.constant 125 : i32
      %lt3A_487 = arith.cmpi slt, %add3A_485, %lt3A_486 : i32
      %convert_element_type3A_488 = arith.extui %lt3A_487 : i1 to i32
      %cond3A_489 = arith.constant 0 : i32
      %cond3A_490 = arith.cmpi ne, %convert_element_type3A_488, %cond3A_489 : i32
      scf.if %cond3A_490 {
        %add3A_536 = arith.constant 8 : i32
        %add3A_537 = arith.addi %add3A_485, %add3A_536 : i32
        %sub3A = arith.constant 1 : i32
        %sub3A_538 = arith.subi %add3A_537, %sub3A : i32
        %lt3A_539 = arith.constant 125 : i32
        %lt3A_540 = arith.cmpi slt, %sub3A_538, %lt3A_539 : i32
        %convert_element_type3A_541 = arith.extui %lt3A_540 : i1 to i32
        %cond3A_542 = arith.constant 0 : i32
        %cond3A_543 = arith.cmpi ne, %convert_element_type3A_541, %cond3A_542 : i32
        scf.if %cond3A_543 {
          %dma_wait3A_560 = arith.constant 0 : i32
          %dma_wait3A_561 = arith.constant 0 : i32
          %dma_wait3A_562 = tpu.memref_slice %arg3[%add3A, %sub3A_538, %dma_wait3A_560, %dma_wait3A_561] : memref<32x125x2x80xi32, #tpu.memory_space<hbm>> -> memref<1x1x2x80xi32, #tpu.memory_space<hbm>>
          %dma_wait3A_563 = tpu.memref_squeeze %dma_wait3A_562 : memref<1x1x2x80xi32, #tpu.memory_space<hbm>> -> memref<2x80xi32, #tpu.memory_space<hbm>>
          %dma_wait3A_564 = arith.constant 0 : i32
          %dma_wait3A_565 = arith.constant 0 : i32
          %dma_wait3A_566 = tpu.memref_slice %arg3[%add3A, %sub3A_538, %dma_wait3A_564, %dma_wait3A_565] : memref<32x125x2x80xi32, #tpu.memory_space<hbm>> -> memref<1x1x2x80xi32, #tpu.memory_space<hbm>>
          %dma_wait3A_567 = tpu.memref_squeeze %dma_wait3A_566 : memref<1x1x2x80xi32, #tpu.memory_space<hbm>> -> memref<2x80xi32, #tpu.memory_space<hbm>>
          tpu.wait_dma2 semaphore(%arg31 : memref<!tpu.dma_semaphore, #tpu.memory_space<semaphore_mem>>) src(%dma_wait3A_567 : memref<2x80xi32, #tpu.memory_space<hbm>>) dst(%arg6 : memref<2x80xi32, #tpu.memory_space<vmem>>)
          %dma_start3A_568 = arith.constant 0 : i32
          %dma_start3A_569 = arith.constant 0 : i32
          %dma_start3A_570 = tpu.memref_slice %arg6[%dma_start3A_568, %dma_start3A_569] : memref<2x80xi32, #tpu.memory_space<vmem>> -> memref<1x80xi32, #tpu.memory_space<vmem>>
          %dma_start3A_571 = tpu.memref_squeeze %dma_start3A_570 : memref<1x80xi32, #tpu.memory_space<vmem>> -> memref<80xi32, #tpu.memory_space<vmem>>
          %dma_start3A_572 = arith.constant 0 : i32
          %dma_start3A_573 = arith.constant 0 : i32
          %dma_start3A_574 = tpu.memref_slice %arg2[%dma_start3A_572, %dma_start3A_573] : memref<10000x64xf32, #tpu.memory_space<hbm>> -> memref<10000x64xf32, #tpu.memory_space<hbm>>
          tpu.enqueue_indirect_dma source(%dma_start3A_574 : memref<10000x64xf32, #tpu.memory_space<hbm>>) target(%arg22 : memref<80x64xf32, #tpu.memory_space<vmem>>) offsets(%dma_start3A_571 : memref<80xi32, #tpu.memory_space<vmem>>) semaphore(%arg47 : memref<!tpu.dma_semaphore, #tpu.memory_space<semaphore_mem>>)
        } else {
        }
        %dma_wait3A_544 = arith.constant 0 : i32
        %dma_wait3A_545 = arith.constant 0 : i32
        %dma_wait3A_546 = tpu.memref_slice %arg15[%dma_wait3A_544, %dma_wait3A_545] : memref<2x80xi32, #tpu.memory_space<vmem>> -> memref<1x80xi32, #tpu.memory_space<vmem>>
        %dma_wait3A_547 = tpu.memref_squeeze %dma_wait3A_546 : memref<1x80xi32, #tpu.memory_space<vmem>> -> memref<80xi32, #tpu.memory_space<vmem>>
        %dma_wait3A_548 = arith.constant 0 : i32
        %dma_wait3A_549 = arith.constant 0 : i32
        %dma_wait3A_550 = tpu.memref_slice %arg2[%dma_wait3A_548, %dma_wait3A_549] : memref<10000x64xf32, #tpu.memory_space<hbm>> -> memref<10000x64xf32, #tpu.memory_space<hbm>>
        tpu.wait_indirect_dma semaphore(%arg48 : memref<!tpu.dma_semaphore, #tpu.memory_space<semaphore_mem>>) src(%dma_wait3A_550 : memref<10000x64xf32, #tpu.memory_space<hbm>>) dst(%arg23 : memref<80x64xf32, #tpu.memory_space<vmem>>)
        %run_scoped3A = arith.constant 1 : i32
        "tpu.region"() ({
          %run_scoped3A_560 = tpu.sem_alloc : memref<!tpu.dma_semaphore, #tpu.memory_space<semaphore_mem>>
          %dma_start3A_561 = arith.constant 0 : i32
          %dma_start3A_562 = tpu.memref_slice %arg15[%run_scoped3A, %dma_start3A_561] : memref<2x80xi32, #tpu.memory_space<vmem>> -> memref<1x80xi32, #tpu.memory_space<vmem>>
          %dma_start3A_563 = tpu.memref_squeeze %dma_start3A_562 : memref<1x80xi32, #tpu.memory_space<vmem>> -> memref<80xi32, #tpu.memory_space<vmem>>
          %dma_start3A_564 = arith.constant 0 : i32
          %dma_start3A_565 = arith.constant 0 : i32
          %dma_start3A_566 = tpu.memref_slice %arg29[%dma_start3A_564, %dma_start3A_565] : memref<10000x64xf32, #tpu.memory_space<vmem_shared>> -> memref<10000x64xf32, #tpu.memory_space<vmem_shared>>
          tpu.enqueue_indirect_dma source(%arg23 : memref<80x64xf32, #tpu.memory_space<vmem>>) target(%dma_start3A_566 : memref<10000x64xf32, #tpu.memory_space<vmem_shared>>) offsets(%dma_start3A_563 : memref<80xi32, #tpu.memory_space<vmem>>) semaphore(%run_scoped3A_560 : memref<!tpu.dma_semaphore, #tpu.memory_space<semaphore_mem>>) {add = true}
          %dma_wait3A_567 = arith.constant 0 : i32
          %dma_wait3A_568 = tpu.memref_slice %arg15[%run_scoped3A, %dma_wait3A_567] : memref<2x80xi32, #tpu.memory_space<vmem>> -> memref<1x80xi32, #tpu.memory_space<vmem>>
          %dma_wait3A_569 = tpu.memref_squeeze %dma_wait3A_568 : memref<1x80xi32, #tpu.memory_space<vmem>> -> memref<80xi32, #tpu.memory_space<vmem>>
          %dma_wait3A_570 = arith.constant 0 : i32
          %dma_wait3A_571 = arith.constant 0 : i32
          %dma_wait3A_572 = tpu.memref_slice %arg29[%dma_wait3A_570, %dma_wait3A_571] : memref<10000x64xf32, #tpu.memory_space<vmem_shared>> -> memref<10000x64xf32, #tpu.memory_space<vmem_shared>>
          tpu.wait_indirect_dma semaphore(%run_scoped3A_560 : memref<!tpu.dma_semaphore, #tpu.memory_space<semaphore_mem>>) src(%arg23 : memref<80x64xf32, #tpu.memory_space<vmem>>) dst(%dma_wait3A_572 : memref<10000x64xf32, #tpu.memory_space<vmem_shared>>)
          tpu.yield
        }) : () -> ()
        %add3A_551 = arith.constant 16 : i32
        %add3A_552 = arith.addi %add3A_485, %add3A_551 : i32
        %sub3A_553 = arith.constant 2 : i32
        %sub3A_554 = arith.subi %add3A_552, %sub3A_553 : i32
        %lt3A_555 = arith.constant 125 : i32
        %lt3A_556 = arith.cmpi slt, %sub3A_554, %lt3A_555 : i32
        %convert_element_type3A_557 = arith.extui %lt3A_556 : i1 to i32
        %cond3A_558 = arith.constant 0 : i32
        %cond3A_559 = arith.cmpi ne, %convert_element_type3A_557, %cond3A_558 : i32
        scf.if %cond3A_559 {
          %dma_start3A_560 = arith.constant 0 : i32
          %dma_start3A_561 = arith.constant 0 : i32
          %dma_start3A_562 = tpu.memref_slice %arg3[%add3A, %sub3A_554, %dma_start3A_560, %dma_start3A_561] : memref<32x125x2x80xi32, #tpu.memory_space<hbm>> -> memref<1x1x2x80xi32, #tpu.memory_space<hbm>>
          %dma_start3A_563 = tpu.memref_squeeze %dma_start3A_562 : memref<1x1x2x80xi32, #tpu.memory_space<hbm>> -> memref<2x80xi32, #tpu.memory_space<hbm>>
          %dma_start3A_564 = arith.constant 0 : i32
          %dma_start3A_565 = arith.constant 0 : i32
          %dma_start3A_566 = tpu.memref_slice %arg3[%add3A, %sub3A_554, %dma_start3A_564, %dma_start3A_565] : memref<32x125x2x80xi32, #tpu.memory_space<hbm>> -> memref<1x1x2x80xi32, #tpu.memory_space<hbm>>
          %dma_start3A_567 = tpu.memref_squeeze %dma_start3A_566 : memref<1x1x2x80xi32, #tpu.memory_space<hbm>> -> memref<2x80xi32, #tpu.memory_space<hbm>>
          tpu.enqueue_dma source(%dma_start3A_567 : memref<2x80xi32, #tpu.memory_space<hbm>>) target(%arg13 : memref<2x80xi32, #tpu.memory_space<vmem>>) target_semaphore(%arg38 : memref<!tpu.dma_semaphore, #tpu.memory_space<semaphore_mem>>)
        } else {
        }
      } else {
      }
      %mul3A_491 = arith.constant 16 : i32
      %mul3A_492 = arith.muli %scan3A_391, %mul3A_491 : i32
      %add3A_493 = arith.constant 11 : i32
      %add3A_494 = arith.addi %mul3A_492, %add3A_493 : i32
      %lt3A_495 = arith.constant 125 : i32
      %lt3A_496 = arith.cmpi slt, %add3A_494, %lt3A_495 : i32
      %convert_element_type3A_497 = arith.extui %lt3A_496 : i1 to i32
      %cond3A_498 = arith.constant 0 : i32
      %cond3A_499 = arith.cmpi ne, %convert_element_type3A_497, %cond3A_498 : i32
      scf.if %cond3A_499 {
        %add3A_536 = arith.constant 8 : i32
        %add3A_537 = arith.addi %add3A_494, %add3A_536 : i32
        %sub3A = arith.constant 1 : i32
        %sub3A_538 = arith.subi %add3A_537, %sub3A : i32
        %lt3A_539 = arith.constant 125 : i32
        %lt3A_540 = arith.cmpi slt, %sub3A_538, %lt3A_539 : i32
        %convert_element_type3A_541 = arith.extui %lt3A_540 : i1 to i32
        %cond3A_542 = arith.constant 0 : i32
        %cond3A_543 = arith.cmpi ne, %convert_element_type3A_541, %cond3A_542 : i32
        scf.if %cond3A_543 {
          %dma_wait3A_560 = arith.constant 0 : i32
          %dma_wait3A_561 = arith.constant 0 : i32
          %dma_wait3A_562 = tpu.memref_slice %arg3[%add3A, %sub3A_538, %dma_wait3A_560, %dma_wait3A_561] : memref<32x125x2x80xi32, #tpu.memory_space<hbm>> -> memref<1x1x2x80xi32, #tpu.memory_space<hbm>>
          %dma_wait3A_563 = tpu.memref_squeeze %dma_wait3A_562 : memref<1x1x2x80xi32, #tpu.memory_space<hbm>> -> memref<2x80xi32, #tpu.memory_space<hbm>>
          %dma_wait3A_564 = arith.constant 0 : i32
          %dma_wait3A_565 = arith.constant 0 : i32
          %dma_wait3A_566 = tpu.memref_slice %arg3[%add3A, %sub3A_538, %dma_wait3A_564, %dma_wait3A_565] : memref<32x125x2x80xi32, #tpu.memory_space<hbm>> -> memref<1x1x2x80xi32, #tpu.memory_space<hbm>>
          %dma_wait3A_567 = tpu.memref_squeeze %dma_wait3A_566 : memref<1x1x2x80xi32, #tpu.memory_space<hbm>> -> memref<2x80xi32, #tpu.memory_space<hbm>>
          tpu.wait_dma2 semaphore(%arg32 : memref<!tpu.dma_semaphore, #tpu.memory_space<semaphore_mem>>) src(%dma_wait3A_567 : memref<2x80xi32, #tpu.memory_space<hbm>>) dst(%arg7 : memref<2x80xi32, #tpu.memory_space<vmem>>)
          %dma_start3A_568 = arith.constant 0 : i32
          %dma_start3A_569 = arith.constant 0 : i32
          %dma_start3A_570 = tpu.memref_slice %arg7[%dma_start3A_568, %dma_start3A_569] : memref<2x80xi32, #tpu.memory_space<vmem>> -> memref<1x80xi32, #tpu.memory_space<vmem>>
          %dma_start3A_571 = tpu.memref_squeeze %dma_start3A_570 : memref<1x80xi32, #tpu.memory_space<vmem>> -> memref<80xi32, #tpu.memory_space<vmem>>
          %dma_start3A_572 = arith.constant 0 : i32
          %dma_start3A_573 = arith.constant 0 : i32
          %dma_start3A_574 = tpu.memref_slice %arg2[%dma_start3A_572, %dma_start3A_573] : memref<10000x64xf32, #tpu.memory_space<hbm>> -> memref<10000x64xf32, #tpu.memory_space<hbm>>
          tpu.enqueue_indirect_dma source(%dma_start3A_574 : memref<10000x64xf32, #tpu.memory_space<hbm>>) target(%arg23 : memref<80x64xf32, #tpu.memory_space<vmem>>) offsets(%dma_start3A_571 : memref<80xi32, #tpu.memory_space<vmem>>) semaphore(%arg48 : memref<!tpu.dma_semaphore, #tpu.memory_space<semaphore_mem>>)
        } else {
        }
        %dma_wait3A_544 = arith.constant 0 : i32
        %dma_wait3A_545 = arith.constant 0 : i32
        %dma_wait3A_546 = tpu.memref_slice %arg16[%dma_wait3A_544, %dma_wait3A_545] : memref<2x80xi32, #tpu.memory_space<vmem>> -> memref<1x80xi32, #tpu.memory_space<vmem>>
        %dma_wait3A_547 = tpu.memref_squeeze %dma_wait3A_546 : memref<1x80xi32, #tpu.memory_space<vmem>> -> memref<80xi32, #tpu.memory_space<vmem>>
        %dma_wait3A_548 = arith.constant 0 : i32
        %dma_wait3A_549 = arith.constant 0 : i32
        %dma_wait3A_550 = tpu.memref_slice %arg2[%dma_wait3A_548, %dma_wait3A_549] : memref<10000x64xf32, #tpu.memory_space<hbm>> -> memref<10000x64xf32, #tpu.memory_space<hbm>>
        tpu.wait_indirect_dma semaphore(%arg49 : memref<!tpu.dma_semaphore, #tpu.memory_space<semaphore_mem>>) src(%dma_wait3A_550 : memref<10000x64xf32, #tpu.memory_space<hbm>>) dst(%arg24 : memref<80x64xf32, #tpu.memory_space<vmem>>)
        %run_scoped3A = arith.constant 1 : i32
        "tpu.region"() ({
          %run_scoped3A_560 = tpu.sem_alloc : memref<!tpu.dma_semaphore, #tpu.memory_space<semaphore_mem>>
          %dma_start3A_561 = arith.constant 0 : i32
          %dma_start3A_562 = tpu.memref_slice %arg16[%run_scoped3A, %dma_start3A_561] : memref<2x80xi32, #tpu.memory_space<vmem>> -> memref<1x80xi32, #tpu.memory_space<vmem>>
          %dma_start3A_563 = tpu.memref_squeeze %dma_start3A_562 : memref<1x80xi32, #tpu.memory_space<vmem>> -> memref<80xi32, #tpu.memory_space<vmem>>
          %dma_start3A_564 = arith.constant 0 : i32
          %dma_start3A_565 = arith.constant 0 : i32
          %dma_start3A_566 = tpu.memref_slice %arg29[%dma_start3A_564, %dma_start3A_565] : memref<10000x64xf32, #tpu.memory_space<vmem_shared>> -> memref<10000x64xf32, #tpu.memory_space<vmem_shared>>
          tpu.enqueue_indirect_dma source(%arg24 : memref<80x64xf32, #tpu.memory_space<vmem>>) target(%dma_start3A_566 : memref<10000x64xf32, #tpu.memory_space<vmem_shared>>) offsets(%dma_start3A_563 : memref<80xi32, #tpu.memory_space<vmem>>) semaphore(%run_scoped3A_560 : memref<!tpu.dma_semaphore, #tpu.memory_space<semaphore_mem>>) {add = true}
          %dma_wait3A_567 = arith.constant 0 : i32
          %dma_wait3A_568 = tpu.memref_slice %arg16[%run_scoped3A, %dma_wait3A_567] : memref<2x80xi32, #tpu.memory_space<vmem>> -> memref<1x80xi32, #tpu.memory_space<vmem>>
          %dma_wait3A_569 = tpu.memref_squeeze %dma_wait3A_568 : memref<1x80xi32, #tpu.memory_space<vmem>> -> memref<80xi32, #tpu.memory_space<vmem>>
          %dma_wait3A_570 = arith.constant 0 : i32
          %dma_wait3A_571 = arith.constant 0 : i32
          %dma_wait3A_572 = tpu.memref_slice %arg29[%dma_wait3A_570, %dma_wait3A_571] : memref<10000x64xf32, #tpu.memory_space<vmem_shared>> -> memref<10000x64xf32, #tpu.memory_space<vmem_shared>>
          tpu.wait_indirect_dma semaphore(%run_scoped3A_560 : memref<!tpu.dma_semaphore, #tpu.memory_space<semaphore_mem>>) src(%arg24 : memref<80x64xf32, #tpu.memory_space<vmem>>) dst(%dma_wait3A_572 : memref<10000x64xf32, #tpu.memory_space<vmem_shared>>)
          tpu.yield
        }) : () -> ()
        %add3A_551 = arith.constant 16 : i32
        %add3A_552 = arith.addi %add3A_494, %add3A_551 : i32
        %sub3A_553 = arith.constant 2 : i32
        %sub3A_554 = arith.subi %add3A_552, %sub3A_553 : i32
        %lt3A_555 = arith.constant 125 : i32
        %lt3A_556 = arith.cmpi slt, %sub3A_554, %lt3A_555 : i32
        %convert_element_type3A_557 = arith.extui %lt3A_556 : i1 to i32
        %cond3A_558 = arith.constant 0 : i32
        %cond3A_559 = arith.cmpi ne, %convert_element_type3A_557, %cond3A_558 : i32
        scf.if %cond3A_559 {
          %dma_start3A_560 = arith.constant 0 : i32
          %dma_start3A_561 = arith.constant 0 : i32
          %dma_start3A_562 = tpu.memref_slice %arg3[%add3A, %sub3A_554, %dma_start3A_560, %dma_start3A_561] : memref<32x125x2x80xi32, #tpu.memory_space<hbm>> -> memref<1x1x2x80xi32, #tpu.memory_space<hbm>>
          %dma_start3A_563 = tpu.memref_squeeze %dma_start3A_562 : memref<1x1x2x80xi32, #tpu.memory_space<hbm>> -> memref<2x80xi32, #tpu.memory_space<hbm>>
          %dma_start3A_564 = arith.constant 0 : i32
          %dma_start3A_565 = arith.constant 0 : i32
          %dma_start3A_566 = tpu.memref_slice %arg3[%add3A, %sub3A_554, %dma_start3A_564, %dma_start3A_565] : memref<32x125x2x80xi32, #tpu.memory_space<hbm>> -> memref<1x1x2x80xi32, #tpu.memory_space<hbm>>
          %dma_start3A_567 = tpu.memref_squeeze %dma_start3A_566 : memref<1x1x2x80xi32, #tpu.memory_space<hbm>> -> memref<2x80xi32, #tpu.memory_space<hbm>>
          tpu.enqueue_dma source(%dma_start3A_567 : memref<2x80xi32, #tpu.memory_space<hbm>>) target(%arg14 : memref<2x80xi32, #tpu.memory_space<vmem>>) target_semaphore(%arg39 : memref<!tpu.dma_semaphore, #tpu.memory_space<semaphore_mem>>)
        } else {
        }
      } else {
      }
      %mul3A_500 = arith.constant 16 : i32
      %mul3A_501 = arith.muli %scan3A_391, %mul3A_500 : i32
      %add3A_502 = arith.constant 12 : i32
      %add3A_503 = arith.addi %mul3A_501, %add3A_502 : i32
      %lt3A_504 = arith.constant 125 : i32
      %lt3A_505 = arith.cmpi slt, %add3A_503, %lt3A_504 : i32
      %convert_element_type3A_506 = arith.extui %lt3A_505 : i1 to i32
      %cond3A_507 = arith.constant 0 : i32
      %cond3A_508 = arith.cmpi ne, %convert_element_type3A_506, %cond3A_507 : i32
      scf.if %cond3A_508 {
        %add3A_536 = arith.constant 8 : i32
        %add3A_537 = arith.addi %add3A_503, %add3A_536 : i32
        %sub3A = arith.constant 1 : i32
        %sub3A_538 = arith.subi %add3A_537, %sub3A : i32
        %lt3A_539 = arith.constant 125 : i32
        %lt3A_540 = arith.cmpi slt, %sub3A_538, %lt3A_539 : i32
        %convert_element_type3A_541 = arith.extui %lt3A_540 : i1 to i32
        %cond3A_542 = arith.constant 0 : i32
        %cond3A_543 = arith.cmpi ne, %convert_element_type3A_541, %cond3A_542 : i32
        scf.if %cond3A_543 {
          %dma_wait3A_560 = arith.constant 0 : i32
          %dma_wait3A_561 = arith.constant 0 : i32
          %dma_wait3A_562 = tpu.memref_slice %arg3[%add3A, %sub3A_538, %dma_wait3A_560, %dma_wait3A_561] : memref<32x125x2x80xi32, #tpu.memory_space<hbm>> -> memref<1x1x2x80xi32, #tpu.memory_space<hbm>>
          %dma_wait3A_563 = tpu.memref_squeeze %dma_wait3A_562 : memref<1x1x2x80xi32, #tpu.memory_space<hbm>> -> memref<2x80xi32, #tpu.memory_space<hbm>>
          %dma_wait3A_564 = arith.constant 0 : i32
          %dma_wait3A_565 = arith.constant 0 : i32
          %dma_wait3A_566 = tpu.memref_slice %arg3[%add3A, %sub3A_538, %dma_wait3A_564, %dma_wait3A_565] : memref<32x125x2x80xi32, #tpu.memory_space<hbm>> -> memref<1x1x2x80xi32, #tpu.memory_space<hbm>>
          %dma_wait3A_567 = tpu.memref_squeeze %dma_wait3A_566 : memref<1x1x2x80xi32, #tpu.memory_space<hbm>> -> memref<2x80xi32, #tpu.memory_space<hbm>>
          tpu.wait_dma2 semaphore(%arg33 : memref<!tpu.dma_semaphore, #tpu.memory_space<semaphore_mem>>) src(%dma_wait3A_567 : memref<2x80xi32, #tpu.memory_space<hbm>>) dst(%arg8 : memref<2x80xi32, #tpu.memory_space<vmem>>)
          %dma_start3A_568 = arith.constant 0 : i32
          %dma_start3A_569 = arith.constant 0 : i32
          %dma_start3A_570 = tpu.memref_slice %arg8[%dma_start3A_568, %dma_start3A_569] : memref<2x80xi32, #tpu.memory_space<vmem>> -> memref<1x80xi32, #tpu.memory_space<vmem>>
          %dma_start3A_571 = tpu.memref_squeeze %dma_start3A_570 : memref<1x80xi32, #tpu.memory_space<vmem>> -> memref<80xi32, #tpu.memory_space<vmem>>
          %dma_start3A_572 = arith.constant 0 : i32
          %dma_start3A_573 = arith.constant 0 : i32
          %dma_start3A_574 = tpu.memref_slice %arg2[%dma_start3A_572, %dma_start3A_573] : memref<10000x64xf32, #tpu.memory_space<hbm>> -> memref<10000x64xf32, #tpu.memory_space<hbm>>
          tpu.enqueue_indirect_dma source(%dma_start3A_574 : memref<10000x64xf32, #tpu.memory_space<hbm>>) target(%arg24 : memref<80x64xf32, #tpu.memory_space<vmem>>) offsets(%dma_start3A_571 : memref<80xi32, #tpu.memory_space<vmem>>) semaphore(%arg49 : memref<!tpu.dma_semaphore, #tpu.memory_space<semaphore_mem>>)
        } else {
        }
        %dma_wait3A_544 = arith.constant 0 : i32
        %dma_wait3A_545 = arith.constant 0 : i32
        %dma_wait3A_546 = tpu.memref_slice %arg17[%dma_wait3A_544, %dma_wait3A_545] : memref<2x80xi32, #tpu.memory_space<vmem>> -> memref<1x80xi32, #tpu.memory_space<vmem>>
        %dma_wait3A_547 = tpu.memref_squeeze %dma_wait3A_546 : memref<1x80xi32, #tpu.memory_space<vmem>> -> memref<80xi32, #tpu.memory_space<vmem>>
        %dma_wait3A_548 = arith.constant 0 : i32
        %dma_wait3A_549 = arith.constant 0 : i32
        %dma_wait3A_550 = tpu.memref_slice %arg2[%dma_wait3A_548, %dma_wait3A_549] : memref<10000x64xf32, #tpu.memory_space<hbm>> -> memref<10000x64xf32, #tpu.memory_space<hbm>>
        tpu.wait_indirect_dma semaphore(%arg50 : memref<!tpu.dma_semaphore, #tpu.memory_space<semaphore_mem>>) src(%dma_wait3A_550 : memref<10000x64xf32, #tpu.memory_space<hbm>>) dst(%arg25 : memref<80x64xf32, #tpu.memory_space<vmem>>)
        %run_scoped3A = arith.constant 1 : i32
        "tpu.region"() ({
          %run_scoped3A_560 = tpu.sem_alloc : memref<!tpu.dma_semaphore, #tpu.memory_space<semaphore_mem>>
          %dma_start3A_561 = arith.constant 0 : i32
          %dma_start3A_562 = tpu.memref_slice %arg17[%run_scoped3A, %dma_start3A_561] : memref<2x80xi32, #tpu.memory_space<vmem>> -> memref<1x80xi32, #tpu.memory_space<vmem>>
          %dma_start3A_563 = tpu.memref_squeeze %dma_start3A_562 : memref<1x80xi32, #tpu.memory_space<vmem>> -> memref<80xi32, #tpu.memory_space<vmem>>
          %dma_start3A_564 = arith.constant 0 : i32
          %dma_start3A_565 = arith.constant 0 : i32
          %dma_start3A_566 = tpu.memref_slice %arg29[%dma_start3A_564, %dma_start3A_565] : memref<10000x64xf32, #tpu.memory_space<vmem_shared>> -> memref<10000x64xf32, #tpu.memory_space<vmem_shared>>
          tpu.enqueue_indirect_dma source(%arg25 : memref<80x64xf32, #tpu.memory_space<vmem>>) target(%dma_start3A_566 : memref<10000x64xf32, #tpu.memory_space<vmem_shared>>) offsets(%dma_start3A_563 : memref<80xi32, #tpu.memory_space<vmem>>) semaphore(%run_scoped3A_560 : memref<!tpu.dma_semaphore, #tpu.memory_space<semaphore_mem>>) {add = true}
          %dma_wait3A_567 = arith.constant 0 : i32
          %dma_wait3A_568 = tpu.memref_slice %arg17[%run_scoped3A, %dma_wait3A_567] : memref<2x80xi32, #tpu.memory_space<vmem>> -> memref<1x80xi32, #tpu.memory_space<vmem>>
          %dma_wait3A_569 = tpu.memref_squeeze %dma_wait3A_568 : memref<1x80xi32, #tpu.memory_space<vmem>> -> memref<80xi32, #tpu.memory_space<vmem>>
          %dma_wait3A_570 = arith.constant 0 : i32
          %dma_wait3A_571 = arith.constant 0 : i32
          %dma_wait3A_572 = tpu.memref_slice %arg29[%dma_wait3A_570, %dma_wait3A_571] : memref<10000x64xf32, #tpu.memory_space<vmem_shared>> -> memref<10000x64xf32, #tpu.memory_space<vmem_shared>>
          tpu.wait_indirect_dma semaphore(%run_scoped3A_560 : memref<!tpu.dma_semaphore, #tpu.memory_space<semaphore_mem>>) src(%arg25 : memref<80x64xf32, #tpu.memory_space<vmem>>) dst(%dma_wait3A_572 : memref<10000x64xf32, #tpu.memory_space<vmem_shared>>)
          tpu.yield
        }) : () -> ()
        %add3A_551 = arith.constant 16 : i32
        %add3A_552 = arith.addi %add3A_503, %add3A_551 : i32
        %sub3A_553 = arith.constant 2 : i32
        %sub3A_554 = arith.subi %add3A_552, %sub3A_553 : i32
        %lt3A_555 = arith.constant 125 : i32
        %lt3A_556 = arith.cmpi slt, %sub3A_554, %lt3A_555 : i32
        %convert_element_type3A_557 = arith.extui %lt3A_556 : i1 to i32
        %cond3A_558 = arith.constant 0 : i32
        %cond3A_559 = arith.cmpi ne, %convert_element_type3A_557, %cond3A_558 : i32
        scf.if %cond3A_559 {
          %dma_start3A_560 = arith.constant 0 : i32
          %dma_start3A_561 = arith.constant 0 : i32
          %dma_start3A_562 = tpu.memref_slice %arg3[%add3A, %sub3A_554, %dma_start3A_560, %dma_start3A_561] : memref<32x125x2x80xi32, #tpu.memory_space<hbm>> -> memref<1x1x2x80xi32, #tpu.memory_space<hbm>>
          %dma_start3A_563 = tpu.memref_squeeze %dma_start3A_562 : memref<1x1x2x80xi32, #tpu.memory_space<hbm>> -> memref<2x80xi32, #tpu.memory_space<hbm>>
          %dma_start3A_564 = arith.constant 0 : i32
          %dma_start3A_565 = arith.constant 0 : i32
          %dma_start3A_566 = tpu.memref_slice %arg3[%add3A, %sub3A_554, %dma_start3A_564, %dma_start3A_565] : memref<32x125x2x80xi32, #tpu.memory_space<hbm>> -> memref<1x1x2x80xi32, #tpu.memory_space<hbm>>
          %dma_start3A_567 = tpu.memref_squeeze %dma_start3A_566 : memref<1x1x2x80xi32, #tpu.memory_space<hbm>> -> memref<2x80xi32, #tpu.memory_space<hbm>>
          tpu.enqueue_dma source(%dma_start3A_567 : memref<2x80xi32, #tpu.memory_space<hbm>>) target(%arg15 : memref<2x80xi32, #tpu.memory_space<vmem>>) target_semaphore(%arg40 : memref<!tpu.dma_semaphore, #tpu.memory_space<semaphore_mem>>)
        } else {
        }
      } else {
      }
      %mul3A_509 = arith.constant 16 : i32
      %mul3A_510 = arith.muli %scan3A_391, %mul3A_509 : i32
      %add3A_511 = arith.constant 13 : i32
      %add3A_512 = arith.addi %mul3A_510, %add3A_511 : i32
      %lt3A_513 = arith.constant 125 : i32
      %lt3A_514 = arith.cmpi slt, %add3A_512, %lt3A_513 : i32
      %convert_element_type3A_515 = arith.extui %lt3A_514 : i1 to i32
      %cond3A_516 = arith.constant 0 : i32
      %cond3A_517 = arith.cmpi ne, %convert_element_type3A_515, %cond3A_516 : i32
      scf.if %cond3A_517 {
        %add3A_536 = arith.constant 8 : i32
        %add3A_537 = arith.addi %add3A_512, %add3A_536 : i32
        %sub3A = arith.constant 1 : i32
        %sub3A_538 = arith.subi %add3A_537, %sub3A : i32
        %lt3A_539 = arith.constant 125 : i32
        %lt3A_540 = arith.cmpi slt, %sub3A_538, %lt3A_539 : i32
        %convert_element_type3A_541 = arith.extui %lt3A_540 : i1 to i32
        %cond3A_542 = arith.constant 0 : i32
        %cond3A_543 = arith.cmpi ne, %convert_element_type3A_541, %cond3A_542 : i32
        scf.if %cond3A_543 {
          %dma_wait3A_560 = arith.constant 0 : i32
          %dma_wait3A_561 = arith.constant 0 : i32
          %dma_wait3A_562 = tpu.memref_slice %arg3[%add3A, %sub3A_538, %dma_wait3A_560, %dma_wait3A_561] : memref<32x125x2x80xi32, #tpu.memory_space<hbm>> -> memref<1x1x2x80xi32, #tpu.memory_space<hbm>>
          %dma_wait3A_563 = tpu.memref_squeeze %dma_wait3A_562 : memref<1x1x2x80xi32, #tpu.memory_space<hbm>> -> memref<2x80xi32, #tpu.memory_space<hbm>>
          %dma_wait3A_564 = arith.constant 0 : i32
          %dma_wait3A_565 = arith.constant 0 : i32
          %dma_wait3A_566 = tpu.memref_slice %arg3[%add3A, %sub3A_538, %dma_wait3A_564, %dma_wait3A_565] : memref<32x125x2x80xi32, #tpu.memory_space<hbm>> -> memref<1x1x2x80xi32, #tpu.memory_space<hbm>>
          %dma_wait3A_567 = tpu.memref_squeeze %dma_wait3A_566 : memref<1x1x2x80xi32, #tpu.memory_space<hbm>> -> memref<2x80xi32, #tpu.memory_space<hbm>>
          tpu.wait_dma2 semaphore(%arg34 : memref<!tpu.dma_semaphore, #tpu.memory_space<semaphore_mem>>) src(%dma_wait3A_567 : memref<2x80xi32, #tpu.memory_space<hbm>>) dst(%arg9 : memref<2x80xi32, #tpu.memory_space<vmem>>)
          %dma_start3A_568 = arith.constant 0 : i32
          %dma_start3A_569 = arith.constant 0 : i32
          %dma_start3A_570 = tpu.memref_slice %arg9[%dma_start3A_568, %dma_start3A_569] : memref<2x80xi32, #tpu.memory_space<vmem>> -> memref<1x80xi32, #tpu.memory_space<vmem>>
          %dma_start3A_571 = tpu.memref_squeeze %dma_start3A_570 : memref<1x80xi32, #tpu.memory_space<vmem>> -> memref<80xi32, #tpu.memory_space<vmem>>
          %dma_start3A_572 = arith.constant 0 : i32
          %dma_start3A_573 = arith.constant 0 : i32
          %dma_start3A_574 = tpu.memref_slice %arg2[%dma_start3A_572, %dma_start3A_573] : memref<10000x64xf32, #tpu.memory_space<hbm>> -> memref<10000x64xf32, #tpu.memory_space<hbm>>
          tpu.enqueue_indirect_dma source(%dma_start3A_574 : memref<10000x64xf32, #tpu.memory_space<hbm>>) target(%arg25 : memref<80x64xf32, #tpu.memory_space<vmem>>) offsets(%dma_start3A_571 : memref<80xi32, #tpu.memory_space<vmem>>) semaphore(%arg50 : memref<!tpu.dma_semaphore, #tpu.memory_space<semaphore_mem>>)
        } else {
        }
        %dma_wait3A_544 = arith.constant 0 : i32
        %dma_wait3A_545 = arith.constant 0 : i32
        %dma_wait3A_546 = tpu.memref_slice %arg18[%dma_wait3A_544, %dma_wait3A_545] : memref<2x80xi32, #tpu.memory_space<vmem>> -> memref<1x80xi32, #tpu.memory_space<vmem>>
        %dma_wait3A_547 = tpu.memref_squeeze %dma_wait3A_546 : memref<1x80xi32, #tpu.memory_space<vmem>> -> memref<80xi32, #tpu.memory_space<vmem>>
        %dma_wait3A_548 = arith.constant 0 : i32
        %dma_wait3A_549 = arith.constant 0 : i32
        %dma_wait3A_550 = tpu.memref_slice %arg2[%dma_wait3A_548, %dma_wait3A_549] : memref<10000x64xf32, #tpu.memory_space<hbm>> -> memref<10000x64xf32, #tpu.memory_space<hbm>>
        tpu.wait_indirect_dma semaphore(%arg51 : memref<!tpu.dma_semaphore, #tpu.memory_space<semaphore_mem>>) src(%dma_wait3A_550 : memref<10000x64xf32, #tpu.memory_space<hbm>>) dst(%arg26 : memref<80x64xf32, #tpu.memory_space<vmem>>)
        %run_scoped3A = arith.constant 1 : i32
        "tpu.region"() ({
          %run_scoped3A_560 = tpu.sem_alloc : memref<!tpu.dma_semaphore, #tpu.memory_space<semaphore_mem>>
          %dma_start3A_561 = arith.constant 0 : i32
          %dma_start3A_562 = tpu.memref_slice %arg18[%run_scoped3A, %dma_start3A_561] : memref<2x80xi32, #tpu.memory_space<vmem>> -> memref<1x80xi32, #tpu.memory_space<vmem>>
          %dma_start3A_563 = tpu.memref_squeeze %dma_start3A_562 : memref<1x80xi32, #tpu.memory_space<vmem>> -> memref<80xi32, #tpu.memory_space<vmem>>
          %dma_start3A_564 = arith.constant 0 : i32
          %dma_start3A_565 = arith.constant 0 : i32
          %dma_start3A_566 = tpu.memref_slice %arg29[%dma_start3A_564, %dma_start3A_565] : memref<10000x64xf32, #tpu.memory_space<vmem_shared>> -> memref<10000x64xf32, #tpu.memory_space<vmem_shared>>
          tpu.enqueue_indirect_dma source(%arg26 : memref<80x64xf32, #tpu.memory_space<vmem>>) target(%dma_start3A_566 : memref<10000x64xf32, #tpu.memory_space<vmem_shared>>) offsets(%dma_start3A_563 : memref<80xi32, #tpu.memory_space<vmem>>) semaphore(%run_scoped3A_560 : memref<!tpu.dma_semaphore, #tpu.memory_space<semaphore_mem>>) {add = true}
          %dma_wait3A_567 = arith.constant 0 : i32
          %dma_wait3A_568 = tpu.memref_slice %arg18[%run_scoped3A, %dma_wait3A_567] : memref<2x80xi32, #tpu.memory_space<vmem>> -> memref<1x80xi32, #tpu.memory_space<vmem>>
          %dma_wait3A_569 = tpu.memref_squeeze %dma_wait3A_568 : memref<1x80xi32, #tpu.memory_space<vmem>> -> memref<80xi32, #tpu.memory_space<vmem>>
          %dma_wait3A_570 = arith.constant 0 : i32
          %dma_wait3A_571 = arith.constant 0 : i32
          %dma_wait3A_572 = tpu.memref_slice %arg29[%dma_wait3A_570, %dma_wait3A_571] : memref<10000x64xf32, #tpu.memory_space<vmem_shared>> -> memref<10000x64xf32, #tpu.memory_space<vmem_shared>>
          tpu.wait_indirect_dma semaphore(%run_scoped3A_560 : memref<!tpu.dma_semaphore, #tpu.memory_space<semaphore_mem>>) src(%arg26 : memref<80x64xf32, #tpu.memory_space<vmem>>) dst(%dma_wait3A_572 : memref<10000x64xf32, #tpu.memory_space<vmem_shared>>)
          tpu.yield
        }) : () -> ()
        %add3A_551 = arith.constant 16 : i32
        %add3A_552 = arith.addi %add3A_512, %add3A_551 : i32
        %sub3A_553 = arith.constant 2 : i32
        %sub3A_554 = arith.subi %add3A_552, %sub3A_553 : i32
        %lt3A_555 = arith.constant 125 : i32
        %lt3A_556 = arith.cmpi slt, %sub3A_554, %lt3A_555 : i32
        %convert_element_type3A_557 = arith.extui %lt3A_556 : i1 to i32
        %cond3A_558 = arith.constant 0 : i32
        %cond3A_559 = arith.cmpi ne, %convert_element_type3A_557, %cond3A_558 : i32
        scf.if %cond3A_559 {
          %dma_start3A_560 = arith.constant 0 : i32
          %dma_start3A_561 = arith.constant 0 : i32
          %dma_start3A_562 = tpu.memref_slice %arg3[%add3A, %sub3A_554, %dma_start3A_560, %dma_start3A_561] : memref<32x125x2x80xi32, #tpu.memory_space<hbm>> -> memref<1x1x2x80xi32, #tpu.memory_space<hbm>>
          %dma_start3A_563 = tpu.memref_squeeze %dma_start3A_562 : memref<1x1x2x80xi32, #tpu.memory_space<hbm>> -> memref<2x80xi32, #tpu.memory_space<hbm>>
          %dma_start3A_564 = arith.constant 0 : i32
          %dma_start3A_565 = arith.constant 0 : i32
          %dma_start3A_566 = tpu.memref_slice %arg3[%add3A, %sub3A_554, %dma_start3A_564, %dma_start3A_565] : memref<32x125x2x80xi32, #tpu.memory_space<hbm>> -> memref<1x1x2x80xi32, #tpu.memory_space<hbm>>
          %dma_start3A_567 = tpu.memref_squeeze %dma_start3A_566 : memref<1x1x2x80xi32, #tpu.memory_space<hbm>> -> memref<2x80xi32, #tpu.memory_space<hbm>>
          tpu.enqueue_dma source(%dma_start3A_567 : memref<2x80xi32, #tpu.memory_space<hbm>>) target(%arg16 : memref<2x80xi32, #tpu.memory_space<vmem>>) target_semaphore(%arg41 : memref<!tpu.dma_semaphore, #tpu.memory_space<semaphore_mem>>)
        } else {
        }
      } else {
      }
      %mul3A_518 = arith.constant 16 : i32
      %mul3A_519 = arith.muli %scan3A_391, %mul3A_518 : i32
      %add3A_520 = arith.constant 14 : i32
      %add3A_521 = arith.addi %mul3A_519, %add3A_520 : i32
      %lt3A_522 = arith.constant 125 : i32
      %lt3A_523 = arith.cmpi slt, %add3A_521, %lt3A_522 : i32
      %convert_element_type3A_524 = arith.extui %lt3A_523 : i1 to i32
      %cond3A_525 = arith.constant 0 : i32
      %cond3A_526 = arith.cmpi ne, %convert_element_type3A_524, %cond3A_525 : i32
      scf.if %cond3A_526 {
        %add3A_536 = arith.constant 8 : i32
        %add3A_537 = arith.addi %add3A_521, %add3A_536 : i32
        %sub3A = arith.constant 1 : i32
        %sub3A_538 = arith.subi %add3A_537, %sub3A : i32
        %lt3A_539 = arith.constant 125 : i32
        %lt3A_540 = arith.cmpi slt, %sub3A_538, %lt3A_539 : i32
        %convert_element_type3A_541 = arith.extui %lt3A_540 : i1 to i32
        %cond3A_542 = arith.constant 0 : i32
        %cond3A_543 = arith.cmpi ne, %convert_element_type3A_541, %cond3A_542 : i32
        scf.if %cond3A_543 {
          %dma_wait3A_560 = arith.constant 0 : i32
          %dma_wait3A_561 = arith.constant 0 : i32
          %dma_wait3A_562 = tpu.memref_slice %arg3[%add3A, %sub3A_538, %dma_wait3A_560, %dma_wait3A_561] : memref<32x125x2x80xi32, #tpu.memory_space<hbm>> -> memref<1x1x2x80xi32, #tpu.memory_space<hbm>>
          %dma_wait3A_563 = tpu.memref_squeeze %dma_wait3A_562 : memref<1x1x2x80xi32, #tpu.memory_space<hbm>> -> memref<2x80xi32, #tpu.memory_space<hbm>>
          %dma_wait3A_564 = arith.constant 0 : i32
          %dma_wait3A_565 = arith.constant 0 : i32
          %dma_wait3A_566 = tpu.memref_slice %arg3[%add3A, %sub3A_538, %dma_wait3A_564, %dma_wait3A_565] : memref<32x125x2x80xi32, #tpu.memory_space<hbm>> -> memref<1x1x2x80xi32, #tpu.memory_space<hbm>>
          %dma_wait3A_567 = tpu.memref_squeeze %dma_wait3A_566 : memref<1x1x2x80xi32, #tpu.memory_space<hbm>> -> memref<2x80xi32, #tpu.memory_space<hbm>>
          tpu.wait_dma2 semaphore(%arg35 : memref<!tpu.dma_semaphore, #tpu.memory_space<semaphore_mem>>) src(%dma_wait3A_567 : memref<2x80xi32, #tpu.memory_space<hbm>>) dst(%arg10 : memref<2x80xi32, #tpu.memory_space<vmem>>)
          %dma_start3A_568 = arith.constant 0 : i32
          %dma_start3A_569 = arith.constant 0 : i32
          %dma_start3A_570 = tpu.memref_slice %arg10[%dma_start3A_568, %dma_start3A_569] : memref<2x80xi32, #tpu.memory_space<vmem>> -> memref<1x80xi32, #tpu.memory_space<vmem>>
          %dma_start3A_571 = tpu.memref_squeeze %dma_start3A_570 : memref<1x80xi32, #tpu.memory_space<vmem>> -> memref<80xi32, #tpu.memory_space<vmem>>
          %dma_start3A_572 = arith.constant 0 : i32
          %dma_start3A_573 = arith.constant 0 : i32
          %dma_start3A_574 = tpu.memref_slice %arg2[%dma_start3A_572, %dma_start3A_573] : memref<10000x64xf32, #tpu.memory_space<hbm>> -> memref<10000x64xf32, #tpu.memory_space<hbm>>
          tpu.enqueue_indirect_dma source(%dma_start3A_574 : memref<10000x64xf32, #tpu.memory_space<hbm>>) target(%arg26 : memref<80x64xf32, #tpu.memory_space<vmem>>) offsets(%dma_start3A_571 : memref<80xi32, #tpu.memory_space<vmem>>) semaphore(%arg51 : memref<!tpu.dma_semaphore, #tpu.memory_space<semaphore_mem>>)
        } else {
        }
        %dma_wait3A_544 = arith.constant 0 : i32
        %dma_wait3A_545 = arith.constant 0 : i32
        %dma_wait3A_546 = tpu.memref_slice %arg19[%dma_wait3A_544, %dma_wait3A_545] : memref<2x80xi32, #tpu.memory_space<vmem>> -> memref<1x80xi32, #tpu.memory_space<vmem>>
        %dma_wait3A_547 = tpu.memref_squeeze %dma_wait3A_546 : memref<1x80xi32, #tpu.memory_space<vmem>> -> memref<80xi32, #tpu.memory_space<vmem>>
        %dma_wait3A_548 = arith.constant 0 : i32
        %dma_wait3A_549 = arith.constant 0 : i32
        %dma_wait3A_550 = tpu.memref_slice %arg2[%dma_wait3A_548, %dma_wait3A_549] : memref<10000x64xf32, #tpu.memory_space<hbm>> -> memref<10000x64xf32, #tpu.memory_space<hbm>>
        tpu.wait_indirect_dma semaphore(%arg52 : memref<!tpu.dma_semaphore, #tpu.memory_space<semaphore_mem>>) src(%dma_wait3A_550 : memref<10000x64xf32, #tpu.memory_space<hbm>>) dst(%arg27 : memref<80x64xf32, #tpu.memory_space<vmem>>)
        %run_scoped3A = arith.constant 1 : i32
        "tpu.region"() ({
          %run_scoped3A_560 = tpu.sem_alloc : memref<!tpu.dma_semaphore, #tpu.memory_space<semaphore_mem>>
          %dma_start3A_561 = arith.constant 0 : i32
          %dma_start3A_562 = tpu.memref_slice %arg19[%run_scoped3A, %dma_start3A_561] : memref<2x80xi32, #tpu.memory_space<vmem>> -> memref<1x80xi32, #tpu.memory_space<vmem>>
          %dma_start3A_563 = tpu.memref_squeeze %dma_start3A_562 : memref<1x80xi32, #tpu.memory_space<vmem>> -> memref<80xi32, #tpu.memory_space<vmem>>
          %dma_start3A_564 = arith.constant 0 : i32
          %dma_start3A_565 = arith.constant 0 : i32
          %dma_start3A_566 = tpu.memref_slice %arg29[%dma_start3A_564, %dma_start3A_565] : memref<10000x64xf32, #tpu.memory_space<vmem_shared>> -> memref<10000x64xf32, #tpu.memory_space<vmem_shared>>
          tpu.enqueue_indirect_dma source(%arg27 : memref<80x64xf32, #tpu.memory_space<vmem>>) target(%dma_start3A_566 : memref<10000x64xf32, #tpu.memory_space<vmem_shared>>) offsets(%dma_start3A_563 : memref<80xi32, #tpu.memory_space<vmem>>) semaphore(%run_scoped3A_560 : memref<!tpu.dma_semaphore, #tpu.memory_space<semaphore_mem>>) {add = true}
          %dma_wait3A_567 = arith.constant 0 : i32
          %dma_wait3A_568 = tpu.memref_slice %arg19[%run_scoped3A, %dma_wait3A_567] : memref<2x80xi32, #tpu.memory_space<vmem>> -> memref<1x80xi32, #tpu.memory_space<vmem>>
          %dma_wait3A_569 = tpu.memref_squeeze %dma_wait3A_568 : memref<1x80xi32, #tpu.memory_space<vmem>> -> memref<80xi32, #tpu.memory_space<vmem>>
          %dma_wait3A_570 = arith.constant 0 : i32
          %dma_wait3A_571 = arith.constant 0 : i32
          %dma_wait3A_572 = tpu.memref_slice %arg29[%dma_wait3A_570, %dma_wait3A_571] : memref<10000x64xf32, #tpu.memory_space<vmem_shared>> -> memref<10000x64xf32, #tpu.memory_space<vmem_shared>>
          tpu.wait_indirect_dma semaphore(%run_scoped3A_560 : memref<!tpu.dma_semaphore, #tpu.memory_space<semaphore_mem>>) src(%arg27 : memref<80x64xf32, #tpu.memory_space<vmem>>) dst(%dma_wait3A_572 : memref<10000x64xf32, #tpu.memory_space<vmem_shared>>)
          tpu.yield
        }) : () -> ()
        %add3A_551 = arith.constant 16 : i32
        %add3A_552 = arith.addi %add3A_521, %add3A_551 : i32
        %sub3A_553 = arith.constant 2 : i32
        %sub3A_554 = arith.subi %add3A_552, %sub3A_553 : i32
        %lt3A_555 = arith.constant 125 : i32
        %lt3A_556 = arith.cmpi slt, %sub3A_554, %lt3A_555 : i32
        %convert_element_type3A_557 = arith.extui %lt3A_556 : i1 to i32
        %cond3A_558 = arith.constant 0 : i32
        %cond3A_559 = arith.cmpi ne, %convert_element_type3A_557, %cond3A_558 : i32
        scf.if %cond3A_559 {
          %dma_start3A_560 = arith.constant 0 : i32
          %dma_start3A_561 = arith.constant 0 : i32
          %dma_start3A_562 = tpu.memref_slice %arg3[%add3A, %sub3A_554, %dma_start3A_560, %dma_start3A_561] : memref<32x125x2x80xi32, #tpu.memory_space<hbm>> -> memref<1x1x2x80xi32, #tpu.memory_space<hbm>>
          %dma_start3A_563 = tpu.memref_squeeze %dma_start3A_562 : memref<1x1x2x80xi32, #tpu.memory_space<hbm>> -> memref<2x80xi32, #tpu.memory_space<hbm>>
          %dma_start3A_564 = arith.constant 0 : i32
          %dma_start3A_565 = arith.constant 0 : i32
          %dma_start3A_566 = tpu.memref_slice %arg3[%add3A, %sub3A_554, %dma_start3A_564, %dma_start3A_565] : memref<32x125x2x80xi32, #tpu.memory_space<hbm>> -> memref<1x1x2x80xi32, #tpu.memory_space<hbm>>
          %dma_start3A_567 = tpu.memref_squeeze %dma_start3A_566 : memref<1x1x2x80xi32, #tpu.memory_space<hbm>> -> memref<2x80xi32, #tpu.memory_space<hbm>>
          tpu.enqueue_dma source(%dma_start3A_567 : memref<2x80xi32, #tpu.memory_space<hbm>>) target(%arg17 : memref<2x80xi32, #tpu.memory_space<vmem>>) target_semaphore(%arg42 : memref<!tpu.dma_semaphore, #tpu.memory_space<semaphore_mem>>)
        } else {
        }
      } else {
      }
      %mul3A_527 = arith.constant 16 : i32
      %mul3A_528 = arith.muli %scan3A_391, %mul3A_527 : i32
      %add3A_529 = arith.constant 15 : i32
      %add3A_530 = arith.addi %mul3A_528, %add3A_529 : i32
      %lt3A_531 = arith.constant 125 : i32
      %lt3A_532 = arith.cmpi slt, %add3A_530, %lt3A_531 : i32
      %convert_element_type3A_533 = arith.extui %lt3A_532 : i1 to i32
      %cond3A_534 = arith.constant 0 : i32
      %cond3A_535 = arith.cmpi ne, %convert_element_type3A_533, %cond3A_534 : i32
      scf.if %cond3A_535 {
        %add3A_536 = arith.constant 8 : i32
        %add3A_537 = arith.addi %add3A_530, %add3A_536 : i32
        %sub3A = arith.constant 1 : i32
        %sub3A_538 = arith.subi %add3A_537, %sub3A : i32
        %lt3A_539 = arith.constant 125 : i32
        %lt3A_540 = arith.cmpi slt, %sub3A_538, %lt3A_539 : i32
        %convert_element_type3A_541 = arith.extui %lt3A_540 : i1 to i32
        %cond3A_542 = arith.constant 0 : i32
        %cond3A_543 = arith.cmpi ne, %convert_element_type3A_541, %cond3A_542 : i32
        scf.if %cond3A_543 {
          %dma_wait3A_560 = arith.constant 0 : i32
          %dma_wait3A_561 = arith.constant 0 : i32
          %dma_wait3A_562 = tpu.memref_slice %arg3[%add3A, %sub3A_538, %dma_wait3A_560, %dma_wait3A_561] : memref<32x125x2x80xi32, #tpu.memory_space<hbm>> -> memref<1x1x2x80xi32, #tpu.memory_space<hbm>>
          %dma_wait3A_563 = tpu.memref_squeeze %dma_wait3A_562 : memref<1x1x2x80xi32, #tpu.memory_space<hbm>> -> memref<2x80xi32, #tpu.memory_space<hbm>>
          %dma_wait3A_564 = arith.constant 0 : i32
          %dma_wait3A_565 = arith.constant 0 : i32
          %dma_wait3A_566 = tpu.memref_slice %arg3[%add3A, %sub3A_538, %dma_wait3A_564, %dma_wait3A_565] : memref<32x125x2x80xi32, #tpu.memory_space<hbm>> -> memref<1x1x2x80xi32, #tpu.memory_space<hbm>>
          %dma_wait3A_567 = tpu.memref_squeeze %dma_wait3A_566 : memref<1x1x2x80xi32, #tpu.memory_space<hbm>> -> memref<2x80xi32, #tpu.memory_space<hbm>>
          tpu.wait_dma2 semaphore(%arg36 : memref<!tpu.dma_semaphore, #tpu.memory_space<semaphore_mem>>) src(%dma_wait3A_567 : memref<2x80xi32, #tpu.memory_space<hbm>>) dst(%arg11 : memref<2x80xi32, #tpu.memory_space<vmem>>)
          %dma_start3A_568 = arith.constant 0 : i32
          %dma_start3A_569 = arith.constant 0 : i32
          %dma_start3A_570 = tpu.memref_slice %arg11[%dma_start3A_568, %dma_start3A_569] : memref<2x80xi32, #tpu.memory_space<vmem>> -> memref<1x80xi32, #tpu.memory_space<vmem>>
          %dma_start3A_571 = tpu.memref_squeeze %dma_start3A_570 : memref<1x80xi32, #tpu.memory_space<vmem>> -> memref<80xi32, #tpu.memory_space<vmem>>
          %dma_start3A_572 = arith.constant 0 : i32
          %dma_start3A_573 = arith.constant 0 : i32
          %dma_start3A_574 = tpu.memref_slice %arg2[%dma_start3A_572, %dma_start3A_573] : memref<10000x64xf32, #tpu.memory_space<hbm>> -> memref<10000x64xf32, #tpu.memory_space<hbm>>
          tpu.enqueue_indirect_dma source(%dma_start3A_574 : memref<10000x64xf32, #tpu.memory_space<hbm>>) target(%arg27 : memref<80x64xf32, #tpu.memory_space<vmem>>) offsets(%dma_start3A_571 : memref<80xi32, #tpu.memory_space<vmem>>) semaphore(%arg52 : memref<!tpu.dma_semaphore, #tpu.memory_space<semaphore_mem>>)
        } else {
        }
        %dma_wait3A_544 = arith.constant 0 : i32
        %dma_wait3A_545 = arith.constant 0 : i32
        %dma_wait3A_546 = tpu.memref_slice %arg20[%dma_wait3A_544, %dma_wait3A_545] : memref<2x80xi32, #tpu.memory_space<vmem>> -> memref<1x80xi32, #tpu.memory_space<vmem>>
        %dma_wait3A_547 = tpu.memref_squeeze %dma_wait3A_546 : memref<1x80xi32, #tpu.memory_space<vmem>> -> memref<80xi32, #tpu.memory_space<vmem>>
        %dma_wait3A_548 = arith.constant 0 : i32
        %dma_wait3A_549 = arith.constant 0 : i32
        %dma_wait3A_550 = tpu.memref_slice %arg2[%dma_wait3A_548, %dma_wait3A_549] : memref<10000x64xf32, #tpu.memory_space<hbm>> -> memref<10000x64xf32, #tpu.memory_space<hbm>>
        tpu.wait_indirect_dma semaphore(%arg53 : memref<!tpu.dma_semaphore, #tpu.memory_space<semaphore_mem>>) src(%dma_wait3A_550 : memref<10000x64xf32, #tpu.memory_space<hbm>>) dst(%arg28 : memref<80x64xf32, #tpu.memory_space<vmem>>)
        %run_scoped3A = arith.constant 1 : i32
        "tpu.region"() ({
          %run_scoped3A_560 = tpu.sem_alloc : memref<!tpu.dma_semaphore, #tpu.memory_space<semaphore_mem>>
          %dma_start3A_561 = arith.constant 0 : i32
          %dma_start3A_562 = tpu.memref_slice %arg20[%run_scoped3A, %dma_start3A_561] : memref<2x80xi32, #tpu.memory_space<vmem>> -> memref<1x80xi32, #tpu.memory_space<vmem>>
          %dma_start3A_563 = tpu.memref_squeeze %dma_start3A_562 : memref<1x80xi32, #tpu.memory_space<vmem>> -> memref<80xi32, #tpu.memory_space<vmem>>
          %dma_start3A_564 = arith.constant 0 : i32
          %dma_start3A_565 = arith.constant 0 : i32
          %dma_start3A_566 = tpu.memref_slice %arg29[%dma_start3A_564, %dma_start3A_565] : memref<10000x64xf32, #tpu.memory_space<vmem_shared>> -> memref<10000x64xf32, #tpu.memory_space<vmem_shared>>
          tpu.enqueue_indirect_dma source(%arg28 : memref<80x64xf32, #tpu.memory_space<vmem>>) target(%dma_start3A_566 : memref<10000x64xf32, #tpu.memory_space<vmem_shared>>) offsets(%dma_start3A_563 : memref<80xi32, #tpu.memory_space<vmem>>) semaphore(%run_scoped3A_560 : memref<!tpu.dma_semaphore, #tpu.memory_space<semaphore_mem>>) {add = true}
          %dma_wait3A_567 = arith.constant 0 : i32
          %dma_wait3A_568 = tpu.memref_slice %arg20[%run_scoped3A, %dma_wait3A_567] : memref<2x80xi32, #tpu.memory_space<vmem>> -> memref<1x80xi32, #tpu.memory_space<vmem>>
          %dma_wait3A_569 = tpu.memref_squeeze %dma_wait3A_568 : memref<1x80xi32, #tpu.memory_space<vmem>> -> memref<80xi32, #tpu.memory_space<vmem>>
          %dma_wait3A_570 = arith.constant 0 : i32
          %dma_wait3A_571 = arith.constant 0 : i32
          %dma_wait3A_572 = tpu.memref_slice %arg29[%dma_wait3A_570, %dma_wait3A_571] : memref<10000x64xf32, #tpu.memory_space<vmem_shared>> -> memref<10000x64xf32, #tpu.memory_space<vmem_shared>>
          tpu.wait_indirect_dma semaphore(%run_scoped3A_560 : memref<!tpu.dma_semaphore, #tpu.memory_space<semaphore_mem>>) src(%arg28 : memref<80x64xf32, #tpu.memory_space<vmem>>) dst(%dma_wait3A_572 : memref<10000x64xf32, #tpu.memory_space<vmem_shared>>)
          tpu.yield
        }) : () -> ()
        %add3A_551 = arith.constant 16 : i32
        %add3A_552 = arith.addi %add3A_530, %add3A_551 : i32
        %sub3A_553 = arith.constant 2 : i32
        %sub3A_554 = arith.subi %add3A_552, %sub3A_553 : i32
        %lt3A_555 = arith.constant 125 : i32
        %lt3A_556 = arith.cmpi slt, %sub3A_554, %lt3A_555 : i32
        %convert_element_type3A_557 = arith.extui %lt3A_556 : i1 to i32
        %cond3A_558 = arith.constant 0 : i32
        %cond3A_559 = arith.cmpi ne, %convert_element_type3A_557, %cond3A_558 : i32
        scf.if %cond3A_559 {
          %dma_start3A_560 = arith.constant 0 : i32
          %dma_start3A_561 = arith.constant 0 : i32
          %dma_start3A_562 = tpu.memref_slice %arg3[%add3A, %sub3A_554, %dma_start3A_560, %dma_start3A_561] : memref<32x125x2x80xi32, #tpu.memory_space<hbm>> -> memref<1x1x2x80xi32, #tpu.memory_space<hbm>>
          %dma_start3A_563 = tpu.memref_squeeze %dma_start3A_562 : memref<1x1x2x80xi32, #tpu.memory_space<hbm>> -> memref<2x80xi32, #tpu.memory_space<hbm>>
          %dma_start3A_564 = arith.constant 0 : i32
          %dma_start3A_565 = arith.constant 0 : i32
          %dma_start3A_566 = tpu.memref_slice %arg3[%add3A, %sub3A_554, %dma_start3A_564, %dma_start3A_565] : memref<32x125x2x80xi32, #tpu.memory_space<hbm>> -> memref<1x1x2x80xi32, #tpu.memory_space<hbm>>
          %dma_start3A_567 = tpu.memref_squeeze %dma_start3A_566 : memref<1x1x2x80xi32, #tpu.memory_space<hbm>> -> memref<2x80xi32, #tpu.memory_space<hbm>>
          tpu.enqueue_dma source(%dma_start3A_567 : memref<2x80xi32, #tpu.memory_space<hbm>>) target(%arg18 : memref<2x80xi32, #tpu.memory_space<vmem>>) target_semaphore(%arg43 : memref<!tpu.dma_semaphore, #tpu.memory_space<semaphore_mem>>)
        } else {
        }
      } else {
      }
    }
    %scan3A_317 = arith.constant 8 : i32
    %barrier3A_318 = arith.constant 0 : index
    tpu.barrier barrier_id(%barrier3A_318)
    %mul3A_319 = arith.constant 8 : i32
    %mul3A_320 = arith.muli %arg1, %mul3A_319 : i32
    %add3A_321 = arith.constant 0 : i32
    %add3A_322 = arith.addi %mul3A_320, %add3A_321 : i32
    %lt3A_323 = arith.constant 125 : i32
    %lt3A_324 = arith.cmpi slt, %add3A_322, %lt3A_323 : i32
    %convert_element_type3A_325 = arith.extui %lt3A_324 : i1 to i32
    %cond3A_326 = arith.constant 0 : i32
    %cond3A_327 = arith.cmpi ne, %convert_element_type3A_325, %cond3A_326 : i32
    scf.if %cond3A_327 {
      %mul3A_391 = arith.constant 80 : i32
      %mul3A_392 = arith.muli %add3A_322, %mul3A_391 : i32
      %mul3A_393 = arith.constant 80 : i32
      %mul3A_394 = arith.muli %add3A_322, %mul3A_393 : i32
      "tpu.region"() ({
        %run_scoped3A = tpu.sem_alloc : memref<!tpu.dma_semaphore, #tpu.memory_space<semaphore_mem>>
        %dma_start3A_395 = arith.constant 0 : i32
        %dma_start3A_396 = tpu.memref_slice %arg4[%arg0, %mul3A_394, %dma_start3A_395] : memref<2x10000x64xf32, #tpu.memory_space<hbm>> -> memref<1x80x64xf32, #tpu.memory_space<hbm>>
        %dma_start3A_397 = tpu.memref_squeeze %dma_start3A_396 : memref<1x80x64xf32, #tpu.memory_space<hbm>> -> memref<80x64xf32, #tpu.memory_space<hbm>>
        %dma_start3A_398 = arith.constant 0 : i32
        %dma_start3A_399 = tpu.memref_slice %arg29[%mul3A_392, %dma_start3A_398] : memref<10000x64xf32, #tpu.memory_space<vmem_shared>> -> memref<80x64xf32, #tpu.memory_space<vmem_shared>>
        tpu.enqueue_dma source(%dma_start3A_399 : memref<80x64xf32, #tpu.memory_space<vmem_shared>>) target(%dma_start3A_397 : memref<80x64xf32, #tpu.memory_space<hbm>>) target_semaphore(%run_scoped3A : memref<!tpu.dma_semaphore, #tpu.memory_space<semaphore_mem>>)
        %dma_wait3A_400 = arith.constant 0 : i32
        %dma_wait3A_401 = tpu.memref_slice %arg4[%arg0, %mul3A_394, %dma_wait3A_400] : memref<2x10000x64xf32, #tpu.memory_space<hbm>> -> memref<1x80x64xf32, #tpu.memory_space<hbm>>
        %dma_wait3A_402 = tpu.memref_squeeze %dma_wait3A_401 : memref<1x80x64xf32, #tpu.memory_space<hbm>> -> memref<80x64xf32, #tpu.memory_space<hbm>>
        %dma_wait3A_403 = arith.constant 0 : i32
        %dma_wait3A_404 = tpu.memref_slice %arg29[%mul3A_392, %dma_wait3A_403] : memref<10000x64xf32, #tpu.memory_space<vmem_shared>> -> memref<80x64xf32, #tpu.memory_space<vmem_shared>>
        tpu.wait_dma2 semaphore(%run_scoped3A : memref<!tpu.dma_semaphore, #tpu.memory_space<semaphore_mem>>) src(%dma_wait3A_404 : memref<80x64xf32, #tpu.memory_space<vmem_shared>>) dst(%dma_wait3A_402 : memref<80x64xf32, #tpu.memory_space<hbm>>)
        tpu.yield
      }) : () -> ()
    } else {
    }
    %mul3A_328 = arith.constant 8 : i32
    %mul3A_329 = arith.muli %arg1, %mul3A_328 : i32
    %add3A_330 = arith.constant 1 : i32
    %add3A_331 = arith.addi %mul3A_329, %add3A_330 : i32
    %lt3A_332 = arith.constant 125 : i32
    %lt3A_333 = arith.cmpi slt, %add3A_331, %lt3A_332 : i32
    %convert_element_type3A_334 = arith.extui %lt3A_333 : i1 to i32
    %cond3A_335 = arith.constant 0 : i32
    %cond3A_336 = arith.cmpi ne, %convert_element_type3A_334, %cond3A_335 : i32
    scf.if %cond3A_336 {
      %mul3A_391 = arith.constant 80 : i32
      %mul3A_392 = arith.muli %add3A_331, %mul3A_391 : i32
      %mul3A_393 = arith.constant 80 : i32
      %mul3A_394 = arith.muli %add3A_331, %mul3A_393 : i32
      "tpu.region"() ({
        %run_scoped3A = tpu.sem_alloc : memref<!tpu.dma_semaphore, #tpu.memory_space<semaphore_mem>>
        %dma_start3A_395 = arith.constant 0 : i32
        %dma_start3A_396 = tpu.memref_slice %arg4[%arg0, %mul3A_394, %dma_start3A_395] : memref<2x10000x64xf32, #tpu.memory_space<hbm>> -> memref<1x80x64xf32, #tpu.memory_space<hbm>>
        %dma_start3A_397 = tpu.memref_squeeze %dma_start3A_396 : memref<1x80x64xf32, #tpu.memory_space<hbm>> -> memref<80x64xf32, #tpu.memory_space<hbm>>
        %dma_start3A_398 = arith.constant 0 : i32
        %dma_start3A_399 = tpu.memref_slice %arg29[%mul3A_392, %dma_start3A_398] : memref<10000x64xf32, #tpu.memory_space<vmem_shared>> -> memref<80x64xf32, #tpu.memory_space<vmem_shared>>
        tpu.enqueue_dma source(%dma_start3A_399 : memref<80x64xf32, #tpu.memory_space<vmem_shared>>) target(%dma_start3A_397 : memref<80x64xf32, #tpu.memory_space<hbm>>) target_semaphore(%run_scoped3A : memref<!tpu.dma_semaphore, #tpu.memory_space<semaphore_mem>>)
        %dma_wait3A_400 = arith.constant 0 : i32
        %dma_wait3A_401 = tpu.memref_slice %arg4[%arg0, %mul3A_394, %dma_wait3A_400] : memref<2x10000x64xf32, #tpu.memory_space<hbm>> -> memref<1x80x64xf32, #tpu.memory_space<hbm>>
        %dma_wait3A_402 = tpu.memref_squeeze %dma_wait3A_401 : memref<1x80x64xf32, #tpu.memory_space<hbm>> -> memref<80x64xf32, #tpu.memory_space<hbm>>
        %dma_wait3A_403 = arith.constant 0 : i32
        %dma_wait3A_404 = tpu.memref_slice %arg29[%mul3A_392, %dma_wait3A_403] : memref<10000x64xf32, #tpu.memory_space<vmem_shared>> -> memref<80x64xf32, #tpu.memory_space<vmem_shared>>
        tpu.wait_dma2 semaphore(%run_scoped3A : memref<!tpu.dma_semaphore, #tpu.memory_space<semaphore_mem>>) src(%dma_wait3A_404 : memref<80x64xf32, #tpu.memory_space<vmem_shared>>) dst(%dma_wait3A_402 : memref<80x64xf32, #tpu.memory_space<hbm>>)
        tpu.yield
      }) : () -> ()
    } else {
    }
    %mul3A_337 = arith.constant 8 : i32
    %mul3A_338 = arith.muli %arg1, %mul3A_337 : i32
    %add3A_339 = arith.constant 2 : i32
    %add3A_340 = arith.addi %mul3A_338, %add3A_339 : i32
    %lt3A_341 = arith.constant 125 : i32
    %lt3A_342 = arith.cmpi slt, %add3A_340, %lt3A_341 : i32
    %convert_element_type3A_343 = arith.extui %lt3A_342 : i1 to i32
    %cond3A_344 = arith.constant 0 : i32
    %cond3A_345 = arith.cmpi ne, %convert_element_type3A_343, %cond3A_344 : i32
    scf.if %cond3A_345 {
      %mul3A_391 = arith.constant 80 : i32
      %mul3A_392 = arith.muli %add3A_340, %mul3A_391 : i32
      %mul3A_393 = arith.constant 80 : i32
      %mul3A_394 = arith.muli %add3A_340, %mul3A_393 : i32
      "tpu.region"() ({
        %run_scoped3A = tpu.sem_alloc : memref<!tpu.dma_semaphore, #tpu.memory_space<semaphore_mem>>
        %dma_start3A_395 = arith.constant 0 : i32
        %dma_start3A_396 = tpu.memref_slice %arg4[%arg0, %mul3A_394, %dma_start3A_395] : memref<2x10000x64xf32, #tpu.memory_space<hbm>> -> memref<1x80x64xf32, #tpu.memory_space<hbm>>
        %dma_start3A_397 = tpu.memref_squeeze %dma_start3A_396 : memref<1x80x64xf32, #tpu.memory_space<hbm>> -> memref<80x64xf32, #tpu.memory_space<hbm>>
        %dma_start3A_398 = arith.constant 0 : i32
        %dma_start3A_399 = tpu.memref_slice %arg29[%mul3A_392, %dma_start3A_398] : memref<10000x64xf32, #tpu.memory_space<vmem_shared>> -> memref<80x64xf32, #tpu.memory_space<vmem_shared>>
        tpu.enqueue_dma source(%dma_start3A_399 : memref<80x64xf32, #tpu.memory_space<vmem_shared>>) target(%dma_start3A_397 : memref<80x64xf32, #tpu.memory_space<hbm>>) target_semaphore(%run_scoped3A : memref<!tpu.dma_semaphore, #tpu.memory_space<semaphore_mem>>)
        %dma_wait3A_400 = arith.constant 0 : i32
        %dma_wait3A_401 = tpu.memref_slice %arg4[%arg0, %mul3A_394, %dma_wait3A_400] : memref<2x10000x64xf32, #tpu.memory_space<hbm>> -> memref<1x80x64xf32, #tpu.memory_space<hbm>>
        %dma_wait3A_402 = tpu.memref_squeeze %dma_wait3A_401 : memref<1x80x64xf32, #tpu.memory_space<hbm>> -> memref<80x64xf32, #tpu.memory_space<hbm>>
        %dma_wait3A_403 = arith.constant 0 : i32
        %dma_wait3A_404 = tpu.memref_slice %arg29[%mul3A_392, %dma_wait3A_403] : memref<10000x64xf32, #tpu.memory_space<vmem_shared>> -> memref<80x64xf32, #tpu.memory_space<vmem_shared>>
        tpu.wait_dma2 semaphore(%run_scoped3A : memref<!tpu.dma_semaphore, #tpu.memory_space<semaphore_mem>>) src(%dma_wait3A_404 : memref<80x64xf32, #tpu.memory_space<vmem_shared>>) dst(%dma_wait3A_402 : memref<80x64xf32, #tpu.memory_space<hbm>>)
        tpu.yield
      }) : () -> ()
    } else {
    }
    %mul3A_346 = arith.constant 8 : i32
    %mul3A_347 = arith.muli %arg1, %mul3A_346 : i32
    %add3A_348 = arith.constant 3 : i32
    %add3A_349 = arith.addi %mul3A_347, %add3A_348 : i32
    %lt3A_350 = arith.constant 125 : i32
    %lt3A_351 = arith.cmpi slt, %add3A_349, %lt3A_350 : i32
    %convert_element_type3A_352 = arith.extui %lt3A_351 : i1 to i32
    %cond3A_353 = arith.constant 0 : i32
    %cond3A_354 = arith.cmpi ne, %convert_element_type3A_352, %cond3A_353 : i32
    scf.if %cond3A_354 {
      %mul3A_391 = arith.constant 80 : i32
      %mul3A_392 = arith.muli %add3A_349, %mul3A_391 : i32
      %mul3A_393 = arith.constant 80 : i32
      %mul3A_394 = arith.muli %add3A_349, %mul3A_393 : i32
      "tpu.region"() ({
        %run_scoped3A = tpu.sem_alloc : memref<!tpu.dma_semaphore, #tpu.memory_space<semaphore_mem>>
        %dma_start3A_395 = arith.constant 0 : i32
        %dma_start3A_396 = tpu.memref_slice %arg4[%arg0, %mul3A_394, %dma_start3A_395] : memref<2x10000x64xf32, #tpu.memory_space<hbm>> -> memref<1x80x64xf32, #tpu.memory_space<hbm>>
        %dma_start3A_397 = tpu.memref_squeeze %dma_start3A_396 : memref<1x80x64xf32, #tpu.memory_space<hbm>> -> memref<80x64xf32, #tpu.memory_space<hbm>>
        %dma_start3A_398 = arith.constant 0 : i32
        %dma_start3A_399 = tpu.memref_slice %arg29[%mul3A_392, %dma_start3A_398] : memref<10000x64xf32, #tpu.memory_space<vmem_shared>> -> memref<80x64xf32, #tpu.memory_space<vmem_shared>>
        tpu.enqueue_dma source(%dma_start3A_399 : memref<80x64xf32, #tpu.memory_space<vmem_shared>>) target(%dma_start3A_397 : memref<80x64xf32, #tpu.memory_space<hbm>>) target_semaphore(%run_scoped3A : memref<!tpu.dma_semaphore, #tpu.memory_space<semaphore_mem>>)
        %dma_wait3A_400 = arith.constant 0 : i32
        %dma_wait3A_401 = tpu.memref_slice %arg4[%arg0, %mul3A_394, %dma_wait3A_400] : memref<2x10000x64xf32, #tpu.memory_space<hbm>> -> memref<1x80x64xf32, #tpu.memory_space<hbm>>
        %dma_wait3A_402 = tpu.memref_squeeze %dma_wait3A_401 : memref<1x80x64xf32, #tpu.memory_space<hbm>> -> memref<80x64xf32, #tpu.memory_space<hbm>>
        %dma_wait3A_403 = arith.constant 0 : i32
        %dma_wait3A_404 = tpu.memref_slice %arg29[%mul3A_392, %dma_wait3A_403] : memref<10000x64xf32, #tpu.memory_space<vmem_shared>> -> memref<80x64xf32, #tpu.memory_space<vmem_shared>>
        tpu.wait_dma2 semaphore(%run_scoped3A : memref<!tpu.dma_semaphore, #tpu.memory_space<semaphore_mem>>) src(%dma_wait3A_404 : memref<80x64xf32, #tpu.memory_space<vmem_shared>>) dst(%dma_wait3A_402 : memref<80x64xf32, #tpu.memory_space<hbm>>)
        tpu.yield
      }) : () -> ()
    } else {
    }
    %mul3A_355 = arith.constant 8 : i32
    %mul3A_356 = arith.muli %arg1, %mul3A_355 : i32
    %add3A_357 = arith.constant 4 : i32
    %add3A_358 = arith.addi %mul3A_356, %add3A_357 : i32
    %lt3A_359 = arith.constant 125 : i32
    %lt3A_360 = arith.cmpi slt, %add3A_358, %lt3A_359 : i32
    %convert_element_type3A_361 = arith.extui %lt3A_360 : i1 to i32
    %cond3A_362 = arith.constant 0 : i32
    %cond3A_363 = arith.cmpi ne, %convert_element_type3A_361, %cond3A_362 : i32
    scf.if %cond3A_363 {
      %mul3A_391 = arith.constant 80 : i32
      %mul3A_392 = arith.muli %add3A_358, %mul3A_391 : i32
      %mul3A_393 = arith.constant 80 : i32
      %mul3A_394 = arith.muli %add3A_358, %mul3A_393 : i32
      "tpu.region"() ({
        %run_scoped3A = tpu.sem_alloc : memref<!tpu.dma_semaphore, #tpu.memory_space<semaphore_mem>>
        %dma_start3A_395 = arith.constant 0 : i32
        %dma_start3A_396 = tpu.memref_slice %arg4[%arg0, %mul3A_394, %dma_start3A_395] : memref<2x10000x64xf32, #tpu.memory_space<hbm>> -> memref<1x80x64xf32, #tpu.memory_space<hbm>>
        %dma_start3A_397 = tpu.memref_squeeze %dma_start3A_396 : memref<1x80x64xf32, #tpu.memory_space<hbm>> -> memref<80x64xf32, #tpu.memory_space<hbm>>
        %dma_start3A_398 = arith.constant 0 : i32
        %dma_start3A_399 = tpu.memref_slice %arg29[%mul3A_392, %dma_start3A_398] : memref<10000x64xf32, #tpu.memory_space<vmem_shared>> -> memref<80x64xf32, #tpu.memory_space<vmem_shared>>
        tpu.enqueue_dma source(%dma_start3A_399 : memref<80x64xf32, #tpu.memory_space<vmem_shared>>) target(%dma_start3A_397 : memref<80x64xf32, #tpu.memory_space<hbm>>) target_semaphore(%run_scoped3A : memref<!tpu.dma_semaphore, #tpu.memory_space<semaphore_mem>>)
        %dma_wait3A_400 = arith.constant 0 : i32
        %dma_wait3A_401 = tpu.memref_slice %arg4[%arg0, %mul3A_394, %dma_wait3A_400] : memref<2x10000x64xf32, #tpu.memory_space<hbm>> -> memref<1x80x64xf32, #tpu.memory_space<hbm>>
        %dma_wait3A_402 = tpu.memref_squeeze %dma_wait3A_401 : memref<1x80x64xf32, #tpu.memory_space<hbm>> -> memref<80x64xf32, #tpu.memory_space<hbm>>
        %dma_wait3A_403 = arith.constant 0 : i32
        %dma_wait3A_404 = tpu.memref_slice %arg29[%mul3A_392, %dma_wait3A_403] : memref<10000x64xf32, #tpu.memory_space<vmem_shared>> -> memref<80x64xf32, #tpu.memory_space<vmem_shared>>
        tpu.wait_dma2 semaphore(%run_scoped3A : memref<!tpu.dma_semaphore, #tpu.memory_space<semaphore_mem>>) src(%dma_wait3A_404 : memref<80x64xf32, #tpu.memory_space<vmem_shared>>) dst(%dma_wait3A_402 : memref<80x64xf32, #tpu.memory_space<hbm>>)
        tpu.yield
      }) : () -> ()
    } else {
    }
    %mul3A_364 = arith.constant 8 : i32
    %mul3A_365 = arith.muli %arg1, %mul3A_364 : i32
    %add3A_366 = arith.constant 5 : i32
    %add3A_367 = arith.addi %mul3A_365, %add3A_366 : i32
    %lt3A_368 = arith.constant 125 : i32
    %lt3A_369 = arith.cmpi slt, %add3A_367, %lt3A_368 : i32
    %convert_element_type3A_370 = arith.extui %lt3A_369 : i1 to i32
    %cond3A_371 = arith.constant 0 : i32
    %cond3A_372 = arith.cmpi ne, %convert_element_type3A_370, %cond3A_371 : i32
    scf.if %cond3A_372 {
      %mul3A_391 = arith.constant 80 : i32
      %mul3A_392 = arith.muli %add3A_367, %mul3A_391 : i32
      %mul3A_393 = arith.constant 80 : i32
      %mul3A_394 = arith.muli %add3A_367, %mul3A_393 : i32
      "tpu.region"() ({
        %run_scoped3A = tpu.sem_alloc : memref<!tpu.dma_semaphore, #tpu.memory_space<semaphore_mem>>
        %dma_start3A_395 = arith.constant 0 : i32
        %dma_start3A_396 = tpu.memref_slice %arg4[%arg0, %mul3A_394, %dma_start3A_395] : memref<2x10000x64xf32, #tpu.memory_space<hbm>> -> memref<1x80x64xf32, #tpu.memory_space<hbm>>
        %dma_start3A_397 = tpu.memref_squeeze %dma_start3A_396 : memref<1x80x64xf32, #tpu.memory_space<hbm>> -> memref<80x64xf32, #tpu.memory_space<hbm>>
        %dma_start3A_398 = arith.constant 0 : i32
        %dma_start3A_399 = tpu.memref_slice %arg29[%mul3A_392, %dma_start3A_398] : memref<10000x64xf32, #tpu.memory_space<vmem_shared>> -> memref<80x64xf32, #tpu.memory_space<vmem_shared>>
        tpu.enqueue_dma source(%dma_start3A_399 : memref<80x64xf32, #tpu.memory_space<vmem_shared>>) target(%dma_start3A_397 : memref<80x64xf32, #tpu.memory_space<hbm>>) target_semaphore(%run_scoped3A : memref<!tpu.dma_semaphore, #tpu.memory_space<semaphore_mem>>)
        %dma_wait3A_400 = arith.constant 0 : i32
        %dma_wait3A_401 = tpu.memref_slice %arg4[%arg0, %mul3A_394, %dma_wait3A_400] : memref<2x10000x64xf32, #tpu.memory_space<hbm>> -> memref<1x80x64xf32, #tpu.memory_space<hbm>>
        %dma_wait3A_402 = tpu.memref_squeeze %dma_wait3A_401 : memref<1x80x64xf32, #tpu.memory_space<hbm>> -> memref<80x64xf32, #tpu.memory_space<hbm>>
        %dma_wait3A_403 = arith.constant 0 : i32
        %dma_wait3A_404 = tpu.memref_slice %arg29[%mul3A_392, %dma_wait3A_403] : memref<10000x64xf32, #tpu.memory_space<vmem_shared>> -> memref<80x64xf32, #tpu.memory_space<vmem_shared>>
        tpu.wait_dma2 semaphore(%run_scoped3A : memref<!tpu.dma_semaphore, #tpu.memory_space<semaphore_mem>>) src(%dma_wait3A_404 : memref<80x64xf32, #tpu.memory_space<vmem_shared>>) dst(%dma_wait3A_402 : memref<80x64xf32, #tpu.memory_space<hbm>>)
        tpu.yield
      }) : () -> ()
    } else {
    }
    %mul3A_373 = arith.constant 8 : i32
    %mul3A_374 = arith.muli %arg1, %mul3A_373 : i32
    %add3A_375 = arith.constant 6 : i32
    %add3A_376 = arith.addi %mul3A_374, %add3A_375 : i32
    %lt3A_377 = arith.constant 125 : i32
    %lt3A_378 = arith.cmpi slt, %add3A_376, %lt3A_377 : i32
    %convert_element_type3A_379 = arith.extui %lt3A_378 : i1 to i32
    %cond3A_380 = arith.constant 0 : i32
    %cond3A_381 = arith.cmpi ne, %convert_element_type3A_379, %cond3A_380 : i32
    scf.if %cond3A_381 {
      %mul3A_391 = arith.constant 80 : i32
      %mul3A_392 = arith.muli %add3A_376, %mul3A_391 : i32
      %mul3A_393 = arith.constant 80 : i32
      %mul3A_394 = arith.muli %add3A_376, %mul3A_393 : i32
      "tpu.region"() ({
        %run_scoped3A = tpu.sem_alloc : memref<!tpu.dma_semaphore, #tpu.memory_space<semaphore_mem>>
        %dma_start3A_395 = arith.constant 0 : i32
        %dma_start3A_396 = tpu.memref_slice %arg4[%arg0, %mul3A_394, %dma_start3A_395] : memref<2x10000x64xf32, #tpu.memory_space<hbm>> -> memref<1x80x64xf32, #tpu.memory_space<hbm>>
        %dma_start3A_397 = tpu.memref_squeeze %dma_start3A_396 : memref<1x80x64xf32, #tpu.memory_space<hbm>> -> memref<80x64xf32, #tpu.memory_space<hbm>>
        %dma_start3A_398 = arith.constant 0 : i32
        %dma_start3A_399 = tpu.memref_slice %arg29[%mul3A_392, %dma_start3A_398] : memref<10000x64xf32, #tpu.memory_space<vmem_shared>> -> memref<80x64xf32, #tpu.memory_space<vmem_shared>>
        tpu.enqueue_dma source(%dma_start3A_399 : memref<80x64xf32, #tpu.memory_space<vmem_shared>>) target(%dma_start3A_397 : memref<80x64xf32, #tpu.memory_space<hbm>>) target_semaphore(%run_scoped3A : memref<!tpu.dma_semaphore, #tpu.memory_space<semaphore_mem>>)
        %dma_wait3A_400 = arith.constant 0 : i32
        %dma_wait3A_401 = tpu.memref_slice %arg4[%arg0, %mul3A_394, %dma_wait3A_400] : memref<2x10000x64xf32, #tpu.memory_space<hbm>> -> memref<1x80x64xf32, #tpu.memory_space<hbm>>
        %dma_wait3A_402 = tpu.memref_squeeze %dma_wait3A_401 : memref<1x80x64xf32, #tpu.memory_space<hbm>> -> memref<80x64xf32, #tpu.memory_space<hbm>>
        %dma_wait3A_403 = arith.constant 0 : i32
        %dma_wait3A_404 = tpu.memref_slice %arg29[%mul3A_392, %dma_wait3A_403] : memref<10000x64xf32, #tpu.memory_space<vmem_shared>> -> memref<80x64xf32, #tpu.memory_space<vmem_shared>>
        tpu.wait_dma2 semaphore(%run_scoped3A : memref<!tpu.dma_semaphore, #tpu.memory_space<semaphore_mem>>) src(%dma_wait3A_404 : memref<80x64xf32, #tpu.memory_space<vmem_shared>>) dst(%dma_wait3A_402 : memref<80x64xf32, #tpu.memory_space<hbm>>)
        tpu.yield
      }) : () -> ()
    } else {
    }
    %mul3A_382 = arith.constant 8 : i32
    %mul3A_383 = arith.muli %arg1, %mul3A_382 : i32
    %add3A_384 = arith.constant 7 : i32
    %add3A_385 = arith.addi %mul3A_383, %add3A_384 : i32
    %lt3A_386 = arith.constant 125 : i32
    %lt3A_387 = arith.cmpi slt, %add3A_385, %lt3A_386 : i32
    %convert_element_type3A_388 = arith.extui %lt3A_387 : i1 to i32
    %cond3A_389 = arith.constant 0 : i32
    %cond3A_390 = arith.cmpi ne, %convert_element_type3A_388, %cond3A_389 : i32
    scf.if %cond3A_390 {
      %mul3A_391 = arith.constant 80 : i32
      %mul3A_392 = arith.muli %add3A_385, %mul3A_391 : i32
      %mul3A_393 = arith.constant 80 : i32
      %mul3A_394 = arith.muli %add3A_385, %mul3A_393 : i32
      "tpu.region"() ({
        %run_scoped3A = tpu.sem_alloc : memref<!tpu.dma_semaphore, #tpu.memory_space<semaphore_mem>>
        %dma_start3A_395 = arith.constant 0 : i32
        %dma_start3A_396 = tpu.memref_slice %arg4[%arg0, %mul3A_394, %dma_start3A_395] : memref<2x10000x64xf32, #tpu.memory_space<hbm>> -> memref<1x80x64xf32, #tpu.memory_space<hbm>>
        %dma_start3A_397 = tpu.memref_squeeze %dma_start3A_396 : memref<1x80x64xf32, #tpu.memory_space<hbm>> -> memref<80x64xf32, #tpu.memory_space<hbm>>
        %dma_start3A_398 = arith.constant 0 : i32
        %dma_start3A_399 = tpu.memref_slice %arg29[%mul3A_392, %dma_start3A_398] : memref<10000x64xf32, #tpu.memory_space<vmem_shared>> -> memref<80x64xf32, #tpu.memory_space<vmem_shared>>
        tpu.enqueue_dma source(%dma_start3A_399 : memref<80x64xf32, #tpu.memory_space<vmem_shared>>) target(%dma_start3A_397 : memref<80x64xf32, #tpu.memory_space<hbm>>) target_semaphore(%run_scoped3A : memref<!tpu.dma_semaphore, #tpu.memory_space<semaphore_mem>>)
        %dma_wait3A_400 = arith.constant 0 : i32
        %dma_wait3A_401 = tpu.memref_slice %arg4[%arg0, %mul3A_394, %dma_wait3A_400] : memref<2x10000x64xf32, #tpu.memory_space<hbm>> -> memref<1x80x64xf32, #tpu.memory_space<hbm>>
        %dma_wait3A_402 = tpu.memref_squeeze %dma_wait3A_401 : memref<1x80x64xf32, #tpu.memory_space<hbm>> -> memref<80x64xf32, #tpu.memory_space<hbm>>
        %dma_wait3A_403 = arith.constant 0 : i32
        %dma_wait3A_404 = tpu.memref_slice %arg29[%mul3A_392, %dma_wait3A_403] : memref<10000x64xf32, #tpu.memory_space<vmem_shared>> -> memref<80x64xf32, #tpu.memory_space<vmem_shared>>
        tpu.wait_dma2 semaphore(%run_scoped3A : memref<!tpu.dma_semaphore, #tpu.memory_space<semaphore_mem>>) src(%dma_wait3A_404 : memref<80x64xf32, #tpu.memory_space<vmem_shared>>) dst(%dma_wait3A_402 : memref<80x64xf32, #tpu.memory_space<hbm>>)
        tpu.yield
      }) : () -> ()
    } else {
    }
    return
  }
}

module attributes {stable_mosaic.version = 14 : i64} {
  func.func @_tc1_body(%arg0: i32, %arg1: memref<2x1000x128xf32, #tpu.memory_space<vmem>>, %arg2: memref<1000x2xf32, #tpu.memory_space<vmem>>, %arg3: memref<1000x128xf32, #tpu.memory_space<vmem>>, %arg4: memref<128x128xf32, #tpu.memory_space<vmem>>, %arg5: memref<128x128xf32, #tpu.memory_space<vmem>>, %arg6: memref<1x128xf32, #tpu.memory_space<vmem>>, %arg7: memref<128x64xf32, #tpu.memory_space<vmem>>, %arg8: memref<128x64xf32, #tpu.memory_space<vmem>>, %arg9: memref<1x64xf32, #tpu.memory_space<vmem>>, %arg10: memref<1000x64xf32, #tpu.memory_space<vmem>>, %arg11: memref<1000x64xf32, #tpu.memory_space<vmem>>) attributes {dimension_semantics = [#tpu.dimension_semantics<arbitrary>], iteration_bounds = array<i64: 10>, scalar_prefetch = 0 : i64, scratch_operands = 0 : i64, tpu.core_type = #tpu.core_type<tc>, window_params = [{transform_indices = @transform_0, window_bounds = array<i64: 2, 1000, 128>}, {transform_indices = @transform_1, window_bounds = array<i64: 1000, 2>}, {transform_indices = @transform_2, window_bounds = array<i64: 1000, 128>}, {pipeline_mode = #tpu.pipeline_mode<synchronous>, transform_indices = @transform_3, window_bounds = array<i64: 128, 128>}, {pipeline_mode = #tpu.pipeline_mode<synchronous>, transform_indices = @transform_4, window_bounds = array<i64: 128, 128>}, {pipeline_mode = #tpu.pipeline_mode<synchronous>, transform_indices = @transform_5, window_bounds = array<i64: 1, 128>}, {pipeline_mode = #tpu.pipeline_mode<synchronous>, transform_indices = @transform_6, window_bounds = array<i64: 128, 64>}, {pipeline_mode = #tpu.pipeline_mode<synchronous>, transform_indices = @transform_7, window_bounds = array<i64: 128, 64>}, {pipeline_mode = #tpu.pipeline_mode<synchronous>, transform_indices = @transform_8, window_bounds = array<i64: 1, 64>}, {transform_indices = @transform_9, window_bounds = array<i64: 1000, 64>}, {transform_indices = @transform_10, window_bounds = array<i64: 1000, 64>}]} {
    %get3A = arith.constant 0 : index
    %get3A_0 = arith.constant 0 : index
    %get3A_1 = arith.constant 0 : index
    %get3A_2 = vector.load %arg1[%get3A, %get3A_0, %get3A_1] : memref<2x1000x128xf32, #tpu.memory_space<vmem>>, vector<1x1000x128xf32>
    %get3A_3 = vector.shape_cast %get3A_2 : vector<1x1000x128xf32> to vector<1000x128xf32>
    %get3A_4 = arith.constant 1 : index
    %get3A_5 = arith.constant 0 : index
    %get3A_6 = arith.constant 0 : index
    %get3A_7 = vector.load %arg1[%get3A_4, %get3A_5, %get3A_6] : memref<2x1000x128xf32, #tpu.memory_space<vmem>>, vector<1x1000x128xf32>
    %get3A_8 = vector.shape_cast %get3A_7 : vector<1x1000x128xf32> to vector<1000x128xf32>
    %add3A = arith.addf %get3A_3, %get3A_8 : vector<1000x128xf32>
    %get3A_9 = arith.constant 0 : index
    %get3A_10 = arith.constant 0 : index
    %get3A_11 = vector.load %arg2[%get3A_9, %get3A_10] : memref<1000x2xf32, #tpu.memory_space<vmem>>, vector<1000x2xf32>
    %slice3A = vector.extract_strided_slice %get3A_11 {offsets = [0, 0], sizes = [1000, 1], strides = [1, 1]} : vector<1000x2xf32> to vector<1000x1xf32>
    %squeeze3A = vector.shape_cast %slice3A : vector<1000x1xf32> to vector<1000xf32>
    %slice3A_12 = vector.extract_strided_slice %get3A_11 {offsets = [0, 1], sizes = [1000, 1], strides = [1, 1]} : vector<1000x2xf32> to vector<1000x1xf32>
    %squeeze3A_13 = vector.shape_cast %slice3A_12 : vector<1000x1xf32> to vector<1000xf32>
    %add3A_14 = arith.addf %squeeze3A, %squeeze3A_13 : vector<1000xf32>
    %max3A = arith.constant 1.000000e+00 : f32
    %max3A_15 = vector.broadcast %max3A : f32 to vector<1000xf32>
    %max3A_16 = arith.maximumf %add3A_14, %max3A_15 : vector<1000xf32>
    %broadcast_in_dim3A = vector.shape_cast %max3A_16 : vector<1000xf32> to vector<1000x1xf32>
    %div3A = vector.broadcast %broadcast_in_dim3A : vector<1000x1xf32> to vector<1000x128xf32>
    %div3A_17 = arith.divf %add3A, %div3A : vector<1000x128xf32>
    %get3A_18 = arith.constant 0 : index
    %get3A_19 = arith.constant 0 : index
    %get3A_20 = vector.load %arg4[%get3A_18, %get3A_19] : memref<128x128xf32, #tpu.memory_space<vmem>>, vector<128x128xf32>
    %dot_general3A = arith.constant dense<0.000000e+00> : vector<1000x128xf32>
    %dot_general3A_21 = tpu.matmul %div3A_17, %get3A_20, %dot_general3A {dimension_numbers = #tpu.dot_dimension_numbers<[1], [0], [0], [1], [0, 0, 1, 1], [], []>, transpose_lhs_hint = false} : vector<1000x128xf32>, vector<128x128xf32>, vector<1000x128xf32> -> vector<1000x128xf32>
    %get3A_22 = arith.constant 0 : index
    %get3A_23 = arith.constant 0 : index
    %get3A_24 = vector.load %arg3[%get3A_22, %get3A_23] : memref<1000x128xf32, #tpu.memory_space<vmem>>, vector<1000x128xf32>
    %get3A_25 = arith.constant 0 : index
    %get3A_26 = arith.constant 0 : index
    %get3A_27 = vector.load %arg5[%get3A_25, %get3A_26] : memref<128x128xf32, #tpu.memory_space<vmem>>, vector<128x128xf32>
    %dot_general3A_28 = arith.constant dense<0.000000e+00> : vector<1000x128xf32>
    %dot_general3A_29 = tpu.matmul %get3A_24, %get3A_27, %dot_general3A_28 {dimension_numbers = #tpu.dot_dimension_numbers<[1], [0], [0], [1], [0, 0, 1, 1], [], []>, transpose_lhs_hint = false} : vector<1000x128xf32>, vector<128x128xf32>, vector<1000x128xf32> -> vector<1000x128xf32>
    %add3A_30 = arith.addf %dot_general3A_21, %dot_general3A_29 : vector<1000x128xf32>
    %get3A_31 = arith.constant 0 : index
    %get3A_32 = arith.constant 0 : index
    %get3A_33 = vector.load %arg6[%get3A_31, %get3A_32] : memref<1x128xf32, #tpu.memory_space<vmem>>, vector<1x128xf32>
    %add3A_34 = vector.broadcast %get3A_33 : vector<1x128xf32> to vector<1000x128xf32>
    %add3A_35 = arith.addf %add3A_30, %add3A_34 : vector<1000x128xf32>
    %max3A_36 = arith.constant 0.000000e+00 : f32
    %max3A_37 = vector.broadcast %max3A_36 : f32 to vector<1000x128xf32>
    %max3A_38 = arith.maximumf %add3A_35, %max3A_37 : vector<1000x128xf32>
    %get3A_39 = arith.constant 0 : index
    %get3A_40 = arith.constant 0 : index
    %get3A_41 = vector.load %arg7[%get3A_39, %get3A_40] : memref<128x64xf32, #tpu.memory_space<vmem>>, vector<128x64xf32>
    %dot_general3A_42 = arith.constant dense<0.000000e+00> : vector<1000x64xf32>
    %dot_general3A_43 = tpu.matmul %max3A_38, %get3A_41, %dot_general3A_42 {dimension_numbers = #tpu.dot_dimension_numbers<[1], [0], [0], [1], [0, 0, 1, 1], [], []>, transpose_lhs_hint = false} : vector<1000x128xf32>, vector<128x64xf32>, vector<1000x64xf32> -> vector<1000x64xf32>
    %swap3A = arith.constant 0 : index
    %swap3A_44 = arith.constant 0 : index
    %swap3A_45 = vector.load %arg10[%swap3A, %swap3A_44] : memref<1000x64xf32, #tpu.memory_space<vmem>>, vector<1000x64xf32>
    tpu.vector_store %arg10[%swap3A, %swap3A_44], %dot_general3A_43 {strides = array<i32>} : memref<1000x64xf32, #tpu.memory_space<vmem>>, vector<1000x64xf32>,
    %get3A_46 = arith.constant 0 : index
    %get3A_47 = arith.constant 0 : index
    %get3A_48 = vector.load %arg8[%get3A_46, %get3A_47] : memref<128x64xf32, #tpu.memory_space<vmem>>, vector<128x64xf32>
    %dot_general3A_49 = arith.constant dense<0.000000e+00> : vector<1000x64xf32>
    %dot_general3A_50 = tpu.matmul %max3A_38, %get3A_48, %dot_general3A_49 {dimension_numbers = #tpu.dot_dimension_numbers<[1], [0], [0], [1], [0, 0, 1, 1], [], []>, transpose_lhs_hint = false} : vector<1000x128xf32>, vector<128x64xf32>, vector<1000x64xf32> -> vector<1000x64xf32>
    %get3A_51 = arith.constant 0 : index
    %get3A_52 = arith.constant 0 : index
    %get3A_53 = vector.load %arg9[%get3A_51, %get3A_52] : memref<1x64xf32, #tpu.memory_space<vmem>>, vector<1x64xf32>
    %add3A_54 = vector.broadcast %get3A_53 : vector<1x64xf32> to vector<1000x64xf32>
    %add3A_55 = arith.addf %dot_general3A_50, %add3A_54 : vector<1000x64xf32>
    %swap3A_56 = arith.constant 0 : index
    %swap3A_57 = arith.constant 0 : index
    %swap3A_58 = vector.load %arg11[%swap3A_56, %swap3A_57] : memref<1000x64xf32, #tpu.memory_space<vmem>>, vector<1000x64xf32>
    tpu.vector_store %arg11[%swap3A_56, %swap3A_57], %add3A_55 {strides = array<i32>} : memref<1000x64xf32, #tpu.memory_space<vmem>>, vector<1000x64xf32>,
    return
  }
  func.func @transform_0(%arg0: i32) -> (i32, i32, i32) {
    %c0_i32 = arith.constant 0 : i32
    %c0_i32_0 = arith.constant 0 : i32
    %c0_i32_1 = arith.constant 0 : i32
    return %c0_i32, %arg0, %c0_i32_0 : i32, i32, i32
  }
  func.func @transform_1(%arg0: i32) -> (i32, i32) {
    %c0_i32 = arith.constant 0 : i32
    %c0_i32_0 = arith.constant 0 : i32
    return %arg0, %c0_i32 : i32, i32
  }
  func.func @transform_2(%arg0: i32) -> (i32, i32) {
    %c0_i32 = arith.constant 0 : i32
    %c0_i32_0 = arith.constant 0 : i32
    return %arg0, %c0_i32 : i32, i32
  }
  func.func @transform_3(%arg0: i32) -> (i32, i32) {
    %c0_i32 = arith.constant 0 : i32
    %c0_i32_0 = arith.constant 0 : i32
    %c0_i32_1 = arith.constant 0 : i32
    return %c0_i32, %c0_i32_0 : i32, i32
  }
  func.func @transform_4(%arg0: i32) -> (i32, i32) {
    %c0_i32 = arith.constant 0 : i32
    %c0_i32_0 = arith.constant 0 : i32
    %c0_i32_1 = arith.constant 0 : i32
    return %c0_i32, %c0_i32_0 : i32, i32
  }
  func.func @transform_5(%arg0: i32) -> (i32, i32) {
    %c0_i32 = arith.constant 0 : i32
    %c0_i32_0 = arith.constant 0 : i32
    %c0_i32_1 = arith.constant 0 : i32
    return %c0_i32, %c0_i32_0 : i32, i32
  }
  func.func @transform_6(%arg0: i32) -> (i32, i32) {
    %c0_i32 = arith.constant 0 : i32
    %c0_i32_0 = arith.constant 0 : i32
    %c0_i32_1 = arith.constant 0 : i32
    return %c0_i32, %c0_i32_0 : i32, i32
  }
  func.func @transform_7(%arg0: i32) -> (i32, i32) {
    %c0_i32 = arith.constant 0 : i32
    %c0_i32_0 = arith.constant 0 : i32
    %c0_i32_1 = arith.constant 0 : i32
    return %c0_i32, %c0_i32_0 : i32, i32
  }
  func.func @transform_8(%arg0: i32) -> (i32, i32) {
    %c0_i32 = arith.constant 0 : i32
    %c0_i32_0 = arith.constant 0 : i32
    %c0_i32_1 = arith.constant 0 : i32
    return %c0_i32, %c0_i32_0 : i32, i32
  }
  func.func @transform_9(%arg0: i32) -> (i32, i32) {
    %c0_i32 = arith.constant 0 : i32
    %c0_i32_0 = arith.constant 0 : i32
    return %arg0, %c0_i32 : i32, i32
  }
  func.func @transform_10(%arg0: i32) -> (i32, i32) {
    %c0_i32 = arith.constant 0 : i32
    %c0_i32_0 = arith.constant 0 : i32
    return %arg0, %c0_i32 : i32, i32
  }
}

module attributes {stable_mosaic.version = 14 : i64} {
  func.func @_tc2_body(%arg0: i32, %arg1: memref<2x1000x64xf32, #tpu.memory_space<vmem>>, %arg2: memref<1000x2xf32, #tpu.memory_space<vmem>>, %arg3: memref<1000x64xf32, #tpu.memory_space<vmem>>, %arg4: memref<1000x64xf32, #tpu.memory_space<vmem>>) attributes {dimension_semantics = [#tpu.dimension_semantics<arbitrary>], iteration_bounds = array<i64: 10>, scalar_prefetch = 0 : i64, scratch_operands = 0 : i64, tpu.core_type = #tpu.core_type<tc>, window_params = [{transform_indices = @transform_0, window_bounds = array<i64: 2, 1000, 64>}, {transform_indices = @transform_1, window_bounds = array<i64: 1000, 2>}, {transform_indices = @transform_2, window_bounds = array<i64: 1000, 64>}, {transform_indices = @transform_3, window_bounds = array<i64: 1000, 64>}]} {
    %get3A = arith.constant 0 : index
    %get3A_0 = arith.constant 0 : index
    %get3A_1 = arith.constant 0 : index
    %get3A_2 = vector.load %arg1[%get3A, %get3A_0, %get3A_1] : memref<2x1000x64xf32, #tpu.memory_space<vmem>>, vector<1x1000x64xf32>
    %get3A_3 = vector.shape_cast %get3A_2 : vector<1x1000x64xf32> to vector<1000x64xf32>
    %get3A_4 = arith.constant 1 : index
    %get3A_5 = arith.constant 0 : index
    %get3A_6 = arith.constant 0 : index
    %get3A_7 = vector.load %arg1[%get3A_4, %get3A_5, %get3A_6] : memref<2x1000x64xf32, #tpu.memory_space<vmem>>, vector<1x1000x64xf32>
    %get3A_8 = vector.shape_cast %get3A_7 : vector<1x1000x64xf32> to vector<1000x64xf32>
    %add3A = arith.addf %get3A_3, %get3A_8 : vector<1000x64xf32>
    %get3A_9 = arith.constant 0 : index
    %get3A_10 = arith.constant 0 : index
    %get3A_11 = vector.load %arg2[%get3A_9, %get3A_10] : memref<1000x2xf32, #tpu.memory_space<vmem>>, vector<1000x2xf32>
    %slice3A = vector.extract_strided_slice %get3A_11 {offsets = [0, 0], sizes = [1000, 1], strides = [1, 1]} : vector<1000x2xf32> to vector<1000x1xf32>
    %squeeze3A = vector.shape_cast %slice3A : vector<1000x1xf32> to vector<1000xf32>
    %slice3A_12 = vector.extract_strided_slice %get3A_11 {offsets = [0, 1], sizes = [1000, 1], strides = [1, 1]} : vector<1000x2xf32> to vector<1000x1xf32>
    %squeeze3A_13 = vector.shape_cast %slice3A_12 : vector<1000x1xf32> to vector<1000xf32>
    %add3A_14 = arith.addf %squeeze3A, %squeeze3A_13 : vector<1000xf32>
    %max3A = arith.constant 1.000000e+00 : f32
    %max3A_15 = vector.broadcast %max3A : f32 to vector<1000xf32>
    %max3A_16 = arith.maximumf %add3A_14, %max3A_15 : vector<1000xf32>
    %broadcast_in_dim3A = vector.shape_cast %max3A_16 : vector<1000xf32> to vector<1000x1xf32>
    %div3A = vector.broadcast %broadcast_in_dim3A : vector<1000x1xf32> to vector<1000x64xf32>
    %div3A_17 = arith.divf %add3A, %div3A : vector<1000x64xf32>
    %get3A_18 = arith.constant 0 : index
    %get3A_19 = arith.constant 0 : index
    %get3A_20 = vector.load %arg3[%get3A_18, %get3A_19] : memref<1000x64xf32, #tpu.memory_space<vmem>>, vector<1000x64xf32>
    %add3A_21 = arith.addf %div3A_17, %get3A_20 : vector<1000x64xf32>
    %swap3A = arith.constant 0 : index
    %swap3A_22 = arith.constant 0 : index
    %swap3A_23 = vector.load %arg4[%swap3A, %swap3A_22] : memref<1000x64xf32, #tpu.memory_space<vmem>>, vector<1000x64xf32>
    tpu.vector_store %arg4[%swap3A, %swap3A_22], %add3A_21 {strides = array<i32>} : memref<1000x64xf32, #tpu.memory_space<vmem>>, vector<1000x64xf32>,
    return
  }
  func.func @transform_0(%arg0: i32) -> (i32, i32, i32) {
    %c0_i32 = arith.constant 0 : i32
    %c0_i32_0 = arith.constant 0 : i32
    %c0_i32_1 = arith.constant 0 : i32
    return %c0_i32, %arg0, %c0_i32_0 : i32, i32, i32
  }
  func.func @transform_1(%arg0: i32) -> (i32, i32) {
    %c0_i32 = arith.constant 0 : i32
    %c0_i32_0 = arith.constant 0 : i32
    return %arg0, %c0_i32 : i32, i32
  }
  func.func @transform_2(%arg0: i32) -> (i32, i32) {
    %c0_i32 = arith.constant 0 : i32
    %c0_i32_0 = arith.constant 0 : i32
    return %arg0, %c0_i32 : i32, i32
  }
  func.func @transform_3(%arg0: i32) -> (i32, i32) {
    %c0_i32 = arith.constant 0 : i32
    %c0_i32_0 = arith.constant 0 : i32
    return %arg0, %c0_i32 : i32, i32
  }
}

</mosaic_0001>

<sc_bundles>
// kernel: kernel.6.cloned.1.call-start
scs
__scs_entry_jumppad:
0x0: {  	(pc) =	sbr.rel $0x88, $3  }
0x1: {  	(tag) =	ssettag $0x0;
	lr =	simm.s32 $0x1  }
0x2: {  	[smem:$0x3F99] =	sst lr;
	_ =	strace $0xD0000000  }
0x3: {  	_ = 	snop  }
0x4: {  	_ = 	snop  }
0x5: {  	_ = 	snop  }
0x6: {  	_ = 	snop  }
0x7: {  	_ = 	snop  }
__scs_overlays_trampoline_lowered:
0x8: {  	[smem:$0x3FA8] =	sst s0  }
0x9: {  	[smem:$0x3FA9] =	sst s1  }
0xa: {  	[smem:$0x3FAA] =	sst s2  }
0xb: {  	[smem:$0x3FAB] =	sst s3  }
0xc: {  	[smem:$0x3FAC] =	sst s4  }
0xd: {  	[smem:$0x3FAD] =	sst s5  }
0xe: {  	[smem:$0x3FAE] =	sst s6  }
0xf: {  	[smem:$0x3FAF] =	sst s7  }
0x10: {  	[smem:$0x3FB0] =	sst s8  }
0x11: {  	[smem:$0x3FB1] =	sst s9;
	s0 =	simm.s32 @!p0 $0x0  }
0x12: {  	s1 =	sld [smem:$0x3F97];
	s0 =	simm.s32 @p0 $0x1  }
0x13: {  	[smem:$0x3FB2] =	sst s0;
	s0 =	simm.s32 @!p1 $0x0  }
0x14: {  	s2 =	sld [smem:$0x3F96];
	s0 =	simm.s32 @p1 $0x1  }
0x15: {  	[smem:$0x3FB3] =	sst s0;
	s0 =	simm.s32 @!p2 $0x0  }
0x16: {  	s3 =	sld [smem:$0x3FDB];
	s0 =	simm.s32 @p2 $0x1  }
0x17: {  	s4 =	simm.s32 $0x1BF5;
	[smem:$0x3FB5] =	sst s0  }
0x18: {  	s0 =	sld [smem:$0x3F98];
	_ =	swait.ge [sflag:s4], $0x0  }
0x19: {  	s7 =	sld [smem:$0x3F99]  }
0x1a: {  	s8 =	sadd.s32 $0xFFFFE003, lr  }
0x1b: {  	s9 =	sadd.s32 $0xFFFFFEF7, lr;
	s5 =	simm.s32 $0xFFFFFFFF;
	p2 =	slt.u32 s8, $0xFFFFF086  }
0x1c: {  	p1 =	slt.u32 s9, $0xF7A;
	s5 =	simm.s32 @!p2 $0x0  }
0x1d: {  	s5 =	simm.s32 @p1 $0x1;
	p0 =	seq.s32 s7, s2  }
0x1e: {  	s7 =	smul.u32 @!p0 $0xF7A, s2;
	p2 =	seq.s32 @!p0 s5, $0x0  }
0x1f: {  	s9 =	smul.u32 $0xF7A, s1;
	s8 =	simm.s32 @!p0 $0x1BF5;
	p2 =	por !p2, p0  }
0x20: {  	[sflag:s8] =	ssyncset.s32 @!p0 $0xFFFFF086;
	s6 =	sadd.s32 @!p0 s3, s7;
	s7 =	simm.s32 @!p0 $0x108  }
0x21: {  	s3 =	sadd.s32 s3, s9;
	s6 =	sadd.s32 @!p0 $0x88, s6;
	s7 =	simm.s32 @p2 $0x1082  }
0x22: {  	[simem:s7], [sflag:s8] =	dma.local @!p0 [hbm:s6], $0xF7A  }
0x23: {  	s9 =	sor.u32 $0xD0000000, s2;
	s6 =	simm.s32 $0x108;
	_ =	swait.ge @!p0 [sflag:s8], $0x0  }
0x24: {  	s3 =	sadd.s32 $0x88, s3;
	s6 =	simm.s32 @!p1 $0x1082;
	[sflag:s4] =	ssyncset.s32 $0xFFFFF086  }
0x25: {  	[simem:s6], [sflag:s4] =	dma.local [hbm:s3], $0xF7A  }
0x26: {  	[smem:$0x3F99] =	sst s1;
	(tag) =	ssettag s2;
	_ =	strace s9  }
0x27: {  	s1 =	sld [smem:$0x3FA9]  }
0x28: {  	s2 =	sld [smem:$0x3FAA]  }
0x29: {  	s4 =	sld [smem:$0x3FAC]  }
0x2a: {  	p0 =	seq.s32 s5, $0x0;
	s5 =	sld [smem:$0x3FAD]  }
0x2b: {  	s6 =	sld [smem:$0x3FAE]  }
0x2c: {  	s7 =	sld [smem:$0x3FAF]  }
0x2d: {  	s3 =	simm.s32 $0x108;
	s8 =	sld [smem:$0x3FB0]  }
0x2e: {  	s3 =	simm.s32 @!p0 $0x1082;
	s9 =	sld [smem:$0x3FB1]  }
0x2f: {  	lr =	sadd.s32 s0, s3;
	s0 =	sld [smem:$0x3FA8]  }
0x30: {  	s3 =	sld [smem:$0x3FAB]  }
0x31: {  	[smem:$0x3FB4] =	sst s10  }
0x32: {  	s10 =	sld [smem:$0x3FB2];
	_ =	sdelay $0x3  }
0x33: {  	p0 =	seq.s32 s10, $0x1;
	s10 =	sld [smem:$0x3FB4];
	_ =	sdelay $0x3  }
0x34: {  	[smem:$0x3FB4] =	sst s10  }
0x35: {  	s10 =	sld [smem:$0x3FB3];
	_ =	sdelay $0x3  }
0x36: {  	p1 =	seq.s32 s10, $0x1;
	s10 =	sld [smem:$0x3FB4];
	_ =	sdelay $0x3  }
0x37: {  	[smem:$0x3FB4] =	sst s10  }
0x38: {  	s10 =	sld [smem:$0x3FB5]  }
0x39: {  	_ = 	snop;
	(pc) =	sbr.ind lr, $3  }
0x3a: {  	_ = 	snop  }
0x3b: {  	_ = 	snop  }
0x3c: {  	p2 =	seq.s32 s10, $0x1;
	s10 =	sld [smem:$0x3FB4]  }
0x3d: {  	_ =	shalt  }
0x3e: {  	_ =	shalt  }
0x3f: {  	_ =	shalt  }
0x40: {  	_ =	shalt  }
0x41: {  	_ =	shalt  }
0x42: {  	_ =	shalt  }
0x43: {  	_ =	shalt  }
0x44: {  	_ =	shalt  }
0x45: {  	_ =	shalt  }
0x46: {  	_ =	shalt  }
0x47: {  	_ =	shalt  }
0x48: {  	_ =	shalt  }
0x49: {  	_ =	shalt  }
0x4a: {  	_ =	shalt  }
0x4b: {  	_ =	shalt  }
0x4c: {  	_ =	shalt  }
0x4d: {  	_ =	shalt  }
0x4e: {  	_ =	shalt  }
0x4f: {  	_ =	shalt  }
0x50: {  	_ =	shalt  }
0x51: {  	_ =	shalt  }
0x52: {  	_ =	shalt  }
0x53: {  	_ =	shalt  }
0x54: {  	_ =	shalt  }
0x55: {  	_ =	shalt  }
0x56: {  	_ =	shalt  }
0x57: {  	_ =	shalt  }
0x58: {  	_ =	shalt  }
0x59: {  	_ =	shalt  }
0x5a: {  	_ =	shalt  }
0x5b: {  	_ =	shalt  }
0x5c: {  	_ =	shalt  }
0x5d: {  	_ =	shalt  }
0x5e: {  	_ =	shalt  }
0x5f: {  	_ =	shalt  }
0x60: {  	_ =	shalt  }
0x61: {  	_ =	shalt  }
0x62: {  	_ =	shalt  }
0x63: {  	_ =	shalt  }
0x64: {  	_ =	shalt  }
0x65: {  	_ =	shalt  }
0x66: {  	_ =	shalt  }
0x67: {  	_ =	shalt  }
0x68: {  	_ =	shalt  }
0x69: {  	_ =	shalt  }
0x6a: {  	_ =	shalt  }
0x6b: {  	_ =	shalt  }
0x6c: {  	_ =	shalt  }
0x6d: {  	_ =	shalt  }
0x6e: {  	_ =	shalt  }
0x6f: {  	_ =	shalt  }
0x70: {  	_ =	shalt  }
0x71: {  	_ =	shalt  }
0x72: {  	_ =	shalt  }
0x73: {  	_ =	shalt  }
0x74: {  	_ =	shalt  }
0x75: {  	_ =	shalt  }
0x76: {  	_ =	shalt  }
0x77: {  	_ =	shalt  }
0x78: {  	_ =	shalt  }
0x79: {  	_ =	shalt  }
0x7a: {  	_ =	shalt  }
0x7b: {  	_ =	shalt  }
0x7c: {  	_ =	shalt  }
0x7d: {  	_ =	shalt  }
0x7e: {  	_ =	shalt  }
0x7f: {  	_ =	shalt  }
0x80: {  	_ =	shalt  }
0x81: {  	_ =	shalt  }
0x82: {  	_ =	shalt  }
0x83: {  	_ =	shalt  }
0x84: {  	_ =	shalt  }
0x85: {  	_ =	shalt  }
0x86: {  	_ =	shalt  }
0x87: {  	_ =	shalt  }
.Lfunc_end0:
.L_simem_size_0:
called_computation_lowered:
.L_overlay_start_0:
0x88: {  	s2 =	sld [smem:$0x3FD9]  }
0x89: {  	s3 =	sld [smem:$0x3FFE];
	_ =	sdelay $0x1  }
0x8a: {  	s1 =	srdreg.scid  }
0x8b: {  	s0 =	sand.u32 $0x1, s1  }
0x8c: {  	s17 =	sshll.u32 s0, $0xA;
	s2 =	sadd.s32 s3, s2  }
0x8d: {  	s2 =	sadd.s32 s2, s17  }
0x8e: {  	[smem:$0x3FC0] =	sst s2  }
0x8f: {  	_ = 	snop  }
0x90: {  	s2 =	sld [smem:$0x3FC9]  }
0x91: {  	s18 =	sld [smem:$0x3FD0];
	(tm) =	ssettm $0x1  }
0x92: {  	s4 =	sld [smem:$0x3FFB];
	_ =	sdelay $0x3  }
0x93: {  	_ =	strace s4  }
0x94: {  	s4 =	sld [smem:$0x3FFC];
	_ =	sdelay $0x3  }
0x95: {  	_ =	strace s4  }
0x96: {  	s4 =	sld [smem:$0x3FFD];
	_ =	sdelay $0x3  }
0x97: {  	_ =	strace s4  }
0x98: {  	_ =	strace $0x8FFFFFFF  }
0x99: {  	s19 =	sld [smem:$0x3FDB];
	_ =	sdelay $0x1  }
0x9a: {  	s5 =	simm.s32 $_scs_section_size  }
0x9b: {  	s6 =	simm.s32 $_size__tile_overlayer_lowered;
	s7 =	simm.s32 $_tile_overlayer_lowered  }
0x9c: {  	s22 =	simm.s32 $0x1BFF;
	s21 =	sshll.u32 s7, $0x1;
	s4 =	sadd.s32 s5, s19  }
0x9d: {  	s8 =	simm.s32 $0x0;
	s20 =	sshll.u32 s6, $0x1;
	s6 =	sadd.s32 s21, s4  }
0x9e: {  	[timem:s8], [sflag:s22] =	dma.local [hbm:s6], s20  }
0x9f: {  	_ =	swait.ge [sflag:s22], s20  }
0xa0: {  	s5 =	ssub.s32 $0x0, s20;
	[sflag:s22] =	ssyncset.done $0x0  }
0xa1: {  	[sflag:s22] =	ssyncadd.s32 s5;
	_ =	sdelay $0x1  }
0xa2: {  	s23 =	simm.s32 $0x1B8B  }
0xa3: {  	_ =	swait.ge [sflag:s23], $0x1  }
0xa4: {  	[sflag:s23] =	ssyncset.done $0x0  }
0xa5: {  	s25 =	simm.s32 $0x1B8E;
	s24 =	sld [smem:$0x3FFE];
	[sflag:s23] =	ssyncadd.s32 $0xFFFFFFFF  }
0xa6: {  	s26 =	simm.s32 $execute0_lowered;
	[smem:$0x3FD2] =	sst s25  }
0xa7: {  	s6 =	sshll.u32 s26, $0x1;
	_ =	strace $0x80000046;
	[dreg:$0x1] =	wrdreg $0xFFFFFFFF  }
0xa8: {  	s28 =	simm.s32 $_size_execute0_lowered;
	s4 =	sadd.s32 s4, s6;
	[dreg:$0x0] =	wrdreg $0x0  }
0xa9: {  	s6 =	sshll.u32 s28, $0x1;
	[dreg:$0x2] =	wrdreg s4  }
0xaa: {  	[dreg:$0x3] =	wrdreg s6  }
0xab: {  	[dreg:$0x4] =	wrdreg $0xC0  }
0xac: {  	_ =	task [dreg:s8], $0x5FFFF  }
0xad: {  	[dreg:$0x1] =	wrdreg $0xFFFFFFFF  }
0xae: {  	[dreg:$0x0] =	wrdreg $0x60  }
0xaf: {  	[dreg:$0x2] =	wrdreg s2  }
0xb0: {  	[dreg:$0x3] =	wrdreg s18  }
0xb1: {  	[dreg:$0x4] =	wrdreg s24  }
0xb2: {  	[dreg:$0x5] =	wrdreg $0xA5000  }
0xb3: {  	[dreg:$0x6] =	wrdreg $0x1DE200  }
0xb4: {  	[dreg:$0x7] =	wrdreg $0x9  }
0xb5: {  	_ =	task.clear_ibuf [dreg:s8], $0x8FFFF;
	_ =	strace $0x90000046  }
0xb6: {  	s29 =	simm.s32 $0x9;
	_ =	strace $0x80000048  }
0xb7: {  	_ =	swait.ge [sflag:s29], $0x1  }
0xb8: {  	[sflag:s29] =	ssyncadd.s32 $0xFFFFFFFF  }
0xb9: {  	_ =	strace $0x90000048  }
0xba: {  	_ =	sfence  }
0xbb: {  	s30 =	sld [smem:$0x0];
	_ =	sdelay $0x2  }
0xbc: {  	s31 =	sshll.u32 s1, $0xD;
	s1 =	sshrl.u32 s1, $0x2  }
0xbd: {  	s3 =	sand.u32 $0x4000, s31;
	s1 =	sadd.s32 s1, s30  }
0xbe: {  	s0 =	sor.u32 s3, s0;
	s1 =	sshll.u32 s1, $0x11  }
0xbf: {  	s0 =	sor.u32 s1, s0  }
0xc0: {  	s0 =	sadd.s32 $0x8F2B, s0  }
0xc1: {  	[sflag:s0] =	ssyncadd.remote.s32 $0x1  }
0xc2: {  	_ =	sfence.sel $0xFFFF  }
0xc3: {  	[dreg:$0x0] =	wrdreg $0xFFFFFFFF;
	(pc) =	sbr.abs _section_cstart, $3  }
0xc4: {  	[dreg:$0x1] =	wrdreg $0xFFFFFFFF  }
0xc5: {  	_ =	task.clear_ibuf [dreg:s8], $0x2FFFF;
	_ =	strace $0x9FFFFFFF  }
0xc6: {  	(tm) =	ssettm $0x7FFFFFFF  }
0xc7: {  	_ =	shalt  }
tec
execute0_lowered:
.L_overlay_start_1:
0x0: {  	(tag) =	ssettag $0x1  }
0x1: {  	s0 =	srdreg.scid;
	s18 =	rddreg [dreg:$0x2]  }
0x2: {  	s26 =	stileid.u32;
	s17 =	sand.u32 $0x1, s0;
	s9 =	sadd.s32 $0x2400, s18  }
0x3: {  	s3 =	sshll.u32 s26, $0x3;
	s11 =	smul.u32 $0x14000, s26;
	s10 =	sshllo.u32 s26, $0x3  }
0x4: {  	s0 =	ssub.s32 $0x2, s17;
	s15 =	smul.u32 $0x138800, s17;
	s21 =	sor.u32 $0x1, s3  }
0x5: {  	s19 =	sor.u32 $0x2, s3;
	s14 =	sor.u32 $0x3, s3;
	s13 =	sor.u32 $0x4, s3  }
0x6: {  	s12 =	sor.u32 $0x5, s3;
	s1 =	sshrl.u32 s0, $0x1;
	s16 =	smul.u32 $0x2800, s21  }
0x7: {  	[smem:$0x7E2] =	sst s11;
	s2 =	smul.u32 $0x2800, s19;
	s0 =	ssub.s32 s0, s1  }
0x8: {  	s23 =	smul.u32 $0x2800, s14;
	s4 =	sadd.s32 s11, s15;
	[smem:$0x7EE] =	sst s0  }
0x9: {  	s11 =	sor.u32 $0x6, s3;
	[smem:$0x7E4] =	sst s16;
	s4 =	sshrl.u32 s4, $0x3  }
0xa: {  	[smem:$0x7E6] =	sst s2;
	s22 =	sadd.s32 s15, s16;
	s6 =	sadd.s32 s15, s2  }
0xb: {  	[smem:$0x7E8] =	sst s23;
	s7 =	sadd.s32 s15, s23;
	s20 =	sadd.s32 s9, s4  }
0xc: {  	s5 =	sshrl.u32 s22, $0x3;
	s6 =	sshrl.u32 s6, $0x3;
	s4 =	smul.u32 $0x2800, s13  }
0xd: {  	s16 =	sshrl.u32 s7, $0x3;
	[dreg:$0x6] =	wrdreg s20;
	s24 =	sadd.s32 s9, s5  }
0xe: {  	s7 =	smul.u32 $0x2800, s11;
	s25 =	sadd.s32 s9, s6;
	[dreg:$0x7] =	wrdreg s24  }
0xf: {  	s5 =	smul.u32 $0x2800, s12;
	s2 =	sadd.s32 s9, s16;
	[dreg:$0x8] =	wrdreg s25  }
0x10: {  	s8 =	sadd.s32 s15, s4;
	[dreg:$0x9] =	wrdreg s2;
	s25 =	sshll.u32 s17, $0x4  }
0x11: {  	s20 =	sshrl.u32 s8, $0x3;
	s22 =	sadd.s32 s15, s5;
	s8 =	smul.u32 $0x2800, s10  }
0x12: {  	s3 =	sadd.s32 s9, s20;
	s6 =	sshrl.u32 s22, $0x3;
	s20 =	sadd.s32 s15, s7  }
0x13: {  	[dreg:$0xa] =	wrdreg s3;
	s16 =	sadd.s32 s9, s6;
	s15 =	sadd.s32 s15, s8  }
0x14: {  	s6 =	smul.u32 $0x50, s12;
	[dreg:$0xb] =	wrdreg s16;
	s16 =	sshrl.u32 s20, $0x3  }
0x15: {  	s22 =	sshrl.u32 s15, $0x3;
	s15 =	smul.u32 $0x280, s26;
	s23 =	sadd.s32 s9, s16  }
0x16: {  	s24 =	sadd.s32 s9, s22;
	s22 =	smul.u32 $0x2710, s17;
	[dreg:$0xc] =	wrdreg s23  }
0x17: {  	s9 =	simm.s32 $0x0;
	s16 =	smul.u32 $0x50, s21;
	[dreg:$0xd] =	wrdreg s24  }
0x18: {  	s30 =	sor.u32 s26, s25;
	s20 =	smul.u32 $0x50, s19;
	[smem:$0x7FF] =	sst s9  }
0x19: {  	s23 =	sadd.s32 $0x1A00, s18;
	s0 =	sadd.s32 s15, s22;
	s24 =	sadd.s32 s22, s16  }
0x1a: {  	s3 =	sadd.s32 s22, s20;
	s18 =	sshrl.u32 s0, $0x3;
	s25 =	sshrl.u32 s24, $0x3  }
0x1b: {  	s24 =	smul.u32 $0x50, s14;
	s1 =	sadd.s32 s23, s18;
	s2 =	sadd.s32 s23, s25  }
0x1c: {  	s25 =	smul.u32 $0x50, s13;
	s18 =	sshrl.u32 s3, $0x3;
	[dreg:$0xe] =	wrdreg s1  }
0x1d: {  	[dreg:$0xf] =	wrdreg s2;
	s28 =	sadd.s32 s22, s24;
	s18 =	sadd.s32 s23, s18  }
0x1e: {  	s29 =	sshrl.u32 s28, $0x3;
	s28 =	smul.u32 $0x50, s11;
	s2 =	sadd.s32 s22, s25  }
0x1f: {  	[dreg:$0x10] =	wrdreg s18;
	s1 =	sadd.s32 s23, s29;
	s18 =	sshrl.u32 s2, $0x3  }
0x20: {  	s29 =	sadd.s32 s22, s6;
	[dreg:$0x11] =	wrdreg s1;
	s18 =	sadd.s32 s23, s18  }
0x21: {  	s31 =	sadd.s32 s22, s28;
	s3 =	sshrl.u32 s29, $0x3;
	[dreg:$0x12] =	wrdreg s18  }
0x22: {  	s29 =	smul.u32 $0x50, s10;
	s0 =	sadd.s32 s23, s3;
	s18 =	rddreg [dreg:$0x1]  }
0x23: {  	s31 =	sshrl.u32 s31, $0x3;
	s3 =	smul.u32 $0x4E20, s26;
	[dreg:$0x13] =	wrdreg s0  }
0x24: {  	s1 =	sadd.s32 s23, s31;
	s2 =	sadd.s32 s22, s29;
	s31 =	smul.u32 $0x4E200, s17  }
0x25: {  	s17 =	rddreg [dreg:$0x0];
	s0 =	sshrl.u32 s2, $0x3;
	s2 =	smul.u32 $0x4E20, s30  }
0x26: {  	[dreg:$0x14] =	wrdreg s1;
	s1 =	smul.u32 $0xA000, s21  }
0x27: {  	s22 =	rddreg [dreg:$0x3];
	s21 =	smul.u32 $0x140, s21;
	s0 =	sadd.s32 s23, s0  }
0x28: {  	s30 =	sadd.s32 s3, s31;
	s23 =	rddreg [dreg:$0x4];
	s3 =	smul.u32 $0x50000, s26  }
0x29: {  	p2 =	seq.s32 s26, $0xF;
	s31 =	smul.u32 $0xA00, s26;
	[dreg:$0x15] =	wrdreg s0  }
0x2a: {  	[dreg:$0x16] =	wrdreg s2;
	s2 =	sshrl.u32 s2, $0x3;
	s1 =	sshrl.u32 s1, $0x2  }
0x2b: {  	s21 =	sshrl.u32 s21, $0x2;
	s6 =	sadd.s32 s6, s23;
	_ =	strace $0x80000047  }
0x2c: {  	s2 =	sadd.s32 s18, s2;
	s1 =	sadd.s32 s1, s22;
	[smem:$0x7EB] =	sst s6  }
0x2d: {  	s3 =	sshrl.u32 s3, $0x2;
	s31 =	sshrl.u32 s31, $0x2;
	[dreg:$0x1a] =	wrdreg s1  }
0x2e: {  	s0 =	sadd.s32 s3, s22;
	s1 =	smul.u32 $0xA000, s14;
	[dreg:$0x17] =	wrdreg s2  }
0x2f: {  	s3 =	sadd.s32 s31, s23;
	s14 =	smul.u32 $0x140, s14;
	[dreg:$0x18] =	wrdreg s0  }
0x30: {  	s26 =	sadd.s32 $0x64, s2;
	[dreg:$0x19] =	wrdreg s3;
	s0 =	smul.u32 $0xA000, s19  }
0x31: {  	s19 =	smul.u32 $0x140, s19;
	s3 =	sadd.s32 s21, s23;
	[smem:$0x7FD] =	sst s26  }
0x32: {  	[dreg:$0x1b] =	wrdreg s3;
	s3 =	smul.u32 $0xA000, s13;
	s1 =	sshrl.u32 s1, $0x2  }
0x33: {  	s14 =	sshrl.u32 s14, $0x2;
	s0 =	sshrl.u32 s0, $0x2;
	s1 =	sadd.s32 s1, s22  }
0x34: {  	s19 =	sshrl.u32 s19, $0x2;
	s0 =	sadd.s32 s0, s22;
	[dreg:$0x1e] =	wrdreg s1  }
0x35: {  	s13 =	smul.u32 $0x140, s13;
	s21 =	sadd.s32 s19, s23;
	[dreg:$0x1c] =	wrdreg s0  }
0x36: {  	p0 =	sgt.u32 s11, $0x7C;
	s19 =	sadd.s32 s14, s23;
	[dreg:$0x1d] =	wrdreg s21  }
0x37: {  	s13 =	sshrl.u32 s13, $0x2;
	[dreg:$0x1f] =	wrdreg s19;
	s21 =	smul.u32 $0xA000, s12  }
0x38: {  	s0 =	sshrl.u32 s3, $0x2;
	s3 =	sadd.s32 s13, s23;
	s13 =	smul.u32 $0xA000, s11  }
0x39: {  	s11 =	smul.u32 $0x140, s11;
	s0 =	sadd.s32 s0, s22;
	[smem:$0x7DB] =	sst s3  }
0x3a: {  	s12 =	smul.u32 $0x140, s12;
	[smem:$0x7DA] =	sst s0  }
0x3b: {  	s1 =	sshrl.u32 s21, $0x2;
	s21 =	sshrl.u32 s11, $0x2;
	s11 =	sld [smem:$0x7E2]  }
0x3c: {  	s19 =	smul.u32 $0xA000, s10;
	s0 =	sshrl.u32 s13, $0x2;
	s13 =	sld [smem:$0x7E4]  }
0x3d: {  	s14 =	sshrl.u32 s12, $0x2;
	s12 =	sadd.s32 s15, s23;
	s15 =	sld [smem:$0x7E6]  }
0x3e: {  	p1 =	sgt.u32 s10, $0x7C;
	s10 =	smul.u32 $0x140, s10;
	[smem:$0x7E3] =	sst s12  }
0x3f: {  	s1 =	sadd.s32 s1, s22;
	s12 =	sld [smem:$0x7EE]  }
0x40: {  	s3 =	sshrl.u32 s10, $0x2;
	s0 =	sadd.s32 s0, s22;
	[smem:$0x7DC] =	sst s1  }
0x41: {  	s4 =	sadd.s32 s4, s22;
	s10 =	sadd.s32 s3, s23;
	[smem:$0x7DE] =	sst s0  }
0x42: {  	s5 =	sadd.s32 s5, s22;
	s1 =	sadd.s32 s14, s23;
	[smem:$0x7E1] =	sst s10  }
0x43: {  	s6 =	sadd.s32 s7, s22;
	s0 =	sadd.s32 s21, s23;
	[smem:$0x7DD] =	sst s1  }
0x44: {  	s7 =	sadd.s32 s8, s22;
	s14 =	sadd.s32 s16, s23;
	[smem:$0x7DF] =	sst s0  }
0x45: {  	s31 =	simm.s32 $0x4;
	s21 =	sadd.s32 s24, s23;
	[smem:$0x7E5] =	sst s14  }
0x46: {  	s1 =	sshrl.u32 s19, $0x2;
	s19 =	sadd.s32 s20, s23;
	s20 =	sld [smem:$0x7E8]  }
0x47: {  	s26 =	simm.s32 $0x7D00;
	s24 =	sadd.s32 s25, s23;
	[smem:$0x7E9] =	sst s21  }
0x48: {  	s25 =	sadd.s32 s28, s23;
	s28 =	simm.s32 $0x2D00;
	[smem:$0x7EA] =	sst s24  }
0x49: {  	s10 =	simm.s32 $0x2D0;
	s16 =	sadd.s32 s15, s22;
	[smem:$0x7EC] =	sst s25  }
0x4a: {  	s21 =	sadd.s32 $0x28, s2;
	s24 =	sadd.s32 $0x3C, s2;
	[smem:$0x7E7] =	sst s19  }
0x4b: {  	s25 =	sadd.s32 $0x50, s2;
	s0 =	sadd.s32 s1, s22;
	[smem:$0x7FA] =	sst s21  }
0x4c: {  	s1 =	sadd.s32 s13, s22;
	s8 =	smax.u32 s12, $0x1;
	[smem:$0x7FB] =	sst s24  }
0x4d: {  	s13 =	sadd.s32 $0x820, s30;
	s15 =	sshrl.u32 s16, $0x3;
	[smem:$0x7FC] =	sst s25  }
0x4e: {  	s19 =	sshrl.u32 s4, $0x3;
	s25 =	simm.s32 $0x1DDD0;
	[smem:$0x7E0] =	sst s0  }
0x4f: {  	s30 =	simm.s32 $0x5500;
	s4 =	simm.s32 $0xF0;
	[smem:$0x7EF] =	sst s8  }
0x50: {  	s24 =	simm.s32 $0xE;
	s12 =	simm.s32 $0x0;
	[smem:$0x7F0] =	sst s13  }
0x51: {  	s0 =	sadd.s32 s11, s22;
	s11 =	sadd.s32 s29, s23;
	[smem:$0x7F3] =	sst s15  }
0x52: {  	s14 =	sshrl.u32 s1, $0x3;
	[smem:$0x7F5] =	sst s19;
	s13 =	simm.s32 $0x500  }
0x53: {  	s19 =	simm.s32 $0x9;
	s29 =	simm.s32 $0xC;
	s8 =	simm.s32 $0x230  }
0x54: {  	s3 =	sadd.s32 s20, s22;
	[smem:$0x7ED] =	sst s11;
	s0 =	sshrl.u32 s0, $0x3  }
0x55: {  	[smem:$0x7F2] =	sst s14;
	s20 =	sadd.s32 $0x14, s2;
	s14 =	simm.s32 $0xF  }
0x56: {  	s2 =	simm.s32 $0x5;
	[smem:$0x7F1] =	sst s0;
	s16 =	sshrl.u32 s3, $0x3  }
.Ltmp0:
0x57: {  	s0 =	sshrl.u32 @!p2 s5, $0x3;
	[smem:$0x7F9] =	sst s20;
	(pc) =	sbr.rel .LBB2_1-.Ltmp0, $4  }
0x58: {  	s20 =	simm.s32 $0x50;
	s3 =	simm.s32 $0xA;
	[smem:$0x7F4] =	sst s16  }
0x59: {  	s5 =	simm.s32 $0xD;
	[smem:$0x7F6] =	sst s0;
	s0 =	sshrl.u32 @!p0 s6, $0x3  }
0x5a: {  	s6 =	simm.s32 $0xB;
	[smem:$0x7F7] =	sst s0;
	s0 =	sshrl.u32 @!p1 s7, $0x3  }
0x5b: {  	v0 =	vimm.f32 $0.0e+00;
	v1 =	vimm.f32 $1.000000000e+00;
	s7 =	simm.s32 $0x190;
	[smem:$0x7F8] =	sst s0;
	s0 =	simm.s32 $0x1DD80  }
.LBB2_10:
0x5c: {  	_ =	swait.ge [sflag:s5], $0x50  }
0x5d: {  	[sflag:s5] =	ssyncset.done $0x0  }
0x5e: {  	[sflag:s5] =	ssyncadd.s32 $0xFFFFFFB0  }
0x5f: {  	[bflag:$0x0] =	sbarrier.arrive $0xFFFF  }
0x60: {  	s1 =	stileid.u32;
	s12 =	sld [smem:$0x7F1]  }
0x61: {  	s1 =	sshll.u32 s1, $0x6  }
0x62: {  	s1 =	sor.u32 $0x1C0F, s1;
	s11 =	rddreg [dreg:$0x6]  }
0x63: {  	[hbm:s11], [sflag:s1] =	dma.local [spmem:s12], $0x500  }
0x64: {  	_ =	swait.ge [sflag:s14], $0x500  }
0x65: {  	s12 =	sld [smem:$0x7E3]  }
0x66: {  	[sflag:s14] =	ssyncset.done $0x0  }
0x67: {  	s25 =	simm.s32 $0x1DDD0;
	[sflag:s14] =	ssyncadd.s32 $0xFFFFFB00  }
0x68: {  	[tilespmem:s25], [sflag:$0xF] =	stream.linear.gather [spmem:s12], $0x50, $0x38;
	[tilespmem:$0x1E098] =	vst v63  }
0x69: {  	_ =	swait.ge [sflag:s14], $0x50  }
0x6a: {  	[sflag:s14] =	ssyncset.done $0x0  }
0x6b: {  	s15 =	rddreg [dreg:$0xe];
	[sflag:s14] =	ssyncadd.s32 $0xFFFFFFB0  }
0x6c: {  	[hbm4b:s15+s9] =	stream.linear.scatter [tilespmem:s25], [sflag:$0xF], $0x50, $0x38;
	[tilespmem:$0x1E098] =	vst v63  }
0x6d: {  	_ =	swait.ge [sflag:s14], $0x50  }
0x6e: {  	s21 =	sld [smem:$0x7F2]  }
0x6f: {  	[sflag:s14] =	ssyncset.done $0x0  }
0x70: {  	s16 =	rddreg [dreg:$0x7];
	[sflag:s14] =	ssyncadd.s32 $0xFFFFFFB0  }
0x71: {  	[hbm:s16], [sflag:s1] =	dma.local [spmem:s21], $0x500  }
0x72: {  	_ =	swait.ge [sflag:s14], $0x500  }
0x73: {  	s12 =	sld [smem:$0x7E5]  }
0x74: {  	[sflag:s14] =	ssyncset.done $0x0  }
0x75: {  	[sflag:s14] =	ssyncadd.s32 $0xFFFFFB00  }
0x76: {  	[tilespmem:s25], [sflag:$0xF] =	stream.linear.gather [spmem:s12], $0x50, $0x38;
	[tilespmem:$0x1E098] =	vst v63  }
0x77: {  	_ =	swait.ge [sflag:s14], $0x50  }
0x78: {  	[sflag:s14] =	ssyncset.done $0x0  }
0x79: {  	s15 =	rddreg [dreg:$0xf];
	[sflag:s14] =	ssyncadd.s32 $0xFFFFFFB0  }
0x7a: {  	[hbm4b:s15+s9] =	stream.linear.scatter [tilespmem:s25], [sflag:$0xF], $0x50, $0x38;
	[tilespmem:$0x1E098] =	vst v63  }
0x7b: {  	_ =	swait.ge [sflag:s14], $0x50  }
0x7c: {  	s21 =	sld [smem:$0x7F3]  }
0x7d: {  	[sflag:s14] =	ssyncset.done $0x0  }
0x7e: {  	s16 =	rddreg [dreg:$0x8];
	[sflag:s14] =	ssyncadd.s32 $0xFFFFFFB0  }
0x7f: {  	[hbm:s16], [sflag:s1] =	dma.local [spmem:s21], $0x500  }
0x80: {  	_ =	swait.ge [sflag:s14], $0x500  }
0x81: {  	s12 =	sld [smem:$0x7E7]  }
0x82: {  	[sflag:s14] =	ssyncset.done $0x0  }
0x83: {  	[sflag:s14] =	ssyncadd.s32 $0xFFFFFB00  }
0x84: {  	[tilespmem:s25], [sflag:$0xF] =	stream.linear.gather [spmem:s12], $0x50, $0x38;
	[tilespmem:$0x1E098] =	vst v63  }
0x85: {  	_ =	swait.ge [sflag:s14], $0x50  }
0x86: {  	[sflag:s14] =	ssyncset.done $0x0  }
0x87: {  	s15 =	rddreg [dreg:$0x10];
	[sflag:s14] =	ssyncadd.s32 $0xFFFFFFB0  }
0x88: {  	[hbm4b:s15+s9] =	stream.linear.scatter [tilespmem:s25], [sflag:$0xF], $0x50, $0x38;
	[tilespmem:$0x1E098] =	vst v63  }
0x89: {  	_ =	swait.ge [sflag:s14], $0x50  }
0x8a: {  	s21 =	sld [smem:$0x7F4]  }
0x8b: {  	[sflag:s14] =	ssyncset.done $0x0  }
0x8c: {  	s16 =	rddreg [dreg:$0x9];
	[sflag:s14] =	ssyncadd.s32 $0xFFFFFFB0  }
0x8d: {  	[hbm:s16], [sflag:s1] =	dma.local [spmem:s21], $0x500  }
0x8e: {  	_ =	swait.ge [sflag:s14], $0x500  }
0x8f: {  	s12 =	sld [smem:$0x7E9]  }
0x90: {  	[sflag:s14] =	ssyncset.done $0x0  }
0x91: {  	[sflag:s14] =	ssyncadd.s32 $0xFFFFFB00  }
0x92: {  	[tilespmem:s25], [sflag:$0xF] =	stream.linear.gather [spmem:s12], $0x50, $0x38;
	[tilespmem:$0x1E098] =	vst v63  }
0x93: {  	_ =	swait.ge [sflag:s14], $0x50  }
0x94: {  	[sflag:s14] =	ssyncset.done $0x0  }
0x95: {  	s15 =	rddreg [dreg:$0x11];
	[sflag:s14] =	ssyncadd.s32 $0xFFFFFFB0  }
0x96: {  	[hbm4b:s15+s9] =	stream.linear.scatter [tilespmem:s25], [sflag:$0xF], $0x50, $0x38;
	[tilespmem:$0x1E098] =	vst v63  }
0x97: {  	_ =	swait.ge [sflag:s14], $0x50  }
0x98: {  	s21 =	sld [smem:$0x7F5]  }
0x99: {  	[sflag:s14] =	ssyncset.done $0x0  }
0x9a: {  	s16 =	rddreg [dreg:$0xa];
	[sflag:s14] =	ssyncadd.s32 $0xFFFFFFB0  }
0x9b: {  	[hbm:s16], [sflag:s1] =	dma.local [spmem:s21], $0x500  }
0x9c: {  	_ =	swait.ge [sflag:s14], $0x500  }
0x9d: {  	s12 =	sld [smem:$0x7EA]  }
0x9e: {  	[sflag:s14] =	ssyncset.done $0x0  }
0x9f: {  	[sflag:s14] =	ssyncadd.s32 $0xFFFFFB00  }
0xa0: {  	[tilespmem:s25], [sflag:$0xF] =	stream.linear.gather [spmem:s12], $0x50, $0x38;
	[tilespmem:$0x1E098] =	vst v63  }
0xa1: {  	_ =	swait.ge [sflag:s14], $0x50  }
0xa2: {  	[sflag:s14] =	ssyncset.done $0x0  }
0xa3: {  	s15 =	rddreg [dreg:$0x12];
	[sflag:s14] =	ssyncadd.s32 $0xFFFFFFB0  }
0xa4: {  	[hbm4b:s15+s9] =	stream.linear.scatter [tilespmem:s25], [sflag:$0xF], $0x50, $0x38;
	[tilespmem:$0x1E098] =	vst v63  }
0xa5: {  	_ =	swait.ge [sflag:s14], $0x50  }
0xa6: {  	s12 =	sld [smem:$0x7F6]  }
0xa7: {  	[sflag:s14] =	ssyncset.done $0x0  }
0xa8: {  	s11 =	rddreg [dreg:$0xb];
	[sflag:s14] =	ssyncadd.s32 $0xFFFFFFB0  }
0xa9: {  	[hbm:s11], [sflag:s1] =	dma.local @!p2 [spmem:s12], $0x500  }
0xaa: {  	s11 =	simm.s32 @!p2 $0xF  }
0xab: {  	_ =	swait.ge @!p2 [sflag:s11], $0x500  }
0xac: {  	s15 =	sld [smem:$0x7EB]  }
0xad: {  	[sflag:s11] =	ssyncset.done @!p2 $0x0  }
0xae: {  	s12 =	simm.s32 @!p2 $0x1DDD0;
	[sflag:s11] =	ssyncadd.s32 @!p2 $0xFFFFFB00  }
0xaf: {  	[tilespmem:s12], [sflag:$0xF] =	stream.linear.gather @!p2 [spmem:s15], $0x50, $0x38;
	[tilespmem:$0x1E098] =	vst v63  }
0xb0: {  	_ =	swait.ge @!p2 [sflag:s11], $0x50  }
0xb1: {  	[sflag:s11] =	ssyncset.done @!p2 $0x0  }
0xb2: {  	s15 =	simm.s32 @!p2 $0x0;
	s16 =	rddreg [dreg:$0x13];
	[sflag:s11] =	ssyncadd.s32 @!p2 $0xFFFFFFB0  }
0xb3: {  	[hbm4b:s16+s15] =	stream.linear.scatter @!p2 [tilespmem:s12], [sflag:$0xF], $0x50, $0x38;
	[tilespmem:$0x1E098] =	vst v63  }
0xb4: {  	_ =	swait.ge @!p2 [sflag:s11], $0x50  }
0xb5: {  	s12 =	sld [smem:$0x7F7]  }
0xb6: {  	[sflag:s11] =	ssyncset.done @!p2 $0x0  }
0xb7: {  	[sflag:s11] =	ssyncadd.s32 @!p2 $0xFFFFFFB0;
	s11 =	rddreg [dreg:$0xc]  }
0xb8: {  	[hbm:s11], [sflag:s1] =	dma.local @!p0 [spmem:s12], $0x500  }
0xb9: {  	s11 =	simm.s32 @!p0 $0xF  }
0xba: {  	_ =	swait.ge @!p0 [sflag:s11], $0x500  }
0xbb: {  	s15 =	sld [smem:$0x7EC]  }
0xbc: {  	[sflag:s11] =	ssyncset.done @!p0 $0x0  }
0xbd: {  	s12 =	simm.s32 @!p0 $0x1DDD0;
	[sflag:s11] =	ssyncadd.s32 @!p0 $0xFFFFFB00  }
0xbe: {  	[tilespmem:s12], [sflag:$0xF] =	stream.linear.gather @!p0 [spmem:s15], $0x50, $0x38;
	[tilespmem:$0x1E098] =	vst v63  }
0xbf: {  	_ =	swait.ge @!p0 [sflag:s11], $0x50  }
0xc0: {  	[sflag:s11] =	ssyncset.done @!p0 $0x0  }
0xc1: {  	s15 =	simm.s32 @!p0 $0x0;
	s16 =	rddreg [dreg:$0x14];
	[sflag:s11] =	ssyncadd.s32 @!p0 $0xFFFFFFB0  }
0xc2: {  	[hbm4b:s16+s15] =	stream.linear.scatter @!p0 [tilespmem:s12], [sflag:$0xF], $0x50, $0x38;
	[tilespmem:$0x1E098] =	vst v63  }
0xc3: {  	_ =	swait.ge @!p0 [sflag:s11], $0x50  }
0xc4: {  	s12 =	sld [smem:$0x7F8]  }
0xc5: {  	[sflag:s11] =	ssyncset.done @!p0 $0x0  }
0xc6: {  	[sflag:s11] =	ssyncadd.s32 @!p0 $0xFFFFFFB0;
	s11 =	rddreg [dreg:$0xd]  }
0xc7: {  	[hbm:s11], [sflag:s1] =	dma.local @!p1 [spmem:s12], $0x500  }
0xc8: {  	s1 =	simm.s32 @!p1 $0xF  }
0xc9: {  	_ =	swait.ge @!p1 [sflag:s1], $0x500  }
0xca: {  	s12 =	sld [smem:$0x7ED]  }
0xcb: {  	[sflag:s1] =	ssyncset.done @!p1 $0x0  }
0xcc: {  	s11 =	simm.s32 @!p1 $0x1DDD0;
	[sflag:s1] =	ssyncadd.s32 @!p1 $0xFFFFFB00  }
0xcd: {  	[tilespmem:s11], [sflag:$0xF] =	stream.linear.gather @!p1 [spmem:s12], $0x50, $0x38;
	[tilespmem:$0x1E098] =	vst v63  }
0xce: {  	_ =	swait.ge @!p1 [sflag:s1], $0x50  }
0xcf: {  	[sflag:s1] =	ssyncset.done @!p1 $0x0  }
0xd0: {  	s12 =	simm.s32 @!p1 $0x0;
	s15 =	rddreg [dreg:$0x15];
	[sflag:s1] =	ssyncadd.s32 @!p1 $0xFFFFFFB0  }
0xd1: {  	[hbm4b:s15+s12] =	stream.linear.scatter @!p1 [tilespmem:s11], [sflag:$0xF], $0x50, $0x38;
	[tilespmem:$0x1E098] =	vst v63  }
0xd2: {  	_ =	swait.ge @!p1 [sflag:s1], $0x50  }
0xd3: {  	s16 =	sld [smem:$0x7D9]  }
0xd4: {  	s21 =	sld [smem:$0x7EF];
	_ =	sdelay $0x1  }
0xd5: {  	s12 =	sadd.s32 $0x1, s16  }
0xd6: {  	p3 =	sne.s32 s12, s21  }
.Ltmp1:
0xd7: {  	_ = 	snop;
	(pc) =	sbr.rel @!p3 .LBB2_11-.Ltmp1, $3  }
0xd8: {  	_ =	sdelay $0x1  }
0xd9: {  	[sflag:s1] =	ssyncset.done @!p1 $0x0  }
0xda: {  	[sflag:s1] =	ssyncadd.s32 @!p1 $0xFFFFFFB0  }
.LBB2_1:
0xdb: {  	[smem:$0x7D9] =	sst s12  }
0xdc: {  	s1 =	rddreg [dreg:$0x17]  }
0xdd: {  	s21 =	sld [smem:$0x7F9]  }
0xde: {  	[tilespmem:s9], [sflag:$0x1] =	stream.linear.gather [hbm4b:s1+s9], $0xA0, $0x38;
	[tilespmem:$0x1E098] =	vst v63  }
0xdf: {  	s11 =	simm.s32 $0xA0;
	s12 =	sld [smem:$0x7FA]  }
0xe0: {  	[tilespmem:s11], [sflag:$0x2] =	stream.linear.gather [hbm4b:s21+s9], $0xA0, $0x38;
	[tilespmem:$0x1E098] =	vst v63  }
0xe1: {  	s15 =	simm.s32 $0x140;
	s16 =	sld [smem:$0x7FB]  }
0xe2: {  	[tilespmem:s15], [sflag:$0x3] =	stream.linear.gather [hbm4b:s12+s9], $0xA0, $0x38;
	[tilespmem:$0x1E098] =	vst v63  }
0xe3: {  	s21 =	simm.s32 $0x1E0;
	s12 =	sld [smem:$0x7FC]  }
0xe4: {  	[tilespmem:s21], [sflag:$0x4] =	stream.linear.gather [hbm4b:s16+s9], $0xA0, $0x38;
	[tilespmem:$0x1E098] =	vst v63  }
0xe5: {  	s15 =	simm.s32 $0x280;
	s16 =	sld [smem:$0x7FD]  }
0xe6: {  	[tilespmem:s15], [sflag:$0x5] =	stream.linear.gather [hbm4b:s12+s9], $0xA0, $0x38;
	[tilespmem:$0x1E098] =	vst v63  }
0xe7: {  	s21 =	simm.s32 $0x320  }
0xe8: {  	[tilespmem:s21], [sflag:$0x6] =	stream.linear.gather [hbm4b:s16+s9], $0xA0, $0x38;
	[tilespmem:$0x1E098] =	vst v63  }
0xe9: {  	s1 =	simm.s32 $0x0;
	s21 =	simm.s32 $0x200  }
.LBB2_2:
0xea: {  	p3 =	sne.s32 s21, $0x9E00;
	[tilespmem:s1+$0x570] =	vst v0  }
0xeb: {  	[tilespmem:s1+$0x500] =	vst v0  }
0xec: {  	[tilespmem:s1+$0x510] =	vst v0  }
.Ltmp2:
0xed: {  	[tilespmem:s1+$0x520] =	vst v0;
	(pc) =	sbr.rel @p3 .LBB2_2-.Ltmp2, $4  }
0xee: {  	[tilespmem:s1+$0x530] =	vst v0  }
0xef: {  	[tilespmem:s1+$0x540] =	vst v0  }
0xf0: {  	[tilespmem:s1+$0x550] =	vst v0  }
0xf1: {  	[tilespmem:s1+$0x560] =	vst v0;
	s1 =	sshra.s32 s21, $0x2;
	s21 =	sadd.s32 $0x200, s21  }
0xf2: {  	[tilespmem:s1+$0x570] =	vst v0  }
0xf3: {  	[tilespmem:s1+$0x500] =	vst v0  }
0xf4: {  	[tilespmem:s1+$0x510] =	vst v0  }
0xf5: {  	[tilespmem:s1+$0x520] =	vst v0  }
0xf6: {  	[tilespmem:s1+$0x530] =	vst v0  }
0xf7: {  	[tilespmem:s1+$0x540] =	vst v0  }
0xf8: {  	[tilespmem:s1+$0x550] =	vst v0  }
0xf9: {  	[tilespmem:s1+$0x560] =	vst v0  }
0xfa: {  	[tilespmem:$0x1DD80] =	vst v1  }
0xfb: {  	[tilespmem:$0x1DD90] =	vst v1  }
0xfc: {  	[tilespmem:$0x1DDA0] =	vst v1  }
0xfd: {  	[tilespmem:$0x1DDB0] =	vst v1  }
0xfe: {  	[tilespmem:$0x1DDC0] =	vst v1  }
0xff: {  	[tilespmem:$0x1DDD0] =	vst v0  }
0x100: {  	[tilespmem:$0x1DDE0] =	vst v0  }
0x101: {  	[tilespmem:$0x1DDF0] =	vst v0  }
0x102: {  	[tilespmem:$0x1DE00] =	vst v0  }
0x103: {  	s11 =	rddreg [dreg:$0x18];
	[tilespmem:$0x1DE10] =	vst v0  }
0x104: {  	[spmem:s11] =	stream.linear.scatter [tilespmem:s13], [sflag:$0xF], $0x2800, $0x38;
	[tilespmem:$0x1E098] =	vst v63  }
0x105: {  	_ =	swait.ge [sflag:s14], $0x2800  }
0x106: {  	[sflag:s14] =	ssyncset.done $0x0  }
0x107: {  	s12 =	rddreg [dreg:$0x19];
	[sflag:s14] =	ssyncadd.s32 $0xFFFFD800  }
0x108: {  	[spmem:s12] =	stream.linear.scatter [tilespmem:s25], [sflag:$0xF], $0x50, $0x38;
	[tilespmem:$0x1E098] =	vst v63  }
0x109: {  	_ =	swait.ge [sflag:s14], $0x50  }
0x10a: {  	[sflag:s14] =	ssyncset.done $0x0  }
0x10b: {  	s15 =	rddreg [dreg:$0x1a];
	[sflag:s14] =	ssyncadd.s32 $0xFFFFFFB0  }
0x10c: {  	[spmem:s15] =	stream.linear.scatter [tilespmem:s13], [sflag:$0xF], $0x2800, $0x38;
	[tilespmem:$0x1E098] =	vst v63  }
0x10d: {  	_ =	swait.ge [sflag:s14], $0x2800  }
0x10e: {  	[sflag:s14] =	ssyncset.done $0x0  }
0x10f: {  	s16 =	rddreg [dreg:$0x1b];
	[sflag:s14] =	ssyncadd.s32 $0xFFFFD800  }
0x110: {  	[spmem:s16] =	stream.linear.scatter [tilespmem:s25], [sflag:$0xF], $0x50, $0x38;
	[tilespmem:$0x1E098] =	vst v63  }
0x111: {  	_ =	swait.ge [sflag:s14], $0x50  }
0x112: {  	[sflag:s14] =	ssyncset.done $0x0  }
0x113: {  	s21 =	rddreg [dreg:$0x1c];
	[sflag:s14] =	ssyncadd.s32 $0xFFFFFFB0  }
0x114: {  	[spmem:s21] =	stream.linear.scatter [tilespmem:s13], [sflag:$0xF], $0x2800, $0x38;
	[tilespmem:$0x1E098] =	vst v63  }
0x115: {  	_ =	swait.ge [sflag:s14], $0x2800  }
0x116: {  	[sflag:s14] =	ssyncset.done $0x0  }
0x117: {  	s11 =	rddreg [dreg:$0x1d];
	[sflag:s14] =	ssyncadd.s32 $0xFFFFD800  }
0x118: {  	[spmem:s11] =	stream.linear.scatter [tilespmem:s25], [sflag:$0xF], $0x50, $0x38;
	[tilespmem:$0x1E098] =	vst v63  }
0x119: {  	_ =	swait.ge [sflag:s14], $0x50  }
0x11a: {  	[sflag:s14] =	ssyncset.done $0x0  }
0x11b: {  	s12 =	rddreg [dreg:$0x1e];
	[sflag:s14] =	ssyncadd.s32 $0xFFFFFFB0  }
0x11c: {  	[spmem:s12] =	stream.linear.scatter [tilespmem:s13], [sflag:$0xF], $0x2800, $0x38;
	[tilespmem:$0x1E098] =	vst v63  }
0x11d: {  	_ =	swait.ge [sflag:s14], $0x2800  }
0x11e: {  	[sflag:s14] =	ssyncset.done $0x0  }
0x11f: {  	s15 =	rddreg [dreg:$0x1f];
	[sflag:s14] =	ssyncadd.s32 $0xFFFFD800  }
0x120: {  	[spmem:s15] =	stream.linear.scatter [tilespmem:s25], [sflag:$0xF], $0x50, $0x38;
	[tilespmem:$0x1E098] =	vst v63  }
0x121: {  	_ =	swait.ge [sflag:s14], $0x50  }
0x122: {  	s16 =	sld [smem:$0x7DA]  }
0x123: {  	[sflag:s14] =	ssyncset.done $0x0  }
0x124: {  	[sflag:s14] =	ssyncadd.s32 $0xFFFFFFB0  }
0x125: {  	[spmem:s16] =	stream.linear.scatter [tilespmem:s13], [sflag:$0xF], $0x2800, $0x38;
	[tilespmem:$0x1E098] =	vst v63  }
0x126: {  	_ =	swait.ge [sflag:s14], $0x2800  }
0x127: {  	s21 =	sld [smem:$0x7DB]  }
0x128: {  	[sflag:s14] =	ssyncset.done $0x0  }
0x129: {  	[sflag:s14] =	ssyncadd.s32 $0xFFFFD800  }
0x12a: {  	[spmem:s21] =	stream.linear.scatter [tilespmem:s25], [sflag:$0xF], $0x50, $0x38;
	[tilespmem:$0x1E098] =	vst v63  }
0x12b: {  	_ =	swait.ge [sflag:s14], $0x50  }
0x12c: {  	s11 =	sld [smem:$0x7DC]  }
0x12d: {  	[sflag:s14] =	ssyncset.done $0x0  }
0x12e: {  	s1 =	simm.s32 @!p2 $0x500;
	[sflag:s14] =	ssyncadd.s32 $0xFFFFFFB0  }
0x12f: {  	[spmem:s11] =	stream.linear.scatter @!p2 [tilespmem:s1], [sflag:$0xF], $0x2800, $0x38;
	[tilespmem:$0x1E098] =	vst v63  }
0x130: {  	s1 =	simm.s32 @!p2 $0xF  }
0x131: {  	_ =	swait.ge @!p2 [sflag:s1], $0x2800  }
0x132: {  	s12 =	sld [smem:$0x7DD]  }
0x133: {  	[sflag:s1] =	ssyncset.done @!p2 $0x0  }
0x134: {  	s11 =	simm.s32 @!p2 $0x1DDD0;
	[sflag:s1] =	ssyncadd.s32 @!p2 $0xFFFFD800  }
0x135: {  	[spmem:s12] =	stream.linear.scatter @!p2 [tilespmem:s11], [sflag:$0xF], $0x50, $0x38;
	[tilespmem:$0x1E098] =	vst v63  }
0x136: {  	_ =	swait.ge @!p2 [sflag:s1], $0x50  }
0x137: {  	s11 =	sld [smem:$0x7DE]  }
0x138: {  	[sflag:s1] =	ssyncset.done @!p2 $0x0  }
0x139: {  	[sflag:s1] =	ssyncadd.s32 @!p2 $0xFFFFFFB0;
	s1 =	simm.s32 @!p0 $0x500  }
0x13a: {  	[spmem:s11] =	stream.linear.scatter @!p0 [tilespmem:s1], [sflag:$0xF], $0x2800, $0x38;
	[tilespmem:$0x1E098] =	vst v63  }
0x13b: {  	s1 =	simm.s32 @!p0 $0xF  }
0x13c: {  	_ =	swait.ge @!p0 [sflag:s1], $0x2800  }
0x13d: {  	s12 =	sld [smem:$0x7DF]  }
0x13e: {  	[sflag:s1] =	ssyncset.done @!p0 $0x0  }
0x13f: {  	s11 =	simm.s32 @!p0 $0x1DDD0;
	[sflag:s1] =	ssyncadd.s32 @!p0 $0xFFFFD800  }
0x140: {  	[spmem:s12] =	stream.linear.scatter @!p0 [tilespmem:s11], [sflag:$0xF], $0x50, $0x38;
	[tilespmem:$0x1E098] =	vst v63  }
0x141: {  	_ =	swait.ge @!p0 [sflag:s1], $0x50  }
0x142: {  	s11 =	sld [smem:$0x7E0]  }
0x143: {  	[sflag:s1] =	ssyncset.done @!p0 $0x0  }
0x144: {  	[sflag:s1] =	ssyncadd.s32 @!p0 $0xFFFFFFB0;
	s1 =	simm.s32 @!p1 $0x500  }
0x145: {  	[spmem:s11] =	stream.linear.scatter @!p1 [tilespmem:s1], [sflag:$0xF], $0x2800, $0x38;
	[tilespmem:$0x1E098] =	vst v63  }
0x146: {  	s1 =	simm.s32 @!p1 $0xF  }
0x147: {  	_ =	swait.ge @!p1 [sflag:s1], $0x2800  }
0x148: {  	s12 =	sld [smem:$0x7E1]  }
0x149: {  	[sflag:s1] =	ssyncset.done @!p1 $0x0  }
0x14a: {  	s11 =	simm.s32 @!p1 $0x1DDD0;
	[sflag:s1] =	ssyncadd.s32 @!p1 $0xFFFFD800  }
0x14b: {  	[spmem:s12] =	stream.linear.scatter @!p1 [tilespmem:s11], [sflag:$0xF], $0x50, $0x38;
	[tilespmem:$0x1E098] =	vst v63  }
0x14c: {  	_ =	swait.ge @!p1 [sflag:s1], $0x50  }
0x14d: {  	[sflag:s1] =	ssyncset.done @!p1 $0x0  }
0x14e: {  	[sflag:s1] =	ssyncadd.s32 @!p1 $0xFFFFFFB0  }
0x14f: {  	s11 =	simm.s32 $0x1;
	[bflag:$0x0] =	sbarrier.arrive $0xFFFF  }
0x150: {  	_ =	swait.ge [sflag:s11], $0xA0  }
0x151: {  	[sflag:s11] =	ssyncset.done $0x0  }
0x152: {  	s25 =	simm.s32 $0x0;
	s12 =	simm.s32 $0x2;
	[sflag:s11] =	ssyncadd.s32 $0xFFFFFF60  }
0x153: {  	[tilespmem:s13], [sflag:$0x9] =	stream.indirect.gather [hbm4b:s17+s20], $0x80, s25, s20, $0xb8;
	[tilespmem:$0x1E098] =	vst v63  }
0x154: {  	_ =	swait.ge [sflag:s12], $0xA0  }
0x155: {  	[sflag:s12] =	ssyncset.done $0x0  }
0x156: {  	s15 =	simm.s32 $0xA0;
	s16 =	simm.s32 $0x3;
	[sflag:s12] =	ssyncadd.s32 $0xFFFFFF60  }
0x157: {  	[tilespmem:s28], [sflag:$0xA] =	stream.indirect.gather [hbm4b:s17+s20], $0x80, s15, s20, $0xb8;
	[tilespmem:$0x1E098] =	vst v63  }
.Ltmp3:
0x158: {  	_ =	swait.ge [sflag:s16], $0xA0;
	(pc) =	sbr.rel .LBB2_4-.Ltmp3, $4  }
0x159: {  	[sflag:s16] =	ssyncset.done $0x0  }
0x15a: {  	s21 =	simm.s32 $0x140;
	[sflag:s16] =	ssyncadd.s32 $0xFFFFFF60  }
0x15b: {  	[tilespmem:s30], [sflag:$0xB] =	stream.indirect.gather [hbm4b:s17+s20], $0x80, s21, s20, $0xb8;
	[tilespmem:$0x1E098] =	vst v63  }
0x15c: {  	s11 =	simm.s32 $0x6;
	s21 =	sld [smem:$0x7F0]  }
.LBB2_9:
.Ltmp4:
0x15d: {  	(pc) =	sbr.rel @!p4 .LBB2_10-.Ltmp4, $1  }
0x15e: {  	_ =	sdelay $0x3  }
.LBB2_14:
0x15f: {  	_ =	swait.ge [sflag:s6], $0x2800  }
0x160: {  	[sflag:s6] =	ssyncset.done $0x0  }
0x161: {  	s1 =	simm.s32 $0x410;
	[sflag:s6] =	ssyncadd.s32 $0xFFFFD800  }
0x162: {  	[spmem:s22] =	stream.indirect.scatter.add.f32 [tilespmem:s30], [sflag:$0xF], $0x80, s1, s20, $0xb8;
	[tilespmem:$0x1E098] =	vst v63  }
0x163: {  	_ =	swait.ge [sflag:s14], $0x2800  }
0x164: {  	[sflag:s14] =	ssyncset.done $0x0  }
.Ltmp5:
0x165: {  	[sflag:s14] =	ssyncadd.s32 $0xFFFFD800;
	(pc) =	sbr.rel @p5 .LBB2_10-.Ltmp5, $4  }
0x166: {  	_ =	swait.ge [sflag:s24], $0x50  }
0x167: {  	[sflag:s24] =	ssyncset.done $0x0  }
0x168: {  	[sflag:s24] =	ssyncadd.s32 $0xFFFFFFB0  }
0x169: {  	[spmem:s23] =	stream.indirect.scatter.add.f32 [tilespmem:s0], [sflag:$0xD], $0x1, s1, s20, $0xb8;
	[tilespmem:$0x1E098] =	vst v63  }
0x16a: {  	s1 =	sadd.s32 $0xFFFFFF60, s21  }
0x16b: {  	s1 =	sshrl.u32 s1, $0x3  }
0x16c: {  	s12 =	simm.s32 $0x280;
	s1 =	sadd.s32 s18, s1  }
0x16d: {  	[tilespmem:s12], [sflag:$0x5] =	stream.linear.gather [hbm4b:s1+s9], $0xA0, $0x38;
	[tilespmem:$0x1E098] =	vst v63  }
.LBB2_16:
0x16e: {  	s1 =	simm.s32 @!p3 $0x3  }
0x16f: {  	_ =	swait.ge @!p3 [sflag:s1], $0xA0  }
0x170: {  	s12 =	simm.s32 @!p3 $0x140;
	[sflag:s1] =	ssyncset.done @!p3 $0x0  }
0x171: {  	s15 =	simm.s32 @!p3 $0x5500;
	[sflag:s1] =	ssyncadd.s32 @!p3 $0xFFFFFF60;
	s1 =	simm.s32 @!p3 $0x50  }
0x172: {  	[tilespmem:s15], [sflag:$0xB] =	stream.indirect.gather @!p3 [hbm4b:s17+s1], $0x80, s12, s1, $0xb8;
	[tilespmem:$0x1E098] =	vst v63  }
0x173: {  	s12 =	simm.s32 @!p3 $0xC  }
0x174: {  	_ =	swait.ge @!p3 [sflag:s12], $0x2800  }
0x175: {  	[sflag:s12] =	ssyncset.done @!p3 $0x0  }
0x176: {  	s15 =	simm.s32 @!p3 $0x7D00;
	[sflag:s12] =	ssyncadd.s32 @!p3 $0xFFFFD800;
	s12 =	simm.s32 @!p3 $0x4B0  }
0x177: {  	[spmem:s22] =	stream.indirect.scatter.add.f32 @!p3 [tilespmem:s15], [sflag:$0xF], $0x80, s12, s1, $0xb8;
	[tilespmem:$0x1E098] =	vst v63  }
0x178: {  	s15 =	simm.s32 @!p3 $0xF  }
0x179: {  	_ =	swait.ge @!p3 [sflag:s15], $0x2800  }
0x17a: {  	[sflag:s15] =	ssyncset.done @!p3 $0x0  }
0x17b: {  	[sflag:s15] =	ssyncadd.s32 @!p3 $0xFFFFD800;
	s15 =	simm.s32 @!p3 $0xD  }
0x17c: {  	_ =	swait.ge @!p3 [sflag:s15], $0x50  }
0x17d: {  	[sflag:s15] =	ssyncset.done @!p3 $0x0  }
0x17e: {  	p4 =	seq.s32 @!p3 s25, $0xE;
	[sflag:s15] =	ssyncadd.s32 @!p3 $0xFFFFFFB0;
	s15 =	simm.s32 @!p3 $0x1DD80  }
0x17f: {  	[spmem:s23] =	stream.indirect.scatter.add.f32 @!p3 [tilespmem:s15], [sflag:$0xE], $0x1, s12, s1, $0xb8;
	[tilespmem:$0x1E098] =	vst v63  }
0x180: {  	s25 =	sadd.s32 $0x1, s25;
	p3 =	por p4, p3  }
0x181: {  	s11 =	sadd.s32 $0x8, s11;
	s1 =	sshrl.u32 @!p3 s21, $0x3;
	s12 =	simm.s32 @!p3 $0x0  }
0x182: {  	s15 =	simm.s32 @!p3 $0x320;
	s21 =	sadd.s32 $0x500, s21;
	s1 =	sadd.s32 @!p3 s18, s1  }
0x183: {  	[tilespmem:s15], [sflag:$0x6] =	stream.linear.gather @!p3 [hbm4b:s1+s12], $0xA0, $0x38;
	[tilespmem:$0x1E098] =	vst v63  }
.LBB2_4:
0x184: {  	_ =	swait.ge [sflag:s31], $0xA0  }
0x185: {  	[sflag:s31] =	ssyncset.done $0x0  }
0x186: {  	s1 =	simm.s32 $0x1E0;
	[sflag:s31] =	ssyncadd.s32 $0xFFFFFF60  }
0x187: {  	[tilespmem:s26], [sflag:$0xC] =	stream.indirect.gather [hbm4b:s17+s20], $0x80, s1, s20, $0xb8;
	[tilespmem:$0x1E098] =	vst v63  }
0x188: {  	_ =	swait.ge [sflag:s19], $0x2800  }
0x189: {  	p3 =	sne.s32 s25, $0x0;
	[sflag:s19] =	ssyncset.done $0x0  }
.Ltmp6:
0x18a: {  	[sflag:s19] =	ssyncadd.s32 $0xFFFFD800;
	(pc) =	sbr.rel @!p3 .LBB2_5-.Ltmp6, $4  }
0x18b: {  	[spmem:s22] =	stream.indirect.scatter.add.f32 [tilespmem:s13], [sflag:$0xF], $0x80, s20, s20, $0xb8;
	[tilespmem:$0x1E098] =	vst v63  }
0x18c: {  	_ =	swait.ge [sflag:s14], $0x2800  }
0x18d: {  	[sflag:s14] =	ssyncset.done $0x0  }
0x18e: {  	[sflag:s14] =	ssyncadd.s32 $0xFFFFD800  }
0x18f: {  	p3 =	sgt.u32 s11, $0x7C  }
.Ltmp7:
0x190: {  	_ = 	snop;
	(pc) =	sbr.rel @p3 .LBB2_8-.Ltmp7, $4  }
.Ltmp8:
0x191: {  	_ =	swait.ge [sflag:s24], $0x50;
	(pc) =	sbr.rel @!p3 .LBB2_7-.Ltmp8, $4  }
0x192: {  	[sflag:s24] =	ssyncset.done $0x0  }
0x193: {  	p4 =	por $0x0, $0x0;
	s1 =	smov.u32 s11;
	[sflag:s24] =	ssyncadd.s32 $0xFFFFFFB0  }
0x194: {  	[spmem:s23] =	stream.indirect.scatter.add.f32 [tilespmem:s0], [sflag:$0xD], $0x1, s20, s20, $0xb8;
	[tilespmem:$0x1E098] =	vst v63  }
0x195: {  	_ = 	snop  }
.LBB2_5:
0x196: {  	[spmem:s23] =	stream.indirect.scatter.add.f32 [tilespmem:s0], [sflag:$0xD], $0x1, s20, s20, $0xb8;
	[tilespmem:$0x1E098] =	vst v63  }
0x197: {  	s1 =	simm.s32 $0x6  }
.LBB2_7:
0x198: {  	s1 =	smul.u32 $0xA0, s1  }
0x199: {  	s12 =	rddreg [dreg:$0x16]  }
0x19a: {  	s1 =	sadd.s32 s12, s1  }
0x19b: {  	s1 =	sshrl.u32 s1, $0x3  }
0x19c: {  	s16 =	simm.s32 $0x3C0;
	p4 =	por $0x1, $0x1;
	s1 =	sadd.s32 s18, s1  }
0x19d: {  	[tilespmem:s16], [sflag:$0x7] =	stream.linear.gather [hbm4b:s1+s9], $0xA0, $0x38;
	[tilespmem:$0x1E098] =	vst v63  }
.LBB2_8:
0x19e: {  	_ =	swait.ge [sflag:s2], $0xA0  }
0x19f: {  	[sflag:s2] =	ssyncset.done $0x0  }
0x1a0: {  	s1 =	simm.s32 $0x280;
	[sflag:s2] =	ssyncadd.s32 $0xFFFFFF60  }
0x1a1: {  	[tilespmem:s13], [sflag:$0x9] =	stream.indirect.gather [hbm4b:s17+s20], $0x80, s1, s20, $0xb8;
	[tilespmem:$0x1E098] =	vst v63  }
0x1a2: {  	_ =	swait.ge [sflag:s3], $0x2800  }
0x1a3: {  	[sflag:s3] =	ssyncset.done $0x0  }
0x1a4: {  	[sflag:s3] =	ssyncadd.s32 $0xFFFFD800  }
0x1a5: {  	[spmem:s22] =	stream.indirect.scatter.add.f32 [tilespmem:s28], [sflag:$0xF], $0x80, s4, s20, $0xb8;
	[tilespmem:$0x1E098] =	vst v63  }
0x1a6: {  	_ =	swait.ge [sflag:s14], $0x2800  }
0x1a7: {  	[sflag:s14] =	ssyncset.done $0x0  }
0x1a8: {  	s16 =	sadd.s32 $0x1, s11;
	[sflag:s14] =	ssyncadd.s32 $0xFFFFD800  }
0x1a9: {  	p3 =	sgt.u32 s16, $0x7C;
	_ =	swait.ge [sflag:s5], $0x50  }
0x1aa: {  	s1 =	sadd.s32 @!p3 $0xFFFFFC40, s21;
	[sflag:s5] =	ssyncset.done $0x0  }
0x1ab: {  	s1 =	sshrl.u32 @!p3 s1, $0x3;
	[sflag:s5] =	ssyncadd.s32 $0xFFFFFFB0  }
0x1ac: {  	[spmem:s23] =	stream.indirect.scatter.add.f32 [tilespmem:s0], [sflag:$0xE], $0x1, s4, s20, $0xb8;
	[tilespmem:$0x1E098] =	vst v63  }
0x1ad: {  	s15 =	simm.s32 @!p3 $0x0;
	s16 =	simm.s32 @!p3 $0x460;
	s1 =	sadd.s32 @!p3 s18, s1  }
0x1ae: {  	[tilespmem:s16], [sflag:$0x8] =	stream.linear.gather @!p3 [hbm4b:s1+s15], $0xA0, $0x38;
	[tilespmem:$0x1E098] =	vst v63  }
0x1af: {  	p3 =	sgt.u32 s25, $0xE  }
0x1b0: {  	s1 =	simm.s32 @!p3 $0x6  }
0x1b1: {  	_ =	swait.ge @!p3 [sflag:s1], $0xA0  }
0x1b2: {  	s15 =	simm.s32 @!p3 $0x320;
	[sflag:s1] =	ssyncset.done @!p3 $0x0  }
0x1b3: {  	s16 =	simm.s32 @!p3 $0x2D00;
	[sflag:s1] =	ssyncadd.s32 @!p3 $0xFFFFFF60;
	s1 =	simm.s32 @!p3 $0x50  }
0x1b4: {  	[tilespmem:s16], [sflag:$0xA] =	stream.indirect.gather @!p3 [hbm4b:s17+s1], $0x80, s15, s1, $0xb8;
	[tilespmem:$0x1E098] =	vst v63  }
0x1b5: {  	_ =	swait.ge [sflag:s6], $0x2800  }
0x1b6: {  	[sflag:s6] =	ssyncset.done $0x0  }
0x1b7: {  	[sflag:s6] =	ssyncadd.s32 $0xFFFFD800  }
0x1b8: {  	[spmem:s22] =	stream.indirect.scatter.add.f32 [tilespmem:s30], [sflag:$0xF], $0x80, s7, s20, $0xb8;
	[tilespmem:$0x1E098] =	vst v63  }
0x1b9: {  	_ =	swait.ge [sflag:s14], $0x2800  }
0x1ba: {  	[sflag:s14] =	ssyncset.done $0x0  }
0x1bb: {  	[sflag:s14] =	ssyncadd.s32 $0xFFFFD800  }
0x1bc: {  	p5 =	seq.s32 s25, $0xF;
	_ =	swait.ge [sflag:s24], $0x50  }
0x1bd: {  	s1 =	sadd.s32 @!p5 $0xFFFFFCE0, s21;
	[sflag:s24] =	ssyncset.done $0x0  }
0x1be: {  	s1 =	sshrl.u32 @!p5 s1, $0x3;
	[sflag:s24] =	ssyncadd.s32 $0xFFFFFFB0  }
0x1bf: {  	[spmem:s23] =	stream.indirect.scatter.add.f32 [tilespmem:s0], [sflag:$0xD], $0x1, s7, s20, $0xb8;
	[tilespmem:$0x1E098] =	vst v63  }
0x1c0: {  	s15 =	simm.s32 @!p5 $0x0;
	s1 =	sadd.s32 @!p5 s18, s1  }
0x1c1: {  	[tilespmem:s15], [sflag:$0x1] =	stream.linear.gather @!p5 [hbm4b:s1+s15], $0xA0, $0x38;
	[tilespmem:$0x1E098] =	vst v63  }
0x1c2: {  	s1 =	simm.s32 @p4 $0x7  }
0x1c3: {  	_ =	swait.ge @p4 [sflag:s1], $0xA0  }
0x1c4: {  	s12 =	simm.s32 @p4 $0x5500;
	[sflag:s1] =	ssyncset.done @p4 $0x0  }
0x1c5: {  	s16 =	simm.s32 @p4 $0x3C0;
	[sflag:s1] =	ssyncadd.s32 @p4 $0xFFFFFF60;
	s1 =	simm.s32 @p4 $0x50  }
0x1c6: {  	[tilespmem:s12], [sflag:$0xB] =	stream.indirect.gather @p4 [hbm4b:s17+s1], $0x80, s16, s1, $0xb8;
	[tilespmem:$0x1E098] =	vst v63  }
0x1c7: {  	_ =	swait.ge [sflag:s29], $0x2800  }
0x1c8: {  	[sflag:s29] =	ssyncset.done $0x0  }
0x1c9: {  	[sflag:s29] =	ssyncadd.s32 $0xFFFFD800  }
0x1ca: {  	[spmem:s22] =	stream.indirect.scatter.add.f32 [tilespmem:s26], [sflag:$0xF], $0x80, s8, s20, $0xb8;
	[tilespmem:$0x1E098] =	vst v63  }
0x1cb: {  	_ =	swait.ge [sflag:s14], $0x2800  }
0x1cc: {  	[sflag:s14] =	ssyncset.done $0x0  }
0x1cd: {  	[sflag:s14] =	ssyncadd.s32 $0xFFFFD800  }
0x1ce: {  	_ =	swait.ge [sflag:s5], $0x50  }
0x1cf: {  	s1 =	sadd.s32 @!p5 $0xFFFFFD80, s21;
	[sflag:s5] =	ssyncset.done $0x0  }
0x1d0: {  	s1 =	sshrl.u32 @!p5 s1, $0x3;
	[sflag:s5] =	ssyncadd.s32 $0xFFFFFFB0  }
0x1d1: {  	[spmem:s23] =	stream.indirect.scatter.add.f32 [tilespmem:s0], [sflag:$0xE], $0x1, s8, s20, $0xb8;
	[tilespmem:$0x1E098] =	vst v63  }
0x1d2: {  	s12 =	simm.s32 @!p5 $0xA0;
	s1 =	sadd.s32 @!p5 s18, s1  }
0x1d3: {  	[tilespmem:s12], [sflag:$0x2] =	stream.linear.gather @!p5 [hbm4b:s1+s15], $0xA0, $0x38;
	[tilespmem:$0x1E098] =	vst v63  }
0x1d4: {  	s1 =	simm.s32 @!p5 $0x8  }
0x1d5: {  	_ =	swait.ge @!p5 [sflag:s1], $0xA0  }
0x1d6: {  	s12 =	simm.s32 @!p5 $0x460;
	[sflag:s1] =	ssyncset.done @!p5 $0x0  }
0x1d7: {  	s15 =	simm.s32 @!p5 $0x7D00;
	[sflag:s1] =	ssyncadd.s32 @!p5 $0xFFFFFF60;
	s1 =	simm.s32 @!p5 $0x50  }
0x1d8: {  	[tilespmem:s15], [sflag:$0xC] =	stream.indirect.gather @!p5 [hbm4b:s17+s1], $0x80, s12, s1, $0xb8;
	[tilespmem:$0x1E098] =	vst v63  }
0x1d9: {  	_ =	swait.ge [sflag:s19], $0x2800  }
0x1da: {  	[sflag:s19] =	ssyncset.done $0x0  }
0x1db: {  	[sflag:s19] =	ssyncadd.s32 $0xFFFFD800  }
0x1dc: {  	[spmem:s22] =	stream.indirect.scatter.add.f32 [tilespmem:s13], [sflag:$0xF], $0x80, s10, s20, $0xb8;
	[tilespmem:$0x1E098] =	vst v63  }
0x1dd: {  	_ =	swait.ge [sflag:s14], $0x2800  }
0x1de: {  	p6 =	sne.s32 s25, $0xF;
	[sflag:s14] =	ssyncset.done $0x0  }
.Ltmp9:
0x1df: {  	[sflag:s14] =	ssyncadd.s32 $0xFFFFD800;
	(pc) =	sbr.rel @!p6 .LBB2_9-.Ltmp9, $4  }
0x1e0: {  	_ =	swait.ge [sflag:s24], $0x50  }
0x1e1: {  	[sflag:s24] =	ssyncset.done $0x0  }
0x1e2: {  	[sflag:s24] =	ssyncadd.s32 $0xFFFFFFB0  }
0x1e3: {  	[spmem:s23] =	stream.indirect.scatter.add.f32 [tilespmem:s0], [sflag:$0xD], $0x1, s10, s20, $0xb8;
	[tilespmem:$0x1E098] =	vst v63  }
0x1e4: {  	s1 =	sadd.s32 $0xFFFFFE20, s21  }
0x1e5: {  	s1 =	sshrl.u32 s1, $0x3  }
0x1e6: {  	s12 =	simm.s32 $0x140;
	s16 =	simm.s32 $0x1;
	s1 =	sadd.s32 s18, s1  }
0x1e7: {  	[tilespmem:s12], [sflag:$0x3] =	stream.linear.gather [hbm4b:s1+s9], $0xA0, $0x38;
	[tilespmem:$0x1E098] =	vst v63  }
0x1e8: {  	_ =	swait.ge [sflag:s16], $0xA0  }
0x1e9: {  	[sflag:s16] =	ssyncset.done $0x0  }
0x1ea: {  	[sflag:s16] =	ssyncadd.s32 $0xFFFFFF60  }
0x1eb: {  	[tilespmem:s13], [sflag:$0x9] =	stream.indirect.gather [hbm4b:s17+s20], $0x80, s9, s20, $0xb8;
	[tilespmem:$0x1E098] =	vst v63  }
0x1ec: {  	_ =	swait.ge [sflag:s3], $0x2800  }
0x1ed: {  	[sflag:s3] =	ssyncset.done $0x0  }
0x1ee: {  	s12 =	simm.s32 $0x370;
	[sflag:s3] =	ssyncadd.s32 $0xFFFFD800  }
0x1ef: {  	[spmem:s22] =	stream.indirect.scatter.add.f32 [tilespmem:s28], [sflag:$0xF], $0x80, s12, s20, $0xb8;
	[tilespmem:$0x1E098] =	vst v63  }
0x1f0: {  	_ =	swait.ge [sflag:s14], $0x2800  }
0x1f1: {  	[sflag:s14] =	ssyncset.done $0x0  }
0x1f2: {  	[sflag:s14] =	ssyncadd.s32 $0xFFFFD800  }
0x1f3: {  	_ =	swait.ge [sflag:s5], $0x50  }
.Ltmp10:
0x1f4: {  	s15 =	sadd.s32 $0xFFFFFEC0, s21;
	[sflag:s5] =	ssyncset.done $0x0;
	(pc) =	sbr.rel @!p4 .LBB2_16-.Ltmp10, $4  }
0x1f5: {  	s1 =	sshrl.u32 s15, $0x3;
	[sflag:s5] =	ssyncadd.s32 $0xFFFFFFB0  }
0x1f6: {  	[spmem:s23] =	stream.indirect.scatter.add.f32 [tilespmem:s0], [sflag:$0xE], $0x1, s12, s20, $0xb8;
	[tilespmem:$0x1E098] =	vst v63  }
0x1f7: {  	s1 =	sadd.s32 s18, s1;
	s16 =	simm.s32 $0x1E0  }
0x1f8: {  	[tilespmem:s16], [sflag:$0x4] =	stream.linear.gather [hbm4b:s1+s9], $0xA0, $0x38;
	[tilespmem:$0x1E098] =	vst v63  }
.Ltmp11:
0x1f9: {  	s1 =	simm.s32 $0x2;
	(pc) =	sbr.rel .LBB2_14-.Ltmp11, $4  }
0x1fa: {  	_ =	swait.ge [sflag:s1], $0xA0  }
0x1fb: {  	[sflag:s1] =	ssyncset.done $0x0  }
0x1fc: {  	s16 =	simm.s32 $0xA0;
	[sflag:s1] =	ssyncadd.s32 $0xFFFFFF60  }
0x1fd: {  	[tilespmem:s28], [sflag:$0xA] =	stream.indirect.gather [hbm4b:s17+s20], $0x80, s16, s20, $0xb8;
	[tilespmem:$0x1E098] =	vst v63  }
.LBB2_11:
0x1fe: {  	_ =	sfence.sel $0x180000  }
0x1ff: {  	[bflag:$0x0] =	sbarrier.arrive $0xFFFF  }
0x200: {  	_ =	strace $0x90000047  }
0x201: {  	s0 =	stileid.u32;
	[bflag:$0x2] =	sbarrier.arrive $0xFFFF  }
0x202: {  	p0 =	sne.s32 s0, $0x0;
	s0 =	rddreg [dreg:$0x5]  }
0x203: {  	s0 =	sadd.s32 @!p0 $0x100000, s0  }
0x204: {  	[sflag:s0] =	ssyncadd.tile.s32 @!p0 $0x1;
	_ =	shalt  }
.Lfunc_end2:
_tile_overlayer_lowered:
.L_overlay_start_2:
0x205: {  	(tag) =	ssettag $0x2  }
0x206: {  	s0 =	rddreg [dreg:$0x0];
	s2 =	stileid.u32  }
0x207: {  	s1 =	rddreg [dreg:$0x1];
	p0 =	sne.s32 s2, $0x0  }
0x208: {  	s3 =	rddreg [dreg:$0x2];
	[bflag:$0x3] =	sbarrier.arrive $0xFFFF;
	s2 =	simm.s32 @!p0 $0x1C0F  }
0x209: {  	[timem:s3], [sflag:s2] =	dma.local @!p0 [hbm:s0], s1  }
0x20a: {  	s0 =	simm.s32 @!p0 $0xF  }
0x20b: {  	_ =	swait.ge @!p0 [sflag:s0], s1  }
0x20c: {  	s1 =	ssub.s32 @!p0 $0x0, s1;
	[sflag:s0] =	ssyncset.done @!p0 $0x0  }
0x20d: {  	[sflag:s0] =	ssyncadd.s32 @!p0 s1  }
0x20e: {  	[bflag:$0x3] =	sbarrier.arrive $0xFFFF  }
0x20f: {  	_ =	shalt  }

// kernel: kernel.9.cloned.1.call-start
scs
__scs_entry_jumppad:
0x0: {  	(pc) =	sbr.rel $0x88, $3  }
0x1: {  	(tag) =	ssettag $0x0;
	lr =	simm.s32 $0x1  }
0x2: {  	[smem:$0x3F99] =	sst lr;
	_ =	strace $0xD0000000  }
0x3: {  	_ = 	snop  }
0x4: {  	_ = 	snop  }
0x5: {  	_ = 	snop  }
0x6: {  	_ = 	snop  }
0x7: {  	_ = 	snop  }
__scs_overlays_trampoline_lowered:
0x8: {  	[smem:$0x3FA8] =	sst s0  }
0x9: {  	[smem:$0x3FA9] =	sst s1  }
0xa: {  	[smem:$0x3FAA] =	sst s2  }
0xb: {  	[smem:$0x3FAB] =	sst s3  }
0xc: {  	[smem:$0x3FAC] =	sst s4  }
0xd: {  	[smem:$0x3FAD] =	sst s5  }
0xe: {  	[smem:$0x3FAE] =	sst s6  }
0xf: {  	[smem:$0x3FAF] =	sst s7  }
0x10: {  	[smem:$0x3FB0] =	sst s8  }
0x11: {  	[smem:$0x3FB1] =	sst s9;
	s0 =	simm.s32 @!p0 $0x0  }
0x12: {  	s1 =	sld [smem:$0x3F97];
	s0 =	simm.s32 @p0 $0x1  }
0x13: {  	[smem:$0x3FB2] =	sst s0;
	s0 =	simm.s32 @!p1 $0x0  }
0x14: {  	s2 =	sld [smem:$0x3F96];
	s0 =	simm.s32 @p1 $0x1  }
0x15: {  	[smem:$0x3FB3] =	sst s0;
	s0 =	simm.s32 @!p2 $0x0  }
0x16: {  	s3 =	sld [smem:$0x3FDB];
	s0 =	simm.s32 @p2 $0x1  }
0x17: {  	s4 =	simm.s32 $0x1BF5;
	[smem:$0x3FB5] =	sst s0  }
0x18: {  	s0 =	sld [smem:$0x3F98];
	_ =	swait.ge [sflag:s4], $0x0  }
0x19: {  	s7 =	sld [smem:$0x3F99]  }
0x1a: {  	s8 =	sadd.s32 $0xFFFFE003, lr  }
0x1b: {  	s9 =	sadd.s32 $0xFFFFFEF7, lr;
	s5 =	simm.s32 $0xFFFFFFFF;
	p2 =	slt.u32 s8, $0xFFFFF086  }
0x1c: {  	p1 =	slt.u32 s9, $0xF7A;
	s5 =	simm.s32 @!p2 $0x0  }
0x1d: {  	s5 =	simm.s32 @p1 $0x1;
	p0 =	seq.s32 s7, s2  }
0x1e: {  	s7 =	smul.u32 @!p0 $0xF7A, s2;
	p2 =	seq.s32 @!p0 s5, $0x0  }
0x1f: {  	s9 =	smul.u32 $0xF7A, s1;
	s8 =	simm.s32 @!p0 $0x1BF5;
	p2 =	por !p2, p0  }
0x20: {  	[sflag:s8] =	ssyncset.s32 @!p0 $0xFFFFF086;
	s6 =	sadd.s32 @!p0 s3, s7;
	s7 =	simm.s32 @!p0 $0x108  }
0x21: {  	s3 =	sadd.s32 s3, s9;
	s6 =	sadd.s32 @!p0 $0x88, s6;
	s7 =	simm.s32 @p2 $0x1082  }
0x22: {  	[simem:s7], [sflag:s8] =	dma.local @!p0 [hbm:s6], $0xF7A  }
0x23: {  	s9 =	sor.u32 $0xD0000000, s2;
	s6 =	simm.s32 $0x108;
	_ =	swait.ge @!p0 [sflag:s8], $0x0  }
0x24: {  	s3 =	sadd.s32 $0x88, s3;
	s6 =	simm.s32 @!p1 $0x1082;
	[sflag:s4] =	ssyncset.s32 $0xFFFFF086  }
0x25: {  	[simem:s6], [sflag:s4] =	dma.local [hbm:s3], $0xF7A  }
0x26: {  	[smem:$0x3F99] =	sst s1;
	(tag) =	ssettag s2;
	_ =	strace s9  }
0x27: {  	s1 =	sld [smem:$0x3FA9]  }
0x28: {  	s2 =	sld [smem:$0x3FAA]  }
0x29: {  	s4 =	sld [smem:$0x3FAC]  }
0x2a: {  	p0 =	seq.s32 s5, $0x0;
	s5 =	sld [smem:$0x3FAD]  }
0x2b: {  	s6 =	sld [smem:$0x3FAE]  }
0x2c: {  	s7 =	sld [smem:$0x3FAF]  }
0x2d: {  	s3 =	simm.s32 $0x108;
	s8 =	sld [smem:$0x3FB0]  }
0x2e: {  	s3 =	simm.s32 @!p0 $0x1082;
	s9 =	sld [smem:$0x3FB1]  }
0x2f: {  	lr =	sadd.s32 s0, s3;
	s0 =	sld [smem:$0x3FA8]  }
0x30: {  	s3 =	sld [smem:$0x3FAB]  }
0x31: {  	[smem:$0x3FB4] =	sst s10  }
0x32: {  	s10 =	sld [smem:$0x3FB2];
	_ =	sdelay $0x3  }
0x33: {  	p0 =	seq.s32 s10, $0x1;
	s10 =	sld [smem:$0x3FB4];
	_ =	sdelay $0x3  }
0x34: {  	[smem:$0x3FB4] =	sst s10  }
0x35: {  	s10 =	sld [smem:$0x3FB3];
	_ =	sdelay $0x3  }
0x36: {  	p1 =	seq.s32 s10, $0x1;
	s10 =	sld [smem:$0x3FB4];
	_ =	sdelay $0x3  }
0x37: {  	[smem:$0x3FB4] =	sst s10  }
0x38: {  	s10 =	sld [smem:$0x3FB5]  }
0x39: {  	_ = 	snop;
	(pc) =	sbr.ind lr, $3  }
0x3a: {  	_ = 	snop  }
0x3b: {  	_ = 	snop  }
0x3c: {  	p2 =	seq.s32 s10, $0x1;
	s10 =	sld [smem:$0x3FB4]  }
0x3d: {  	_ =	shalt  }
0x3e: {  	_ =	shalt  }
0x3f: {  	_ =	shalt  }
0x40: {  	_ =	shalt  }
0x41: {  	_ =	shalt  }
0x42: {  	_ =	shalt  }
0x43: {  	_ =	shalt  }
0x44: {  	_ =	shalt  }
0x45: {  	_ =	shalt  }
0x46: {  	_ =	shalt  }
0x47: {  	_ =	shalt  }
0x48: {  	_ =	shalt  }
0x49: {  	_ =	shalt  }
0x4a: {  	_ =	shalt  }
0x4b: {  	_ =	shalt  }
0x4c: {  	_ =	shalt  }
0x4d: {  	_ =	shalt  }
0x4e: {  	_ =	shalt  }
0x4f: {  	_ =	shalt  }
0x50: {  	_ =	shalt  }
0x51: {  	_ =	shalt  }
0x52: {  	_ =	shalt  }
0x53: {  	_ =	shalt  }
0x54: {  	_ =	shalt  }
0x55: {  	_ =	shalt  }
0x56: {  	_ =	shalt  }
0x57: {  	_ =	shalt  }
0x58: {  	_ =	shalt  }
0x59: {  	_ =	shalt  }
0x5a: {  	_ =	shalt  }
0x5b: {  	_ =	shalt  }
0x5c: {  	_ =	shalt  }
0x5d: {  	_ =	shalt  }
0x5e: {  	_ =	shalt  }
0x5f: {  	_ =	shalt  }
0x60: {  	_ =	shalt  }
0x61: {  	_ =	shalt  }
0x62: {  	_ =	shalt  }
0x63: {  	_ =	shalt  }
0x64: {  	_ =	shalt  }
0x65: {  	_ =	shalt  }
0x66: {  	_ =	shalt  }
0x67: {  	_ =	shalt  }
0x68: {  	_ =	shalt  }
0x69: {  	_ =	shalt  }
0x6a: {  	_ =	shalt  }
0x6b: {  	_ =	shalt  }
0x6c: {  	_ =	shalt  }
0x6d: {  	_ =	shalt  }
0x6e: {  	_ =	shalt  }
0x6f: {  	_ =	shalt  }
0x70: {  	_ =	shalt  }
0x71: {  	_ =	shalt  }
0x72: {  	_ =	shalt  }
0x73: {  	_ =	shalt  }
0x74: {  	_ =	shalt  }
0x75: {  	_ =	shalt  }
0x76: {  	_ =	shalt  }
0x77: {  	_ =	shalt  }
0x78: {  	_ =	shalt  }
0x79: {  	_ =	shalt  }
0x7a: {  	_ =	shalt  }
0x7b: {  	_ =	shalt  }
0x7c: {  	_ =	shalt  }
0x7d: {  	_ =	shalt  }
0x7e: {  	_ =	shalt  }
0x7f: {  	_ =	shalt  }
0x80: {  	_ =	shalt  }
0x81: {  	_ =	shalt  }
0x82: {  	_ =	shalt  }
0x83: {  	_ =	shalt  }
0x84: {  	_ =	shalt  }
0x85: {  	_ =	shalt  }
0x86: {  	_ =	shalt  }
0x87: {  	_ =	shalt  }
.Lfunc_end0:
.L_simem_size_0:
called_computation.1_lowered:
.L_overlay_start_0:
0x88: {  	s2 =	sld [smem:$0x3FD9]  }
0x89: {  	s3 =	sld [smem:$0x3FFE];
	_ =	sdelay $0x1  }
0x8a: {  	s1 =	srdreg.scid  }
0x8b: {  	s0 =	sand.u32 $0x1, s1  }
0x8c: {  	s17 =	sshll.u32 s0, $0xA;
	s2 =	sadd.s32 s3, s2  }
0x8d: {  	s2 =	sadd.s32 s2, s17  }
0x8e: {  	[smem:$0x3FC0] =	sst s2  }
0x8f: {  	_ = 	snop  }
0x90: {  	s2 =	sld [smem:$0x3FD0];
	(tm) =	ssettm $0x1  }
0x91: {  	s18 =	sld [smem:$0x3FFB];
	_ =	sdelay $0x3  }
0x92: {  	_ =	strace s18  }
0x93: {  	s3 =	sld [smem:$0x3FFC];
	_ =	sdelay $0x3  }
0x94: {  	_ =	strace s3  }
0x95: {  	s3 =	sld [smem:$0x3FFD];
	_ =	sdelay $0x3  }
0x96: {  	_ =	strace s3  }
0x97: {  	_ =	strace $0x8FFFFFFF  }
0x98: {  	s19 =	sld [smem:$0x3FDB];
	_ =	sdelay $0x1  }
0x99: {  	s4 =	simm.s32 $_scs_section_size  }
0x9a: {  	s5 =	simm.s32 $_size__tile_overlayer_lowered;
	s6 =	simm.s32 $_tile_overlayer_lowered  }
0x9b: {  	s22 =	simm.s32 $0x1BFF;
	s21 =	sshll.u32 s6, $0x1;
	s3 =	sadd.s32 s4, s19  }
0x9c: {  	s7 =	simm.s32 $0x0;
	s20 =	sshll.u32 s5, $0x1;
	s5 =	sadd.s32 s21, s3  }
0x9d: {  	[timem:s7], [sflag:s22] =	dma.local [hbm:s5], s20  }
0x9e: {  	_ =	swait.ge [sflag:s22], s20  }
0x9f: {  	s4 =	ssub.s32 $0x0, s20;
	[sflag:s22] =	ssyncset.done $0x0  }
0xa0: {  	[sflag:s22] =	ssyncadd.s32 s4;
	_ =	sdelay $0x1  }
0xa1: {  	s23 =	simm.s32 $0x1B8B  }
0xa2: {  	_ =	swait.ge [sflag:s23], $0x1  }
0xa3: {  	[sflag:s23] =	ssyncset.done $0x0  }
0xa4: {  	s25 =	simm.s32 $0x1B8E;
	s24 =	sld [smem:$0x3FFE];
	[sflag:s23] =	ssyncadd.s32 $0xFFFFFFFF  }
0xa5: {  	s26 =	simm.s32 $execute0_lowered;
	[smem:$0x3FD2] =	sst s25  }
0xa6: {  	s5 =	sshll.u32 s26, $0x1;
	_ =	strace $0x80000049;
	[dreg:$0x1] =	wrdreg $0xFFFFFFFF  }
0xa7: {  	s28 =	simm.s32 $_size_execute0_lowered;
	s3 =	sadd.s32 s3, s5;
	[dreg:$0x0] =	wrdreg $0x0  }
0xa8: {  	s5 =	sshll.u32 s28, $0x1;
	[dreg:$0x2] =	wrdreg s3  }
0xa9: {  	[dreg:$0x3] =	wrdreg s5  }
0xaa: {  	[dreg:$0x4] =	wrdreg $0xC0  }
0xab: {  	_ =	task [dreg:s7], $0x5FFFF  }
0xac: {  	[dreg:$0x1] =	wrdreg $0xFFFFFFFF  }
0xad: {  	[dreg:$0x0] =	wrdreg $0x60  }
0xae: {  	[dreg:$0x2] =	wrdreg s24  }
0xaf: {  	[dreg:$0x3] =	wrdreg s2  }
0xb0: {  	[dreg:$0x4] =	wrdreg $0xAA000  }
0xb1: {  	[dreg:$0x5] =	wrdreg $0x9  }
0xb2: {  	_ =	task.clear_ibuf [dreg:s7], $0x6FFFF;
	_ =	strace $0x90000049  }
0xb3: {  	s29 =	simm.s32 $0x9;
	_ =	strace $0x8000004B  }
0xb4: {  	_ =	swait.ge [sflag:s29], $0x1  }
0xb5: {  	[sflag:s29] =	ssyncadd.s32 $0xFFFFFFFF  }
0xb6: {  	_ =	strace $0x9000004B  }
0xb7: {  	_ =	sfence  }
0xb8: {  	s30 =	sld [smem:$0x0];
	_ =	sdelay $0x2  }
0xb9: {  	s31 =	sshll.u32 s1, $0xD;
	s1 =	sshrl.u32 s1, $0x2  }
0xba: {  	s3 =	sand.u32 $0x4000, s31;
	s1 =	sadd.s32 s1, s30  }
0xbb: {  	s0 =	sor.u32 s3, s0;
	s1 =	sshll.u32 s1, $0x11  }
0xbc: {  	s0 =	sor.u32 s1, s0  }
0xbd: {  	s0 =	sadd.s32 $0x8F2B, s0  }
0xbe: {  	[sflag:s0] =	ssyncadd.remote.s32 $0x1  }
0xbf: {  	_ =	sfence.sel $0xFFFF  }
0xc0: {  	[dreg:$0x0] =	wrdreg $0xFFFFFFFF;
	(pc) =	sbr.abs _section_cstart, $3  }
0xc1: {  	[dreg:$0x1] =	wrdreg $0xFFFFFFFF  }
0xc2: {  	_ =	task.clear_ibuf [dreg:s7], $0x2FFFF;
	_ =	strace $0x9FFFFFFF  }
0xc3: {  	(tm) =	ssettm $0x7FFFFFFF  }
tec
execute0_lowered:
.L_overlay_start_1:
0x0: {  	(tag) =	ssettag $0x1  }
0x1: {  	s0 =	srdreg.scid  }
0x2: {  	s7 =	rddreg [dreg:$0x0];
	s1 =	simm.s32 $0x0;
	s25 =	stileid.u32  }
0x3: {  	s31 =	simm.s32 $0x640;
	s28 =	simm.s32 $0x4600;
	s2 =	sand.u32 $0x1, s0  }
0x4: {  	s5 =	sshll.u32 s25, $0x3;
	s0 =	sshll.u32 s2, $0x4;
	s3 =	ssub.s32 $0x2, s2  }
0x5: {  	s10 =	smul.u32 $0x9C400, s2;
	s12 =	sor.u32 $0x1, s5;
	s14 =	sor.u32 $0x2, s5  }
0x6: {  	s15 =	sor.u32 $0x3, s5;
	s16 =	sor.u32 $0x4, s5;
	s2 =	smul.u32 $0x4E200, s2  }
0x7: {  	s17 =	sor.u32 $0x5, s5;
	s18 =	sor.u32 $0x6, s5;
	s5 =	smul.u32 $0x1400, s14  }
0x8: {  	s30 =	simm.s32 $0x5A00;
	s0 =	sor.u32 s25, s0;
	s19 =	smul.u32 $0x1400, s16  }
0x9: {  	s29 =	simm.s32 $0x16;
	s4 =	sshrl.u32 s3, $0x1;
	s9 =	smul.u32 $0x4E20, s0  }
0xa: {  	[smem:$0x7FF] =	sst s1;
	s0 =	ssub.s32 s3, s4;
	s3 =	smul.u32 $0xA000, s25  }
0xb: {  	s8 =	sadd.s32 $0x15400, s7;
	p2 =	seq.s32 s25, $0xF;
	s4 =	smul.u32 $0x1400, s12  }
0xc: {  	s20 =	smul.u32 $0x1400, s17;
	p0 =	sgt.u32 s18, $0x7C;
	s23 =	sadd.s32 s10, s5  }
0xd: {  	s21 =	sadd.s32 s10, s19;
	s22 =	sadd.s32 s3, s10;
	s11 =	sadd.s32 s10, s4  }
0xe: {  	s6 =	sshrl.u32 s22, $0x3;
	s11 =	sshrl.u32 s11, $0x3;
	s22 =	smul.u32 $0x1400, s18  }
0xf: {  	s26 =	sadd.s32 s10, s20;
	s6 =	sadd.s32 s8, s6;
	s11 =	sadd.s32 s8, s11  }
0x10: {  	[dreg:$0x5] =	wrdreg s11;
	s11 =	sshrl.u32 s23, $0x3;
	s23 =	sadd.s32 s10, s22  }
0x11: {  	[dreg:$0x4] =	wrdreg s6;
	s11 =	sadd.s32 s8, s11;
	s23 =	sshrl.u32 s23, $0x3  }
0x12: {  	s6 =	smul.u32 $0x1400, s15;
	[dreg:$0x6] =	wrdreg s11;
	s23 =	sadd.s32 s8, s23  }
0x13: {  	s0 =	smax.u32 s0, $0x1;
	s11 =	sshrl.u32 s21, $0x3;
	[dreg:$0xa] =	wrdreg s23  }
0x14: {  	s13 =	sadd.s32 s10, s6;
	s11 =	sadd.s32 s8, s11;
	s23 =	rddreg [dreg:$0x1]  }
0x15: {  	s21 =	sshllo.u32 s25, $0x3;
	s13 =	sshrl.u32 s13, $0x3;
	[dreg:$0x8] =	wrdreg s11  }
0x16: {  	p1 =	sgt.u32 s21, $0x7C;
	s24 =	sadd.s32 s8, s13;
	s11 =	rddreg [dreg:$0x2]  }
0x17: {  	s13 =	sshrl.u32 s26, $0x3;
	[dreg:$0x7] =	wrdreg s24;
	s24 =	smul.u32 $0x1400, s21  }
0x18: {  	s26 =	smul.u32 $0x4E20, s25;
	s13 =	sadd.s32 s8, s13;
	s3 =	sadd.s32 s3, s11  }
0x19: {  	s4 =	sadd.s32 s4, s11;
	s5 =	sadd.s32 s5, s11;
	s10 =	sadd.s32 s10, s24  }
0x1a: {  	s6 =	sadd.s32 s6, s11;
	[dreg:$0x9] =	wrdreg s13;
	s10 =	sshrl.u32 s10, $0x3  }
0x1b: {  	s2 =	sadd.s32 s26, s2;
	s8 =	sadd.s32 s8, s10;
	s10 =	smul.u32 $0x28000, s25  }
0x1c: {  	s13 =	sadd.s32 $0x1A00, s7;
	[dreg:$0xb] =	wrdreg s8;
	s8 =	smul.u32 $0x5000, s12  }
0x1d: {  	s3 =	sshrl.u32 s3, $0x3;
	s12 =	sshrl.u32 s9, $0x3;
	s9 =	smul.u32 $0x5000, s14  }
0x1e: {  	_ =	strace $0x8000004A;
	s14 =	sshrl.u32 s10, $0x2;
	s10 =	smul.u32 $0x5000, s15  }
0x1f: {  	s26 =	sadd.s32 s23, s12;
	s12 =	smul.u32 $0x5000, s16;
	[dreg:$0x15] =	wrdreg s0  }
0x20: {  	s4 =	sshrl.u32 s4, $0x3;
	s15 =	smul.u32 $0x5000, s17;
	[smem:$0x7E9] =	sst s3  }
0x21: {  	s5 =	sshrl.u32 s5, $0x3;
	s16 =	smul.u32 $0x5000, s18;
	[smem:$0x7EA] =	sst s4  }
0x22: {  	s6 =	sshrl.u32 s6, $0x3;
	s17 =	smul.u32 $0x5000, s21;
	[smem:$0x7EB] =	sst s5  }
0x23: {  	[smem:$0x7EC] =	sst s6;
	s5 =	simm.s32 $0xA00;
	s3 =	simm.s32 $0x0  }
0x24: {  	s7 =	sadd.s32 s14, s11;
	s8 =	sshrl.u32 s8, $0x2;
	[dreg:$0xc] =	wrdreg s26  }
0x25: {  	s14 =	sshrl.u32 s9, $0x2;
	s25 =	sadd.s32 $0xF0, s26;
	[dreg:$0xd] =	wrdreg s7  }
0x26: {  	s7 =	sadd.s32 s8, s11;
	s10 =	sshrl.u32 s10, $0x2;
	[smem:$0x7FC] =	sst s25  }
0x27: {  	s8 =	sshrl.u32 s12, $0x2;
	s9 =	sshrl.u32 s16, $0x2;
	[dreg:$0xe] =	wrdreg s7  }
0x28: {  	s7 =	sadd.s32 s14, s11;
	s18 =	sadd.s32 s10, s11;
	s21 =	sadd.s32 s8, s11  }
0x29: {  	s8 =	sshrl.u32 s15, $0x2;
	s10 =	sshrl.u32 s17, $0x2;
	[dreg:$0xf] =	wrdreg s7  }
0x2a: {  	s12 =	sadd.s32 s9, s11;
	s9 =	sadd.s32 s20, s11;
	[dreg:$0x10] =	wrdreg s18  }
0x2b: {  	s15 =	sadd.s32 $0x1220, s2;
	s17 =	sadd.s32 $0x1040, s2;
	[dreg:$0x11] =	wrdreg s21  }
0x2c: {  	s7 =	sadd.s32 s8, s11;
	[dreg:$0x13] =	wrdreg s12;
	s14 =	sadd.s32 s10, s11  }
0x2d: {  	s10 =	sadd.s32 s22, s11;
	s12 =	sadd.s32 s24, s11;
	s16 =	sshrl.u32 s15, $0x3  }
0x2e: {  	s18 =	sshrl.u32 s17, $0x3;
	s21 =	sadd.s32 $0xF00, s2;
	s24 =	sadd.s32 $0xFA0, s2  }
0x2f: {  	s15 =	sadd.s32 $0xDC0, s2;
	s17 =	sadd.s32 $0xE60, s2;
	[dreg:$0x12] =	wrdreg s7  }
0x30: {  	[dreg:$0x14] =	wrdreg s14;
	s7 =	sadd.s32 s19, s11;
	s0 =	sadd.s32 s16, s23  }
0x31: {  	s19 =	sadd.s32 $0x10E0, s2;
	s22 =	sshrl.u32 s21, $0x3;
	s14 =	sshrl.u32 s24, $0x3  }
0x32: {  	s16 =	sshrl.u32 s15, $0x3;
	s21 =	sadd.s32 $0xC80, s2;
	s24 =	sadd.s32 $0xBE0, s2  }
0x33: {  	[dreg:$0x16] =	wrdreg s0;
	s0 =	sadd.s32 s18, s23;
	s20 =	sshrl.u32 s19, $0x3  }
0x34: {  	s15 =	sadd.s32 $0xB40, s2;
	[dreg:$0x17] =	wrdreg s0;
	s0 =	sadd.s32 s20, s23  }
0x35: {  	[dreg:$0x18] =	wrdreg s0;
	s0 =	sadd.s32 s22, s23;
	s22 =	sshrl.u32 s21, $0x3  }
0x36: {  	s21 =	sadd.s32 $0x960, s2;
	[dreg:$0x19] =	wrdreg s0;
	s0 =	sadd.s32 s14, s23  }
0x37: {  	s8 =	sshrl.u32 s21, $0x3;
	s21 =	sadd.s32 $0xA0, s26;
	[dreg:$0x1a] =	wrdreg s0  }
0x38: {  	s18 =	sshrl.u32 s17, $0x3;
	s0 =	sadd.s32 s16, s23;
	[smem:$0x7F8] =	sst s21  }
0x39: {  	s14 =	sshrl.u32 s24, $0x3;
	s24 =	sadd.s32 s8, s23;
	[dreg:$0x1b] =	wrdreg s0  }
0x3a: {  	s19 =	sadd.s32 $0xD20, s2;
	s8 =	sshrl.u32 s7, $0x3;
	[smem:$0x7E7] =	sst s24  }
0x3b: {  	s16 =	sshrl.u32 s15, $0x3;
	s15 =	sadd.s32 $0x28, s26;
	[smem:$0x7ED] =	sst s8  }
0x3c: {  	s17 =	sadd.s32 $0xAA0, s2;
	s0 =	sadd.s32 s18, s23;
	[smem:$0x7F2] =	sst s15  }
0x3d: {  	s18 =	sshrl.u32 s17, $0x3;
	s17 =	sadd.s32 $0x50, s26;
	[dreg:$0x1c] =	wrdreg s0  }
0x3e: {  	s20 =	sshrl.u32 s19, $0x3;
	s24 =	sadd.s32 $0xDC, s26;
	[smem:$0x7F4] =	sst s17  }
0x3f: {  	s19 =	sadd.s32 $0x8C0, s2;
	s0 =	sadd.s32 s20, s23;
	[smem:$0x7FB] =	sst s24  }
0x40: {  	s20 =	sshrl.u32 s19, $0x3;
	s19 =	sadd.s32 $0x78, s26;
	[dreg:$0x1d] =	wrdreg s0  }
0x41: {  	s25 =	simm.s32 $0x3200;
	s0 =	sadd.s32 s22, s23;
	[smem:$0x7F6] =	sst s19  }
0x42: {  	s21 =	simm.s32 $0x12;
	s22 =	sadd.s32 $0xA00, s2;
	[dreg:$0x1e] =	wrdreg s0  }
0x43: {  	s15 =	simm.s32 $0x14;
	s0 =	sadd.s32 s14, s23;
	[smem:$0x7E5] =	sst s22  }
0x44: {  	s17 =	simm.s32 $0x6E0;
	s14 =	sadd.s32 $0x14, s26;
	[dreg:$0x1f] =	wrdreg s0  }
0x45: {  	s24 =	simm.s32 $0x6E00;
	s22 =	sadd.s32 $0xB4, s26;
	[smem:$0x7F1] =	sst s14  }
0x46: {  	s2 =	sadd.s32 $0x1180, s2;
	s0 =	sadd.s32 s16, s23;
	[smem:$0x7F9] =	sst s22  }
0x47: {  	s19 =	simm.s32 $0x11;
	s16 =	sadd.s32 $0x3C, s26;
	[smem:$0x7E3] =	sst s0  }
0x48: {  	s2 =	sshrl.u32 s2, $0x3;
	s0 =	sadd.s32 s18, s23;
	[smem:$0x7F3] =	sst s16  }
0x49: {  	s14 =	simm.s32 $0x500;
	s18 =	sadd.s32 $0x64, s26;
	[smem:$0x7E4] =	sst s0  }
0x4a: {  	s22 =	simm.s32 $0x500;
	s0 =	sadd.s32 s20, s23;
	[smem:$0x7F5] =	sst s18  }
0x4b: {  	s16 =	simm.s32 $0x50;
	s20 =	sadd.s32 $0x8C, s26;
	[smem:$0x7E6] =	sst s0  }
0x4c: {  	s18 =	simm.s32 $0x1E00;
	s0 =	sadd.s32 s2, s23;
	[smem:$0x7F7] =	sst s20  }
0x4d: {  	s23 =	sadd.s32 $0xC8, s26;
	s26 =	sadd.s32 $0x104, s26;
	[smem:$0x7E8] =	sst s0  }
.Ltmp0:
0x4e: {  	s20 =	simm.s32 $0x5A0;
	[smem:$0x7FA] =	sst s23;
	(pc) =	sbr.rel .LBB2_1-.Ltmp0, $4  }
0x4f: {  	s0 =	sshrl.u32 @!p2 s9, $0x3;
	[smem:$0x7FD] =	sst s26;
	s9 =	simm.s32 $0x460  }
0x50: {  	s26 =	simm.s32 $0x6E00;
	[smem:$0x7EE] =	sst s0;
	s0 =	sshrl.u32 @!p0 s10, $0x3  }
0x51: {  	s23 =	simm.s32 $0x13;
	[smem:$0x7EF] =	sst s0;
	s0 =	sshrl.u32 @!p1 s12, $0x3  }
0x52: {  	v0 =	vimm.f32 $0.0e+00;
	s10 =	simm.s32 $0x15;
	s12 =	simm.s32 $0x19;
	[smem:$0x7F0] =	sst s0  }
.LBB2_8:
0x53: {  	[bflag:$0x0] =	sbarrier.arrive $0xFFFF  }
0x54: {  	s0 =	stileid.u32;
	s3 =	sld [smem:$0x7E9]  }
0x55: {  	s0 =	sshll.u32 s0, $0x6  }
0x56: {  	s2 =	rddreg [dreg:$0x4];
	s0 =	sor.u32 $0x1C19, s0  }
0x57: {  	[hbm:s2], [sflag:s0] =	dma.local [spmem:s3], $0x280  }
0x58: {  	_ =	swait.ge [sflag:s12], $0x280  }
0x59: {  	s8 =	sld [smem:$0x7EA]  }
0x5a: {  	[sflag:s12] =	ssyncset.done $0x0  }
0x5b: {  	s7 =	rddreg [dreg:$0x5];
	[sflag:s12] =	ssyncadd.s32 $0xFFFFFD80  }
0x5c: {  	[hbm:s7], [sflag:s0] =	dma.local [spmem:s8], $0x280  }
0x5d: {  	_ =	swait.ge [sflag:s12], $0x280  }
0x5e: {  	s6 =	sld [smem:$0x7EB]  }
0x5f: {  	[sflag:s12] =	ssyncset.done $0x0  }
0x60: {  	s4 =	rddreg [dreg:$0x6];
	[sflag:s12] =	ssyncadd.s32 $0xFFFFFD80  }
0x61: {  	[hbm:s4], [sflag:s0] =	dma.local [spmem:s6], $0x280  }
0x62: {  	_ =	swait.ge [sflag:s12], $0x280  }
0x63: {  	s8 =	sld [smem:$0x7EC]  }
0x64: {  	[sflag:s12] =	ssyncset.done $0x0  }
0x65: {  	s7 =	rddreg [dreg:$0x7];
	[sflag:s12] =	ssyncadd.s32 $0xFFFFFD80  }
0x66: {  	[hbm:s7], [sflag:s0] =	dma.local [spmem:s8], $0x280  }
0x67: {  	_ =	swait.ge [sflag:s12], $0x280  }
0x68: {  	s6 =	sld [smem:$0x7ED]  }
0x69: {  	[sflag:s12] =	ssyncset.done $0x0  }
0x6a: {  	s4 =	rddreg [dreg:$0x8];
	[sflag:s12] =	ssyncadd.s32 $0xFFFFFD80  }
0x6b: {  	[hbm:s4], [sflag:s0] =	dma.local [spmem:s6], $0x280  }
0x6c: {  	_ =	swait.ge [sflag:s12], $0x280  }
0x6d: {  	s3 =	sld [smem:$0x7EE]  }
0x6e: {  	[sflag:s12] =	ssyncset.done $0x0  }
0x6f: {  	s2 =	rddreg [dreg:$0x9];
	[sflag:s12] =	ssyncadd.s32 $0xFFFFFD80  }
0x70: {  	[hbm:s2], [sflag:s0] =	dma.local @!p2 [spmem:s3], $0x280  }
0x71: {  	s2 =	simm.s32 @!p2 $0x19  }
0x72: {  	_ =	swait.ge @!p2 [sflag:s2], $0x280  }
0x73: {  	s3 =	sld [smem:$0x7EF]  }
0x74: {  	[sflag:s2] =	ssyncset.done @!p2 $0x0  }
0x75: {  	[sflag:s2] =	ssyncadd.s32 @!p2 $0xFFFFFD80;
	s2 =	rddreg [dreg:$0xa]  }
0x76: {  	[hbm:s2], [sflag:s0] =	dma.local @!p0 [spmem:s3], $0x280  }
0x77: {  	s2 =	simm.s32 @!p0 $0x19  }
0x78: {  	_ =	swait.ge @!p0 [sflag:s2], $0x280  }
0x79: {  	s3 =	sld [smem:$0x7F0]  }
0x7a: {  	[sflag:s2] =	ssyncset.done @!p0 $0x0  }
0x7b: {  	[sflag:s2] =	ssyncadd.s32 @!p0 $0xFFFFFD80;
	s2 =	rddreg [dreg:$0xb]  }
0x7c: {  	[hbm:s2], [sflag:s0] =	dma.local @!p1 [spmem:s3], $0x280  }
0x7d: {  	s0 =	simm.s32 @!p1 $0x19  }
0x7e: {  	_ =	swait.ge @!p1 [sflag:s0], $0x280  }
0x7f: {  	s7 =	sld [smem:$0x7E2];
	_ =	sdelay $0x2  }
0x80: {  	s8 =	rddreg [dreg:$0x15];
	s3 =	sadd.s32 $0x1, s7  }
0x81: {  	p3 =	sne.s32 s3, s8  }
.Ltmp1:
0x82: {  	_ = 	snop;
	(pc) =	sbr.rel @!p3 .LBB2_9-.Ltmp1, $3  }
0x83: {  	_ =	sdelay $0x1  }
0x84: {  	[sflag:s0] =	ssyncset.done @!p1 $0x0  }
0x85: {  	[sflag:s0] =	ssyncadd.s32 @!p1 $0xFFFFFD80  }
.LBB2_1:
0x86: {  	[smem:$0x7E2] =	sst s3  }
0x87: {  	s0 =	rddreg [dreg:$0xc]  }
0x88: {  	s6 =	sld [smem:$0x7F1]  }
0x89: {  	[tilespmem:s1], [sflag:$0x1] =	stream.linear.gather [hbm4b:s0+s1], $0xA0, $0x38;
	[tilespmem:$0x14640] =	vst v63  }
0x8a: {  	s2 =	simm.s32 $0xA0;
	s7 =	sld [smem:$0x7F2]  }
0x8b: {  	[tilespmem:s2], [sflag:$0x2] =	stream.linear.gather [hbm4b:s6+s1], $0xA0, $0x38;
	[tilespmem:$0x14640] =	vst v63  }
0x8c: {  	s8 =	simm.s32 $0x140;
	s2 =	sld [smem:$0x7F3]  }
0x8d: {  	[tilespmem:s8], [sflag:$0x3] =	stream.linear.gather [hbm4b:s7+s1], $0xA0, $0x38;
	[tilespmem:$0x14640] =	vst v63  }
0x8e: {  	s3 =	simm.s32 $0x1E0;
	s4 =	sld [smem:$0x7F4]  }
0x8f: {  	[tilespmem:s3], [sflag:$0x4] =	stream.linear.gather [hbm4b:s2+s1], $0xA0, $0x38;
	[tilespmem:$0x14640] =	vst v63  }
0x90: {  	s6 =	simm.s32 $0x280;
	s7 =	sld [smem:$0x7F5]  }
0x91: {  	[tilespmem:s6], [sflag:$0x5] =	stream.linear.gather [hbm4b:s4+s1], $0xA0, $0x38;
	[tilespmem:$0x14640] =	vst v63  }
0x92: {  	s8 =	simm.s32 $0x320;
	s3 =	sld [smem:$0x7F6]  }
0x93: {  	[tilespmem:s8], [sflag:$0x6] =	stream.linear.gather [hbm4b:s7+s1], $0xA0, $0x38;
	[tilespmem:$0x14640] =	vst v63  }
0x94: {  	s4 =	simm.s32 $0x3C0;
	s6 =	sld [smem:$0x7F7]  }
0x95: {  	[tilespmem:s4], [sflag:$0x7] =	stream.linear.gather [hbm4b:s3+s1], $0xA0, $0x38;
	[tilespmem:$0x14640] =	vst v63  }
0x96: {  	s7 =	sld [smem:$0x7F8]  }
0x97: {  	[tilespmem:s9], [sflag:$0x8] =	stream.linear.gather [hbm4b:s6+s1], $0xA0, $0x38;
	[tilespmem:$0x14640] =	vst v63  }
0x98: {  	s8 =	sld [smem:$0x7F9]  }
0x99: {  	[tilespmem:s14], [sflag:$0x9] =	stream.linear.gather [hbm4b:s7+s1], $0xA0, $0x38;
	[tilespmem:$0x14640] =	vst v63  }
0x9a: {  	s2 =	sld [smem:$0x7FA]  }
0x9b: {  	[tilespmem:s20], [sflag:$0xA] =	stream.linear.gather [hbm4b:s8+s1], $0xA0, $0x38;
	[tilespmem:$0x14640] =	vst v63  }
0x9c: {  	s3 =	sld [smem:$0x7FB]  }
0x9d: {  	[tilespmem:s31], [sflag:$0xB] =	stream.linear.gather [hbm4b:s2+s1], $0xA0, $0x38;
	[tilespmem:$0x14640] =	vst v63  }
0x9e: {  	s4 =	sld [smem:$0x7FC]  }
0x9f: {  	[tilespmem:s17], [sflag:$0xC] =	stream.linear.gather [hbm4b:s3+s1], $0xA0, $0x38;
	[tilespmem:$0x14640] =	vst v63  }
0xa0: {  	s6 =	simm.s32 $0x780;
	s7 =	sld [smem:$0x7FD]  }
0xa1: {  	[tilespmem:s6], [sflag:$0xD] =	stream.linear.gather [hbm4b:s4+s1], $0xA0, $0x38;
	[tilespmem:$0x14640] =	vst v63  }
0xa2: {  	s0 =	simm.s32 $0x0;
	s8 =	simm.s32 $0x820;
	s2 =	simm.s32 $0x100  }
0xa3: {  	[tilespmem:s8], [sflag:$0xE] =	stream.linear.gather [hbm4b:s7+s1], $0xA0, $0x38;
	[tilespmem:$0x14640] =	vst v63  }
.LBB2_2:
0xa4: {  	p3 =	sne.s32 s2, $0x4F00;
	[tilespmem:s0+$0xA30] =	vst v0;
	s3 =	smov.u32 s2;
	s2 =	sadd.s32 $0x100, s2  }
.Ltmp2:
0xa5: {  	[tilespmem:s0+$0xA20] =	vst v0;
	(pc) =	sbr.rel @p3 .LBB2_2-.Ltmp2, $3  }
0xa6: {  	[tilespmem:s0+$0xA00] =	vst v0  }
0xa7: {  	[tilespmem:s0+$0xA10] =	vst v0;
	_ =	sdelay $0x1  }
0xa8: {  	s0 =	sshra.s32 s3, $0x2  }
0xa9: {  	[tilespmem:s0+$0xA30] =	vst v0  }
0xaa: {  	[tilespmem:s0+$0xA20] =	vst v0  }
0xab: {  	[tilespmem:s0+$0xA00] =	vst v0  }
0xac: {  	[tilespmem:s0+$0xA10] =	vst v0;
	s7 =	rddreg [dreg:$0xd]  }
0xad: {  	[spmem:s7] =	stream.linear.scatter [tilespmem:s5], [sflag:$0x19], $0x1400, $0x38;
	[tilespmem:$0x14640] =	vst v63  }
0xae: {  	_ =	swait.ge [sflag:s12], $0x1400  }
0xaf: {  	[sflag:s12] =	ssyncset.done $0x0  }
0xb0: {  	s8 =	rddreg [dreg:$0xe];
	[sflag:s12] =	ssyncadd.s32 $0xFFFFEC00  }
0xb1: {  	[spmem:s8] =	stream.linear.scatter [tilespmem:s5], [sflag:$0x19], $0x1400, $0x38;
	[tilespmem:$0x14640] =	vst v63  }
0xb2: {  	_ =	swait.ge [sflag:s12], $0x1400  }
0xb3: {  	[sflag:s12] =	ssyncset.done $0x0  }
0xb4: {  	s2 =	rddreg [dreg:$0xf];
	[sflag:s12] =	ssyncadd.s32 $0xFFFFEC00  }
0xb5: {  	[spmem:s2] =	stream.linear.scatter [tilespmem:s5], [sflag:$0x19], $0x1400, $0x38;
	[tilespmem:$0x14640] =	vst v63  }
0xb6: {  	_ =	swait.ge [sflag:s12], $0x1400  }
0xb7: {  	[sflag:s12] =	ssyncset.done $0x0  }
0xb8: {  	s3 =	rddreg [dreg:$0x10];
	[sflag:s12] =	ssyncadd.s32 $0xFFFFEC00  }
0xb9: {  	[spmem:s3] =	stream.linear.scatter [tilespmem:s5], [sflag:$0x19], $0x1400, $0x38;
	[tilespmem:$0x14640] =	vst v63  }
0xba: {  	_ =	swait.ge [sflag:s12], $0x1400  }
0xbb: {  	[sflag:s12] =	ssyncset.done $0x0  }
0xbc: {  	s4 =	rddreg [dreg:$0x11];
	[sflag:s12] =	ssyncadd.s32 $0xFFFFEC00  }
0xbd: {  	[spmem:s4] =	stream.linear.scatter [tilespmem:s5], [sflag:$0x19], $0x1400, $0x38;
	[tilespmem:$0x14640] =	vst v63  }
0xbe: {  	_ =	swait.ge [sflag:s12], $0x1400  }
0xbf: {  	[sflag:s12] =	ssyncset.done $0x0  }
0xc0: {  	s0 =	simm.s32 @!p2 $0xA00;
	s2 =	rddreg [dreg:$0x12];
	[sflag:s12] =	ssyncadd.s32 $0xFFFFEC00  }
0xc1: {  	[spmem:s2] =	stream.linear.scatter @!p2 [tilespmem:s0], [sflag:$0x19], $0x1400, $0x38;
	[tilespmem:$0x14640] =	vst v63  }
0xc2: {  	s0 =	simm.s32 @!p2 $0x19  }
0xc3: {  	_ =	swait.ge @!p2 [sflag:s0], $0x1400  }
0xc4: {  	[sflag:s0] =	ssyncset.done @!p2 $0x0  }
0xc5: {  	s2 =	rddreg [dreg:$0x13];
	[sflag:s0] =	ssyncadd.s32 @!p2 $0xFFFFEC00;
	s0 =	simm.s32 @!p0 $0xA00  }
0xc6: {  	[spmem:s2] =	stream.linear.scatter @!p0 [tilespmem:s0], [sflag:$0x19], $0x1400, $0x38;
	[tilespmem:$0x14640] =	vst v63  }
0xc7: {  	s0 =	simm.s32 @!p0 $0x19  }
0xc8: {  	_ =	swait.ge @!p0 [sflag:s0], $0x1400  }
0xc9: {  	[sflag:s0] =	ssyncset.done @!p0 $0x0  }
0xca: {  	s2 =	rddreg [dreg:$0x14];
	[sflag:s0] =	ssyncadd.s32 @!p0 $0xFFFFEC00;
	s0 =	simm.s32 @!p1 $0xA00  }
0xcb: {  	[spmem:s2] =	stream.linear.scatter @!p1 [tilespmem:s0], [sflag:$0x19], $0x1400, $0x38;
	[tilespmem:$0x14640] =	vst v63  }
0xcc: {  	s0 =	simm.s32 @!p1 $0x19  }
0xcd: {  	_ =	swait.ge @!p1 [sflag:s0], $0x1400  }
0xce: {  	[sflag:s0] =	ssyncset.done @!p1 $0x0  }
0xcf: {  	[sflag:s0] =	ssyncadd.s32 @!p1 $0xFFFFEC00  }
0xd0: {  	s6 =	simm.s32 $0x1;
	[bflag:$0x0] =	sbarrier.arrive $0xFFFF  }
0xd1: {  	_ =	swait.ge [sflag:s6], $0xA0  }
0xd2: {  	[sflag:s6] =	ssyncset.done $0x0  }
0xd3: {  	s7 =	simm.s32 $0x2;
	s0 =	simm.s32 $0x0;
	[sflag:s6] =	ssyncadd.s32 $0xFFFFFF60  }
0xd4: {  	[tilespmem:s5], [sflag:$0x11] =	stream.indirect.gather [hbm4b:s13+s16], $0x40, s0, s16, $0xb8;
	[tilespmem:$0x14640] =	vst v63  }
0xd5: {  	_ =	swait.ge [sflag:s7], $0xA0  }
0xd6: {  	[sflag:s7] =	ssyncset.done $0x0  }
0xd7: {  	s8 =	simm.s32 $0xA0;
	s3 =	simm.s32 $0x3;
	[sflag:s7] =	ssyncadd.s32 $0xFFFFFF60  }
0xd8: {  	[tilespmem:s18], [sflag:$0x12] =	stream.indirect.gather [hbm4b:s13+s16], $0x40, s8, s16, $0xb8;
	[tilespmem:$0x14640] =	vst v63  }
0xd9: {  	_ =	swait.ge [sflag:s3], $0xA0  }
0xda: {  	[sflag:s3] =	ssyncset.done $0x0  }
0xdb: {  	s4 =	simm.s32 $0x140;
	s6 =	simm.s32 $0x4;
	[sflag:s3] =	ssyncadd.s32 $0xFFFFFF60  }
0xdc: {  	[tilespmem:s25], [sflag:$0x13] =	stream.indirect.gather [hbm4b:s13+s16], $0x40, s4, s16, $0xb8;
	[tilespmem:$0x14640] =	vst v63  }
0xdd: {  	_ =	swait.ge [sflag:s6], $0xA0  }
0xde: {  	[sflag:s6] =	ssyncset.done $0x0  }
0xdf: {  	s7 =	simm.s32 $0x1E0;
	s8 =	simm.s32 $0x5;
	[sflag:s6] =	ssyncadd.s32 $0xFFFFFF60  }
0xe0: {  	[tilespmem:s28], [sflag:$0x14] =	stream.indirect.gather [hbm4b:s13+s16], $0x40, s7, s16, $0xb8;
	[tilespmem:$0x14640] =	vst v63  }
0xe1: {  	_ =	swait.ge [sflag:s8], $0xA0  }
0xe2: {  	[sflag:s8] =	ssyncset.done $0x0  }
0xe3: {  	s3 =	simm.s32 $0x280;
	s4 =	simm.s32 $0x6;
	[sflag:s8] =	ssyncadd.s32 $0xFFFFFF60  }
0xe4: {  	[tilespmem:s30], [sflag:$0x15] =	stream.indirect.gather [hbm4b:s13+s16], $0x40, s3, s16, $0xb8;
	[tilespmem:$0x14640] =	vst v63  }
0xe5: {  	_ =	swait.ge [sflag:s4], $0xA0  }
0xe6: {  	[sflag:s4] =	ssyncset.done $0x0  }
0xe7: {  	s6 =	simm.s32 $0x320;
	s7 =	simm.s32 $0x7;
	[sflag:s4] =	ssyncadd.s32 $0xFFFFFF60  }
0xe8: {  	[tilespmem:s26], [sflag:$0x16] =	stream.indirect.gather [hbm4b:s13+s16], $0x40, s6, s16, $0xb8;
	[tilespmem:$0x14640] =	vst v63  }
.Ltmp3:
0xe9: {  	_ =	swait.ge [sflag:s7], $0xA0;
	(pc) =	sbr.rel .LBB2_4-.Ltmp3, $4  }
0xea: {  	[sflag:s7] =	ssyncset.done $0x0  }
0xeb: {  	s8 =	simm.s32 $0x3C0;
	s3 =	simm.s32 $0x8200;
	[sflag:s7] =	ssyncadd.s32 $0xFFFFFF60  }
0xec: {  	[tilespmem:s3], [sflag:$0x17] =	stream.indirect.gather [hbm4b:s13+s16], $0x40, s8, s16, $0xb8;
	[tilespmem:$0x14640] =	vst v63  }
0xed: {  	s2 =	simm.s32 $0xF;
	s4 =	simm.s32 $0x0;
	s3 =	sld [smem:$0x7E5]  }
.LBB2_6:
0xee: {  	_ =	swait.ge [sflag:s19], $0x1400  }
0xef: {  	[sflag:s19] =	ssyncset.done $0x0  }
0xf0: {  	s6 =	simm.s32 $0x550;
	[sflag:s19] =	ssyncadd.s32 $0xFFFFEC00  }
0xf1: {  	[spmem:s11] =	stream.indirect.scatter.add.f32 [tilespmem:s5], [sflag:$0x19], $0x40, s6, s16, $0xb8;
	[tilespmem:$0x14640] =	vst v63  }
0xf2: {  	_ =	swait.ge [sflag:s12], $0x1400  }
0xf3: {  	[sflag:s12] =	ssyncset.done $0x0  }
0xf4: {  	[sflag:s12] =	ssyncadd.s32 $0xFFFFEC00  }
0xf5: {  	_ =	swait.ge [sflag:s21], $0x1400  }
0xf6: {  	[sflag:s21] =	ssyncset.done $0x0  }
0xf7: {  	s14 =	simm.s32 $0x5F0;
	[sflag:s21] =	ssyncadd.s32 $0xFFFFEC00  }
0xf8: {  	[spmem:s11] =	stream.indirect.scatter.add.f32 [tilespmem:s18], [sflag:$0x19], $0x40, s14, s16, $0xb8;
	[tilespmem:$0x14640] =	vst v63  }
0xf9: {  	_ =	swait.ge [sflag:s12], $0x1400  }
0xfa: {  	[sflag:s12] =	ssyncset.done $0x0  }
0xfb: {  	[sflag:s12] =	ssyncadd.s32 $0xFFFFEC00  }
0xfc: {  	_ =	swait.ge [sflag:s23], $0x1400  }
0xfd: {  	[sflag:s23] =	ssyncset.done $0x0  }
0xfe: {  	s17 =	simm.s32 $0x690;
	[sflag:s23] =	ssyncadd.s32 $0xFFFFEC00  }
0xff: {  	[spmem:s11] =	stream.indirect.scatter.add.f32 [tilespmem:s25], [sflag:$0x19], $0x40, s17, s16, $0xb8;
	[tilespmem:$0x14640] =	vst v63  }
0x100: {  	_ =	swait.ge [sflag:s12], $0x1400  }
0x101: {  	[sflag:s12] =	ssyncset.done $0x0  }
0x102: {  	[sflag:s12] =	ssyncadd.s32 $0xFFFFEC00  }
0x103: {  	_ =	swait.ge [sflag:s15], $0x1400  }
0x104: {  	[sflag:s15] =	ssyncset.done $0x0  }
0x105: {  	s20 =	simm.s32 $0x730;
	[sflag:s15] =	ssyncadd.s32 $0xFFFFEC00  }
0x106: {  	[spmem:s11] =	stream.indirect.scatter.add.f32 [tilespmem:s28], [sflag:$0x19], $0x40, s20, s16, $0xb8;
	[tilespmem:$0x14640] =	vst v63  }
0x107: {  	_ =	swait.ge [sflag:s12], $0x1400  }
0x108: {  	[sflag:s12] =	ssyncset.done $0x0  }
0x109: {  	[sflag:s12] =	ssyncadd.s32 $0xFFFFEC00  }
0x10a: {  	_ =	swait.ge [sflag:s10], $0x1400  }
0x10b: {  	[sflag:s10] =	ssyncset.done $0x0  }
0x10c: {  	s26 =	simm.s32 $0x7D0;
	[sflag:s10] =	ssyncadd.s32 $0xFFFFEC00  }
0x10d: {  	[spmem:s11] =	stream.indirect.scatter.add.f32 [tilespmem:s30], [sflag:$0x19], $0x40, s26, s16, $0xb8;
	[tilespmem:$0x14640] =	vst v63  }
0x10e: {  	s9 =	simm.s32 $0x460;
	_ =	swait.ge [sflag:s12], $0x1400  }
0x10f: {  	s31 =	simm.s32 $0x640;
	s14 =	simm.s32 $0x500;
	[sflag:s12] =	ssyncset.done $0x0  }
0x110: {  	s17 =	simm.s32 $0x6E0;
	s20 =	simm.s32 $0x5A0;
	[sflag:s12] =	ssyncadd.s32 $0xFFFFEC00  }
.LBB2_7:
0x111: {  	s6 =	simm.s32 @!p3 $0x6  }
0x112: {  	_ =	swait.ge @!p3 [sflag:s6], $0xA0  }
0x113: {  	s7 =	simm.s32 @!p3 $0x320;
	[sflag:s6] =	ssyncset.done @!p3 $0x0  }
0x114: {  	s8 =	simm.s32 @!p3 $0x6E00;
	[sflag:s6] =	ssyncadd.s32 @!p3 $0xFFFFFF60;
	s6 =	simm.s32 @!p3 $0x50  }
0x115: {  	[tilespmem:s8], [sflag:$0x16] =	stream.indirect.gather @!p3 [hbm4b:s13+s6], $0x40, s7, s6, $0xb8;
	[tilespmem:$0x14640] =	vst v63  }
0x116: {  	s7 =	simm.s32 @!p3 $0x17  }
0x117: {  	_ =	swait.ge @!p3 [sflag:s7], $0x1400  }
0x118: {  	[sflag:s7] =	ssyncset.done @!p3 $0x0  }
0x119: {  	s8 =	simm.s32 @!p3 $0x8200;
	[sflag:s7] =	ssyncadd.s32 @!p3 $0xFFFFEC00;
	s7 =	simm.s32 @!p3 $0x910  }
0x11a: {  	[spmem:s11] =	stream.indirect.scatter.add.f32 @!p3 [tilespmem:s8], [sflag:$0x19], $0x40, s7, s6, $0xb8;
	[tilespmem:$0x14640] =	vst v63  }
0x11b: {  	s6 =	simm.s32 @!p3 $0x19  }
0x11c: {  	_ =	swait.ge @!p3 [sflag:s6], $0x1400  }
0x11d: {  	[sflag:s6] =	ssyncset.done @!p3 $0x0  }
0x11e: {  	[sflag:s6] =	ssyncadd.s32 @!p3 $0xFFFFEC00;
	s6 =	sld [smem:$0x7E8];
	_ =	sdelay $0x2  }
0x11f: {  	s7 =	simm.s32 @!p3 $0x0;
	s8 =	simm.s32 @!p3 $0x780;
	s6 =	sadd.s32 @!p3 s0, s6  }
0x120: {  	[tilespmem:s8], [sflag:$0xD] =	stream.linear.gather @!p3 [hbm4b:s6+s7], $0xA0, $0x38;
	[tilespmem:$0x14640] =	vst v63  }
0x121: {  	p3 =	sgt.u32 s4, $0x6  }
0x122: {  	s6 =	simm.s32 @!p3 $0x7  }
0x123: {  	_ =	swait.ge @!p3 [sflag:s6], $0xA0  }
0x124: {  	s7 =	simm.s32 @!p3 $0x3C0;
	[sflag:s6] =	ssyncset.done @!p3 $0x0  }
0x125: {  	s8 =	simm.s32 @!p3 $0x8200;
	[sflag:s6] =	ssyncadd.s32 @!p3 $0xFFFFFF60;
	s6 =	simm.s32 @!p3 $0x50  }
0x126: {  	[tilespmem:s8], [sflag:$0x17] =	stream.indirect.gather @!p3 [hbm4b:s13+s6], $0x40, s7, s6, $0xb8;
	[tilespmem:$0x14640] =	vst v63  }
0x127: {  	s7 =	simm.s32 @!p3 $0x18  }
0x128: {  	_ =	swait.ge @!p3 [sflag:s7], $0x1400  }
0x129: {  	[sflag:s7] =	ssyncset.done @!p3 $0x0  }
0x12a: {  	s8 =	simm.s32 @!p3 $0x9600;
	[sflag:s7] =	ssyncadd.s32 @!p3 $0xFFFFEC00;
	s7 =	simm.s32 @!p3 $0x9B0  }
0x12b: {  	[spmem:s11] =	stream.indirect.scatter.add.f32 @!p3 [tilespmem:s8], [sflag:$0x19], $0x40, s7, s6, $0xb8;
	[tilespmem:$0x14640] =	vst v63  }
0x12c: {  	s6 =	simm.s32 @!p3 $0x19  }
0x12d: {  	_ =	swait.ge @!p3 [sflag:s6], $0x1400  }
0x12e: {  	p4 =	seq.s32 @!p3 s0, $0x780;
	[sflag:s6] =	ssyncset.done @!p3 $0x0  }
0x12f: {  	[sflag:s6] =	ssyncadd.s32 @!p3 $0xFFFFEC00;
	p3 =	por p4, p3;
	s6 =	rddreg [dreg:$0x16]  }
0x130: {  	s6 =	sadd.s32 @!p3 s0, s6  }
0x131: {  	s7 =	simm.s32 @!p3 $0x0;
	s8 =	simm.s32 @!p3 $0x820;
	s0 =	sadd.s32 $0x140, s0  }
0x132: {  	[tilespmem:s8], [sflag:$0xE] =	stream.linear.gather @!p3 [hbm4b:s6+s7], $0xA0, $0x38;
	[tilespmem:$0x14640] =	vst v63  }
0x133: {  	p3 =	sne.s32 s0, $0xA00  }
.Ltmp4:
0x134: {  	_ = 	snop;
	(pc) =	sbr.rel @!p3 .LBB2_8-.Ltmp4, $3  }
0x135: {  	_ =	sdelay $0x1  }
0x136: {  	s3 =	sadd.s32 $0xA00, s3  }
0x137: {  	s2 =	sadd.s32 $0x10, s2;
	s26 =	simm.s32 $0x6E00;
	s4 =	sadd.s32 $0x1, s4  }
.LBB2_4:
0x138: {  	s6 =	simm.s32 $0x8  }
0x139: {  	_ =	swait.ge [sflag:s6], $0xA0  }
0x13a: {  	[sflag:s6] =	ssyncset.done $0x0  }
0x13b: {  	s8 =	simm.s32 $0x9600;
	[sflag:s6] =	ssyncadd.s32 $0xFFFFFF60  }
0x13c: {  	[tilespmem:s8], [sflag:$0x18] =	stream.indirect.gather [hbm4b:s13+s16], $0x40, s9, s16, $0xb8;
	[tilespmem:$0x14640] =	vst v63  }
0x13d: {  	_ =	swait.ge [sflag:s19], $0x1400  }
0x13e: {  	[sflag:s19] =	ssyncset.done $0x0  }
0x13f: {  	[sflag:s19] =	ssyncadd.s32 $0xFFFFEC00  }
0x140: {  	[spmem:s11] =	stream.indirect.scatter.add.f32 [tilespmem:s5], [sflag:$0x19], $0x40, s16, s16, $0xb8;
	[tilespmem:$0x14640] =	vst v63  }
0x141: {  	_ =	swait.ge [sflag:s12], $0x1400  }
0x142: {  	s7 =	sadd.s32 $0xFFFFFFFF, s2;
	s6 =	sld [smem:$0x7E6]  }
0x143: {  	p3 =	sgt.u32 s7, $0x7C  }
0x144: {  	s8 =	simm.s32 @!p3 $0x0;
	[sflag:s12] =	ssyncset.done $0x0  }
0x145: {  	[sflag:s12] =	ssyncadd.s32 $0xFFFFEC00;
	s7 =	sadd.s32 @!p3 s0, s6;
	s6 =	simm.s32 @!p3 $0x8C0  }
0x146: {  	[tilespmem:s6], [sflag:$0xF] =	stream.linear.gather @!p3 [hbm4b:s7+s8], $0xA0, $0x38;
	[tilespmem:$0x14640] =	vst v63  }
0x147: {  	s8 =	simm.s32 $0x9  }
0x148: {  	_ =	swait.ge [sflag:s8], $0xA0  }
0x149: {  	[sflag:s8] =	ssyncset.done $0x0  }
0x14a: {  	[sflag:s8] =	ssyncadd.s32 $0xFFFFFF60  }
0x14b: {  	[tilespmem:s5], [sflag:$0x11] =	stream.indirect.gather [hbm4b:s13+s16], $0x40, s14, s16, $0xb8;
	[tilespmem:$0x14640] =	vst v63  }
0x14c: {  	_ =	swait.ge [sflag:s21], $0x1400  }
0x14d: {  	[sflag:s21] =	ssyncset.done $0x0  }
0x14e: {  	s9 =	simm.s32 $0xF0;
	[sflag:s21] =	ssyncadd.s32 $0xFFFFEC00  }
0x14f: {  	[spmem:s11] =	stream.indirect.scatter.add.f32 [tilespmem:s18], [sflag:$0x19], $0x40, s9, s16, $0xb8;
	[tilespmem:$0x14640] =	vst v63  }
0x150: {  	_ =	swait.ge [sflag:s12], $0x1400  }
0x151: {  	s7 =	sld [smem:$0x7E7]  }
0x152: {  	p4 =	sgt.u32 s2, $0x7C  }
0x153: {  	s8 =	simm.s32 @!p4 $0x0;
	[sflag:s12] =	ssyncset.done $0x0  }
0x154: {  	s14 =	simm.s32 @!p4 $0x960;
	[sflag:s12] =	ssyncadd.s32 $0xFFFFEC00;
	s7 =	sadd.s32 @!p4 s0, s7  }
0x155: {  	[tilespmem:s14], [sflag:$0x10] =	stream.linear.gather @!p4 [hbm4b:s7+s8], $0xA0, $0x38;
	[tilespmem:$0x14640] =	vst v63  }
0x156: {  	s14 =	simm.s32 $0xA  }
0x157: {  	_ =	swait.ge [sflag:s14], $0xA0  }
0x158: {  	[sflag:s14] =	ssyncset.done $0x0  }
0x159: {  	[sflag:s14] =	ssyncadd.s32 $0xFFFFFF60  }
0x15a: {  	[tilespmem:s18], [sflag:$0x12] =	stream.indirect.gather [hbm4b:s13+s16], $0x40, s20, s16, $0xb8;
	[tilespmem:$0x14640] =	vst v63  }
0x15b: {  	_ =	swait.ge [sflag:s23], $0x1400  }
0x15c: {  	[sflag:s23] =	ssyncset.done $0x0  }
0x15d: {  	s8 =	simm.s32 $0x190;
	[sflag:s23] =	ssyncadd.s32 $0xFFFFEC00  }
0x15e: {  	[spmem:s11] =	stream.indirect.scatter.add.f32 [tilespmem:s25], [sflag:$0x19], $0x40, s8, s16, $0xb8;
	[tilespmem:$0x14640] =	vst v63  }
0x15f: {  	_ =	swait.ge [sflag:s12], $0x1400  }
0x160: {  	[sflag:s12] =	ssyncset.done $0x0  }
0x161: {  	p4 =	seq.s32 s0, $0x8C0;
	[sflag:s12] =	ssyncadd.s32 $0xFFFFEC00  }
0x162: {  	s7 =	sshrl.u32 @!p4 s3, $0x3;
	s8 =	rddreg [dreg:$0x1]  }
0x163: {  	s9 =	simm.s32 $0xB;
	s8 =	sadd.s32 @!p4 s8, s7;
	s7 =	simm.s32 @!p4 $0x0  }
0x164: {  	[tilespmem:s7], [sflag:$0x1] =	stream.linear.gather @!p4 [hbm4b:s8+s7], $0xA0, $0x38;
	[tilespmem:$0x14640] =	vst v63  }
0x165: {  	_ =	swait.ge [sflag:s9], $0xA0  }
0x166: {  	[sflag:s9] =	ssyncset.done $0x0  }
0x167: {  	[sflag:s9] =	ssyncadd.s32 $0xFFFFFF60  }
0x168: {  	[tilespmem:s25], [sflag:$0x13] =	stream.indirect.gather [hbm4b:s13+s16], $0x40, s31, s16, $0xb8;
	[tilespmem:$0x14640] =	vst v63  }
0x169: {  	_ =	swait.ge [sflag:s15], $0x1400  }
0x16a: {  	[sflag:s15] =	ssyncset.done $0x0  }
0x16b: {  	s14 =	simm.s32 $0x230;
	[sflag:s15] =	ssyncadd.s32 $0xFFFFEC00  }
0x16c: {  	[spmem:s11] =	stream.indirect.scatter.add.f32 [tilespmem:s28], [sflag:$0x19], $0x40, s14, s16, $0xb8;
	[tilespmem:$0x14640] =	vst v63  }
0x16d: {  	_ =	swait.ge [sflag:s12], $0x1400  }
0x16e: {  	s8 =	sld [smem:$0x7E4];
	_ =	sdelay $0x1  }
0x16f: {  	s20 =	simm.s32 $0xC;
	[sflag:s12] =	ssyncset.done $0x0  }
0x170: {  	s14 =	simm.s32 @!p4 $0xA0;
	[sflag:s12] =	ssyncadd.s32 $0xFFFFEC00;
	s8 =	sadd.s32 @!p4 s0, s8  }
0x171: {  	[tilespmem:s14], [sflag:$0x2] =	stream.linear.gather @!p4 [hbm4b:s8+s7], $0xA0, $0x38;
	[tilespmem:$0x14640] =	vst v63  }
0x172: {  	_ =	swait.ge [sflag:s20], $0xA0  }
0x173: {  	[sflag:s20] =	ssyncset.done $0x0  }
0x174: {  	[sflag:s20] =	ssyncadd.s32 $0xFFFFFF60  }
0x175: {  	[tilespmem:s28], [sflag:$0x14] =	stream.indirect.gather [hbm4b:s13+s16], $0x40, s17, s16, $0xb8;
	[tilespmem:$0x14640] =	vst v63  }
0x176: {  	_ =	swait.ge [sflag:s10], $0x1400  }
0x177: {  	[sflag:s10] =	ssyncset.done $0x0  }
0x178: {  	s9 =	simm.s32 $0x2D0;
	[sflag:s10] =	ssyncadd.s32 $0xFFFFEC00  }
0x179: {  	[spmem:s11] =	stream.indirect.scatter.add.f32 [tilespmem:s30], [sflag:$0x19], $0x40, s9, s16, $0xb8;
	[tilespmem:$0x14640] =	vst v63  }
0x17a: {  	_ =	swait.ge [sflag:s12], $0x1400  }
0x17b: {  	s8 =	sld [smem:$0x7E3];
	_ =	sdelay $0x1  }
0x17c: {  	[sflag:s12] =	ssyncset.done $0x0  }
0x17d: {  	s14 =	simm.s32 @!p4 $0x140;
	[sflag:s12] =	ssyncadd.s32 $0xFFFFEC00;
	s8 =	sadd.s32 @!p4 s0, s8  }
0x17e: {  	[tilespmem:s14], [sflag:$0x3] =	stream.linear.gather @!p4 [hbm4b:s8+s7], $0xA0, $0x38;
	[tilespmem:$0x14640] =	vst v63  }
0x17f: {  	s14 =	simm.s32 $0xD  }
0x180: {  	_ =	swait.ge [sflag:s14], $0xA0  }
0x181: {  	[sflag:s14] =	ssyncset.done $0x0  }
0x182: {  	s17 =	simm.s32 $0x780;
	[sflag:s14] =	ssyncadd.s32 $0xFFFFFF60  }
0x183: {  	[tilespmem:s30], [sflag:$0x15] =	stream.indirect.gather [hbm4b:s13+s16], $0x40, s17, s16, $0xb8;
	[tilespmem:$0x14640] =	vst v63  }
0x184: {  	_ =	swait.ge [sflag:s29], $0x1400  }
0x185: {  	[sflag:s29] =	ssyncset.done $0x0  }
0x186: {  	s20 =	simm.s32 $0x370;
	[sflag:s29] =	ssyncadd.s32 $0xFFFFEC00  }
0x187: {  	[spmem:s11] =	stream.indirect.scatter.add.f32 [tilespmem:s26], [sflag:$0x19], $0x40, s20, s16, $0xb8;
	[tilespmem:$0x14640] =	vst v63  }
0x188: {  	_ =	swait.ge [sflag:s12], $0x1400  }
0x189: {  	[sflag:s12] =	ssyncset.done $0x0  }
0x18a: {  	s8 =	simm.s32 @p4 $0x17;
	[sflag:s12] =	ssyncadd.s32 $0xFFFFEC00  }
0x18b: {  	_ =	swait.ge @p4 [sflag:s8], $0x1400  }
0x18c: {  	s9 =	simm.s32 @p4 $0x8200;
	[sflag:s8] =	ssyncset.done @p4 $0x0  }
0x18d: {  	s14 =	simm.s32 @p4 $0x410;
	[sflag:s8] =	ssyncadd.s32 @p4 $0xFFFFEC00;
	s8 =	simm.s32 @p4 $0x50  }
0x18e: {  	[spmem:s11] =	stream.indirect.scatter.add.f32 @p4 [tilespmem:s9], [sflag:$0x19], $0x40, s14, s8, $0xb8;
	[tilespmem:$0x14640] =	vst v63  }
0x18f: {  	s8 =	simm.s32 @p4 $0x19  }
0x190: {  	_ =	swait.ge @p4 [sflag:s8], $0x1400  }
0x191: {  	[sflag:s8] =	ssyncset.done @p4 $0x0  }
0x192: {  	[sflag:s8] =	ssyncadd.s32 @p4 $0xFFFFEC00;
	s8 =	rddreg [dreg:$0x1f]  }
0x193: {  	s9 =	simm.s32 @!p4 $0x1E0;
	s8 =	sadd.s32 @!p4 s0, s8  }
0x194: {  	[tilespmem:s9], [sflag:$0x4] =	stream.linear.gather @!p4 [hbm4b:s8+s7], $0xA0, $0x38;
	[tilespmem:$0x14640] =	vst v63  }
0x195: {  	s8 =	simm.s32 @!p4 $0xE  }
0x196: {  	_ =	swait.ge @!p4 [sflag:s8], $0xA0  }
0x197: {  	s14 =	simm.s32 @!p4 $0x6E00;
	[sflag:s8] =	ssyncset.done @!p4 $0x0  }
0x198: {  	s9 =	simm.s32 @!p4 $0x820;
	[sflag:s8] =	ssyncadd.s32 @!p4 $0xFFFFFF60;
	s8 =	simm.s32 @!p4 $0x50  }
0x199: {  	[tilespmem:s14], [sflag:$0x16] =	stream.indirect.gather @!p4 [hbm4b:s13+s8], $0x40, s9, s8, $0xb8;
	[tilespmem:$0x14640] =	vst v63  }
0x19a: {  	s9 =	simm.s32 @!p4 $0x17  }
0x19b: {  	_ =	swait.ge @!p4 [sflag:s9], $0x1400  }
0x19c: {  	[sflag:s9] =	ssyncset.done @!p4 $0x0  }
0x19d: {  	s14 =	simm.s32 @!p4 $0x8200;
	[sflag:s9] =	ssyncadd.s32 @!p4 $0xFFFFEC00;
	s9 =	simm.s32 @!p4 $0x410  }
0x19e: {  	[spmem:s11] =	stream.indirect.scatter.add.f32 @!p4 [tilespmem:s14], [sflag:$0x19], $0x40, s9, s8, $0xb8;
	[tilespmem:$0x14640] =	vst v63  }
0x19f: {  	s8 =	simm.s32 @!p4 $0x19  }
0x1a0: {  	_ =	swait.ge @!p4 [sflag:s8], $0x1400  }
0x1a1: {  	[sflag:s8] =	ssyncset.done @!p4 $0x0  }
0x1a2: {  	[sflag:s8] =	ssyncadd.s32 @!p4 $0xFFFFEC00;
	s8 =	rddreg [dreg:$0x1e]  }
0x1a3: {  	s9 =	simm.s32 @!p4 $0x280;
	s8 =	sadd.s32 @!p4 s0, s8  }
0x1a4: {  	[tilespmem:s9], [sflag:$0x5] =	stream.linear.gather @!p4 [hbm4b:s8+s7], $0xA0, $0x38;
	[tilespmem:$0x14640] =	vst v63  }
0x1a5: {  	s7 =	simm.s32 @!p3 $0xF  }
0x1a6: {  	_ =	swait.ge @!p3 [sflag:s7], $0xA0  }
0x1a7: {  	[sflag:s7] =	ssyncset.done @!p3 $0x0  }
0x1a8: {  	s8 =	simm.s32 @!p3 $0x8200;
	[sflag:s7] =	ssyncadd.s32 @!p3 $0xFFFFFF60;
	s7 =	simm.s32 @!p3 $0x50  }
0x1a9: {  	[tilespmem:s8], [sflag:$0x17] =	stream.indirect.gather @!p3 [hbm4b:s13+s7], $0x40, s6, s7, $0xb8;
	[tilespmem:$0x14640] =	vst v63  }
0x1aa: {  	s8 =	simm.s32 $0x18  }
0x1ab: {  	_ =	swait.ge [sflag:s8], $0x1400  }
0x1ac: {  	s14 =	simm.s32 $0x4B0;
	[sflag:s8] =	ssyncset.done $0x0  }
.Ltmp5:
0x1ad: {  	s9 =	simm.s32 $0x9600;
	[sflag:s8] =	ssyncadd.s32 $0xFFFFEC00;
	(pc) =	sbr.rel @p4 .LBB2_6-.Ltmp5, $4  }
0x1ae: {  	[spmem:s11] =	stream.indirect.scatter.add.f32 [tilespmem:s9], [sflag:$0x19], $0x40, s14, s16, $0xb8;
	[tilespmem:$0x14640] =	vst v63  }
0x1af: {  	_ =	swait.ge [sflag:s12], $0x1400  }
0x1b0: {  	s31 =	simm.s32 $0x5A0;
	s17 =	simm.s32 $0x640;
	[sflag:s12] =	ssyncset.done $0x0  }
0x1b1: {  	s26 =	simm.s32 $0x6E0;
	s20 =	simm.s32 $0x460;
	[sflag:s12] =	ssyncadd.s32 $0xFFFFEC00  }
0x1b2: {  	s6 =	rddreg [dreg:$0x1d]  }
0x1b3: {  	s7 =	simm.s32 $0x320;
	s14 =	simm.s32 $0x10;
	s6 =	sadd.s32 s0, s6  }
0x1b4: {  	[tilespmem:s7], [sflag:$0x6] =	stream.linear.gather [hbm4b:s6+s1], $0xA0, $0x38;
	[tilespmem:$0x14640] =	vst v63  }
0x1b5: {  	_ =	swait.ge [sflag:s14], $0xA0  }
0x1b6: {  	[sflag:s14] =	ssyncset.done $0x0  }
0x1b7: {  	s7 =	simm.s32 $0x960;
	[sflag:s14] =	ssyncadd.s32 $0xFFFFFF60  }
0x1b8: {  	[tilespmem:s9], [sflag:$0x18] =	stream.indirect.gather [hbm4b:s13+s16], $0x40, s7, s16, $0xb8;
	[tilespmem:$0x14640] =	vst v63  }
0x1b9: {  	_ =	swait.ge [sflag:s19], $0x1400  }
0x1ba: {  	[sflag:s19] =	ssyncset.done $0x0  }
0x1bb: {  	s8 =	simm.s32 $0x550;
	[sflag:s19] =	ssyncadd.s32 $0xFFFFEC00  }
0x1bc: {  	[spmem:s11] =	stream.indirect.scatter.add.f32 [tilespmem:s5], [sflag:$0x19], $0x40, s8, s16, $0xb8;
	[tilespmem:$0x14640] =	vst v63  }
0x1bd: {  	_ =	swait.ge [sflag:s12], $0x1400  }
0x1be: {  	s14 =	simm.s32 $0x3C0;
	[sflag:s12] =	ssyncset.done $0x0;
	s9 =	rddreg [dreg:$0x1b]  }
0x1bf: {  	s8 =	simm.s32 $0x1;
	[sflag:s12] =	ssyncadd.s32 $0xFFFFEC00;
	s6 =	sadd.s32 s0, s9  }
0x1c0: {  	[tilespmem:s14], [sflag:$0x7] =	stream.linear.gather [hbm4b:s6+s1], $0xA0, $0x38;
	[tilespmem:$0x14640] =	vst v63  }
0x1c1: {  	_ =	swait.ge [sflag:s8], $0xA0  }
0x1c2: {  	[sflag:s8] =	ssyncset.done $0x0  }
0x1c3: {  	[sflag:s8] =	ssyncadd.s32 $0xFFFFFF60  }
0x1c4: {  	[tilespmem:s5], [sflag:$0x11] =	stream.indirect.gather [hbm4b:s13+s16], $0x40, s1, s16, $0xb8;
	[tilespmem:$0x14640] =	vst v63  }
0x1c5: {  	_ =	swait.ge [sflag:s21], $0x1400  }
0x1c6: {  	[sflag:s21] =	ssyncset.done $0x0  }
0x1c7: {  	s9 =	simm.s32 $0x5F0;
	[sflag:s21] =	ssyncadd.s32 $0xFFFFEC00  }
0x1c8: {  	[spmem:s11] =	stream.indirect.scatter.add.f32 [tilespmem:s18], [sflag:$0x19], $0x40, s9, s16, $0xb8;
	[tilespmem:$0x14640] =	vst v63  }
0x1c9: {  	_ =	swait.ge [sflag:s12], $0x1400  }
0x1ca: {  	[sflag:s12] =	ssyncset.done $0x0;
	s14 =	rddreg [dreg:$0x1c]  }
0x1cb: {  	s7 =	simm.s32 $0x2;
	[sflag:s12] =	ssyncadd.s32 $0xFFFFEC00;
	s6 =	sadd.s32 s0, s14  }
0x1cc: {  	[tilespmem:s20], [sflag:$0x8] =	stream.linear.gather [hbm4b:s6+s1], $0xA0, $0x38;
	[tilespmem:$0x14640] =	vst v63  }
0x1cd: {  	_ =	swait.ge [sflag:s7], $0xA0  }
0x1ce: {  	[sflag:s7] =	ssyncset.done $0x0  }
0x1cf: {  	s8 =	simm.s32 $0xA0;
	[sflag:s7] =	ssyncadd.s32 $0xFFFFFF60  }
0x1d0: {  	[tilespmem:s18], [sflag:$0x12] =	stream.indirect.gather [hbm4b:s13+s16], $0x40, s8, s16, $0xb8;
	[tilespmem:$0x14640] =	vst v63  }
0x1d1: {  	_ =	swait.ge [sflag:s23], $0x1400  }
0x1d2: {  	[sflag:s23] =	ssyncset.done $0x0  }
0x1d3: {  	s9 =	simm.s32 $0x690;
	[sflag:s23] =	ssyncadd.s32 $0xFFFFEC00  }
0x1d4: {  	[spmem:s11] =	stream.indirect.scatter.add.f32 [tilespmem:s25], [sflag:$0x19], $0x40, s9, s16, $0xb8;
	[tilespmem:$0x14640] =	vst v63  }
0x1d5: {  	_ =	swait.ge [sflag:s12], $0x1400  }
0x1d6: {  	[sflag:s12] =	ssyncset.done $0x0;
	s14 =	rddreg [dreg:$0x19]  }
0x1d7: {  	s20 =	simm.s32 $0x3;
	[sflag:s12] =	ssyncadd.s32 $0xFFFFEC00;
	s6 =	sadd.s32 s0, s14  }
0x1d8: {  	[tilespmem:s22], [sflag:$0x9] =	stream.linear.gather [hbm4b:s6+s1], $0xA0, $0x38;
	[tilespmem:$0x14640] =	vst v63  }
0x1d9: {  	_ =	swait.ge [sflag:s20], $0xA0  }
0x1da: {  	[sflag:s20] =	ssyncset.done $0x0  }
0x1db: {  	s7 =	simm.s32 $0x140;
	[sflag:s20] =	ssyncadd.s32 $0xFFFFFF60  }
0x1dc: {  	[tilespmem:s25], [sflag:$0x13] =	stream.indirect.gather [hbm4b:s13+s16], $0x40, s7, s16, $0xb8;
	[tilespmem:$0x14640] =	vst v63  }
0x1dd: {  	_ =	swait.ge [sflag:s15], $0x1400  }
0x1de: {  	[sflag:s15] =	ssyncset.done $0x0  }
0x1df: {  	s8 =	simm.s32 $0x730;
	[sflag:s15] =	ssyncadd.s32 $0xFFFFEC00  }
0x1e0: {  	[spmem:s11] =	stream.indirect.scatter.add.f32 [tilespmem:s28], [sflag:$0x19], $0x40, s8, s16, $0xb8;
	[tilespmem:$0x14640] =	vst v63  }
0x1e1: {  	_ =	swait.ge [sflag:s12], $0x1400  }
0x1e2: {  	[sflag:s12] =	ssyncset.done $0x0;
	s9 =	rddreg [dreg:$0x1a]  }
0x1e3: {  	s14 =	simm.s32 $0x4;
	[sflag:s12] =	ssyncadd.s32 $0xFFFFEC00;
	s6 =	sadd.s32 s0, s9  }
0x1e4: {  	[tilespmem:s31], [sflag:$0xA] =	stream.linear.gather [hbm4b:s6+s1], $0xA0, $0x38;
	[tilespmem:$0x14640] =	vst v63  }
0x1e5: {  	_ =	swait.ge [sflag:s14], $0xA0  }
0x1e6: {  	[sflag:s14] =	ssyncset.done $0x0  }
0x1e7: {  	s20 =	simm.s32 $0x1E0;
	[sflag:s14] =	ssyncadd.s32 $0xFFFFFF60  }
0x1e8: {  	[tilespmem:s28], [sflag:$0x14] =	stream.indirect.gather [hbm4b:s13+s16], $0x40, s20, s16, $0xb8;
	[tilespmem:$0x14640] =	vst v63  }
0x1e9: {  	_ =	swait.ge [sflag:s10], $0x1400  }
0x1ea: {  	[sflag:s10] =	ssyncset.done $0x0  }
0x1eb: {  	s7 =	simm.s32 $0x7D0;
	[sflag:s10] =	ssyncadd.s32 $0xFFFFEC00  }
0x1ec: {  	[spmem:s11] =	stream.indirect.scatter.add.f32 [tilespmem:s30], [sflag:$0x19], $0x40, s7, s16, $0xb8;
	[tilespmem:$0x14640] =	vst v63  }
0x1ed: {  	_ =	swait.ge [sflag:s12], $0x1400  }
0x1ee: {  	[sflag:s12] =	ssyncset.done $0x0;
	s8 =	rddreg [dreg:$0x17]  }
0x1ef: {  	s9 =	simm.s32 $0x5;
	[sflag:s12] =	ssyncadd.s32 $0xFFFFEC00;
	s6 =	sadd.s32 s0, s8  }
0x1f0: {  	[tilespmem:s17], [sflag:$0xB] =	stream.linear.gather [hbm4b:s6+s1], $0xA0, $0x38;
	[tilespmem:$0x14640] =	vst v63  }
0x1f1: {  	_ =	swait.ge [sflag:s9], $0xA0  }
0x1f2: {  	[sflag:s9] =	ssyncset.done $0x0  }
0x1f3: {  	s14 =	simm.s32 $0x280;
	[sflag:s9] =	ssyncadd.s32 $0xFFFFFF60  }
0x1f4: {  	[tilespmem:s30], [sflag:$0x15] =	stream.indirect.gather [hbm4b:s13+s16], $0x40, s14, s16, $0xb8;
	[tilespmem:$0x14640] =	vst v63  }
0x1f5: {  	_ =	swait.ge [sflag:s29], $0x1400  }
0x1f6: {  	[sflag:s29] =	ssyncset.done $0x0  }
0x1f7: {  	s17 =	simm.s32 $0x870;
	[sflag:s29] =	ssyncadd.s32 $0xFFFFEC00  }
0x1f8: {  	[spmem:s11] =	stream.indirect.scatter.add.f32 [tilespmem:s24], [sflag:$0x19], $0x40, s17, s16, $0xb8;
	[tilespmem:$0x14640] =	vst v63  }
.Ltmp6:
0x1f9: {  	s31 =	simm.s32 $0x640;
	(pc) =	sbr.rel .LBB2_7-.Ltmp6, $4  }
0x1fa: {  	s9 =	simm.s32 $0x460;
	s14 =	simm.s32 $0x500;
	_ =	swait.ge [sflag:s12], $0x1400  }
0x1fb: {  	s17 =	simm.s32 $0x6E0;
	[sflag:s12] =	ssyncset.done $0x0;
	s20 =	rddreg [dreg:$0x18]  }
0x1fc: {  	[sflag:s12] =	ssyncadd.s32 $0xFFFFEC00;
	s6 =	sadd.s32 s0, s20;
	s20 =	simm.s32 $0x5A0  }
0x1fd: {  	[tilespmem:s26], [sflag:$0xC] =	stream.linear.gather [hbm4b:s6+s1], $0xA0, $0x38;
	[tilespmem:$0x14640] =	vst v63  }
.LBB2_9:
0x1fe: {  	_ =	sfence.sel $0x180000  }
0x1ff: {  	[bflag:$0x0] =	sbarrier.arrive $0xFFFF  }
0x200: {  	_ =	strace $0x9000004A  }
0x201: {  	s0 =	stileid.u32;
	[bflag:$0x2] =	sbarrier.arrive $0xFFFF  }
0x202: {  	p0 =	sne.s32 s0, $0x0;
	s0 =	rddreg [dreg:$0x3]  }
0x203: {  	s0 =	sadd.s32 @!p0 $0x100000, s0  }
0x204: {  	[sflag:s0] =	ssyncadd.tile.s32 @!p0 $0x1;
	_ =	shalt  }
.Lfunc_end2:
_tile_overlayer_lowered:
.L_overlay_start_2:
0x205: {  	(tag) =	ssettag $0x2  }
0x206: {  	s0 =	rddreg [dreg:$0x0];
	s2 =	stileid.u32  }
0x207: {  	s1 =	rddreg [dreg:$0x1];
	p0 =	sne.s32 s2, $0x0  }
0x208: {  	s3 =	rddreg [dreg:$0x2];
	[bflag:$0x3] =	sbarrier.arrive $0xFFFF;
	s2 =	simm.s32 @!p0 $0x1C19  }
0x209: {  	[timem:s3], [sflag:s2] =	dma.local @!p0 [hbm:s0], s1  }
0x20a: {  	s0 =	simm.s32 @!p0 $0x19  }
0x20b: {  	_ =	swait.ge @!p0 [sflag:s0], s1  }
0x20c: {  	s1 =	ssub.s32 @!p0 $0x0, s1;
	[sflag:s0] =	ssyncset.done @!p0 $0x0  }
0x20d: {  	[sflag:s0] =	ssyncadd.s32 @!p0 s1  }
0x20e: {  	[bflag:$0x3] =	sbarrier.arrive $0xFFFF  }
0x20f: {  	_ =	shalt  }

</sc_bundles>
